<compile_context>
chip_gen: v7x
topology: tpu7x:2x2x1
jax: 0.10.2.dev20260603
libtpu: 0.0.44.dev20260713+nightly
codegen_flags: <defaults>
</compile_context>

<pallas_src>
import functools

import jax
import jax.numpy as jnp
from jax import lax
from jax.experimental import pallas as pl
from jax.experimental.pallas import tpu as pltpu
from jax.experimental.pallas import tpu_sc as plsc

N = 10000
E = 320000
D = 128

NC = 2
NS = 16
LANES = 16
BATCH = 64
NBATCH = 314
EPT = BATCH * NBATCH
EPAD = EPT * NS
ROWS_PT = 640
NPAD = ROWS_PT * NS
ZERO_STARTS = tuple(range(0, ROWS_PT, BATCH))
IB = 2 * BATCH
CBIG = 65536.0


def _label_prop_sc(idx4, enc, lbls, null128, zrow, out,
                   acc, ib0, ib1, is0, id0, is1, id1, rows0, rows1, lblc,
                   semi0, semi1, semg0, semg1, semf0, semf1, semf2):
    c = lax.axis_index("c")
    s = lax.axis_index("s")
    lane = lax.iota(jnp.int32, LANES)

    def lane_splat(vec, jb):
        idx = jnp.full((LANES, 1), jb, jnp.int32)
        dnums = lax.GatherDimensionNumbers(
            offset_dims=(), collapsed_slice_dims=(0,), start_index_map=(0,))
        return lax.gather(vec, idx, dnums, (1,),
                          mode=lax.GatherScatterMode.PROMISE_IN_BOUNDS)

    n0 = s * ROWS_PT
    pltpu.sync_copy(zrow, rows0)
    for off in ZERO_STARTS:
        pltpu.sync_copy(rows0, acc.at[pl.ds(n0 + off, BATCH)])
    plsc.subcore_barrier()

    e2 = s * (EPT * 2)

    def unpack(ib, i_s, i_d):
        for k in range(BATCH // LANES):
            i_s[pl.ds(k * LANES, LANES)] = ib[pl.ds(k * LANES, LANES)]
            i_d[pl.ds(k * LANES, LANES)] = ib[pl.ds(BATCH + k * LANES, LANES)]

    pltpu.async_copy(idx4.at[c, 0, pl.ds(e2, IB)], ib0, semi0)

    def body(t, carry):
        i0 = 2 * t
        pltpu.make_async_copy(idx4.at[c, 0, pl.ds(e2, IB)], ib0, semi0).wait()
        unpack(ib0, is0, id0)
        pltpu.async_copy(enc.at[is0], rows0, semg0)
        pltpu.async_copy(
            idx4.at[c, 0, pl.ds(e2 + (i0 + 1) * IB, IB)], ib1, semi1)

        @pl.when(t > 0)
        def _drain_b():
            pltpu.make_async_copy(enc.at[is1], rows1, semg1).wait()
            pltpu.sync_copy(rows1, acc.at[id1], add=True)

        pltpu.make_async_copy(
            idx4.at[c, 0, pl.ds(e2 + (i0 + 1) * IB, IB)], ib1, semi1).wait()
        unpack(ib1, is1, id1)
        pltpu.async_copy(enc.at[is1], rows1, semg1)

        @pl.when(t < NBATCH // 2 - 1)
        def _prefetch_a():
            pltpu.async_copy(
                idx4.at[c, 0, pl.ds(e2 + (i0 + 2) * IB, IB)], ib0, semi0)

        pltpu.make_async_copy(enc.at[is0], rows0, semg0).wait()
        pltpu.sync_copy(rows0, acc.at[id0], add=True)
        return carry

    lax.fori_loop(0, NBATCH // 2, body, 0)
    pltpu.make_async_copy(enc.at[is1], rows1, semg1).wait()
    pltpu.sync_copy(rows1, acc.at[id1], add=True)
    plsc.subcore_barrier()

    for off in ZERO_STARTS:
        nb = n0 + off
        pltpu.async_copy(acc.at[pl.ds(nb, BATCH)], rows0, semf0)
        pltpu.async_copy(null128.at[pl.ds(nb, BATCH)], rows1, semf1)
        pltpu.async_copy(lbls.at[pl.ds(nb, BATCH)], lblc, semf2)
        pltpu.make_async_copy(acc.at[pl.ds(nb, BATCH)], rows0, semf0).wait()
        pltpu.make_async_copy(null128.at[pl.ds(nb, BATCH)], rows1, semf1).wait()
        pltpu.make_async_copy(lbls.at[pl.ds(nb, BATCH)], lblc, semf2).wait()

        def fin_body(j, carry):
            blk7 = rows0[j, pl.ds(D - LANES, LANES)]
            enc127 = lane_splat(blk7, LANES - 1)
            cntf = (enc127 * (1.0 / CBIG) + 0.5).astype(jnp.int32) \
                .astype(jnp.float32)
            s127 = enc127 - cntf * CBIG
            scale = 1.0 / jnp.maximum(cntf, 1.0)
            nv = rows1[j, pl.ds(0, LANES)]
            for k in range(D // LANES - 1):
                m = rows0[j, pl.ds(k * LANES, LANES)] * scale
                l = lblc[j, pl.ds(k * LANES, LANES)]
                rows0[j, pl.ds(k * LANES, LANES)] = l + nv * (m - l)
            m7 = jnp.where(lane == LANES - 1, s127, blk7) * scale
            l7 = lblc[j, pl.ds(D - LANES, LANES)]
            rows0[j, pl.ds(D - LANES, LANES)] = l7 + nv * (m7 - l7)
            return carry

        lax.fori_loop(0, BATCH, fin_body, 0)
        pltpu.sync_copy(rows0, out.at[c, pl.ds(nb, BATCH)])


_sc_call = functools.partial(
    pl.kernel,
    mesh=plsc.VectorSubcoreMesh(core_axis_name="c", subcore_axis_name="s"),
    out_type=jax.ShapeDtypeStruct((NC, NPAD, D), jnp.float32),
    scratch_types=[
        pltpu.VMEM_SHARED((NPAD, D), jnp.float32),
        pltpu.VMEM((IB,), jnp.int32),
        pltpu.VMEM((IB,), jnp.int32),
        pltpu.VMEM((BATCH,), jnp.int32),
        pltpu.VMEM((BATCH,), jnp.int32),
        pltpu.VMEM((BATCH,), jnp.int32),
        pltpu.VMEM((BATCH,), jnp.int32),
        pltpu.VMEM((BATCH, D), jnp.float32),
        pltpu.VMEM((BATCH, D), jnp.float32),
        pltpu.VMEM((BATCH, D), jnp.float32),
        pltpu.SemaphoreType.DMA,
        pltpu.SemaphoreType.DMA,
        pltpu.SemaphoreType.DMA,
        pltpu.SemaphoreType.DMA,
        pltpu.SemaphoreType.DMA,
        pltpu.SemaphoreType.DMA,
        pltpu.SemaphoreType.DMA,
    ],
)(_label_prop_sc)


def kernel(lbls, no_lbl_idx, knn_sc, knn_fc):
    epad = EPAD - E

    def prep(ei):
        src = jnp.concatenate([ei[0], jnp.zeros((epad,), jnp.int32)])
        dst = jnp.concatenate([ei[1], jnp.full((epad,), N, jnp.int32)])
        blk = jnp.stack([src.reshape(-1, BATCH), dst.reshape(-1, BATCH)],
                        axis=1)
        return blk.reshape(-1)

    idx4 = jnp.stack([prep(knn_sc), prep(knn_fc)])[:, None, :]
    lbls_pad = jnp.concatenate(
        [lbls, jnp.zeros((NPAD - N, D), jnp.float32)], axis=0)
    enc = jnp.concatenate(
        [lbls_pad[:, : D - 1], lbls_pad[:, D - 1:] + CBIG], axis=1)
    null128 = jnp.broadcast_to(
        jnp.concatenate([no_lbl_idx.astype(jnp.float32),
                         jnp.zeros((NPAD - N,), jnp.float32)])[:, None],
        (NPAD, D))
    zrow = jnp.zeros((BATCH, D), jnp.float32)
    out2 = _sc_call(idx4, enc, lbls_pad, null128, zrow)
    return (out2[0, :N] + out2[1, :N]) * 0.5

# --- scband reference (transcript-rebuilt; emitter-appended) ---
"""Pipeline reference for scband-label-prop-6622839570803 (READ-ONLY COPY).

The authoritative reference and input builder live on the scoring server;
editing this copy changes nothing except your own understanding.
"""

import jax, jax.numpy as jnp
import numpy as np

N = 10000
E = 320000
D = 128


def setup_inputs(seed: int = 0) -> dict:
    key = jax.random.key(seed)
    k1, k2, k3, k4 = jax.random.split(key, 4)
    lbls = jax.random.normal(k1, (N, D), dtype=jnp.float32)
    no_lbl_idx = jax.random.randint(k2, (N,), 0, 2).astype(jnp.bool_)
    knn_sc = jax.random.randint(k3, (2, E), 0, N, dtype=jnp.int32)
    knn_fc = jax.random.randint(k4, (2, E), 0, N, dtype=jnp.int32)
    return {"lbls": lbls, "no_lbl_idx": no_lbl_idx, "knn_sc": knn_sc, "knn_fc": knn_fc}


def _fusion(lbls, edge_index, null_mask):
    # DGL in_edges(v=null nodes) + scatter-mean over dst is equivalent to a full
    # scatter-mean over all edges followed by selecting the null rows, since rows
    # whose dst is not null are overwritten back to their original labels.
    src = edge_index[0]
    dst = edge_index[1]
    n = lbls.shape[0]
    msgs = lbls[src]  # gather: [E, D]
    sums = jax.ops.segment_sum(msgs, dst, num_segments=n)  # scatter-add
    cnt = jax.ops.segment_sum(jnp.ones((edge_index.shape[1],), dtype=lbls.dtype), dst, num_segments=n)
    mean = sums / jnp.maximum(cnt, 1.0)[:, None]  # scatter 'mean' (0 for empty segments)
    return jnp.where(null_mask[:, None], mean, lbls)


def reference(lbls, no_lbl_idx, knn_sc, knn_fc):
    lbls1 = _fusion(lbls, knn_sc, no_lbl_idx)
    lbls2 = _fusion(lbls, knn_fc, no_lbl_idx)
    return (lbls1 + lbls2) / 2.0

if __name__ == "__main__":
    import jax
    _d = setup_inputs()
    print(jax.jit(kernel)(*tuple(_d.values())))

</pallas_src>

<mosaic_0001>
#map = affine_map<(d0, d1) -> (0, 0, 0)>
#map1 = affine_map<(d0, d1) -> (0, 0)>
module attributes {stable_mosaic.version = 14 : i64} {
  func.func @_label_prop_sc(%arg0: i32, %arg1: i32, %arg2: memref<2x1x643072xi32, #tpu.memory_space<hbm>>, %arg3: memref<10240x128xf32, #tpu.memory_space<hbm>>, %arg4: memref<10240x128xf32, #tpu.memory_space<hbm>>, %arg5: memref<10240x128xf32, #tpu.memory_space<hbm>>, %arg6: memref<64x128xf32, #tpu.memory_space<hbm>>, %arg7: memref<2x10240x128xf32, #tpu.memory_space<hbm>>, %arg8: memref<10240x128xf32, #tpu.memory_space<vmem_shared>>, %arg9: memref<128xi32, #tpu.memory_space<vmem>>, %arg10: memref<128xi32, #tpu.memory_space<vmem>>, %arg11: memref<64xi32, #tpu.memory_space<vmem>>, %arg12: memref<64xi32, #tpu.memory_space<vmem>>, %arg13: memref<64xi32, #tpu.memory_space<vmem>>, %arg14: memref<64xi32, #tpu.memory_space<vmem>>, %arg15: memref<64x128xf32, #tpu.memory_space<vmem>>, %arg16: memref<64x128xf32, #tpu.memory_space<vmem>>, %arg17: memref<64x128xf32, #tpu.memory_space<vmem>>, %arg18: memref<!tpu.dma_semaphore, #tpu.memory_space<semaphore_mem>>, %arg19: memref<!tpu.dma_semaphore, #tpu.memory_space<semaphore_mem>>, %arg20: memref<!tpu.dma_semaphore, #tpu.memory_space<semaphore_mem>>, %arg21: memref<!tpu.dma_semaphore, #tpu.memory_space<semaphore_mem>>, %arg22: memref<!tpu.dma_semaphore, #tpu.memory_space<semaphore_mem>>, %arg23: memref<!tpu.dma_semaphore, #tpu.memory_space<semaphore_mem>>, %arg24: memref<!tpu.dma_semaphore, #tpu.memory_space<semaphore_mem>>) attributes {dimension_semantics = [#tpu.dimension_semantics<core_parallel>, #tpu.dimension_semantics<subcore_parallel>], iteration_bounds = array<i64: 2, 16>, scalar_prefetch = 0 : i64, scratch_operands = 17 : i64, tpu.core_type = #tpu.core_type<sc_vector_subcore>, window_params = [{transform_indices = #map}, {transform_indices = #map1}, {transform_indices = #map1}, {transform_indices = #map1}, {transform_indices = #map1}, {transform_indices = #map}]} {
    %iota3A = tpu.iota {dimensions = array<i32: 0>} : vector<16xi32>
    %mul3A = arith.constant 640 : i32
    %mul3A_0 = arith.muli %arg1, %mul3A : i32
    "tpu.region"() ({
      %run_scoped3A = tpu.sem_alloc : memref<!tpu.dma_semaphore, #tpu.memory_space<semaphore_mem>>
      tpu.enqueue_dma source(%arg6 : memref<64x128xf32, #tpu.memory_space<hbm>>) target(%arg15 : memref<64x128xf32, #tpu.memory_space<vmem>>) target_semaphore(%run_scoped3A : memref<!tpu.dma_semaphore, #tpu.memory_space<semaphore_mem>>)
      tpu.wait_dma2 semaphore(%run_scoped3A : memref<!tpu.dma_semaphore, #tpu.memory_space<semaphore_mem>>) src(%arg6 : memref<64x128xf32, #tpu.memory_space<hbm>>) dst(%arg15 : memref<64x128xf32, #tpu.memory_space<vmem>>)
      tpu.yield
    }) : () -> ()
    %add3A = arith.constant 0 : i32
    %add3A_1 = arith.addi %mul3A_0, %add3A : i32
    "tpu.region"() ({
      %run_scoped3A = tpu.sem_alloc : memref<!tpu.dma_semaphore, #tpu.memory_space<semaphore_mem>>
      %dma_start3A_354 = arith.constant 0 : i32
      %dma_start3A_355 = tpu.memref_slice %arg8[%add3A_1, %dma_start3A_354] : memref<10240x128xf32, #tpu.memory_space<vmem_shared>> -> memref<64x128xf32, #tpu.memory_space<vmem_shared>>
      %dma_start3A_356 = arith.constant 0 : i32
      %dma_start3A_357 = tpu.memref_slice %arg8[%add3A_1, %dma_start3A_356] : memref<10240x128xf32, #tpu.memory_space<vmem_shared>> -> memref<64x128xf32, #tpu.memory_space<vmem_shared>>
      tpu.enqueue_dma source(%arg15 : memref<64x128xf32, #tpu.memory_space<vmem>>) target(%dma_start3A_357 : memref<64x128xf32, #tpu.memory_space<vmem_shared>>) target_semaphore(%run_scoped3A : memref<!tpu.dma_semaphore, #tpu.memory_space<semaphore_mem>>)
      %dma_wait3A_358 = arith.constant 0 : i32
      %dma_wait3A_359 = tpu.memref_slice %arg8[%add3A_1, %dma_wait3A_358] : memref<10240x128xf32, #tpu.memory_space<vmem_shared>> -> memref<64x128xf32, #tpu.memory_space<vmem_shared>>
      %dma_wait3A_360 = arith.constant 0 : i32
      %dma_wait3A_361 = tpu.memref_slice %arg8[%add3A_1, %dma_wait3A_360] : memref<10240x128xf32, #tpu.memory_space<vmem_shared>> -> memref<64x128xf32, #tpu.memory_space<vmem_shared>>
      tpu.wait_dma2 semaphore(%run_scoped3A : memref<!tpu.dma_semaphore, #tpu.memory_space<semaphore_mem>>) src(%arg15 : memref<64x128xf32, #tpu.memory_space<vmem>>) dst(%dma_wait3A_361 : memref<64x128xf32, #tpu.memory_space<vmem_shared>>)
      tpu.yield
    }) : () -> ()
    %add3A_2 = arith.constant 64 : i32
    %add3A_3 = arith.addi %mul3A_0, %add3A_2 : i32
    "tpu.region"() ({
      %run_scoped3A = tpu.sem_alloc : memref<!tpu.dma_semaphore, #tpu.memory_space<semaphore_mem>>
      %dma_start3A_354 = arith.constant 0 : i32
      %dma_start3A_355 = tpu.memref_slice %arg8[%add3A_3, %dma_start3A_354] : memref<10240x128xf32, #tpu.memory_space<vmem_shared>> -> memref<64x128xf32, #tpu.memory_space<vmem_shared>>
      %dma_start3A_356 = arith.constant 0 : i32
      %dma_start3A_357 = tpu.memref_slice %arg8[%add3A_3, %dma_start3A_356] : memref<10240x128xf32, #tpu.memory_space<vmem_shared>> -> memref<64x128xf32, #tpu.memory_space<vmem_shared>>
      tpu.enqueue_dma source(%arg15 : memref<64x128xf32, #tpu.memory_space<vmem>>) target(%dma_start3A_357 : memref<64x128xf32, #tpu.memory_space<vmem_shared>>) target_semaphore(%run_scoped3A : memref<!tpu.dma_semaphore, #tpu.memory_space<semaphore_mem>>)
      %dma_wait3A_358 = arith.constant 0 : i32
      %dma_wait3A_359 = tpu.memref_slice %arg8[%add3A_3, %dma_wait3A_358] : memref<10240x128xf32, #tpu.memory_space<vmem_shared>> -> memref<64x128xf32, #tpu.memory_space<vmem_shared>>
      %dma_wait3A_360 = arith.constant 0 : i32
      %dma_wait3A_361 = tpu.memref_slice %arg8[%add3A_3, %dma_wait3A_360] : memref<10240x128xf32, #tpu.memory_space<vmem_shared>> -> memref<64x128xf32, #tpu.memory_space<vmem_shared>>
      tpu.wait_dma2 semaphore(%run_scoped3A : memref<!tpu.dma_semaphore, #tpu.memory_space<semaphore_mem>>) src(%arg15 : memref<64x128xf32, #tpu.memory_space<vmem>>) dst(%dma_wait3A_361 : memref<64x128xf32, #tpu.memory_space<vmem_shared>>)
      tpu.yield
    }) : () -> ()
    %add3A_4 = arith.constant 128 : i32
    %add3A_5 = arith.addi %mul3A_0, %add3A_4 : i32
    "tpu.region"() ({
      %run_scoped3A = tpu.sem_alloc : memref<!tpu.dma_semaphore, #tpu.memory_space<semaphore_mem>>
      %dma_start3A_354 = arith.constant 0 : i32
      %dma_start3A_355 = tpu.memref_slice %arg8[%add3A_5, %dma_start3A_354] : memref<10240x128xf32, #tpu.memory_space<vmem_shared>> -> memref<64x128xf32, #tpu.memory_space<vmem_shared>>
      %dma_start3A_356 = arith.constant 0 : i32
      %dma_start3A_357 = tpu.memref_slice %arg8[%add3A_5, %dma_start3A_356] : memref<10240x128xf32, #tpu.memory_space<vmem_shared>> -> memref<64x128xf32, #tpu.memory_space<vmem_shared>>
      tpu.enqueue_dma source(%arg15 : memref<64x128xf32, #tpu.memory_space<vmem>>) target(%dma_start3A_357 : memref<64x128xf32, #tpu.memory_space<vmem_shared>>) target_semaphore(%run_scoped3A : memref<!tpu.dma_semaphore, #tpu.memory_space<semaphore_mem>>)
      %dma_wait3A_358 = arith.constant 0 : i32
      %dma_wait3A_359 = tpu.memref_slice %arg8[%add3A_5, %dma_wait3A_358] : memref<10240x128xf32, #tpu.memory_space<vmem_shared>> -> memref<64x128xf32, #tpu.memory_space<vmem_shared>>
      %dma_wait3A_360 = arith.constant 0 : i32
      %dma_wait3A_361 = tpu.memref_slice %arg8[%add3A_5, %dma_wait3A_360] : memref<10240x128xf32, #tpu.memory_space<vmem_shared>> -> memref<64x128xf32, #tpu.memory_space<vmem_shared>>
      tpu.wait_dma2 semaphore(%run_scoped3A : memref<!tpu.dma_semaphore, #tpu.memory_space<semaphore_mem>>) src(%arg15 : memref<64x128xf32, #tpu.memory_space<vmem>>) dst(%dma_wait3A_361 : memref<64x128xf32, #tpu.memory_space<vmem_shared>>)
      tpu.yield
    }) : () -> ()
    %add3A_6 = arith.constant 192 : i32
    %add3A_7 = arith.addi %mul3A_0, %add3A_6 : i32
    "tpu.region"() ({
      %run_scoped3A = tpu.sem_alloc : memref<!tpu.dma_semaphore, #tpu.memory_space<semaphore_mem>>
      %dma_start3A_354 = arith.constant 0 : i32
      %dma_start3A_355 = tpu.memref_slice %arg8[%add3A_7, %dma_start3A_354] : memref<10240x128xf32, #tpu.memory_space<vmem_shared>> -> memref<64x128xf32, #tpu.memory_space<vmem_shared>>
      %dma_start3A_356 = arith.constant 0 : i32
      %dma_start3A_357 = tpu.memref_slice %arg8[%add3A_7, %dma_start3A_356] : memref<10240x128xf32, #tpu.memory_space<vmem_shared>> -> memref<64x128xf32, #tpu.memory_space<vmem_shared>>
      tpu.enqueue_dma source(%arg15 : memref<64x128xf32, #tpu.memory_space<vmem>>) target(%dma_start3A_357 : memref<64x128xf32, #tpu.memory_space<vmem_shared>>) target_semaphore(%run_scoped3A : memref<!tpu.dma_semaphore, #tpu.memory_space<semaphore_mem>>)
      %dma_wait3A_358 = arith.constant 0 : i32
      %dma_wait3A_359 = tpu.memref_slice %arg8[%add3A_7, %dma_wait3A_358] : memref<10240x128xf32, #tpu.memory_space<vmem_shared>> -> memref<64x128xf32, #tpu.memory_space<vmem_shared>>
      %dma_wait3A_360 = arith.constant 0 : i32
      %dma_wait3A_361 = tpu.memref_slice %arg8[%add3A_7, %dma_wait3A_360] : memref<10240x128xf32, #tpu.memory_space<vmem_shared>> -> memref<64x128xf32, #tpu.memory_space<vmem_shared>>
      tpu.wait_dma2 semaphore(%run_scoped3A : memref<!tpu.dma_semaphore, #tpu.memory_space<semaphore_mem>>) src(%arg15 : memref<64x128xf32, #tpu.memory_space<vmem>>) dst(%dma_wait3A_361 : memref<64x128xf32, #tpu.memory_space<vmem_shared>>)
      tpu.yield
    }) : () -> ()
    %add3A_8 = arith.constant 256 : i32
    %add3A_9 = arith.addi %mul3A_0, %add3A_8 : i32
    "tpu.region"() ({
      %run_scoped3A = tpu.sem_alloc : memref<!tpu.dma_semaphore, #tpu.memory_space<semaphore_mem>>
      %dma_start3A_354 = arith.constant 0 : i32
      %dma_start3A_355 = tpu.memref_slice %arg8[%add3A_9, %dma_start3A_354] : memref<10240x128xf32, #tpu.memory_space<vmem_shared>> -> memref<64x128xf32, #tpu.memory_space<vmem_shared>>
      %dma_start3A_356 = arith.constant 0 : i32
      %dma_start3A_357 = tpu.memref_slice %arg8[%add3A_9, %dma_start3A_356] : memref<10240x128xf32, #tpu.memory_space<vmem_shared>> -> memref<64x128xf32, #tpu.memory_space<vmem_shared>>
      tpu.enqueue_dma source(%arg15 : memref<64x128xf32, #tpu.memory_space<vmem>>) target(%dma_start3A_357 : memref<64x128xf32, #tpu.memory_space<vmem_shared>>) target_semaphore(%run_scoped3A : memref<!tpu.dma_semaphore, #tpu.memory_space<semaphore_mem>>)
      %dma_wait3A_358 = arith.constant 0 : i32
      %dma_wait3A_359 = tpu.memref_slice %arg8[%add3A_9, %dma_wait3A_358] : memref<10240x128xf32, #tpu.memory_space<vmem_shared>> -> memref<64x128xf32, #tpu.memory_space<vmem_shared>>
      %dma_wait3A_360 = arith.constant 0 : i32
      %dma_wait3A_361 = tpu.memref_slice %arg8[%add3A_9, %dma_wait3A_360] : memref<10240x128xf32, #tpu.memory_space<vmem_shared>> -> memref<64x128xf32, #tpu.memory_space<vmem_shared>>
      tpu.wait_dma2 semaphore(%run_scoped3A : memref<!tpu.dma_semaphore, #tpu.memory_space<semaphore_mem>>) src(%arg15 : memref<64x128xf32, #tpu.memory_space<vmem>>) dst(%dma_wait3A_361 : memref<64x128xf32, #tpu.memory_space<vmem_shared>>)
      tpu.yield
    }) : () -> ()
    %add3A_10 = arith.constant 320 : i32
    %add3A_11 = arith.addi %mul3A_0, %add3A_10 : i32
    "tpu.region"() ({
      %run_scoped3A = tpu.sem_alloc : memref<!tpu.dma_semaphore, #tpu.memory_space<semaphore_mem>>
      %dma_start3A_354 = arith.constant 0 : i32
      %dma_start3A_355 = tpu.memref_slice %arg8[%add3A_11, %dma_start3A_354] : memref<10240x128xf32, #tpu.memory_space<vmem_shared>> -> memref<64x128xf32, #tpu.memory_space<vmem_shared>>
      %dma_start3A_356 = arith.constant 0 : i32
      %dma_start3A_357 = tpu.memref_slice %arg8[%add3A_11, %dma_start3A_356] : memref<10240x128xf32, #tpu.memory_space<vmem_shared>> -> memref<64x128xf32, #tpu.memory_space<vmem_shared>>
      tpu.enqueue_dma source(%arg15 : memref<64x128xf32, #tpu.memory_space<vmem>>) target(%dma_start3A_357 : memref<64x128xf32, #tpu.memory_space<vmem_shared>>) target_semaphore(%run_scoped3A : memref<!tpu.dma_semaphore, #tpu.memory_space<semaphore_mem>>)
      %dma_wait3A_358 = arith.constant 0 : i32
      %dma_wait3A_359 = tpu.memref_slice %arg8[%add3A_11, %dma_wait3A_358] : memref<10240x128xf32, #tpu.memory_space<vmem_shared>> -> memref<64x128xf32, #tpu.memory_space<vmem_shared>>
      %dma_wait3A_360 = arith.constant 0 : i32
      %dma_wait3A_361 = tpu.memref_slice %arg8[%add3A_11, %dma_wait3A_360] : memref<10240x128xf32, #tpu.memory_space<vmem_shared>> -> memref<64x128xf32, #tpu.memory_space<vmem_shared>>
      tpu.wait_dma2 semaphore(%run_scoped3A : memref<!tpu.dma_semaphore, #tpu.memory_space<semaphore_mem>>) src(%arg15 : memref<64x128xf32, #tpu.memory_space<vmem>>) dst(%dma_wait3A_361 : memref<64x128xf32, #tpu.memory_space<vmem_shared>>)
      tpu.yield
    }) : () -> ()
    %add3A_12 = arith.constant 384 : i32
    %add3A_13 = arith.addi %mul3A_0, %add3A_12 : i32
    "tpu.region"() ({
      %run_scoped3A = tpu.sem_alloc : memref<!tpu.dma_semaphore, #tpu.memory_space<semaphore_mem>>
      %dma_start3A_354 = arith.constant 0 : i32
      %dma_start3A_355 = tpu.memref_slice %arg8[%add3A_13, %dma_start3A_354] : memref<10240x128xf32, #tpu.memory_space<vmem_shared>> -> memref<64x128xf32, #tpu.memory_space<vmem_shared>>
      %dma_start3A_356 = arith.constant 0 : i32
      %dma_start3A_357 = tpu.memref_slice %arg8[%add3A_13, %dma_start3A_356] : memref<10240x128xf32, #tpu.memory_space<vmem_shared>> -> memref<64x128xf32, #tpu.memory_space<vmem_shared>>
      tpu.enqueue_dma source(%arg15 : memref<64x128xf32, #tpu.memory_space<vmem>>) target(%dma_start3A_357 : memref<64x128xf32, #tpu.memory_space<vmem_shared>>) target_semaphore(%run_scoped3A : memref<!tpu.dma_semaphore, #tpu.memory_space<semaphore_mem>>)
      %dma_wait3A_358 = arith.constant 0 : i32
      %dma_wait3A_359 = tpu.memref_slice %arg8[%add3A_13, %dma_wait3A_358] : memref<10240x128xf32, #tpu.memory_space<vmem_shared>> -> memref<64x128xf32, #tpu.memory_space<vmem_shared>>
      %dma_wait3A_360 = arith.constant 0 : i32
      %dma_wait3A_361 = tpu.memref_slice %arg8[%add3A_13, %dma_wait3A_360] : memref<10240x128xf32, #tpu.memory_space<vmem_shared>> -> memref<64x128xf32, #tpu.memory_space<vmem_shared>>
      tpu.wait_dma2 semaphore(%run_scoped3A : memref<!tpu.dma_semaphore, #tpu.memory_space<semaphore_mem>>) src(%arg15 : memref<64x128xf32, #tpu.memory_space<vmem>>) dst(%dma_wait3A_361 : memref<64x128xf32, #tpu.memory_space<vmem_shared>>)
      tpu.yield
    }) : () -> ()
    %add3A_14 = arith.constant 448 : i32
    %add3A_15 = arith.addi %mul3A_0, %add3A_14 : i32
    "tpu.region"() ({
      %run_scoped3A = tpu.sem_alloc : memref<!tpu.dma_semaphore, #tpu.memory_space<semaphore_mem>>
      %dma_start3A_354 = arith.constant 0 : i32
      %dma_start3A_355 = tpu.memref_slice %arg8[%add3A_15, %dma_start3A_354] : memref<10240x128xf32, #tpu.memory_space<vmem_shared>> -> memref<64x128xf32, #tpu.memory_space<vmem_shared>>
      %dma_start3A_356 = arith.constant 0 : i32
      %dma_start3A_357 = tpu.memref_slice %arg8[%add3A_15, %dma_start3A_356] : memref<10240x128xf32, #tpu.memory_space<vmem_shared>> -> memref<64x128xf32, #tpu.memory_space<vmem_shared>>
      tpu.enqueue_dma source(%arg15 : memref<64x128xf32, #tpu.memory_space<vmem>>) target(%dma_start3A_357 : memref<64x128xf32, #tpu.memory_space<vmem_shared>>) target_semaphore(%run_scoped3A : memref<!tpu.dma_semaphore, #tpu.memory_space<semaphore_mem>>)
      %dma_wait3A_358 = arith.constant 0 : i32
      %dma_wait3A_359 = tpu.memref_slice %arg8[%add3A_15, %dma_wait3A_358] : memref<10240x128xf32, #tpu.memory_space<vmem_shared>> -> memref<64x128xf32, #tpu.memory_space<vmem_shared>>
      %dma_wait3A_360 = arith.constant 0 : i32
      %dma_wait3A_361 = tpu.memref_slice %arg8[%add3A_15, %dma_wait3A_360] : memref<10240x128xf32, #tpu.memory_space<vmem_shared>> -> memref<64x128xf32, #tpu.memory_space<vmem_shared>>
      tpu.wait_dma2 semaphore(%run_scoped3A : memref<!tpu.dma_semaphore, #tpu.memory_space<semaphore_mem>>) src(%arg15 : memref<64x128xf32, #tpu.memory_space<vmem>>) dst(%dma_wait3A_361 : memref<64x128xf32, #tpu.memory_space<vmem_shared>>)
      tpu.yield
    }) : () -> ()
    %add3A_16 = arith.constant 512 : i32
    %add3A_17 = arith.addi %mul3A_0, %add3A_16 : i32
    "tpu.region"() ({
      %run_scoped3A = tpu.sem_alloc : memref<!tpu.dma_semaphore, #tpu.memory_space<semaphore_mem>>
      %dma_start3A_354 = arith.constant 0 : i32
      %dma_start3A_355 = tpu.memref_slice %arg8[%add3A_17, %dma_start3A_354] : memref<10240x128xf32, #tpu.memory_space<vmem_shared>> -> memref<64x128xf32, #tpu.memory_space<vmem_shared>>
      %dma_start3A_356 = arith.constant 0 : i32
      %dma_start3A_357 = tpu.memref_slice %arg8[%add3A_17, %dma_start3A_356] : memref<10240x128xf32, #tpu.memory_space<vmem_shared>> -> memref<64x128xf32, #tpu.memory_space<vmem_shared>>
      tpu.enqueue_dma source(%arg15 : memref<64x128xf32, #tpu.memory_space<vmem>>) target(%dma_start3A_357 : memref<64x128xf32, #tpu.memory_space<vmem_shared>>) target_semaphore(%run_scoped3A : memref<!tpu.dma_semaphore, #tpu.memory_space<semaphore_mem>>)
      %dma_wait3A_358 = arith.constant 0 : i32
      %dma_wait3A_359 = tpu.memref_slice %arg8[%add3A_17, %dma_wait3A_358] : memref<10240x128xf32, #tpu.memory_space<vmem_shared>> -> memref<64x128xf32, #tpu.memory_space<vmem_shared>>
      %dma_wait3A_360 = arith.constant 0 : i32
      %dma_wait3A_361 = tpu.memref_slice %arg8[%add3A_17, %dma_wait3A_360] : memref<10240x128xf32, #tpu.memory_space<vmem_shared>> -> memref<64x128xf32, #tpu.memory_space<vmem_shared>>
      tpu.wait_dma2 semaphore(%run_scoped3A : memref<!tpu.dma_semaphore, #tpu.memory_space<semaphore_mem>>) src(%arg15 : memref<64x128xf32, #tpu.memory_space<vmem>>) dst(%dma_wait3A_361 : memref<64x128xf32, #tpu.memory_space<vmem_shared>>)
      tpu.yield
    }) : () -> ()
    %add3A_18 = arith.constant 576 : i32
    %add3A_19 = arith.addi %mul3A_0, %add3A_18 : i32
    "tpu.region"() ({
      %run_scoped3A = tpu.sem_alloc : memref<!tpu.dma_semaphore, #tpu.memory_space<semaphore_mem>>
      %dma_start3A_354 = arith.constant 0 : i32
      %dma_start3A_355 = tpu.memref_slice %arg8[%add3A_19, %dma_start3A_354] : memref<10240x128xf32, #tpu.memory_space<vmem_shared>> -> memref<64x128xf32, #tpu.memory_space<vmem_shared>>
      %dma_start3A_356 = arith.constant 0 : i32
      %dma_start3A_357 = tpu.memref_slice %arg8[%add3A_19, %dma_start3A_356] : memref<10240x128xf32, #tpu.memory_space<vmem_shared>> -> memref<64x128xf32, #tpu.memory_space<vmem_shared>>
      tpu.enqueue_dma source(%arg15 : memref<64x128xf32, #tpu.memory_space<vmem>>) target(%dma_start3A_357 : memref<64x128xf32, #tpu.memory_space<vmem_shared>>) target_semaphore(%run_scoped3A : memref<!tpu.dma_semaphore, #tpu.memory_space<semaphore_mem>>)
      %dma_wait3A_358 = arith.constant 0 : i32
      %dma_wait3A_359 = tpu.memref_slice %arg8[%add3A_19, %dma_wait3A_358] : memref<10240x128xf32, #tpu.memory_space<vmem_shared>> -> memref<64x128xf32, #tpu.memory_space<vmem_shared>>
      %dma_wait3A_360 = arith.constant 0 : i32
      %dma_wait3A_361 = tpu.memref_slice %arg8[%add3A_19, %dma_wait3A_360] : memref<10240x128xf32, #tpu.memory_space<vmem_shared>> -> memref<64x128xf32, #tpu.memory_space<vmem_shared>>
      tpu.wait_dma2 semaphore(%run_scoped3A : memref<!tpu.dma_semaphore, #tpu.memory_space<semaphore_mem>>) src(%arg15 : memref<64x128xf32, #tpu.memory_space<vmem>>) dst(%dma_wait3A_361 : memref<64x128xf32, #tpu.memory_space<vmem_shared>>)
      tpu.yield
    }) : () -> ()
    %barrier3A = arith.constant 0 : index
    tpu.barrier barrier_id(%barrier3A)
    %mul3A_20 = arith.constant 40192 : i32
    %mul3A_21 = arith.muli %arg1, %mul3A_20 : i32
    %dma_start3A = arith.constant 0 : i32
    %dma_start3A_22 = tpu.memref_slice %arg2[%arg0, %dma_start3A, %mul3A_21] : memref<2x1x643072xi32, #tpu.memory_space<hbm>> -> memref<1x1x128xi32, #tpu.memory_space<hbm>>
    %dma_start3A_23 = tpu.memref_squeeze %dma_start3A_22 : memref<1x1x128xi32, #tpu.memory_space<hbm>> -> memref<128xi32, #tpu.memory_space<hbm>>
    %dma_start3A_24 = tpu.memref_slice %arg2[%arg0, %dma_start3A, %mul3A_21] : memref<2x1x643072xi32, #tpu.memory_space<hbm>> -> memref<1x1x128xi32, #tpu.memory_space<hbm>>
    %dma_start3A_25 = tpu.memref_squeeze %dma_start3A_24 : memref<1x1x128xi32, #tpu.memory_space<hbm>> -> memref<128xi32, #tpu.memory_space<hbm>>
    tpu.enqueue_dma source(%dma_start3A_25 : memref<128xi32, #tpu.memory_space<hbm>>) target(%arg9 : memref<128xi32, #tpu.memory_space<vmem>>) target_semaphore(%arg18 : memref<!tpu.dma_semaphore, #tpu.memory_space<semaphore_mem>>)
    %scan3A = arith.constant 0 : i32
    %scan3A_26 = arith.constant 0 : i32
    %scan3A_27 = arith.constant 157 : i32
    %scan3A_28 = arith.addi %scan3A_26, %scan3A_27 : i32
    %scan3A_29 = arith.constant 1 : i32
    scf.for %scan3A_354 = %scan3A_26 to %scan3A_28 step %scan3A_29  : i32 {
      %mul3A_355 = arith.constant 2 : i32
      %mul3A_356 = arith.muli %mul3A_355, %scan3A_354 : i32
      %dma_wait3A_357 = arith.constant 0 : i32
      %dma_wait3A_358 = tpu.memref_slice %arg2[%arg0, %dma_wait3A_357, %mul3A_21] : memref<2x1x643072xi32, #tpu.memory_space<hbm>> -> memref<1x1x128xi32, #tpu.memory_space<hbm>>
      %dma_wait3A_359 = tpu.memref_squeeze %dma_wait3A_358 : memref<1x1x128xi32, #tpu.memory_space<hbm>> -> memref<128xi32, #tpu.memory_space<hbm>>
      %dma_wait3A_360 = tpu.memref_slice %arg2[%arg0, %dma_wait3A_357, %mul3A_21] : memref<2x1x643072xi32, #tpu.memory_space<hbm>> -> memref<1x1x128xi32, #tpu.memory_space<hbm>>
      %dma_wait3A_361 = tpu.memref_squeeze %dma_wait3A_360 : memref<1x1x128xi32, #tpu.memory_space<hbm>> -> memref<128xi32, #tpu.memory_space<hbm>>
      tpu.wait_dma2 semaphore(%arg18 : memref<!tpu.dma_semaphore, #tpu.memory_space<semaphore_mem>>) src(%dma_wait3A_361 : memref<128xi32, #tpu.memory_space<hbm>>) dst(%arg9 : memref<128xi32, #tpu.memory_space<vmem>>)
      %get3A = arith.constant 0 : index
      %get3A_362 = tpu.vector_load %arg9[%get3A] {strides = array<i32>} : memref<128xi32, #tpu.memory_space<vmem>>, vector<16xi32>,
      %get3A_363 = vector.shape_cast %get3A_362 : vector<16xi32> to vector<16xi32>
      %swap3A = arith.constant 0 : index
      %swap3A_364 = tpu.vector_load %arg11[%swap3A] {strides = array<i32>} : memref<64xi32, #tpu.memory_space<vmem>>, vector<16xi32>,
      %swap3A_365 = vector.shape_cast %swap3A_364 : vector<16xi32> to vector<16xi32>
      %swap3A_366 = vector.shape_cast %get3A_363 : vector<16xi32> to vector<16xi32>
      tpu.vector_store %arg11[%swap3A], %swap3A_366 {strides = array<i32>} : memref<64xi32, #tpu.memory_space<vmem>>, vector<16xi32>,
      %get3A_367 = arith.constant 64 : index
      %get3A_368 = tpu.vector_load %arg9[%get3A_367] {strides = array<i32>} : memref<128xi32, #tpu.memory_space<vmem>>, vector<16xi32>,
      %get3A_369 = vector.shape_cast %get3A_368 : vector<16xi32> to vector<16xi32>
      %swap3A_370 = arith.constant 0 : index
      %swap3A_371 = tpu.vector_load %arg12[%swap3A_370] {strides = array<i32>} : memref<64xi32, #tpu.memory_space<vmem>>, vector<16xi32>,
      %swap3A_372 = vector.shape_cast %swap3A_371 : vector<16xi32> to vector<16xi32>
      %swap3A_373 = vector.shape_cast %get3A_369 : vector<16xi32> to vector<16xi32>
      tpu.vector_store %arg12[%swap3A_370], %swap3A_373 {strides = array<i32>} : memref<64xi32, #tpu.memory_space<vmem>>, vector<16xi32>,
      %get3A_374 = arith.constant 16 : index
      %get3A_375 = tpu.vector_load %arg9[%get3A_374] {strides = array<i32>} : memref<128xi32, #tpu.memory_space<vmem>>, vector<16xi32>,
      %get3A_376 = vector.shape_cast %get3A_375 : vector<16xi32> to vector<16xi32>
      %swap3A_377 = arith.constant 16 : index
      %swap3A_378 = tpu.vector_load %arg11[%swap3A_377] {strides = array<i32>} : memref<64xi32, #tpu.memory_space<vmem>>, vector<16xi32>,
      %swap3A_379 = vector.shape_cast %swap3A_378 : vector<16xi32> to vector<16xi32>
      %swap3A_380 = vector.shape_cast %get3A_376 : vector<16xi32> to vector<16xi32>
      tpu.vector_store %arg11[%swap3A_377], %swap3A_380 {strides = array<i32>} : memref<64xi32, #tpu.memory_space<vmem>>, vector<16xi32>,
      %get3A_381 = arith.constant 80 : index
      %get3A_382 = tpu.vector_load %arg9[%get3A_381] {strides = array<i32>} : memref<128xi32, #tpu.memory_space<vmem>>, vector<16xi32>,
      %get3A_383 = vector.shape_cast %get3A_382 : vector<16xi32> to vector<16xi32>
      %swap3A_384 = arith.constant 16 : index
      %swap3A_385 = tpu.vector_load %arg12[%swap3A_384] {strides = array<i32>} : memref<64xi32, #tpu.memory_space<vmem>>, vector<16xi32>,
      %swap3A_386 = vector.shape_cast %swap3A_385 : vector<16xi32> to vector<16xi32>
      %swap3A_387 = vector.shape_cast %get3A_383 : vector<16xi32> to vector<16xi32>
      tpu.vector_store %arg12[%swap3A_384], %swap3A_387 {strides = array<i32>} : memref<64xi32, #tpu.memory_space<vmem>>, vector<16xi32>,
      %get3A_388 = arith.constant 32 : index
      %get3A_389 = tpu.vector_load %arg9[%get3A_388] {strides = array<i32>} : memref<128xi32, #tpu.memory_space<vmem>>, vector<16xi32>,
      %get3A_390 = vector.shape_cast %get3A_389 : vector<16xi32> to vector<16xi32>
      %swap3A_391 = arith.constant 32 : index
      %swap3A_392 = tpu.vector_load %arg11[%swap3A_391] {strides = array<i32>} : memref<64xi32, #tpu.memory_space<vmem>>, vector<16xi32>,
      %swap3A_393 = vector.shape_cast %swap3A_392 : vector<16xi32> to vector<16xi32>
      %swap3A_394 = vector.shape_cast %get3A_390 : vector<16xi32> to vector<16xi32>
      tpu.vector_store %arg11[%swap3A_391], %swap3A_394 {strides = array<i32>} : memref<64xi32, #tpu.memory_space<vmem>>, vector<16xi32>,
      %get3A_395 = arith.constant 96 : index
      %get3A_396 = tpu.vector_load %arg9[%get3A_395] {strides = array<i32>} : memref<128xi32, #tpu.memory_space<vmem>>, vector<16xi32>,
      %get3A_397 = vector.shape_cast %get3A_396 : vector<16xi32> to vector<16xi32>
      %swap3A_398 = arith.constant 32 : index
      %swap3A_399 = tpu.vector_load %arg12[%swap3A_398] {strides = array<i32>} : memref<64xi32, #tpu.memory_space<vmem>>, vector<16xi32>,
      %swap3A_400 = vector.shape_cast %swap3A_399 : vector<16xi32> to vector<16xi32>
      %swap3A_401 = vector.shape_cast %get3A_397 : vector<16xi32> to vector<16xi32>
      tpu.vector_store %arg12[%swap3A_398], %swap3A_401 {strides = array<i32>} : memref<64xi32, #tpu.memory_space<vmem>>, vector<16xi32>,
      %get3A_402 = arith.constant 48 : index
      %get3A_403 = tpu.vector_load %arg9[%get3A_402] {strides = array<i32>} : memref<128xi32, #tpu.memory_space<vmem>>, vector<16xi32>,
      %get3A_404 = vector.shape_cast %get3A_403 : vector<16xi32> to vector<16xi32>
      %swap3A_405 = arith.constant 48 : index
      %swap3A_406 = tpu.vector_load %arg11[%swap3A_405] {strides = array<i32>} : memref<64xi32, #tpu.memory_space<vmem>>, vector<16xi32>,
      %swap3A_407 = vector.shape_cast %swap3A_406 : vector<16xi32> to vector<16xi32>
      %swap3A_408 = vector.shape_cast %get3A_404 : vector<16xi32> to vector<16xi32>
      tpu.vector_store %arg11[%swap3A_405], %swap3A_408 {strides = array<i32>} : memref<64xi32, #tpu.memory_space<vmem>>, vector<16xi32>,
      %get3A_409 = arith.constant 112 : index
      %get3A_410 = tpu.vector_load %arg9[%get3A_409] {strides = array<i32>} : memref<128xi32, #tpu.memory_space<vmem>>, vector<16xi32>,
      %get3A_411 = vector.shape_cast %get3A_410 : vector<16xi32> to vector<16xi32>
      %swap3A_412 = arith.constant 48 : index
      %swap3A_413 = tpu.vector_load %arg12[%swap3A_412] {strides = array<i32>} : memref<64xi32, #tpu.memory_space<vmem>>, vector<16xi32>,
      %swap3A_414 = vector.shape_cast %swap3A_413 : vector<16xi32> to vector<16xi32>
      %swap3A_415 = vector.shape_cast %get3A_411 : vector<16xi32> to vector<16xi32>
      tpu.vector_store %arg12[%swap3A_412], %swap3A_415 {strides = array<i32>} : memref<64xi32, #tpu.memory_space<vmem>>, vector<16xi32>,
      %dma_start3A_416 = arith.constant 0 : i32
      %dma_start3A_417 = arith.constant 0 : i32
      %dma_start3A_418 = tpu.memref_slice %arg3[%dma_start3A_416, %dma_start3A_417] : memref<10240x128xf32, #tpu.memory_space<hbm>> -> memref<10240x128xf32, #tpu.memory_space<hbm>>
      tpu.enqueue_indirect_dma source(%dma_start3A_418 : memref<10240x128xf32, #tpu.memory_space<hbm>>) target(%arg15 : memref<64x128xf32, #tpu.memory_space<vmem>>) offsets(%arg11 : memref<64xi32, #tpu.memory_space<vmem>>) semaphore(%arg20 : memref<!tpu.dma_semaphore, #tpu.memory_space<semaphore_mem>>)
      %add3A_419 = arith.constant 1 : i32
      %add3A_420 = arith.addi %mul3A_356, %add3A_419 : i32
      %mul3A_421 = arith.constant 128 : i32
      %mul3A_422 = arith.muli %add3A_420, %mul3A_421 : i32
      %add3A_423 = arith.addi %mul3A_21, %mul3A_422 : i32
      %dma_start3A_424 = arith.constant 0 : i32
      %dma_start3A_425 = tpu.memref_slice %arg2[%arg0, %dma_start3A_424, %add3A_423] : memref<2x1x643072xi32, #tpu.memory_space<hbm>> -> memref<1x1x128xi32, #tpu.memory_space<hbm>>
      %dma_start3A_426 = tpu.memref_squeeze %dma_start3A_425 : memref<1x1x128xi32, #tpu.memory_space<hbm>> -> memref<128xi32, #tpu.memory_space<hbm>>
      %dma_start3A_427 = tpu.memref_slice %arg2[%arg0, %dma_start3A_424, %add3A_423] : memref<2x1x643072xi32, #tpu.memory_space<hbm>> -> memref<1x1x128xi32, #tpu.memory_space<hbm>>
      %dma_start3A_428 = tpu.memref_squeeze %dma_start3A_427 : memref<1x1x128xi32, #tpu.memory_space<hbm>> -> memref<128xi32, #tpu.memory_space<hbm>>
      tpu.enqueue_dma source(%dma_start3A_428 : memref<128xi32, #tpu.memory_space<hbm>>) target(%arg10 : memref<128xi32, #tpu.memory_space<vmem>>) target_semaphore(%arg19 : memref<!tpu.dma_semaphore, #tpu.memory_space<semaphore_mem>>)
      %gt3A = arith.constant 0 : i32
      %gt3A_429 = arith.cmpi sgt, %scan3A_354, %gt3A : i32
      %convert_element_type3A = arith.extui %gt3A_429 : i1 to i32
      %cond3A = arith.constant 0 : i32
      %cond3A_430 = arith.cmpi ne, %convert_element_type3A, %cond3A : i32
      scf.if %cond3A_430 {
        %dma_wait3A_507 = arith.constant 0 : i32
        %dma_wait3A_508 = arith.constant 0 : i32
        %dma_wait3A_509 = tpu.memref_slice %arg3[%dma_wait3A_507, %dma_wait3A_508] : memref<10240x128xf32, #tpu.memory_space<hbm>> -> memref<10240x128xf32, #tpu.memory_space<hbm>>
        tpu.wait_indirect_dma semaphore(%arg21 : memref<!tpu.dma_semaphore, #tpu.memory_space<semaphore_mem>>) src(%dma_wait3A_509 : memref<10240x128xf32, #tpu.memory_space<hbm>>) dst(%arg16 : memref<64x128xf32, #tpu.memory_space<vmem>>)
        "tpu.region"() ({
          %run_scoped3A = tpu.sem_alloc : memref<!tpu.dma_semaphore, #tpu.memory_space<semaphore_mem>>
          %dma_start3A_510 = arith.constant 0 : i32
          %dma_start3A_511 = arith.constant 0 : i32
          %dma_start3A_512 = tpu.memref_slice %arg8[%dma_start3A_510, %dma_start3A_511] : memref<10240x128xf32, #tpu.memory_space<vmem_shared>> -> memref<10240x128xf32, #tpu.memory_space<vmem_shared>>
          tpu.enqueue_indirect_dma source(%arg16 : memref<64x128xf32, #tpu.memory_space<vmem>>) target(%dma_start3A_512 : memref<10240x128xf32, #tpu.memory_space<vmem_shared>>) offsets(%arg14 : memref<64xi32, #tpu.memory_space<vmem>>) semaphore(%run_scoped3A : memref<!tpu.dma_semaphore, #tpu.memory_space<semaphore_mem>>) {add = true}
          %dma_wait3A_513 = arith.constant 0 : i32
          %dma_wait3A_514 = arith.constant 0 : i32
          %dma_wait3A_515 = tpu.memref_slice %arg8[%dma_wait3A_513, %dma_wait3A_514] : memref<10240x128xf32, #tpu.memory_space<vmem_shared>> -> memref<10240x128xf32, #tpu.memory_space<vmem_shared>>
          tpu.wait_indirect_dma semaphore(%run_scoped3A : memref<!tpu.dma_semaphore, #tpu.memory_space<semaphore_mem>>) src(%arg16 : memref<64x128xf32, #tpu.memory_space<vmem>>) dst(%dma_wait3A_515 : memref<10240x128xf32, #tpu.memory_space<vmem_shared>>)
          tpu.yield
        }) : () -> ()
      } else {
      }
      %add3A_431 = arith.constant 1 : i32
      %add3A_432 = arith.addi %mul3A_356, %add3A_431 : i32
      %mul3A_433 = arith.constant 128 : i32
      %mul3A_434 = arith.muli %add3A_432, %mul3A_433 : i32
      %add3A_435 = arith.addi %mul3A_21, %mul3A_434 : i32
      %dma_wait3A_436 = arith.constant 0 : i32
      %dma_wait3A_437 = tpu.memref_slice %arg2[%arg0, %dma_wait3A_436, %add3A_435] : memref<2x1x643072xi32, #tpu.memory_space<hbm>> -> memref<1x1x128xi32, #tpu.memory_space<hbm>>
      %dma_wait3A_438 = tpu.memref_squeeze %dma_wait3A_437 : memref<1x1x128xi32, #tpu.memory_space<hbm>> -> memref<128xi32, #tpu.memory_space<hbm>>
      %dma_wait3A_439 = tpu.memref_slice %arg2[%arg0, %dma_wait3A_436, %add3A_435] : memref<2x1x643072xi32, #tpu.memory_space<hbm>> -> memref<1x1x128xi32, #tpu.memory_space<hbm>>
      %dma_wait3A_440 = tpu.memref_squeeze %dma_wait3A_439 : memref<1x1x128xi32, #tpu.memory_space<hbm>> -> memref<128xi32, #tpu.memory_space<hbm>>
      tpu.wait_dma2 semaphore(%arg19 : memref<!tpu.dma_semaphore, #tpu.memory_space<semaphore_mem>>) src(%dma_wait3A_440 : memref<128xi32, #tpu.memory_space<hbm>>) dst(%arg10 : memref<128xi32, #tpu.memory_space<vmem>>)
      %get3A_441 = arith.constant 0 : index
      %get3A_442 = tpu.vector_load %arg10[%get3A_441] {strides = array<i32>} : memref<128xi32, #tpu.memory_space<vmem>>, vector<16xi32>,
      %get3A_443 = vector.shape_cast %get3A_442 : vector<16xi32> to vector<16xi32>
      %swap3A_444 = arith.constant 0 : index
      %swap3A_445 = tpu.vector_load %arg13[%swap3A_444] {strides = array<i32>} : memref<64xi32, #tpu.memory_space<vmem>>, vector<16xi32>,
      %swap3A_446 = vector.shape_cast %swap3A_445 : vector<16xi32> to vector<16xi32>
      %swap3A_447 = vector.shape_cast %get3A_443 : vector<16xi32> to vector<16xi32>
      tpu.vector_store %arg13[%swap3A_444], %swap3A_447 {strides = array<i32>} : memref<64xi32, #tpu.memory_space<vmem>>, vector<16xi32>,
      %get3A_448 = arith.constant 64 : index
      %get3A_449 = tpu.vector_load %arg10[%get3A_448] {strides = array<i32>} : memref<128xi32, #tpu.memory_space<vmem>>, vector<16xi32>,
      %get3A_450 = vector.shape_cast %get3A_449 : vector<16xi32> to vector<16xi32>
      %swap3A_451 = arith.constant 0 : index
      %swap3A_452 = tpu.vector_load %arg14[%swap3A_451] {strides = array<i32>} : memref<64xi32, #tpu.memory_space<vmem>>, vector<16xi32>,
      %swap3A_453 = vector.shape_cast %swap3A_452 : vector<16xi32> to vector<16xi32>
      %swap3A_454 = vector.shape_cast %get3A_450 : vector<16xi32> to vector<16xi32>
      tpu.vector_store %arg14[%swap3A_451], %swap3A_454 {strides = array<i32>} : memref<64xi32, #tpu.memory_space<vmem>>, vector<16xi32>,
      %get3A_455 = arith.constant 16 : index
      %get3A_456 = tpu.vector_load %arg10[%get3A_455] {strides = array<i32>} : memref<128xi32, #tpu.memory_space<vmem>>, vector<16xi32>,
      %get3A_457 = vector.shape_cast %get3A_456 : vector<16xi32> to vector<16xi32>
      %swap3A_458 = arith.constant 16 : index
      %swap3A_459 = tpu.vector_load %arg13[%swap3A_458] {strides = array<i32>} : memref<64xi32, #tpu.memory_space<vmem>>, vector<16xi32>,
      %swap3A_460 = vector.shape_cast %swap3A_459 : vector<16xi32> to vector<16xi32>
      %swap3A_461 = vector.shape_cast %get3A_457 : vector<16xi32> to vector<16xi32>
      tpu.vector_store %arg13[%swap3A_458], %swap3A_461 {strides = array<i32>} : memref<64xi32, #tpu.memory_space<vmem>>, vector<16xi32>,
      %get3A_462 = arith.constant 80 : index
      %get3A_463 = tpu.vector_load %arg10[%get3A_462] {strides = array<i32>} : memref<128xi32, #tpu.memory_space<vmem>>, vector<16xi32>,
      %get3A_464 = vector.shape_cast %get3A_463 : vector<16xi32> to vector<16xi32>
      %swap3A_465 = arith.constant 16 : index
      %swap3A_466 = tpu.vector_load %arg14[%swap3A_465] {strides = array<i32>} : memref<64xi32, #tpu.memory_space<vmem>>, vector<16xi32>,
      %swap3A_467 = vector.shape_cast %swap3A_466 : vector<16xi32> to vector<16xi32>
      %swap3A_468 = vector.shape_cast %get3A_464 : vector<16xi32> to vector<16xi32>
      tpu.vector_store %arg14[%swap3A_465], %swap3A_468 {strides = array<i32>} : memref<64xi32, #tpu.memory_space<vmem>>, vector<16xi32>,
      %get3A_469 = arith.constant 32 : index
      %get3A_470 = tpu.vector_load %arg10[%get3A_469] {strides = array<i32>} : memref<128xi32, #tpu.memory_space<vmem>>, vector<16xi32>,
      %get3A_471 = vector.shape_cast %get3A_470 : vector<16xi32> to vector<16xi32>
      %swap3A_472 = arith.constant 32 : index
      %swap3A_473 = tpu.vector_load %arg13[%swap3A_472] {strides = array<i32>} : memref<64xi32, #tpu.memory_space<vmem>>, vector<16xi32>,
      %swap3A_474 = vector.shape_cast %swap3A_473 : vector<16xi32> to vector<16xi32>
      %swap3A_475 = vector.shape_cast %get3A_471 : vector<16xi32> to vector<16xi32>
      tpu.vector_store %arg13[%swap3A_472], %swap3A_475 {strides = array<i32>} : memref<64xi32, #tpu.memory_space<vmem>>, vector<16xi32>,
      %get3A_476 = arith.constant 96 : index
      %get3A_477 = tpu.vector_load %arg10[%get3A_476] {strides = array<i32>} : memref<128xi32, #tpu.memory_space<vmem>>, vector<16xi32>,
      %get3A_478 = vector.shape_cast %get3A_477 : vector<16xi32> to vector<16xi32>
      %swap3A_479 = arith.constant 32 : index
      %swap3A_480 = tpu.vector_load %arg14[%swap3A_479] {strides = array<i32>} : memref<64xi32, #tpu.memory_space<vmem>>, vector<16xi32>,
      %swap3A_481 = vector.shape_cast %swap3A_480 : vector<16xi32> to vector<16xi32>
      %swap3A_482 = vector.shape_cast %get3A_478 : vector<16xi32> to vector<16xi32>
      tpu.vector_store %arg14[%swap3A_479], %swap3A_482 {strides = array<i32>} : memref<64xi32, #tpu.memory_space<vmem>>, vector<16xi32>,
      %get3A_483 = arith.constant 48 : index
      %get3A_484 = tpu.vector_load %arg10[%get3A_483] {strides = array<i32>} : memref<128xi32, #tpu.memory_space<vmem>>, vector<16xi32>,
      %get3A_485 = vector.shape_cast %get3A_484 : vector<16xi32> to vector<16xi32>
      %swap3A_486 = arith.constant 48 : index
      %swap3A_487 = tpu.vector_load %arg13[%swap3A_486] {strides = array<i32>} : memref<64xi32, #tpu.memory_space<vmem>>, vector<16xi32>,
      %swap3A_488 = vector.shape_cast %swap3A_487 : vector<16xi32> to vector<16xi32>
      %swap3A_489 = vector.shape_cast %get3A_485 : vector<16xi32> to vector<16xi32>
      tpu.vector_store %arg13[%swap3A_486], %swap3A_489 {strides = array<i32>} : memref<64xi32, #tpu.memory_space<vmem>>, vector<16xi32>,
      %get3A_490 = arith.constant 112 : index
      %get3A_491 = tpu.vector_load %arg10[%get3A_490] {strides = array<i32>} : memref<128xi32, #tpu.memory_space<vmem>>, vector<16xi32>,
      %get3A_492 = vector.shape_cast %get3A_491 : vector<16xi32> to vector<16xi32>
      %swap3A_493 = arith.constant 48 : index
      %swap3A_494 = tpu.vector_load %arg14[%swap3A_493] {strides = array<i32>} : memref<64xi32, #tpu.memory_space<vmem>>, vector<16xi32>,
      %swap3A_495 = vector.shape_cast %swap3A_494 : vector<16xi32> to vector<16xi32>
      %swap3A_496 = vector.shape_cast %get3A_492 : vector<16xi32> to vector<16xi32>
      tpu.vector_store %arg14[%swap3A_493], %swap3A_496 {strides = array<i32>} : memref<64xi32, #tpu.memory_space<vmem>>, vector<16xi32>,
      %dma_start3A_497 = arith.constant 0 : i32
      %dma_start3A_498 = arith.constant 0 : i32
      %dma_start3A_499 = tpu.memref_slice %arg3[%dma_start3A_497, %dma_start3A_498] : memref<10240x128xf32, #tpu.memory_space<hbm>> -> memref<10240x128xf32, #tpu.memory_space<hbm>>
      tpu.enqueue_indirect_dma source(%dma_start3A_499 : memref<10240x128xf32, #tpu.memory_space<hbm>>) target(%arg16 : memref<64x128xf32, #tpu.memory_space<vmem>>) offsets(%arg13 : memref<64xi32, #tpu.memory_space<vmem>>) semaphore(%arg21 : memref<!tpu.dma_semaphore, #tpu.memory_space<semaphore_mem>>)
      %lt3A = arith.constant 156 : i32
      %lt3A_500 = arith.cmpi slt, %scan3A_354, %lt3A : i32
      %convert_element_type3A_501 = arith.extui %lt3A_500 : i1 to i32
      %cond3A_502 = arith.constant 0 : i32
      %cond3A_503 = arith.cmpi ne, %convert_element_type3A_501, %cond3A_502 : i32
      scf.if %cond3A_503 {
        %add3A_507 = arith.constant 2 : i32
        %add3A_508 = arith.addi %mul3A_356, %add3A_507 : i32
        %mul3A_509 = arith.constant 128 : i32
        %mul3A_510 = arith.muli %add3A_508, %mul3A_509 : i32
        %add3A_511 = arith.addi %mul3A_21, %mul3A_510 : i32
        %dma_start3A_512 = arith.constant 0 : i32
        %dma_start3A_513 = tpu.memref_slice %arg2[%arg0, %dma_start3A_512, %add3A_511] : memref<2x1x643072xi32, #tpu.memory_space<hbm>> -> memref<1x1x128xi32, #tpu.memory_space<hbm>>
        %dma_start3A_514 = tpu.memref_squeeze %dma_start3A_513 : memref<1x1x128xi32, #tpu.memory_space<hbm>> -> memref<128xi32, #tpu.memory_space<hbm>>
        %dma_start3A_515 = tpu.memref_slice %arg2[%arg0, %dma_start3A_512, %add3A_511] : memref<2x1x643072xi32, #tpu.memory_space<hbm>> -> memref<1x1x128xi32, #tpu.memory_space<hbm>>
        %dma_start3A_516 = tpu.memref_squeeze %dma_start3A_515 : memref<1x1x128xi32, #tpu.memory_space<hbm>> -> memref<128xi32, #tpu.memory_space<hbm>>
        tpu.enqueue_dma source(%dma_start3A_516 : memref<128xi32, #tpu.memory_space<hbm>>) target(%arg9 : memref<128xi32, #tpu.memory_space<vmem>>) target_semaphore(%arg18 : memref<!tpu.dma_semaphore, #tpu.memory_space<semaphore_mem>>)
      } else {
      }
      %dma_wait3A_504 = arith.constant 0 : i32
      %dma_wait3A_505 = arith.constant 0 : i32
      %dma_wait3A_506 = tpu.memref_slice %arg3[%dma_wait3A_504, %dma_wait3A_505] : memref<10240x128xf32, #tpu.memory_space<hbm>> -> memref<10240x128xf32, #tpu.memory_space<hbm>>
      tpu.wait_indirect_dma semaphore(%arg20 : memref<!tpu.dma_semaphore, #tpu.memory_space<semaphore_mem>>) src(%dma_wait3A_506 : memref<10240x128xf32, #tpu.memory_space<hbm>>) dst(%arg15 : memref<64x128xf32, #tpu.memory_space<vmem>>)
      "tpu.region"() ({
        %run_scoped3A = tpu.sem_alloc : memref<!tpu.dma_semaphore, #tpu.memory_space<semaphore_mem>>
        %dma_start3A_507 = arith.constant 0 : i32
        %dma_start3A_508 = arith.constant 0 : i32
        %dma_start3A_509 = tpu.memref_slice %arg8[%dma_start3A_507, %dma_start3A_508] : memref<10240x128xf32, #tpu.memory_space<vmem_shared>> -> memref<10240x128xf32, #tpu.memory_space<vmem_shared>>
        tpu.enqueue_indirect_dma source(%arg15 : memref<64x128xf32, #tpu.memory_space<vmem>>) target(%dma_start3A_509 : memref<10240x128xf32, #tpu.memory_space<vmem_shared>>) offsets(%arg12 : memref<64xi32, #tpu.memory_space<vmem>>) semaphore(%run_scoped3A : memref<!tpu.dma_semaphore, #tpu.memory_space<semaphore_mem>>) {add = true}
        %dma_wait3A_510 = arith.constant 0 : i32
        %dma_wait3A_511 = arith.constant 0 : i32
        %dma_wait3A_512 = tpu.memref_slice %arg8[%dma_wait3A_510, %dma_wait3A_511] : memref<10240x128xf32, #tpu.memory_space<vmem_shared>> -> memref<10240x128xf32, #tpu.memory_space<vmem_shared>>
        tpu.wait_indirect_dma semaphore(%run_scoped3A : memref<!tpu.dma_semaphore, #tpu.memory_space<semaphore_mem>>) src(%arg15 : memref<64x128xf32, #tpu.memory_space<vmem>>) dst(%dma_wait3A_512 : memref<10240x128xf32, #tpu.memory_space<vmem_shared>>)
        tpu.yield
      }) : () -> ()
    }
    %scan3A_30 = arith.constant 157 : i32
    %dma_wait3A = arith.constant 0 : i32
    %dma_wait3A_31 = arith.constant 0 : i32
    %dma_wait3A_32 = tpu.memref_slice %arg3[%dma_wait3A, %dma_wait3A_31] : memref<10240x128xf32, #tpu.memory_space<hbm>> -> memref<10240x128xf32, #tpu.memory_space<hbm>>
    tpu.wait_indirect_dma semaphore(%arg21 : memref<!tpu.dma_semaphore, #tpu.memory_space<semaphore_mem>>) src(%dma_wait3A_32 : memref<10240x128xf32, #tpu.memory_space<hbm>>) dst(%arg16 : memref<64x128xf32, #tpu.memory_space<vmem>>)
    "tpu.region"() ({
      %run_scoped3A = tpu.sem_alloc : memref<!tpu.dma_semaphore, #tpu.memory_space<semaphore_mem>>
      %dma_start3A_354 = arith.constant 0 : i32
      %dma_start3A_355 = arith.constant 0 : i32
      %dma_start3A_356 = tpu.memref_slice %arg8[%dma_start3A_354, %dma_start3A_355] : memref<10240x128xf32, #tpu.memory_space<vmem_shared>> -> memref<10240x128xf32, #tpu.memory_space<vmem_shared>>
      tpu.enqueue_indirect_dma source(%arg16 : memref<64x128xf32, #tpu.memory_space<vmem>>) target(%dma_start3A_356 : memref<10240x128xf32, #tpu.memory_space<vmem_shared>>) offsets(%arg14 : memref<64xi32, #tpu.memory_space<vmem>>) semaphore(%run_scoped3A : memref<!tpu.dma_semaphore, #tpu.memory_space<semaphore_mem>>) {add = true}
      %dma_wait3A_357 = arith.constant 0 : i32
      %dma_wait3A_358 = arith.constant 0 : i32
      %dma_wait3A_359 = tpu.memref_slice %arg8[%dma_wait3A_357, %dma_wait3A_358] : memref<10240x128xf32, #tpu.memory_space<vmem_shared>> -> memref<10240x128xf32, #tpu.memory_space<vmem_shared>>
      tpu.wait_indirect_dma semaphore(%run_scoped3A : memref<!tpu.dma_semaphore, #tpu.memory_space<semaphore_mem>>) src(%arg16 : memref<64x128xf32, #tpu.memory_space<vmem>>) dst(%dma_wait3A_359 : memref<10240x128xf32, #tpu.memory_space<vmem_shared>>)
      tpu.yield
    }) : () -> ()
    %barrier3A_33 = arith.constant 0 : index
    tpu.barrier barrier_id(%barrier3A_33)
    %add3A_34 = arith.constant 0 : i32
    %add3A_35 = arith.addi %mul3A_0, %add3A_34 : i32
    %dma_start3A_36 = arith.constant 0 : i32
    %dma_start3A_37 = tpu.memref_slice %arg8[%add3A_35, %dma_start3A_36] : memref<10240x128xf32, #tpu.memory_space<vmem_shared>> -> memref<64x128xf32, #tpu.memory_space<vmem_shared>>
    %dma_start3A_38 = arith.constant 0 : i32
    %dma_start3A_39 = tpu.memref_slice %arg8[%add3A_35, %dma_start3A_38] : memref<10240x128xf32, #tpu.memory_space<vmem_shared>> -> memref<64x128xf32, #tpu.memory_space<vmem_shared>>
    tpu.enqueue_dma source(%dma_start3A_39 : memref<64x128xf32, #tpu.memory_space<vmem_shared>>) target(%arg15 : memref<64x128xf32, #tpu.memory_space<vmem>>) target_semaphore(%arg22 : memref<!tpu.dma_semaphore, #tpu.memory_space<semaphore_mem>>)
    %dma_start3A_40 = arith.constant 0 : i32
    %dma_start3A_41 = tpu.memref_slice %arg5[%add3A_35, %dma_start3A_40] : memref<10240x128xf32, #tpu.memory_space<hbm>> -> memref<64x128xf32, #tpu.memory_space<hbm>>
    %dma_start3A_42 = arith.constant 0 : i32
    %dma_start3A_43 = tpu.memref_slice %arg5[%add3A_35, %dma_start3A_42] : memref<10240x128xf32, #tpu.memory_space<hbm>> -> memref<64x128xf32, #tpu.memory_space<hbm>>
    tpu.enqueue_dma source(%dma_start3A_43 : memref<64x128xf32, #tpu.memory_space<hbm>>) target(%arg16 : memref<64x128xf32, #tpu.memory_space<vmem>>) target_semaphore(%arg23 : memref<!tpu.dma_semaphore, #tpu.memory_space<semaphore_mem>>)
    %dma_start3A_44 = arith.constant 0 : i32
    %dma_start3A_45 = tpu.memref_slice %arg4[%add3A_35, %dma_start3A_44] : memref<10240x128xf32, #tpu.memory_space<hbm>> -> memref<64x128xf32, #tpu.memory_space<hbm>>
    %dma_start3A_46 = arith.constant 0 : i32
    %dma_start3A_47 = tpu.memref_slice %arg4[%add3A_35, %dma_start3A_46] : memref<10240x128xf32, #tpu.memory_space<hbm>> -> memref<64x128xf32, #tpu.memory_space<hbm>>
    tpu.enqueue_dma source(%dma_start3A_47 : memref<64x128xf32, #tpu.memory_space<hbm>>) target(%arg17 : memref<64x128xf32, #tpu.memory_space<vmem>>) target_semaphore(%arg24 : memref<!tpu.dma_semaphore, #tpu.memory_space<semaphore_mem>>)
    %dma_wait3A_48 = arith.constant 0 : i32
    %dma_wait3A_49 = tpu.memref_slice %arg8[%add3A_35, %dma_wait3A_48] : memref<10240x128xf32, #tpu.memory_space<vmem_shared>> -> memref<64x128xf32, #tpu.memory_space<vmem_shared>>
    %dma_wait3A_50 = arith.constant 0 : i32
    %dma_wait3A_51 = tpu.memref_slice %arg8[%add3A_35, %dma_wait3A_50] : memref<10240x128xf32, #tpu.memory_space<vmem_shared>> -> memref<64x128xf32, #tpu.memory_space<vmem_shared>>
    tpu.wait_dma2 semaphore(%arg22 : memref<!tpu.dma_semaphore, #tpu.memory_space<semaphore_mem>>) src(%dma_wait3A_51 : memref<64x128xf32, #tpu.memory_space<vmem_shared>>) dst(%arg15 : memref<64x128xf32, #tpu.memory_space<vmem>>)
    %dma_wait3A_52 = arith.constant 0 : i32
    %dma_wait3A_53 = tpu.memref_slice %arg5[%add3A_35, %dma_wait3A_52] : memref<10240x128xf32, #tpu.memory_space<hbm>> -> memref<64x128xf32, #tpu.memory_space<hbm>>
    %dma_wait3A_54 = arith.constant 0 : i32
    %dma_wait3A_55 = tpu.memref_slice %arg5[%add3A_35, %dma_wait3A_54] : memref<10240x128xf32, #tpu.memory_space<hbm>> -> memref<64x128xf32, #tpu.memory_space<hbm>>
    tpu.wait_dma2 semaphore(%arg23 : memref<!tpu.dma_semaphore, #tpu.memory_space<semaphore_mem>>) src(%dma_wait3A_55 : memref<64x128xf32, #tpu.memory_space<hbm>>) dst(%arg16 : memref<64x128xf32, #tpu.memory_space<vmem>>)
    %dma_wait3A_56 = arith.constant 0 : i32
    %dma_wait3A_57 = tpu.memref_slice %arg4[%add3A_35, %dma_wait3A_56] : memref<10240x128xf32, #tpu.memory_space<hbm>> -> memref<64x128xf32, #tpu.memory_space<hbm>>
    %dma_wait3A_58 = arith.constant 0 : i32
    %dma_wait3A_59 = tpu.memref_slice %arg4[%add3A_35, %dma_wait3A_58] : memref<10240x128xf32, #tpu.memory_space<hbm>> -> memref<64x128xf32, #tpu.memory_space<hbm>>
    tpu.wait_dma2 semaphore(%arg24 : memref<!tpu.dma_semaphore, #tpu.memory_space<semaphore_mem>>) src(%dma_wait3A_59 : memref<64x128xf32, #tpu.memory_space<hbm>>) dst(%arg17 : memref<64x128xf32, #tpu.memory_space<vmem>>)
    %scan3A_60 = arith.constant 0 : i32
    %scan3A_61 = arith.constant 0 : i32
    %scan3A_62 = arith.constant 64 : i32
    %scan3A_63 = arith.addi %scan3A_61, %scan3A_62 : i32
    %scan3A_64 = arith.constant 1 : i32
    scf.for %scan3A_354 = %scan3A_61 to %scan3A_63 step %scan3A_64  : i32 {
      %get3A = arith.index_cast %scan3A_354 : i32 to index
      %get3A_355 = arith.constant 112 : index
      %get3A_356 = tpu.vector_load %arg15[%get3A, %get3A_355] {strides = array<i32>} : memref<64x128xf32, #tpu.memory_space<vmem>>, vector<1x16xf32>,
      %get3A_357 = vector.shape_cast %get3A_356 : vector<1x16xf32> to vector<16xf32>
      %broadcast_in_dim3A = arith.constant 15 : i32
      %broadcast_in_dim3A_358 = vector.broadcast %broadcast_in_dim3A : i32 to vector<16x1xi32>
      %gather3A = vector.shape_cast %broadcast_in_dim3A_358 : vector<16x1xi32> to vector<16xi32>
      %gather3A_359 = tpu.dynamic_gather %get3A_357[%gather3A] in [0] : vector<16xf32>, vector<16xi32> -> vector<16xf32>
      %mul3A_360 = arith.constant 1.52587891E-5 : f32
      %mul3A_361 = vector.broadcast %mul3A_360 : f32 to vector<16xf32>
      %mul3A_362 = arith.mulf %gather3A_359, %mul3A_361 : vector<16xf32>
      %add3A_363 = arith.constant 5.000000e-01 : f32
      %add3A_364 = vector.broadcast %add3A_363 : f32 to vector<16xf32>
      %add3A_365 = arith.addf %mul3A_362, %add3A_364 : vector<16xf32>
      %convert_element_type3A = arith.fptosi %add3A_365 : vector<16xf32> to vector<16xi32>
      %convert_element_type3A_366 = arith.sitofp %convert_element_type3A : vector<16xi32> to vector<16xf32>
      %mul3A_367 = arith.constant 6.553600e+04 : f32
      %mul3A_368 = vector.broadcast %mul3A_367 : f32 to vector<16xf32>
      %mul3A_369 = arith.mulf %convert_element_type3A_366, %mul3A_368 : vector<16xf32>
      %sub3A = arith.subf %gather3A_359, %mul3A_369 : vector<16xf32>
      %max3A = arith.constant 1.000000e+00 : f32
      %max3A_370 = vector.broadcast %max3A : f32 to vector<16xf32>
      %max3A_371 = arith.maximumf %convert_element_type3A_366, %max3A_370 : vector<16xf32>
      %div3A = arith.constant 1.000000e+00 : f32
      %div3A_372 = vector.broadcast %div3A : f32 to vector<16xf32>
      %div3A_373 = arith.divf %div3A_372, %max3A_371 : vector<16xf32>
      %get3A_374 = arith.index_cast %scan3A_354 : i32 to index
      %get3A_375 = arith.constant 0 : index
      %get3A_376 = tpu.vector_load %arg16[%get3A_374, %get3A_375] {strides = array<i32>} : memref<64x128xf32, #tpu.memory_space<vmem>>, vector<1x16xf32>,
      %get3A_377 = vector.shape_cast %get3A_376 : vector<1x16xf32> to vector<16xf32>
      %get3A_378 = arith.index_cast %scan3A_354 : i32 to index
      %get3A_379 = arith.constant 0 : index
      %get3A_380 = tpu.vector_load %arg15[%get3A_378, %get3A_379] {strides = array<i32>} : memref<64x128xf32, #tpu.memory_space<vmem>>, vector<1x16xf32>,
      %get3A_381 = vector.shape_cast %get3A_380 : vector<1x16xf32> to vector<16xf32>
      %mul3A_382 = arith.mulf %get3A_381, %div3A_373 : vector<16xf32>
      %get3A_383 = arith.index_cast %scan3A_354 : i32 to index
      %get3A_384 = arith.constant 0 : index
      %get3A_385 = tpu.vector_load %arg17[%get3A_383, %get3A_384] {strides = array<i32>} : memref<64x128xf32, #tpu.memory_space<vmem>>, vector<1x16xf32>,
      %get3A_386 = vector.shape_cast %get3A_385 : vector<1x16xf32> to vector<16xf32>
      %sub3A_387 = arith.subf %mul3A_382, %get3A_386 : vector<16xf32>
      %mul3A_388 = arith.mulf %get3A_377, %sub3A_387 : vector<16xf32>
      %add3A_389 = arith.addf %get3A_386, %mul3A_388 : vector<16xf32>
      %swap3A = arith.index_cast %scan3A_354 : i32 to index
      %swap3A_390 = arith.constant 0 : index
      %swap3A_391 = tpu.vector_load %arg15[%swap3A, %swap3A_390] {strides = array<i32>} : memref<64x128xf32, #tpu.memory_space<vmem>>, vector<1x16xf32>,
      %swap3A_392 = vector.shape_cast %swap3A_391 : vector<1x16xf32> to vector<16xf32>
      %swap3A_393 = vector.shape_cast %add3A_389 : vector<16xf32> to vector<1x16xf32>
      tpu.vector_store %arg15[%swap3A, %swap3A_390], %swap3A_393 {strides = array<i32>} : memref<64x128xf32, #tpu.memory_space<vmem>>, vector<1x16xf32>,
      %get3A_394 = arith.index_cast %scan3A_354 : i32 to index
      %get3A_395 = arith.constant 16 : index
      %get3A_396 = tpu.vector_load %arg15[%get3A_394, %get3A_395] {strides = array<i32>} : memref<64x128xf32, #tpu.memory_space<vmem>>, vector<1x16xf32>,
      %get3A_397 = vector.shape_cast %get3A_396 : vector<1x16xf32> to vector<16xf32>
      %mul3A_398 = arith.mulf %get3A_397, %div3A_373 : vector<16xf32>
      %get3A_399 = arith.index_cast %scan3A_354 : i32 to index
      %get3A_400 = arith.constant 16 : index
      %get3A_401 = tpu.vector_load %arg17[%get3A_399, %get3A_400] {strides = array<i32>} : memref<64x128xf32, #tpu.memory_space<vmem>>, vector<1x16xf32>,
      %get3A_402 = vector.shape_cast %get3A_401 : vector<1x16xf32> to vector<16xf32>
      %sub3A_403 = arith.subf %mul3A_398, %get3A_402 : vector<16xf32>
      %mul3A_404 = arith.mulf %get3A_377, %sub3A_403 : vector<16xf32>
      %add3A_405 = arith.addf %get3A_402, %mul3A_404 : vector<16xf32>
      %swap3A_406 = arith.index_cast %scan3A_354 : i32 to index
      %swap3A_407 = arith.constant 16 : index
      %swap3A_408 = tpu.vector_load %arg15[%swap3A_406, %swap3A_407] {strides = array<i32>} : memref<64x128xf32, #tpu.memory_space<vmem>>, vector<1x16xf32>,
      %swap3A_409 = vector.shape_cast %swap3A_408 : vector<1x16xf32> to vector<16xf32>
      %swap3A_410 = vector.shape_cast %add3A_405 : vector<16xf32> to vector<1x16xf32>
      tpu.vector_store %arg15[%swap3A_406, %swap3A_407], %swap3A_410 {strides = array<i32>} : memref<64x128xf32, #tpu.memory_space<vmem>>, vector<1x16xf32>,
      %get3A_411 = arith.index_cast %scan3A_354 : i32 to index
      %get3A_412 = arith.constant 32 : index
      %get3A_413 = tpu.vector_load %arg15[%get3A_411, %get3A_412] {strides = array<i32>} : memref<64x128xf32, #tpu.memory_space<vmem>>, vector<1x16xf32>,
      %get3A_414 = vector.shape_cast %get3A_413 : vector<1x16xf32> to vector<16xf32>
      %mul3A_415 = arith.mulf %get3A_414, %div3A_373 : vector<16xf32>
      %get3A_416 = arith.index_cast %scan3A_354 : i32 to index
      %get3A_417 = arith.constant 32 : index
      %get3A_418 = tpu.vector_load %arg17[%get3A_416, %get3A_417] {strides = array<i32>} : memref<64x128xf32, #tpu.memory_space<vmem>>, vector<1x16xf32>,
      %get3A_419 = vector.shape_cast %get3A_418 : vector<1x16xf32> to vector<16xf32>
      %sub3A_420 = arith.subf %mul3A_415, %get3A_419 : vector<16xf32>
      %mul3A_421 = arith.mulf %get3A_377, %sub3A_420 : vector<16xf32>
      %add3A_422 = arith.addf %get3A_419, %mul3A_421 : vector<16xf32>
      %swap3A_423 = arith.index_cast %scan3A_354 : i32 to index
      %swap3A_424 = arith.constant 32 : index
      %swap3A_425 = tpu.vector_load %arg15[%swap3A_423, %swap3A_424] {strides = array<i32>} : memref<64x128xf32, #tpu.memory_space<vmem>>, vector<1x16xf32>,
      %swap3A_426 = vector.shape_cast %swap3A_425 : vector<1x16xf32> to vector<16xf32>
      %swap3A_427 = vector.shape_cast %add3A_422 : vector<16xf32> to vector<1x16xf32>
      tpu.vector_store %arg15[%swap3A_423, %swap3A_424], %swap3A_427 {strides = array<i32>} : memref<64x128xf32, #tpu.memory_space<vmem>>, vector<1x16xf32>,
      %get3A_428 = arith.index_cast %scan3A_354 : i32 to index
      %get3A_429 = arith.constant 48 : index
      %get3A_430 = tpu.vector_load %arg15[%get3A_428, %get3A_429] {strides = array<i32>} : memref<64x128xf32, #tpu.memory_space<vmem>>, vector<1x16xf32>,
      %get3A_431 = vector.shape_cast %get3A_430 : vector<1x16xf32> to vector<16xf32>
      %mul3A_432 = arith.mulf %get3A_431, %div3A_373 : vector<16xf32>
      %get3A_433 = arith.index_cast %scan3A_354 : i32 to index
      %get3A_434 = arith.constant 48 : index
      %get3A_435 = tpu.vector_load %arg17[%get3A_433, %get3A_434] {strides = array<i32>} : memref<64x128xf32, #tpu.memory_space<vmem>>, vector<1x16xf32>,
      %get3A_436 = vector.shape_cast %get3A_435 : vector<1x16xf32> to vector<16xf32>
      %sub3A_437 = arith.subf %mul3A_432, %get3A_436 : vector<16xf32>
      %mul3A_438 = arith.mulf %get3A_377, %sub3A_437 : vector<16xf32>
      %add3A_439 = arith.addf %get3A_436, %mul3A_438 : vector<16xf32>
      %swap3A_440 = arith.index_cast %scan3A_354 : i32 to index
      %swap3A_441 = arith.constant 48 : index
      %swap3A_442 = tpu.vector_load %arg15[%swap3A_440, %swap3A_441] {strides = array<i32>} : memref<64x128xf32, #tpu.memory_space<vmem>>, vector<1x16xf32>,
      %swap3A_443 = vector.shape_cast %swap3A_442 : vector<1x16xf32> to vector<16xf32>
      %swap3A_444 = vector.shape_cast %add3A_439 : vector<16xf32> to vector<1x16xf32>
      tpu.vector_store %arg15[%swap3A_440, %swap3A_441], %swap3A_444 {strides = array<i32>} : memref<64x128xf32, #tpu.memory_space<vmem>>, vector<1x16xf32>,
      %get3A_445 = arith.index_cast %scan3A_354 : i32 to index
      %get3A_446 = arith.constant 64 : index
      %get3A_447 = tpu.vector_load %arg15[%get3A_445, %get3A_446] {strides = array<i32>} : memref<64x128xf32, #tpu.memory_space<vmem>>, vector<1x16xf32>,
      %get3A_448 = vector.shape_cast %get3A_447 : vector<1x16xf32> to vector<16xf32>
      %mul3A_449 = arith.mulf %get3A_448, %div3A_373 : vector<16xf32>
      %get3A_450 = arith.index_cast %scan3A_354 : i32 to index
      %get3A_451 = arith.constant 64 : index
      %get3A_452 = tpu.vector_load %arg17[%get3A_450, %get3A_451] {strides = array<i32>} : memref<64x128xf32, #tpu.memory_space<vmem>>, vector<1x16xf32>,
      %get3A_453 = vector.shape_cast %get3A_452 : vector<1x16xf32> to vector<16xf32>
      %sub3A_454 = arith.subf %mul3A_449, %get3A_453 : vector<16xf32>
      %mul3A_455 = arith.mulf %get3A_377, %sub3A_454 : vector<16xf32>
      %add3A_456 = arith.addf %get3A_453, %mul3A_455 : vector<16xf32>
      %swap3A_457 = arith.index_cast %scan3A_354 : i32 to index
      %swap3A_458 = arith.constant 64 : index
      %swap3A_459 = tpu.vector_load %arg15[%swap3A_457, %swap3A_458] {strides = array<i32>} : memref<64x128xf32, #tpu.memory_space<vmem>>, vector<1x16xf32>,
      %swap3A_460 = vector.shape_cast %swap3A_459 : vector<1x16xf32> to vector<16xf32>
      %swap3A_461 = vector.shape_cast %add3A_456 : vector<16xf32> to vector<1x16xf32>
      tpu.vector_store %arg15[%swap3A_457, %swap3A_458], %swap3A_461 {strides = array<i32>} : memref<64x128xf32, #tpu.memory_space<vmem>>, vector<1x16xf32>,
      %get3A_462 = arith.index_cast %scan3A_354 : i32 to index
      %get3A_463 = arith.constant 80 : index
      %get3A_464 = tpu.vector_load %arg15[%get3A_462, %get3A_463] {strides = array<i32>} : memref<64x128xf32, #tpu.memory_space<vmem>>, vector<1x16xf32>,
      %get3A_465 = vector.shape_cast %get3A_464 : vector<1x16xf32> to vector<16xf32>
      %mul3A_466 = arith.mulf %get3A_465, %div3A_373 : vector<16xf32>
      %get3A_467 = arith.index_cast %scan3A_354 : i32 to index
      %get3A_468 = arith.constant 80 : index
      %get3A_469 = tpu.vector_load %arg17[%get3A_467, %get3A_468] {strides = array<i32>} : memref<64x128xf32, #tpu.memory_space<vmem>>, vector<1x16xf32>,
      %get3A_470 = vector.shape_cast %get3A_469 : vector<1x16xf32> to vector<16xf32>
      %sub3A_471 = arith.subf %mul3A_466, %get3A_470 : vector<16xf32>
      %mul3A_472 = arith.mulf %get3A_377, %sub3A_471 : vector<16xf32>
      %add3A_473 = arith.addf %get3A_470, %mul3A_472 : vector<16xf32>
      %swap3A_474 = arith.index_cast %scan3A_354 : i32 to index
      %swap3A_475 = arith.constant 80 : index
      %swap3A_476 = tpu.vector_load %arg15[%swap3A_474, %swap3A_475] {strides = array<i32>} : memref<64x128xf32, #tpu.memory_space<vmem>>, vector<1x16xf32>,
      %swap3A_477 = vector.shape_cast %swap3A_476 : vector<1x16xf32> to vector<16xf32>
      %swap3A_478 = vector.shape_cast %add3A_473 : vector<16xf32> to vector<1x16xf32>
      tpu.vector_store %arg15[%swap3A_474, %swap3A_475], %swap3A_478 {strides = array<i32>} : memref<64x128xf32, #tpu.memory_space<vmem>>, vector<1x16xf32>,
      %get3A_479 = arith.index_cast %scan3A_354 : i32 to index
      %get3A_480 = arith.constant 96 : index
      %get3A_481 = tpu.vector_load %arg15[%get3A_479, %get3A_480] {strides = array<i32>} : memref<64x128xf32, #tpu.memory_space<vmem>>, vector<1x16xf32>,
      %get3A_482 = vector.shape_cast %get3A_481 : vector<1x16xf32> to vector<16xf32>
      %mul3A_483 = arith.mulf %get3A_482, %div3A_373 : vector<16xf32>
      %get3A_484 = arith.index_cast %scan3A_354 : i32 to index
      %get3A_485 = arith.constant 96 : index
      %get3A_486 = tpu.vector_load %arg17[%get3A_484, %get3A_485] {strides = array<i32>} : memref<64x128xf32, #tpu.memory_space<vmem>>, vector<1x16xf32>,
      %get3A_487 = vector.shape_cast %get3A_486 : vector<1x16xf32> to vector<16xf32>
      %sub3A_488 = arith.subf %mul3A_483, %get3A_487 : vector<16xf32>
      %mul3A_489 = arith.mulf %get3A_377, %sub3A_488 : vector<16xf32>
      %add3A_490 = arith.addf %get3A_487, %mul3A_489 : vector<16xf32>
      %swap3A_491 = arith.index_cast %scan3A_354 : i32 to index
      %swap3A_492 = arith.constant 96 : index
      %swap3A_493 = tpu.vector_load %arg15[%swap3A_491, %swap3A_492] {strides = array<i32>} : memref<64x128xf32, #tpu.memory_space<vmem>>, vector<1x16xf32>,
      %swap3A_494 = vector.shape_cast %swap3A_493 : vector<1x16xf32> to vector<16xf32>
      %swap3A_495 = vector.shape_cast %add3A_490 : vector<16xf32> to vector<1x16xf32>
      tpu.vector_store %arg15[%swap3A_491, %swap3A_492], %swap3A_495 {strides = array<i32>} : memref<64x128xf32, #tpu.memory_space<vmem>>, vector<1x16xf32>,
      %eq3A = arith.constant 15 : i32
      %eq3A_496 = vector.broadcast %eq3A : i32 to vector<16xi32>
      %eq3A_497 = arith.cmpi eq, %iota3A, %eq3A_496 : vector<16xi32>
      %select_n3A = arith.select %eq3A_497, %sub3A, %get3A_357 : vector<16xi1>, vector<16xf32>
      %mul3A_498 = arith.mulf %select_n3A, %div3A_373 : vector<16xf32>
      %get3A_499 = arith.index_cast %scan3A_354 : i32 to index
      %get3A_500 = arith.constant 112 : index
      %get3A_501 = tpu.vector_load %arg17[%get3A_499, %get3A_500] {strides = array<i32>} : memref<64x128xf32, #tpu.memory_space<vmem>>, vector<1x16xf32>,
      %get3A_502 = vector.shape_cast %get3A_501 : vector<1x16xf32> to vector<16xf32>
      %sub3A_503 = arith.subf %mul3A_498, %get3A_502 : vector<16xf32>
      %mul3A_504 = arith.mulf %get3A_377, %sub3A_503 : vector<16xf32>
      %add3A_505 = arith.addf %get3A_502, %mul3A_504 : vector<16xf32>
      %swap3A_506 = arith.index_cast %scan3A_354 : i32 to index
      %swap3A_507 = arith.constant 112 : index
      %swap3A_508 = tpu.vector_load %arg15[%swap3A_506, %swap3A_507] {strides = array<i32>} : memref<64x128xf32, #tpu.memory_space<vmem>>, vector<1x16xf32>,
      %swap3A_509 = vector.shape_cast %swap3A_508 : vector<1x16xf32> to vector<16xf32>
      %swap3A_510 = vector.shape_cast %add3A_505 : vector<16xf32> to vector<1x16xf32>
      tpu.vector_store %arg15[%swap3A_506, %swap3A_507], %swap3A_510 {strides = array<i32>} : memref<64x128xf32, #tpu.memory_space<vmem>>, vector<1x16xf32>,
    }
    %scan3A_65 = arith.constant 64 : i32
    "tpu.region"() ({
      %run_scoped3A = tpu.sem_alloc : memref<!tpu.dma_semaphore, #tpu.memory_space<semaphore_mem>>
      %dma_start3A_354 = arith.constant 0 : i32
      %dma_start3A_355 = tpu.memref_slice %arg7[%arg0, %add3A_35, %dma_start3A_354] : memref<2x10240x128xf32, #tpu.memory_space<hbm>> -> memref<1x64x128xf32, #tpu.memory_space<hbm>>
      %dma_start3A_356 = tpu.memref_squeeze %dma_start3A_355 : memref<1x64x128xf32, #tpu.memory_space<hbm>> -> memref<64x128xf32, #tpu.memory_space<hbm>>
      %dma_start3A_357 = arith.constant 0 : i32
      %dma_start3A_358 = tpu.memref_slice %arg7[%arg0, %add3A_35, %dma_start3A_357] : memref<2x10240x128xf32, #tpu.memory_space<hbm>> -> memref<1x64x128xf32, #tpu.memory_space<hbm>>
      %dma_start3A_359 = tpu.memref_squeeze %dma_start3A_358 : memref<1x64x128xf32, #tpu.memory_space<hbm>> -> memref<64x128xf32, #tpu.memory_space<hbm>>
      tpu.enqueue_dma source(%arg15 : memref<64x128xf32, #tpu.memory_space<vmem>>) target(%dma_start3A_359 : memref<64x128xf32, #tpu.memory_space<hbm>>) target_semaphore(%run_scoped3A : memref<!tpu.dma_semaphore, #tpu.memory_space<semaphore_mem>>)
      %dma_wait3A_360 = arith.constant 0 : i32
      %dma_wait3A_361 = tpu.memref_slice %arg7[%arg0, %add3A_35, %dma_wait3A_360] : memref<2x10240x128xf32, #tpu.memory_space<hbm>> -> memref<1x64x128xf32, #tpu.memory_space<hbm>>
      %dma_wait3A_362 = tpu.memref_squeeze %dma_wait3A_361 : memref<1x64x128xf32, #tpu.memory_space<hbm>> -> memref<64x128xf32, #tpu.memory_space<hbm>>
      %dma_wait3A_363 = arith.constant 0 : i32
      %dma_wait3A_364 = tpu.memref_slice %arg7[%arg0, %add3A_35, %dma_wait3A_363] : memref<2x10240x128xf32, #tpu.memory_space<hbm>> -> memref<1x64x128xf32, #tpu.memory_space<hbm>>
      %dma_wait3A_365 = tpu.memref_squeeze %dma_wait3A_364 : memref<1x64x128xf32, #tpu.memory_space<hbm>> -> memref<64x128xf32, #tpu.memory_space<hbm>>
      tpu.wait_dma2 semaphore(%run_scoped3A : memref<!tpu.dma_semaphore, #tpu.memory_space<semaphore_mem>>) src(%arg15 : memref<64x128xf32, #tpu.memory_space<vmem>>) dst(%dma_wait3A_365 : memref<64x128xf32, #tpu.memory_space<hbm>>)
      tpu.yield
    }) : () -> ()
    %add3A_66 = arith.constant 64 : i32
    %add3A_67 = arith.addi %mul3A_0, %add3A_66 : i32
    %dma_start3A_68 = arith.constant 0 : i32
    %dma_start3A_69 = tpu.memref_slice %arg8[%add3A_67, %dma_start3A_68] : memref<10240x128xf32, #tpu.memory_space<vmem_shared>> -> memref<64x128xf32, #tpu.memory_space<vmem_shared>>
    %dma_start3A_70 = arith.constant 0 : i32
    %dma_start3A_71 = tpu.memref_slice %arg8[%add3A_67, %dma_start3A_70] : memref<10240x128xf32, #tpu.memory_space<vmem_shared>> -> memref<64x128xf32, #tpu.memory_space<vmem_shared>>
    tpu.enqueue_dma source(%dma_start3A_71 : memref<64x128xf32, #tpu.memory_space<vmem_shared>>) target(%arg15 : memref<64x128xf32, #tpu.memory_space<vmem>>) target_semaphore(%arg22 : memref<!tpu.dma_semaphore, #tpu.memory_space<semaphore_mem>>)
    %dma_start3A_72 = arith.constant 0 : i32
    %dma_start3A_73 = tpu.memref_slice %arg5[%add3A_67, %dma_start3A_72] : memref<10240x128xf32, #tpu.memory_space<hbm>> -> memref<64x128xf32, #tpu.memory_space<hbm>>
    %dma_start3A_74 = arith.constant 0 : i32
    %dma_start3A_75 = tpu.memref_slice %arg5[%add3A_67, %dma_start3A_74] : memref<10240x128xf32, #tpu.memory_space<hbm>> -> memref<64x128xf32, #tpu.memory_space<hbm>>
    tpu.enqueue_dma source(%dma_start3A_75 : memref<64x128xf32, #tpu.memory_space<hbm>>) target(%arg16 : memref<64x128xf32, #tpu.memory_space<vmem>>) target_semaphore(%arg23 : memref<!tpu.dma_semaphore, #tpu.memory_space<semaphore_mem>>)
    %dma_start3A_76 = arith.constant 0 : i32
    %dma_start3A_77 = tpu.memref_slice %arg4[%add3A_67, %dma_start3A_76] : memref<10240x128xf32, #tpu.memory_space<hbm>> -> memref<64x128xf32, #tpu.memory_space<hbm>>
    %dma_start3A_78 = arith.constant 0 : i32
    %dma_start3A_79 = tpu.memref_slice %arg4[%add3A_67, %dma_start3A_78] : memref<10240x128xf32, #tpu.memory_space<hbm>> -> memref<64x128xf32, #tpu.memory_space<hbm>>
    tpu.enqueue_dma source(%dma_start3A_79 : memref<64x128xf32, #tpu.memory_space<hbm>>) target(%arg17 : memref<64x128xf32, #tpu.memory_space<vmem>>) target_semaphore(%arg24 : memref<!tpu.dma_semaphore, #tpu.memory_space<semaphore_mem>>)
    %dma_wait3A_80 = arith.constant 0 : i32
    %dma_wait3A_81 = tpu.memref_slice %arg8[%add3A_67, %dma_wait3A_80] : memref<10240x128xf32, #tpu.memory_space<vmem_shared>> -> memref<64x128xf32, #tpu.memory_space<vmem_shared>>
    %dma_wait3A_82 = arith.constant 0 : i32
    %dma_wait3A_83 = tpu.memref_slice %arg8[%add3A_67, %dma_wait3A_82] : memref<10240x128xf32, #tpu.memory_space<vmem_shared>> -> memref<64x128xf32, #tpu.memory_space<vmem_shared>>
    tpu.wait_dma2 semaphore(%arg22 : memref<!tpu.dma_semaphore, #tpu.memory_space<semaphore_mem>>) src(%dma_wait3A_83 : memref<64x128xf32, #tpu.memory_space<vmem_shared>>) dst(%arg15 : memref<64x128xf32, #tpu.memory_space<vmem>>)
    %dma_wait3A_84 = arith.constant 0 : i32
    %dma_wait3A_85 = tpu.memref_slice %arg5[%add3A_67, %dma_wait3A_84] : memref<10240x128xf32, #tpu.memory_space<hbm>> -> memref<64x128xf32, #tpu.memory_space<hbm>>
    %dma_wait3A_86 = arith.constant 0 : i32
    %dma_wait3A_87 = tpu.memref_slice %arg5[%add3A_67, %dma_wait3A_86] : memref<10240x128xf32, #tpu.memory_space<hbm>> -> memref<64x128xf32, #tpu.memory_space<hbm>>
    tpu.wait_dma2 semaphore(%arg23 : memref<!tpu.dma_semaphore, #tpu.memory_space<semaphore_mem>>) src(%dma_wait3A_87 : memref<64x128xf32, #tpu.memory_space<hbm>>) dst(%arg16 : memref<64x128xf32, #tpu.memory_space<vmem>>)
    %dma_wait3A_88 = arith.constant 0 : i32
    %dma_wait3A_89 = tpu.memref_slice %arg4[%add3A_67, %dma_wait3A_88] : memref<10240x128xf32, #tpu.memory_space<hbm>> -> memref<64x128xf32, #tpu.memory_space<hbm>>
    %dma_wait3A_90 = arith.constant 0 : i32
    %dma_wait3A_91 = tpu.memref_slice %arg4[%add3A_67, %dma_wait3A_90] : memref<10240x128xf32, #tpu.memory_space<hbm>> -> memref<64x128xf32, #tpu.memory_space<hbm>>
    tpu.wait_dma2 semaphore(%arg24 : memref<!tpu.dma_semaphore, #tpu.memory_space<semaphore_mem>>) src(%dma_wait3A_91 : memref<64x128xf32, #tpu.memory_space<hbm>>) dst(%arg17 : memref<64x128xf32, #tpu.memory_space<vmem>>)
    %scan3A_92 = arith.constant 0 : i32
    %scan3A_93 = arith.constant 0 : i32
    %scan3A_94 = arith.constant 64 : i32
    %scan3A_95 = arith.addi %scan3A_93, %scan3A_94 : i32
    %scan3A_96 = arith.constant 1 : i32
    scf.for %scan3A_354 = %scan3A_93 to %scan3A_95 step %scan3A_96  : i32 {
      %get3A = arith.index_cast %scan3A_354 : i32 to index
      %get3A_355 = arith.constant 112 : index
      %get3A_356 = tpu.vector_load %arg15[%get3A, %get3A_355] {strides = array<i32>} : memref<64x128xf32, #tpu.memory_space<vmem>>, vector<1x16xf32>,
      %get3A_357 = vector.shape_cast %get3A_356 : vector<1x16xf32> to vector<16xf32>
      %broadcast_in_dim3A = arith.constant 15 : i32
      %broadcast_in_dim3A_358 = vector.broadcast %broadcast_in_dim3A : i32 to vector<16x1xi32>
      %gather3A = vector.shape_cast %broadcast_in_dim3A_358 : vector<16x1xi32> to vector<16xi32>
      %gather3A_359 = tpu.dynamic_gather %get3A_357[%gather3A] in [0] : vector<16xf32>, vector<16xi32> -> vector<16xf32>
      %mul3A_360 = arith.constant 1.52587891E-5 : f32
      %mul3A_361 = vector.broadcast %mul3A_360 : f32 to vector<16xf32>
      %mul3A_362 = arith.mulf %gather3A_359, %mul3A_361 : vector<16xf32>
      %add3A_363 = arith.constant 5.000000e-01 : f32
      %add3A_364 = vector.broadcast %add3A_363 : f32 to vector<16xf32>
      %add3A_365 = arith.addf %mul3A_362, %add3A_364 : vector<16xf32>
      %convert_element_type3A = arith.fptosi %add3A_365 : vector<16xf32> to vector<16xi32>
      %convert_element_type3A_366 = arith.sitofp %convert_element_type3A : vector<16xi32> to vector<16xf32>
      %mul3A_367 = arith.constant 6.553600e+04 : f32
      %mul3A_368 = vector.broadcast %mul3A_367 : f32 to vector<16xf32>
      %mul3A_369 = arith.mulf %convert_element_type3A_366, %mul3A_368 : vector<16xf32>
      %sub3A = arith.subf %gather3A_359, %mul3A_369 : vector<16xf32>
      %max3A = arith.constant 1.000000e+00 : f32
      %max3A_370 = vector.broadcast %max3A : f32 to vector<16xf32>
      %max3A_371 = arith.maximumf %convert_element_type3A_366, %max3A_370 : vector<16xf32>
      %div3A = arith.constant 1.000000e+00 : f32
      %div3A_372 = vector.broadcast %div3A : f32 to vector<16xf32>
      %div3A_373 = arith.divf %div3A_372, %max3A_371 : vector<16xf32>
      %get3A_374 = arith.index_cast %scan3A_354 : i32 to index
      %get3A_375 = arith.constant 0 : index
      %get3A_376 = tpu.vector_load %arg16[%get3A_374, %get3A_375] {strides = array<i32>} : memref<64x128xf32, #tpu.memory_space<vmem>>, vector<1x16xf32>,
      %get3A_377 = vector.shape_cast %get3A_376 : vector<1x16xf32> to vector<16xf32>
      %get3A_378 = arith.index_cast %scan3A_354 : i32 to index
      %get3A_379 = arith.constant 0 : index
      %get3A_380 = tpu.vector_load %arg15[%get3A_378, %get3A_379] {strides = array<i32>} : memref<64x128xf32, #tpu.memory_space<vmem>>, vector<1x16xf32>,
      %get3A_381 = vector.shape_cast %get3A_380 : vector<1x16xf32> to vector<16xf32>
      %mul3A_382 = arith.mulf %get3A_381, %div3A_373 : vector<16xf32>
      %get3A_383 = arith.index_cast %scan3A_354 : i32 to index
      %get3A_384 = arith.constant 0 : index
      %get3A_385 = tpu.vector_load %arg17[%get3A_383, %get3A_384] {strides = array<i32>} : memref<64x128xf32, #tpu.memory_space<vmem>>, vector<1x16xf32>,
      %get3A_386 = vector.shape_cast %get3A_385 : vector<1x16xf32> to vector<16xf32>
      %sub3A_387 = arith.subf %mul3A_382, %get3A_386 : vector<16xf32>
      %mul3A_388 = arith.mulf %get3A_377, %sub3A_387 : vector<16xf32>
      %add3A_389 = arith.addf %get3A_386, %mul3A_388 : vector<16xf32>
      %swap3A = arith.index_cast %scan3A_354 : i32 to index
      %swap3A_390 = arith.constant 0 : index
      %swap3A_391 = tpu.vector_load %arg15[%swap3A, %swap3A_390] {strides = array<i32>} : memref<64x128xf32, #tpu.memory_space<vmem>>, vector<1x16xf32>,
      %swap3A_392 = vector.shape_cast %swap3A_391 : vector<1x16xf32> to vector<16xf32>
      %swap3A_393 = vector.shape_cast %add3A_389 : vector<16xf32> to vector<1x16xf32>
      tpu.vector_store %arg15[%swap3A, %swap3A_390], %swap3A_393 {strides = array<i32>} : memref<64x128xf32, #tpu.memory_space<vmem>>, vector<1x16xf32>,
      %get3A_394 = arith.index_cast %scan3A_354 : i32 to index
      %get3A_395 = arith.constant 16 : index
      %get3A_396 = tpu.vector_load %arg15[%get3A_394, %get3A_395] {strides = array<i32>} : memref<64x128xf32, #tpu.memory_space<vmem>>, vector<1x16xf32>,
      %get3A_397 = vector.shape_cast %get3A_396 : vector<1x16xf32> to vector<16xf32>
      %mul3A_398 = arith.mulf %get3A_397, %div3A_373 : vector<16xf32>
      %get3A_399 = arith.index_cast %scan3A_354 : i32 to index
      %get3A_400 = arith.constant 16 : index
      %get3A_401 = tpu.vector_load %arg17[%get3A_399, %get3A_400] {strides = array<i32>} : memref<64x128xf32, #tpu.memory_space<vmem>>, vector<1x16xf32>,
      %get3A_402 = vector.shape_cast %get3A_401 : vector<1x16xf32> to vector<16xf32>
      %sub3A_403 = arith.subf %mul3A_398, %get3A_402 : vector<16xf32>
      %mul3A_404 = arith.mulf %get3A_377, %sub3A_403 : vector<16xf32>
      %add3A_405 = arith.addf %get3A_402, %mul3A_404 : vector<16xf32>
      %swap3A_406 = arith.index_cast %scan3A_354 : i32 to index
      %swap3A_407 = arith.constant 16 : index
      %swap3A_408 = tpu.vector_load %arg15[%swap3A_406, %swap3A_407] {strides = array<i32>} : memref<64x128xf32, #tpu.memory_space<vmem>>, vector<1x16xf32>,
      %swap3A_409 = vector.shape_cast %swap3A_408 : vector<1x16xf32> to vector<16xf32>
      %swap3A_410 = vector.shape_cast %add3A_405 : vector<16xf32> to vector<1x16xf32>
      tpu.vector_store %arg15[%swap3A_406, %swap3A_407], %swap3A_410 {strides = array<i32>} : memref<64x128xf32, #tpu.memory_space<vmem>>, vector<1x16xf32>,
      %get3A_411 = arith.index_cast %scan3A_354 : i32 to index
      %get3A_412 = arith.constant 32 : index
      %get3A_413 = tpu.vector_load %arg15[%get3A_411, %get3A_412] {strides = array<i32>} : memref<64x128xf32, #tpu.memory_space<vmem>>, vector<1x16xf32>,
      %get3A_414 = vector.shape_cast %get3A_413 : vector<1x16xf32> to vector<16xf32>
      %mul3A_415 = arith.mulf %get3A_414, %div3A_373 : vector<16xf32>
      %get3A_416 = arith.index_cast %scan3A_354 : i32 to index
      %get3A_417 = arith.constant 32 : index
      %get3A_418 = tpu.vector_load %arg17[%get3A_416, %get3A_417] {strides = array<i32>} : memref<64x128xf32, #tpu.memory_space<vmem>>, vector<1x16xf32>,
      %get3A_419 = vector.shape_cast %get3A_418 : vector<1x16xf32> to vector<16xf32>
      %sub3A_420 = arith.subf %mul3A_415, %get3A_419 : vector<16xf32>
      %mul3A_421 = arith.mulf %get3A_377, %sub3A_420 : vector<16xf32>
      %add3A_422 = arith.addf %get3A_419, %mul3A_421 : vector<16xf32>
      %swap3A_423 = arith.index_cast %scan3A_354 : i32 to index
      %swap3A_424 = arith.constant 32 : index
      %swap3A_425 = tpu.vector_load %arg15[%swap3A_423, %swap3A_424] {strides = array<i32>} : memref<64x128xf32, #tpu.memory_space<vmem>>, vector<1x16xf32>,
      %swap3A_426 = vector.shape_cast %swap3A_425 : vector<1x16xf32> to vector<16xf32>
      %swap3A_427 = vector.shape_cast %add3A_422 : vector<16xf32> to vector<1x16xf32>
      tpu.vector_store %arg15[%swap3A_423, %swap3A_424], %swap3A_427 {strides = array<i32>} : memref<64x128xf32, #tpu.memory_space<vmem>>, vector<1x16xf32>,
      %get3A_428 = arith.index_cast %scan3A_354 : i32 to index
      %get3A_429 = arith.constant 48 : index
      %get3A_430 = tpu.vector_load %arg15[%get3A_428, %get3A_429] {strides = array<i32>} : memref<64x128xf32, #tpu.memory_space<vmem>>, vector<1x16xf32>,
      %get3A_431 = vector.shape_cast %get3A_430 : vector<1x16xf32> to vector<16xf32>
      %mul3A_432 = arith.mulf %get3A_431, %div3A_373 : vector<16xf32>
      %get3A_433 = arith.index_cast %scan3A_354 : i32 to index
      %get3A_434 = arith.constant 48 : index
      %get3A_435 = tpu.vector_load %arg17[%get3A_433, %get3A_434] {strides = array<i32>} : memref<64x128xf32, #tpu.memory_space<vmem>>, vector<1x16xf32>,
      %get3A_436 = vector.shape_cast %get3A_435 : vector<1x16xf32> to vector<16xf32>
      %sub3A_437 = arith.subf %mul3A_432, %get3A_436 : vector<16xf32>
      %mul3A_438 = arith.mulf %get3A_377, %sub3A_437 : vector<16xf32>
      %add3A_439 = arith.addf %get3A_436, %mul3A_438 : vector<16xf32>
      %swap3A_440 = arith.index_cast %scan3A_354 : i32 to index
      %swap3A_441 = arith.constant 48 : index
      %swap3A_442 = tpu.vector_load %arg15[%swap3A_440, %swap3A_441] {strides = array<i32>} : memref<64x128xf32, #tpu.memory_space<vmem>>, vector<1x16xf32>,
      %swap3A_443 = vector.shape_cast %swap3A_442 : vector<1x16xf32> to vector<16xf32>
      %swap3A_444 = vector.shape_cast %add3A_439 : vector<16xf32> to vector<1x16xf32>
      tpu.vector_store %arg15[%swap3A_440, %swap3A_441], %swap3A_444 {strides = array<i32>} : memref<64x128xf32, #tpu.memory_space<vmem>>, vector<1x16xf32>,
      %get3A_445 = arith.index_cast %scan3A_354 : i32 to index
      %get3A_446 = arith.constant 64 : index
      %get3A_447 = tpu.vector_load %arg15[%get3A_445, %get3A_446] {strides = array<i32>} : memref<64x128xf32, #tpu.memory_space<vmem>>, vector<1x16xf32>,
      %get3A_448 = vector.shape_cast %get3A_447 : vector<1x16xf32> to vector<16xf32>
      %mul3A_449 = arith.mulf %get3A_448, %div3A_373 : vector<16xf32>
      %get3A_450 = arith.index_cast %scan3A_354 : i32 to index
      %get3A_451 = arith.constant 64 : index
      %get3A_452 = tpu.vector_load %arg17[%get3A_450, %get3A_451] {strides = array<i32>} : memref<64x128xf32, #tpu.memory_space<vmem>>, vector<1x16xf32>,
      %get3A_453 = vector.shape_cast %get3A_452 : vector<1x16xf32> to vector<16xf32>
      %sub3A_454 = arith.subf %mul3A_449, %get3A_453 : vector<16xf32>
      %mul3A_455 = arith.mulf %get3A_377, %sub3A_454 : vector<16xf32>
      %add3A_456 = arith.addf %get3A_453, %mul3A_455 : vector<16xf32>
      %swap3A_457 = arith.index_cast %scan3A_354 : i32 to index
      %swap3A_458 = arith.constant 64 : index
      %swap3A_459 = tpu.vector_load %arg15[%swap3A_457, %swap3A_458] {strides = array<i32>} : memref<64x128xf32, #tpu.memory_space<vmem>>, vector<1x16xf32>,
      %swap3A_460 = vector.shape_cast %swap3A_459 : vector<1x16xf32> to vector<16xf32>
      %swap3A_461 = vector.shape_cast %add3A_456 : vector<16xf32> to vector<1x16xf32>
      tpu.vector_store %arg15[%swap3A_457, %swap3A_458], %swap3A_461 {strides = array<i32>} : memref<64x128xf32, #tpu.memory_space<vmem>>, vector<1x16xf32>,
      %get3A_462 = arith.index_cast %scan3A_354 : i32 to index
      %get3A_463 = arith.constant 80 : index
      %get3A_464 = tpu.vector_load %arg15[%get3A_462, %get3A_463] {strides = array<i32>} : memref<64x128xf32, #tpu.memory_space<vmem>>, vector<1x16xf32>,
      %get3A_465 = vector.shape_cast %get3A_464 : vector<1x16xf32> to vector<16xf32>
      %mul3A_466 = arith.mulf %get3A_465, %div3A_373 : vector<16xf32>
      %get3A_467 = arith.index_cast %scan3A_354 : i32 to index
      %get3A_468 = arith.constant 80 : index
      %get3A_469 = tpu.vector_load %arg17[%get3A_467, %get3A_468] {strides = array<i32>} : memref<64x128xf32, #tpu.memory_space<vmem>>, vector<1x16xf32>,
      %get3A_470 = vector.shape_cast %get3A_469 : vector<1x16xf32> to vector<16xf32>
      %sub3A_471 = arith.subf %mul3A_466, %get3A_470 : vector<16xf32>
      %mul3A_472 = arith.mulf %get3A_377, %sub3A_471 : vector<16xf32>
      %add3A_473 = arith.addf %get3A_470, %mul3A_472 : vector<16xf32>
      %swap3A_474 = arith.index_cast %scan3A_354 : i32 to index
      %swap3A_475 = arith.constant 80 : index
      %swap3A_476 = tpu.vector_load %arg15[%swap3A_474, %swap3A_475] {strides = array<i32>} : memref<64x128xf32, #tpu.memory_space<vmem>>, vector<1x16xf32>,
      %swap3A_477 = vector.shape_cast %swap3A_476 : vector<1x16xf32> to vector<16xf32>
      %swap3A_478 = vector.shape_cast %add3A_473 : vector<16xf32> to vector<1x16xf32>
      tpu.vector_store %arg15[%swap3A_474, %swap3A_475], %swap3A_478 {strides = array<i32>} : memref<64x128xf32, #tpu.memory_space<vmem>>, vector<1x16xf32>,
      %get3A_479 = arith.index_cast %scan3A_354 : i32 to index
      %get3A_480 = arith.constant 96 : index
      %get3A_481 = tpu.vector_load %arg15[%get3A_479, %get3A_480] {strides = array<i32>} : memref<64x128xf32, #tpu.memory_space<vmem>>, vector<1x16xf32>,
      %get3A_482 = vector.shape_cast %get3A_481 : vector<1x16xf32> to vector<16xf32>
      %mul3A_483 = arith.mulf %get3A_482, %div3A_373 : vector<16xf32>
      %get3A_484 = arith.index_cast %scan3A_354 : i32 to index
      %get3A_485 = arith.constant 96 : index
      %get3A_486 = tpu.vector_load %arg17[%get3A_484, %get3A_485] {strides = array<i32>} : memref<64x128xf32, #tpu.memory_space<vmem>>, vector<1x16xf32>,
      %get3A_487 = vector.shape_cast %get3A_486 : vector<1x16xf32> to vector<16xf32>
      %sub3A_488 = arith.subf %mul3A_483, %get3A_487 : vector<16xf32>
      %mul3A_489 = arith.mulf %get3A_377, %sub3A_488 : vector<16xf32>
      %add3A_490 = arith.addf %get3A_487, %mul3A_489 : vector<16xf32>
      %swap3A_491 = arith.index_cast %scan3A_354 : i32 to index
      %swap3A_492 = arith.constant 96 : index
      %swap3A_493 = tpu.vector_load %arg15[%swap3A_491, %swap3A_492] {strides = array<i32>} : memref<64x128xf32, #tpu.memory_space<vmem>>, vector<1x16xf32>,
      %swap3A_494 = vector.shape_cast %swap3A_493 : vector<1x16xf32> to vector<16xf32>
      %swap3A_495 = vector.shape_cast %add3A_490 : vector<16xf32> to vector<1x16xf32>
      tpu.vector_store %arg15[%swap3A_491, %swap3A_492], %swap3A_495 {strides = array<i32>} : memref<64x128xf32, #tpu.memory_space<vmem>>, vector<1x16xf32>,
      %eq3A = arith.constant 15 : i32
      %eq3A_496 = vector.broadcast %eq3A : i32 to vector<16xi32>
      %eq3A_497 = arith.cmpi eq, %iota3A, %eq3A_496 : vector<16xi32>
      %select_n3A = arith.select %eq3A_497, %sub3A, %get3A_357 : vector<16xi1>, vector<16xf32>
      %mul3A_498 = arith.mulf %select_n3A, %div3A_373 : vector<16xf32>
      %get3A_499 = arith.index_cast %scan3A_354 : i32 to index
      %get3A_500 = arith.constant 112 : index
      %get3A_501 = tpu.vector_load %arg17[%get3A_499, %get3A_500] {strides = array<i32>} : memref<64x128xf32, #tpu.memory_space<vmem>>, vector<1x16xf32>,
      %get3A_502 = vector.shape_cast %get3A_501 : vector<1x16xf32> to vector<16xf32>
      %sub3A_503 = arith.subf %mul3A_498, %get3A_502 : vector<16xf32>
      %mul3A_504 = arith.mulf %get3A_377, %sub3A_503 : vector<16xf32>
      %add3A_505 = arith.addf %get3A_502, %mul3A_504 : vector<16xf32>
      %swap3A_506 = arith.index_cast %scan3A_354 : i32 to index
      %swap3A_507 = arith.constant 112 : index
      %swap3A_508 = tpu.vector_load %arg15[%swap3A_506, %swap3A_507] {strides = array<i32>} : memref<64x128xf32, #tpu.memory_space<vmem>>, vector<1x16xf32>,
      %swap3A_509 = vector.shape_cast %swap3A_508 : vector<1x16xf32> to vector<16xf32>
      %swap3A_510 = vector.shape_cast %add3A_505 : vector<16xf32> to vector<1x16xf32>
      tpu.vector_store %arg15[%swap3A_506, %swap3A_507], %swap3A_510 {strides = array<i32>} : memref<64x128xf32, #tpu.memory_space<vmem>>, vector<1x16xf32>,
    }
    %scan3A_97 = arith.constant 64 : i32
    "tpu.region"() ({
      %run_scoped3A = tpu.sem_alloc : memref<!tpu.dma_semaphore, #tpu.memory_space<semaphore_mem>>
      %dma_start3A_354 = arith.constant 0 : i32
      %dma_start3A_355 = tpu.memref_slice %arg7[%arg0, %add3A_67, %dma_start3A_354] : memref<2x10240x128xf32, #tpu.memory_space<hbm>> -> memref<1x64x128xf32, #tpu.memory_space<hbm>>
      %dma_start3A_356 = tpu.memref_squeeze %dma_start3A_355 : memref<1x64x128xf32, #tpu.memory_space<hbm>> -> memref<64x128xf32, #tpu.memory_space<hbm>>
      %dma_start3A_357 = arith.constant 0 : i32
      %dma_start3A_358 = tpu.memref_slice %arg7[%arg0, %add3A_67, %dma_start3A_357] : memref<2x10240x128xf32, #tpu.memory_space<hbm>> -> memref<1x64x128xf32, #tpu.memory_space<hbm>>
      %dma_start3A_359 = tpu.memref_squeeze %dma_start3A_358 : memref<1x64x128xf32, #tpu.memory_space<hbm>> -> memref<64x128xf32, #tpu.memory_space<hbm>>
      tpu.enqueue_dma source(%arg15 : memref<64x128xf32, #tpu.memory_space<vmem>>) target(%dma_start3A_359 : memref<64x128xf32, #tpu.memory_space<hbm>>) target_semaphore(%run_scoped3A : memref<!tpu.dma_semaphore, #tpu.memory_space<semaphore_mem>>)
      %dma_wait3A_360 = arith.constant 0 : i32
      %dma_wait3A_361 = tpu.memref_slice %arg7[%arg0, %add3A_67, %dma_wait3A_360] : memref<2x10240x128xf32, #tpu.memory_space<hbm>> -> memref<1x64x128xf32, #tpu.memory_space<hbm>>
      %dma_wait3A_362 = tpu.memref_squeeze %dma_wait3A_361 : memref<1x64x128xf32, #tpu.memory_space<hbm>> -> memref<64x128xf32, #tpu.memory_space<hbm>>
      %dma_wait3A_363 = arith.constant 0 : i32
      %dma_wait3A_364 = tpu.memref_slice %arg7[%arg0, %add3A_67, %dma_wait3A_363] : memref<2x10240x128xf32, #tpu.memory_space<hbm>> -> memref<1x64x128xf32, #tpu.memory_space<hbm>>
      %dma_wait3A_365 = tpu.memref_squeeze %dma_wait3A_364 : memref<1x64x128xf32, #tpu.memory_space<hbm>> -> memref<64x128xf32, #tpu.memory_space<hbm>>
      tpu.wait_dma2 semaphore(%run_scoped3A : memref<!tpu.dma_semaphore, #tpu.memory_space<semaphore_mem>>) src(%arg15 : memref<64x128xf32, #tpu.memory_space<vmem>>) dst(%dma_wait3A_365 : memref<64x128xf32, #tpu.memory_space<hbm>>)
      tpu.yield
    }) : () -> ()
    %add3A_98 = arith.constant 128 : i32
    %add3A_99 = arith.addi %mul3A_0, %add3A_98 : i32
    %dma_start3A_100 = arith.constant 0 : i32
    %dma_start3A_101 = tpu.memref_slice %arg8[%add3A_99, %dma_start3A_100] : memref<10240x128xf32, #tpu.memory_space<vmem_shared>> -> memref<64x128xf32, #tpu.memory_space<vmem_shared>>
    %dma_start3A_102 = arith.constant 0 : i32
    %dma_start3A_103 = tpu.memref_slice %arg8[%add3A_99, %dma_start3A_102] : memref<10240x128xf32, #tpu.memory_space<vmem_shared>> -> memref<64x128xf32, #tpu.memory_space<vmem_shared>>
    tpu.enqueue_dma source(%dma_start3A_103 : memref<64x128xf32, #tpu.memory_space<vmem_shared>>) target(%arg15 : memref<64x128xf32, #tpu.memory_space<vmem>>) target_semaphore(%arg22 : memref<!tpu.dma_semaphore, #tpu.memory_space<semaphore_mem>>)
    %dma_start3A_104 = arith.constant 0 : i32
    %dma_start3A_105 = tpu.memref_slice %arg5[%add3A_99, %dma_start3A_104] : memref<10240x128xf32, #tpu.memory_space<hbm>> -> memref<64x128xf32, #tpu.memory_space<hbm>>
    %dma_start3A_106 = arith.constant 0 : i32
    %dma_start3A_107 = tpu.memref_slice %arg5[%add3A_99, %dma_start3A_106] : memref<10240x128xf32, #tpu.memory_space<hbm>> -> memref<64x128xf32, #tpu.memory_space<hbm>>
    tpu.enqueue_dma source(%dma_start3A_107 : memref<64x128xf32, #tpu.memory_space<hbm>>) target(%arg16 : memref<64x128xf32, #tpu.memory_space<vmem>>) target_semaphore(%arg23 : memref<!tpu.dma_semaphore, #tpu.memory_space<semaphore_mem>>)
    %dma_start3A_108 = arith.constant 0 : i32
    %dma_start3A_109 = tpu.memref_slice %arg4[%add3A_99, %dma_start3A_108] : memref<10240x128xf32, #tpu.memory_space<hbm>> -> memref<64x128xf32, #tpu.memory_space<hbm>>
    %dma_start3A_110 = arith.constant 0 : i32
    %dma_start3A_111 = tpu.memref_slice %arg4[%add3A_99, %dma_start3A_110] : memref<10240x128xf32, #tpu.memory_space<hbm>> -> memref<64x128xf32, #tpu.memory_space<hbm>>
    tpu.enqueue_dma source(%dma_start3A_111 : memref<64x128xf32, #tpu.memory_space<hbm>>) target(%arg17 : memref<64x128xf32, #tpu.memory_space<vmem>>) target_semaphore(%arg24 : memref<!tpu.dma_semaphore, #tpu.memory_space<semaphore_mem>>)
    %dma_wait3A_112 = arith.constant 0 : i32
    %dma_wait3A_113 = tpu.memref_slice %arg8[%add3A_99, %dma_wait3A_112] : memref<10240x128xf32, #tpu.memory_space<vmem_shared>> -> memref<64x128xf32, #tpu.memory_space<vmem_shared>>
    %dma_wait3A_114 = arith.constant 0 : i32
    %dma_wait3A_115 = tpu.memref_slice %arg8[%add3A_99, %dma_wait3A_114] : memref<10240x128xf32, #tpu.memory_space<vmem_shared>> -> memref<64x128xf32, #tpu.memory_space<vmem_shared>>
    tpu.wait_dma2 semaphore(%arg22 : memref<!tpu.dma_semaphore, #tpu.memory_space<semaphore_mem>>) src(%dma_wait3A_115 : memref<64x128xf32, #tpu.memory_space<vmem_shared>>) dst(%arg15 : memref<64x128xf32, #tpu.memory_space<vmem>>)
    %dma_wait3A_116 = arith.constant 0 : i32
    %dma_wait3A_117 = tpu.memref_slice %arg5[%add3A_99, %dma_wait3A_116] : memref<10240x128xf32, #tpu.memory_space<hbm>> -> memref<64x128xf32, #tpu.memory_space<hbm>>
    %dma_wait3A_118 = arith.constant 0 : i32
    %dma_wait3A_119 = tpu.memref_slice %arg5[%add3A_99, %dma_wait3A_118] : memref<10240x128xf32, #tpu.memory_space<hbm>> -> memref<64x128xf32, #tpu.memory_space<hbm>>
    tpu.wait_dma2 semaphore(%arg23 : memref<!tpu.dma_semaphore, #tpu.memory_space<semaphore_mem>>) src(%dma_wait3A_119 : memref<64x128xf32, #tpu.memory_space<hbm>>) dst(%arg16 : memref<64x128xf32, #tpu.memory_space<vmem>>)
    %dma_wait3A_120 = arith.constant 0 : i32
    %dma_wait3A_121 = tpu.memref_slice %arg4[%add3A_99, %dma_wait3A_120] : memref<10240x128xf32, #tpu.memory_space<hbm>> -> memref<64x128xf32, #tpu.memory_space<hbm>>
    %dma_wait3A_122 = arith.constant 0 : i32
    %dma_wait3A_123 = tpu.memref_slice %arg4[%add3A_99, %dma_wait3A_122] : memref<10240x128xf32, #tpu.memory_space<hbm>> -> memref<64x128xf32, #tpu.memory_space<hbm>>
    tpu.wait_dma2 semaphore(%arg24 : memref<!tpu.dma_semaphore, #tpu.memory_space<semaphore_mem>>) src(%dma_wait3A_123 : memref<64x128xf32, #tpu.memory_space<hbm>>) dst(%arg17 : memref<64x128xf32, #tpu.memory_space<vmem>>)
    %scan3A_124 = arith.constant 0 : i32
    %scan3A_125 = arith.constant 0 : i32
    %scan3A_126 = arith.constant 64 : i32
    %scan3A_127 = arith.addi %scan3A_125, %scan3A_126 : i32
    %scan3A_128 = arith.constant 1 : i32
    scf.for %scan3A_354 = %scan3A_125 to %scan3A_127 step %scan3A_128  : i32 {
      %get3A = arith.index_cast %scan3A_354 : i32 to index
      %get3A_355 = arith.constant 112 : index
      %get3A_356 = tpu.vector_load %arg15[%get3A, %get3A_355] {strides = array<i32>} : memref<64x128xf32, #tpu.memory_space<vmem>>, vector<1x16xf32>,
      %get3A_357 = vector.shape_cast %get3A_356 : vector<1x16xf32> to vector<16xf32>
      %broadcast_in_dim3A = arith.constant 15 : i32
      %broadcast_in_dim3A_358 = vector.broadcast %broadcast_in_dim3A : i32 to vector<16x1xi32>
      %gather3A = vector.shape_cast %broadcast_in_dim3A_358 : vector<16x1xi32> to vector<16xi32>
      %gather3A_359 = tpu.dynamic_gather %get3A_357[%gather3A] in [0] : vector<16xf32>, vector<16xi32> -> vector<16xf32>
      %mul3A_360 = arith.constant 1.52587891E-5 : f32
      %mul3A_361 = vector.broadcast %mul3A_360 : f32 to vector<16xf32>
      %mul3A_362 = arith.mulf %gather3A_359, %mul3A_361 : vector<16xf32>
      %add3A_363 = arith.constant 5.000000e-01 : f32
      %add3A_364 = vector.broadcast %add3A_363 : f32 to vector<16xf32>
      %add3A_365 = arith.addf %mul3A_362, %add3A_364 : vector<16xf32>
      %convert_element_type3A = arith.fptosi %add3A_365 : vector<16xf32> to vector<16xi32>
      %convert_element_type3A_366 = arith.sitofp %convert_element_type3A : vector<16xi32> to vector<16xf32>
      %mul3A_367 = arith.constant 6.553600e+04 : f32
      %mul3A_368 = vector.broadcast %mul3A_367 : f32 to vector<16xf32>
      %mul3A_369 = arith.mulf %convert_element_type3A_366, %mul3A_368 : vector<16xf32>
      %sub3A = arith.subf %gather3A_359, %mul3A_369 : vector<16xf32>
      %max3A = arith.constant 1.000000e+00 : f32
      %max3A_370 = vector.broadcast %max3A : f32 to vector<16xf32>
      %max3A_371 = arith.maximumf %convert_element_type3A_366, %max3A_370 : vector<16xf32>
      %div3A = arith.constant 1.000000e+00 : f32
      %div3A_372 = vector.broadcast %div3A : f32 to vector<16xf32>
      %div3A_373 = arith.divf %div3A_372, %max3A_371 : vector<16xf32>
      %get3A_374 = arith.index_cast %scan3A_354 : i32 to index
      %get3A_375 = arith.constant 0 : index
      %get3A_376 = tpu.vector_load %arg16[%get3A_374, %get3A_375] {strides = array<i32>} : memref<64x128xf32, #tpu.memory_space<vmem>>, vector<1x16xf32>,
      %get3A_377 = vector.shape_cast %get3A_376 : vector<1x16xf32> to vector<16xf32>
      %get3A_378 = arith.index_cast %scan3A_354 : i32 to index
      %get3A_379 = arith.constant 0 : index
      %get3A_380 = tpu.vector_load %arg15[%get3A_378, %get3A_379] {strides = array<i32>} : memref<64x128xf32, #tpu.memory_space<vmem>>, vector<1x16xf32>,
      %get3A_381 = vector.shape_cast %get3A_380 : vector<1x16xf32> to vector<16xf32>
      %mul3A_382 = arith.mulf %get3A_381, %div3A_373 : vector<16xf32>
      %get3A_383 = arith.index_cast %scan3A_354 : i32 to index
      %get3A_384 = arith.constant 0 : index
      %get3A_385 = tpu.vector_load %arg17[%get3A_383, %get3A_384] {strides = array<i32>} : memref<64x128xf32, #tpu.memory_space<vmem>>, vector<1x16xf32>,
      %get3A_386 = vector.shape_cast %get3A_385 : vector<1x16xf32> to vector<16xf32>
      %sub3A_387 = arith.subf %mul3A_382, %get3A_386 : vector<16xf32>
      %mul3A_388 = arith.mulf %get3A_377, %sub3A_387 : vector<16xf32>
      %add3A_389 = arith.addf %get3A_386, %mul3A_388 : vector<16xf32>
      %swap3A = arith.index_cast %scan3A_354 : i32 to index
      %swap3A_390 = arith.constant 0 : index
      %swap3A_391 = tpu.vector_load %arg15[%swap3A, %swap3A_390] {strides = array<i32>} : memref<64x128xf32, #tpu.memory_space<vmem>>, vector<1x16xf32>,
      %swap3A_392 = vector.shape_cast %swap3A_391 : vector<1x16xf32> to vector<16xf32>
      %swap3A_393 = vector.shape_cast %add3A_389 : vector<16xf32> to vector<1x16xf32>
      tpu.vector_store %arg15[%swap3A, %swap3A_390], %swap3A_393 {strides = array<i32>} : memref<64x128xf32, #tpu.memory_space<vmem>>, vector<1x16xf32>,
      %get3A_394 = arith.index_cast %scan3A_354 : i32 to index
      %get3A_395 = arith.constant 16 : index
      %get3A_396 = tpu.vector_load %arg15[%get3A_394, %get3A_395] {strides = array<i32>} : memref<64x128xf32, #tpu.memory_space<vmem>>, vector<1x16xf32>,
      %get3A_397 = vector.shape_cast %get3A_396 : vector<1x16xf32> to vector<16xf32>
      %mul3A_398 = arith.mulf %get3A_397, %div3A_373 : vector<16xf32>
      %get3A_399 = arith.index_cast %scan3A_354 : i32 to index
      %get3A_400 = arith.constant 16 : index
      %get3A_401 = tpu.vector_load %arg17[%get3A_399, %get3A_400] {strides = array<i32>} : memref<64x128xf32, #tpu.memory_space<vmem>>, vector<1x16xf32>,
      %get3A_402 = vector.shape_cast %get3A_401 : vector<1x16xf32> to vector<16xf32>
      %sub3A_403 = arith.subf %mul3A_398, %get3A_402 : vector<16xf32>
      %mul3A_404 = arith.mulf %get3A_377, %sub3A_403 : vector<16xf32>
      %add3A_405 = arith.addf %get3A_402, %mul3A_404 : vector<16xf32>
      %swap3A_406 = arith.index_cast %scan3A_354 : i32 to index
      %swap3A_407 = arith.constant 16 : index
      %swap3A_408 = tpu.vector_load %arg15[%swap3A_406, %swap3A_407] {strides = array<i32>} : memref<64x128xf32, #tpu.memory_space<vmem>>, vector<1x16xf32>,
      %swap3A_409 = vector.shape_cast %swap3A_408 : vector<1x16xf32> to vector<16xf32>
      %swap3A_410 = vector.shape_cast %add3A_405 : vector<16xf32> to vector<1x16xf32>
      tpu.vector_store %arg15[%swap3A_406, %swap3A_407], %swap3A_410 {strides = array<i32>} : memref<64x128xf32, #tpu.memory_space<vmem>>, vector<1x16xf32>,
      %get3A_411 = arith.index_cast %scan3A_354 : i32 to index
      %get3A_412 = arith.constant 32 : index
      %get3A_413 = tpu.vector_load %arg15[%get3A_411, %get3A_412] {strides = array<i32>} : memref<64x128xf32, #tpu.memory_space<vmem>>, vector<1x16xf32>,
      %get3A_414 = vector.shape_cast %get3A_413 : vector<1x16xf32> to vector<16xf32>
      %mul3A_415 = arith.mulf %get3A_414, %div3A_373 : vector<16xf32>
      %get3A_416 = arith.index_cast %scan3A_354 : i32 to index
      %get3A_417 = arith.constant 32 : index
      %get3A_418 = tpu.vector_load %arg17[%get3A_416, %get3A_417] {strides = array<i32>} : memref<64x128xf32, #tpu.memory_space<vmem>>, vector<1x16xf32>,
      %get3A_419 = vector.shape_cast %get3A_418 : vector<1x16xf32> to vector<16xf32>
      %sub3A_420 = arith.subf %mul3A_415, %get3A_419 : vector<16xf32>
      %mul3A_421 = arith.mulf %get3A_377, %sub3A_420 : vector<16xf32>
      %add3A_422 = arith.addf %get3A_419, %mul3A_421 : vector<16xf32>
      %swap3A_423 = arith.index_cast %scan3A_354 : i32 to index
      %swap3A_424 = arith.constant 32 : index
      %swap3A_425 = tpu.vector_load %arg15[%swap3A_423, %swap3A_424] {strides = array<i32>} : memref<64x128xf32, #tpu.memory_space<vmem>>, vector<1x16xf32>,
      %swap3A_426 = vector.shape_cast %swap3A_425 : vector<1x16xf32> to vector<16xf32>
      %swap3A_427 = vector.shape_cast %add3A_422 : vector<16xf32> to vector<1x16xf32>
      tpu.vector_store %arg15[%swap3A_423, %swap3A_424], %swap3A_427 {strides = array<i32>} : memref<64x128xf32, #tpu.memory_space<vmem>>, vector<1x16xf32>,
      %get3A_428 = arith.index_cast %scan3A_354 : i32 to index
      %get3A_429 = arith.constant 48 : index
      %get3A_430 = tpu.vector_load %arg15[%get3A_428, %get3A_429] {strides = array<i32>} : memref<64x128xf32, #tpu.memory_space<vmem>>, vector<1x16xf32>,
      %get3A_431 = vector.shape_cast %get3A_430 : vector<1x16xf32> to vector<16xf32>
      %mul3A_432 = arith.mulf %get3A_431, %div3A_373 : vector<16xf32>
      %get3A_433 = arith.index_cast %scan3A_354 : i32 to index
      %get3A_434 = arith.constant 48 : index
      %get3A_435 = tpu.vector_load %arg17[%get3A_433, %get3A_434] {strides = array<i32>} : memref<64x128xf32, #tpu.memory_space<vmem>>, vector<1x16xf32>,
      %get3A_436 = vector.shape_cast %get3A_435 : vector<1x16xf32> to vector<16xf32>
      %sub3A_437 = arith.subf %mul3A_432, %get3A_436 : vector<16xf32>
      %mul3A_438 = arith.mulf %get3A_377, %sub3A_437 : vector<16xf32>
      %add3A_439 = arith.addf %get3A_436, %mul3A_438 : vector<16xf32>
      %swap3A_440 = arith.index_cast %scan3A_354 : i32 to index
      %swap3A_441 = arith.constant 48 : index
      %swap3A_442 = tpu.vector_load %arg15[%swap3A_440, %swap3A_441] {strides = array<i32>} : memref<64x128xf32, #tpu.memory_space<vmem>>, vector<1x16xf32>,
      %swap3A_443 = vector.shape_cast %swap3A_442 : vector<1x16xf32> to vector<16xf32>
      %swap3A_444 = vector.shape_cast %add3A_439 : vector<16xf32> to vector<1x16xf32>
      tpu.vector_store %arg15[%swap3A_440, %swap3A_441], %swap3A_444 {strides = array<i32>} : memref<64x128xf32, #tpu.memory_space<vmem>>, vector<1x16xf32>,
      %get3A_445 = arith.index_cast %scan3A_354 : i32 to index
      %get3A_446 = arith.constant 64 : index
      %get3A_447 = tpu.vector_load %arg15[%get3A_445, %get3A_446] {strides = array<i32>} : memref<64x128xf32, #tpu.memory_space<vmem>>, vector<1x16xf32>,
      %get3A_448 = vector.shape_cast %get3A_447 : vector<1x16xf32> to vector<16xf32>
      %mul3A_449 = arith.mulf %get3A_448, %div3A_373 : vector<16xf32>
      %get3A_450 = arith.index_cast %scan3A_354 : i32 to index
      %get3A_451 = arith.constant 64 : index
      %get3A_452 = tpu.vector_load %arg17[%get3A_450, %get3A_451] {strides = array<i32>} : memref<64x128xf32, #tpu.memory_space<vmem>>, vector<1x16xf32>,
      %get3A_453 = vector.shape_cast %get3A_452 : vector<1x16xf32> to vector<16xf32>
      %sub3A_454 = arith.subf %mul3A_449, %get3A_453 : vector<16xf32>
      %mul3A_455 = arith.mulf %get3A_377, %sub3A_454 : vector<16xf32>
      %add3A_456 = arith.addf %get3A_453, %mul3A_455 : vector<16xf32>
      %swap3A_457 = arith.index_cast %scan3A_354 : i32 to index
      %swap3A_458 = arith.constant 64 : index
      %swap3A_459 = tpu.vector_load %arg15[%swap3A_457, %swap3A_458] {strides = array<i32>} : memref<64x128xf32, #tpu.memory_space<vmem>>, vector<1x16xf32>,
      %swap3A_460 = vector.shape_cast %swap3A_459 : vector<1x16xf32> to vector<16xf32>
      %swap3A_461 = vector.shape_cast %add3A_456 : vector<16xf32> to vector<1x16xf32>
      tpu.vector_store %arg15[%swap3A_457, %swap3A_458], %swap3A_461 {strides = array<i32>} : memref<64x128xf32, #tpu.memory_space<vmem>>, vector<1x16xf32>,
      %get3A_462 = arith.index_cast %scan3A_354 : i32 to index
      %get3A_463 = arith.constant 80 : index
      %get3A_464 = tpu.vector_load %arg15[%get3A_462, %get3A_463] {strides = array<i32>} : memref<64x128xf32, #tpu.memory_space<vmem>>, vector<1x16xf32>,
      %get3A_465 = vector.shape_cast %get3A_464 : vector<1x16xf32> to vector<16xf32>
      %mul3A_466 = arith.mulf %get3A_465, %div3A_373 : vector<16xf32>
      %get3A_467 = arith.index_cast %scan3A_354 : i32 to index
      %get3A_468 = arith.constant 80 : index
      %get3A_469 = tpu.vector_load %arg17[%get3A_467, %get3A_468] {strides = array<i32>} : memref<64x128xf32, #tpu.memory_space<vmem>>, vector<1x16xf32>,
      %get3A_470 = vector.shape_cast %get3A_469 : vector<1x16xf32> to vector<16xf32>
      %sub3A_471 = arith.subf %mul3A_466, %get3A_470 : vector<16xf32>
      %mul3A_472 = arith.mulf %get3A_377, %sub3A_471 : vector<16xf32>
      %add3A_473 = arith.addf %get3A_470, %mul3A_472 : vector<16xf32>
      %swap3A_474 = arith.index_cast %scan3A_354 : i32 to index
      %swap3A_475 = arith.constant 80 : index
      %swap3A_476 = tpu.vector_load %arg15[%swap3A_474, %swap3A_475] {strides = array<i32>} : memref<64x128xf32, #tpu.memory_space<vmem>>, vector<1x16xf32>,
      %swap3A_477 = vector.shape_cast %swap3A_476 : vector<1x16xf32> to vector<16xf32>
      %swap3A_478 = vector.shape_cast %add3A_473 : vector<16xf32> to vector<1x16xf32>
      tpu.vector_store %arg15[%swap3A_474, %swap3A_475], %swap3A_478 {strides = array<i32>} : memref<64x128xf32, #tpu.memory_space<vmem>>, vector<1x16xf32>,
      %get3A_479 = arith.index_cast %scan3A_354 : i32 to index
      %get3A_480 = arith.constant 96 : index
      %get3A_481 = tpu.vector_load %arg15[%get3A_479, %get3A_480] {strides = array<i32>} : memref<64x128xf32, #tpu.memory_space<vmem>>, vector<1x16xf32>,
      %get3A_482 = vector.shape_cast %get3A_481 : vector<1x16xf32> to vector<16xf32>
      %mul3A_483 = arith.mulf %get3A_482, %div3A_373 : vector<16xf32>
      %get3A_484 = arith.index_cast %scan3A_354 : i32 to index
      %get3A_485 = arith.constant 96 : index
      %get3A_486 = tpu.vector_load %arg17[%get3A_484, %get3A_485] {strides = array<i32>} : memref<64x128xf32, #tpu.memory_space<vmem>>, vector<1x16xf32>,
      %get3A_487 = vector.shape_cast %get3A_486 : vector<1x16xf32> to vector<16xf32>
      %sub3A_488 = arith.subf %mul3A_483, %get3A_487 : vector<16xf32>
      %mul3A_489 = arith.mulf %get3A_377, %sub3A_488 : vector<16xf32>
      %add3A_490 = arith.addf %get3A_487, %mul3A_489 : vector<16xf32>
      %swap3A_491 = arith.index_cast %scan3A_354 : i32 to index
      %swap3A_492 = arith.constant 96 : index
      %swap3A_493 = tpu.vector_load %arg15[%swap3A_491, %swap3A_492] {strides = array<i32>} : memref<64x128xf32, #tpu.memory_space<vmem>>, vector<1x16xf32>,
      %swap3A_494 = vector.shape_cast %swap3A_493 : vector<1x16xf32> to vector<16xf32>
      %swap3A_495 = vector.shape_cast %add3A_490 : vector<16xf32> to vector<1x16xf32>
      tpu.vector_store %arg15[%swap3A_491, %swap3A_492], %swap3A_495 {strides = array<i32>} : memref<64x128xf32, #tpu.memory_space<vmem>>, vector<1x16xf32>,
      %eq3A = arith.constant 15 : i32
      %eq3A_496 = vector.broadcast %eq3A : i32 to vector<16xi32>
      %eq3A_497 = arith.cmpi eq, %iota3A, %eq3A_496 : vector<16xi32>
      %select_n3A = arith.select %eq3A_497, %sub3A, %get3A_357 : vector<16xi1>, vector<16xf32>
      %mul3A_498 = arith.mulf %select_n3A, %div3A_373 : vector<16xf32>
      %get3A_499 = arith.index_cast %scan3A_354 : i32 to index
      %get3A_500 = arith.constant 112 : index
      %get3A_501 = tpu.vector_load %arg17[%get3A_499, %get3A_500] {strides = array<i32>} : memref<64x128xf32, #tpu.memory_space<vmem>>, vector<1x16xf32>,
      %get3A_502 = vector.shape_cast %get3A_501 : vector<1x16xf32> to vector<16xf32>
      %sub3A_503 = arith.subf %mul3A_498, %get3A_502 : vector<16xf32>
      %mul3A_504 = arith.mulf %get3A_377, %sub3A_503 : vector<16xf32>
      %add3A_505 = arith.addf %get3A_502, %mul3A_504 : vector<16xf32>
      %swap3A_506 = arith.index_cast %scan3A_354 : i32 to index
      %swap3A_507 = arith.constant 112 : index
      %swap3A_508 = tpu.vector_load %arg15[%swap3A_506, %swap3A_507] {strides = array<i32>} : memref<64x128xf32, #tpu.memory_space<vmem>>, vector<1x16xf32>,
      %swap3A_509 = vector.shape_cast %swap3A_508 : vector<1x16xf32> to vector<16xf32>
      %swap3A_510 = vector.shape_cast %add3A_505 : vector<16xf32> to vector<1x16xf32>
      tpu.vector_store %arg15[%swap3A_506, %swap3A_507], %swap3A_510 {strides = array<i32>} : memref<64x128xf32, #tpu.memory_space<vmem>>, vector<1x16xf32>,
    }
    %scan3A_129 = arith.constant 64 : i32
    "tpu.region"() ({
      %run_scoped3A = tpu.sem_alloc : memref<!tpu.dma_semaphore, #tpu.memory_space<semaphore_mem>>
      %dma_start3A_354 = arith.constant 0 : i32
      %dma_start3A_355 = tpu.memref_slice %arg7[%arg0, %add3A_99, %dma_start3A_354] : memref<2x10240x128xf32, #tpu.memory_space<hbm>> -> memref<1x64x128xf32, #tpu.memory_space<hbm>>
      %dma_start3A_356 = tpu.memref_squeeze %dma_start3A_355 : memref<1x64x128xf32, #tpu.memory_space<hbm>> -> memref<64x128xf32, #tpu.memory_space<hbm>>
      %dma_start3A_357 = arith.constant 0 : i32
      %dma_start3A_358 = tpu.memref_slice %arg7[%arg0, %add3A_99, %dma_start3A_357] : memref<2x10240x128xf32, #tpu.memory_space<hbm>> -> memref<1x64x128xf32, #tpu.memory_space<hbm>>
      %dma_start3A_359 = tpu.memref_squeeze %dma_start3A_358 : memref<1x64x128xf32, #tpu.memory_space<hbm>> -> memref<64x128xf32, #tpu.memory_space<hbm>>
      tpu.enqueue_dma source(%arg15 : memref<64x128xf32, #tpu.memory_space<vmem>>) target(%dma_start3A_359 : memref<64x128xf32, #tpu.memory_space<hbm>>) target_semaphore(%run_scoped3A : memref<!tpu.dma_semaphore, #tpu.memory_space<semaphore_mem>>)
      %dma_wait3A_360 = arith.constant 0 : i32
      %dma_wait3A_361 = tpu.memref_slice %arg7[%arg0, %add3A_99, %dma_wait3A_360] : memref<2x10240x128xf32, #tpu.memory_space<hbm>> -> memref<1x64x128xf32, #tpu.memory_space<hbm>>
      %dma_wait3A_362 = tpu.memref_squeeze %dma_wait3A_361 : memref<1x64x128xf32, #tpu.memory_space<hbm>> -> memref<64x128xf32, #tpu.memory_space<hbm>>
      %dma_wait3A_363 = arith.constant 0 : i32
      %dma_wait3A_364 = tpu.memref_slice %arg7[%arg0, %add3A_99, %dma_wait3A_363] : memref<2x10240x128xf32, #tpu.memory_space<hbm>> -> memref<1x64x128xf32, #tpu.memory_space<hbm>>
      %dma_wait3A_365 = tpu.memref_squeeze %dma_wait3A_364 : memref<1x64x128xf32, #tpu.memory_space<hbm>> -> memref<64x128xf32, #tpu.memory_space<hbm>>
      tpu.wait_dma2 semaphore(%run_scoped3A : memref<!tpu.dma_semaphore, #tpu.memory_space<semaphore_mem>>) src(%arg15 : memref<64x128xf32, #tpu.memory_space<vmem>>) dst(%dma_wait3A_365 : memref<64x128xf32, #tpu.memory_space<hbm>>)
      tpu.yield
    }) : () -> ()
    %add3A_130 = arith.constant 192 : i32
    %add3A_131 = arith.addi %mul3A_0, %add3A_130 : i32
    %dma_start3A_132 = arith.constant 0 : i32
    %dma_start3A_133 = tpu.memref_slice %arg8[%add3A_131, %dma_start3A_132] : memref<10240x128xf32, #tpu.memory_space<vmem_shared>> -> memref<64x128xf32, #tpu.memory_space<vmem_shared>>
    %dma_start3A_134 = arith.constant 0 : i32
    %dma_start3A_135 = tpu.memref_slice %arg8[%add3A_131, %dma_start3A_134] : memref<10240x128xf32, #tpu.memory_space<vmem_shared>> -> memref<64x128xf32, #tpu.memory_space<vmem_shared>>
    tpu.enqueue_dma source(%dma_start3A_135 : memref<64x128xf32, #tpu.memory_space<vmem_shared>>) target(%arg15 : memref<64x128xf32, #tpu.memory_space<vmem>>) target_semaphore(%arg22 : memref<!tpu.dma_semaphore, #tpu.memory_space<semaphore_mem>>)
    %dma_start3A_136 = arith.constant 0 : i32
    %dma_start3A_137 = tpu.memref_slice %arg5[%add3A_131, %dma_start3A_136] : memref<10240x128xf32, #tpu.memory_space<hbm>> -> memref<64x128xf32, #tpu.memory_space<hbm>>
    %dma_start3A_138 = arith.constant 0 : i32
    %dma_start3A_139 = tpu.memref_slice %arg5[%add3A_131, %dma_start3A_138] : memref<10240x128xf32, #tpu.memory_space<hbm>> -> memref<64x128xf32, #tpu.memory_space<hbm>>
    tpu.enqueue_dma source(%dma_start3A_139 : memref<64x128xf32, #tpu.memory_space<hbm>>) target(%arg16 : memref<64x128xf32, #tpu.memory_space<vmem>>) target_semaphore(%arg23 : memref<!tpu.dma_semaphore, #tpu.memory_space<semaphore_mem>>)
    %dma_start3A_140 = arith.constant 0 : i32
    %dma_start3A_141 = tpu.memref_slice %arg4[%add3A_131, %dma_start3A_140] : memref<10240x128xf32, #tpu.memory_space<hbm>> -> memref<64x128xf32, #tpu.memory_space<hbm>>
    %dma_start3A_142 = arith.constant 0 : i32
    %dma_start3A_143 = tpu.memref_slice %arg4[%add3A_131, %dma_start3A_142] : memref<10240x128xf32, #tpu.memory_space<hbm>> -> memref<64x128xf32, #tpu.memory_space<hbm>>
    tpu.enqueue_dma source(%dma_start3A_143 : memref<64x128xf32, #tpu.memory_space<hbm>>) target(%arg17 : memref<64x128xf32, #tpu.memory_space<vmem>>) target_semaphore(%arg24 : memref<!tpu.dma_semaphore, #tpu.memory_space<semaphore_mem>>)
    %dma_wait3A_144 = arith.constant 0 : i32
    %dma_wait3A_145 = tpu.memref_slice %arg8[%add3A_131, %dma_wait3A_144] : memref<10240x128xf32, #tpu.memory_space<vmem_shared>> -> memref<64x128xf32, #tpu.memory_space<vmem_shared>>
    %dma_wait3A_146 = arith.constant 0 : i32
    %dma_wait3A_147 = tpu.memref_slice %arg8[%add3A_131, %dma_wait3A_146] : memref<10240x128xf32, #tpu.memory_space<vmem_shared>> -> memref<64x128xf32, #tpu.memory_space<vmem_shared>>
    tpu.wait_dma2 semaphore(%arg22 : memref<!tpu.dma_semaphore, #tpu.memory_space<semaphore_mem>>) src(%dma_wait3A_147 : memref<64x128xf32, #tpu.memory_space<vmem_shared>>) dst(%arg15 : memref<64x128xf32, #tpu.memory_space<vmem>>)
    %dma_wait3A_148 = arith.constant 0 : i32
    %dma_wait3A_149 = tpu.memref_slice %arg5[%add3A_131, %dma_wait3A_148] : memref<10240x128xf32, #tpu.memory_space<hbm>> -> memref<64x128xf32, #tpu.memory_space<hbm>>
    %dma_wait3A_150 = arith.constant 0 : i32
    %dma_wait3A_151 = tpu.memref_slice %arg5[%add3A_131, %dma_wait3A_150] : memref<10240x128xf32, #tpu.memory_space<hbm>> -> memref<64x128xf32, #tpu.memory_space<hbm>>
    tpu.wait_dma2 semaphore(%arg23 : memref<!tpu.dma_semaphore, #tpu.memory_space<semaphore_mem>>) src(%dma_wait3A_151 : memref<64x128xf32, #tpu.memory_space<hbm>>) dst(%arg16 : memref<64x128xf32, #tpu.memory_space<vmem>>)
    %dma_wait3A_152 = arith.constant 0 : i32
    %dma_wait3A_153 = tpu.memref_slice %arg4[%add3A_131, %dma_wait3A_152] : memref<10240x128xf32, #tpu.memory_space<hbm>> -> memref<64x128xf32, #tpu.memory_space<hbm>>
    %dma_wait3A_154 = arith.constant 0 : i32
    %dma_wait3A_155 = tpu.memref_slice %arg4[%add3A_131, %dma_wait3A_154] : memref<10240x128xf32, #tpu.memory_space<hbm>> -> memref<64x128xf32, #tpu.memory_space<hbm>>
    tpu.wait_dma2 semaphore(%arg24 : memref<!tpu.dma_semaphore, #tpu.memory_space<semaphore_mem>>) src(%dma_wait3A_155 : memref<64x128xf32, #tpu.memory_space<hbm>>) dst(%arg17 : memref<64x128xf32, #tpu.memory_space<vmem>>)
    %scan3A_156 = arith.constant 0 : i32
    %scan3A_157 = arith.constant 0 : i32
    %scan3A_158 = arith.constant 64 : i32
    %scan3A_159 = arith.addi %scan3A_157, %scan3A_158 : i32
    %scan3A_160 = arith.constant 1 : i32
    scf.for %scan3A_354 = %scan3A_157 to %scan3A_159 step %scan3A_160  : i32 {
      %get3A = arith.index_cast %scan3A_354 : i32 to index
      %get3A_355 = arith.constant 112 : index
      %get3A_356 = tpu.vector_load %arg15[%get3A, %get3A_355] {strides = array<i32>} : memref<64x128xf32, #tpu.memory_space<vmem>>, vector<1x16xf32>,
      %get3A_357 = vector.shape_cast %get3A_356 : vector<1x16xf32> to vector<16xf32>
      %broadcast_in_dim3A = arith.constant 15 : i32
      %broadcast_in_dim3A_358 = vector.broadcast %broadcast_in_dim3A : i32 to vector<16x1xi32>
      %gather3A = vector.shape_cast %broadcast_in_dim3A_358 : vector<16x1xi32> to vector<16xi32>
      %gather3A_359 = tpu.dynamic_gather %get3A_357[%gather3A] in [0] : vector<16xf32>, vector<16xi32> -> vector<16xf32>
      %mul3A_360 = arith.constant 1.52587891E-5 : f32
      %mul3A_361 = vector.broadcast %mul3A_360 : f32 to vector<16xf32>
      %mul3A_362 = arith.mulf %gather3A_359, %mul3A_361 : vector<16xf32>
      %add3A_363 = arith.constant 5.000000e-01 : f32
      %add3A_364 = vector.broadcast %add3A_363 : f32 to vector<16xf32>
      %add3A_365 = arith.addf %mul3A_362, %add3A_364 : vector<16xf32>
      %convert_element_type3A = arith.fptosi %add3A_365 : vector<16xf32> to vector<16xi32>
      %convert_element_type3A_366 = arith.sitofp %convert_element_type3A : vector<16xi32> to vector<16xf32>
      %mul3A_367 = arith.constant 6.553600e+04 : f32
      %mul3A_368 = vector.broadcast %mul3A_367 : f32 to vector<16xf32>
      %mul3A_369 = arith.mulf %convert_element_type3A_366, %mul3A_368 : vector<16xf32>
      %sub3A = arith.subf %gather3A_359, %mul3A_369 : vector<16xf32>
      %max3A = arith.constant 1.000000e+00 : f32
      %max3A_370 = vector.broadcast %max3A : f32 to vector<16xf32>
      %max3A_371 = arith.maximumf %convert_element_type3A_366, %max3A_370 : vector<16xf32>
      %div3A = arith.constant 1.000000e+00 : f32
      %div3A_372 = vector.broadcast %div3A : f32 to vector<16xf32>
      %div3A_373 = arith.divf %div3A_372, %max3A_371 : vector<16xf32>
      %get3A_374 = arith.index_cast %scan3A_354 : i32 to index
      %get3A_375 = arith.constant 0 : index
      %get3A_376 = tpu.vector_load %arg16[%get3A_374, %get3A_375] {strides = array<i32>} : memref<64x128xf32, #tpu.memory_space<vmem>>, vector<1x16xf32>,
      %get3A_377 = vector.shape_cast %get3A_376 : vector<1x16xf32> to vector<16xf32>
      %get3A_378 = arith.index_cast %scan3A_354 : i32 to index
      %get3A_379 = arith.constant 0 : index
      %get3A_380 = tpu.vector_load %arg15[%get3A_378, %get3A_379] {strides = array<i32>} : memref<64x128xf32, #tpu.memory_space<vmem>>, vector<1x16xf32>,
      %get3A_381 = vector.shape_cast %get3A_380 : vector<1x16xf32> to vector<16xf32>
      %mul3A_382 = arith.mulf %get3A_381, %div3A_373 : vector<16xf32>
      %get3A_383 = arith.index_cast %scan3A_354 : i32 to index
      %get3A_384 = arith.constant 0 : index
      %get3A_385 = tpu.vector_load %arg17[%get3A_383, %get3A_384] {strides = array<i32>} : memref<64x128xf32, #tpu.memory_space<vmem>>, vector<1x16xf32>,
      %get3A_386 = vector.shape_cast %get3A_385 : vector<1x16xf32> to vector<16xf32>
      %sub3A_387 = arith.subf %mul3A_382, %get3A_386 : vector<16xf32>
      %mul3A_388 = arith.mulf %get3A_377, %sub3A_387 : vector<16xf32>
      %add3A_389 = arith.addf %get3A_386, %mul3A_388 : vector<16xf32>
      %swap3A = arith.index_cast %scan3A_354 : i32 to index
      %swap3A_390 = arith.constant 0 : index
      %swap3A_391 = tpu.vector_load %arg15[%swap3A, %swap3A_390] {strides = array<i32>} : memref<64x128xf32, #tpu.memory_space<vmem>>, vector<1x16xf32>,
      %swap3A_392 = vector.shape_cast %swap3A_391 : vector<1x16xf32> to vector<16xf32>
      %swap3A_393 = vector.shape_cast %add3A_389 : vector<16xf32> to vector<1x16xf32>
      tpu.vector_store %arg15[%swap3A, %swap3A_390], %swap3A_393 {strides = array<i32>} : memref<64x128xf32, #tpu.memory_space<vmem>>, vector<1x16xf32>,
      %get3A_394 = arith.index_cast %scan3A_354 : i32 to index
      %get3A_395 = arith.constant 16 : index
      %get3A_396 = tpu.vector_load %arg15[%get3A_394, %get3A_395] {strides = array<i32>} : memref<64x128xf32, #tpu.memory_space<vmem>>, vector<1x16xf32>,
      %get3A_397 = vector.shape_cast %get3A_396 : vector<1x16xf32> to vector<16xf32>
      %mul3A_398 = arith.mulf %get3A_397, %div3A_373 : vector<16xf32>
      %get3A_399 = arith.index_cast %scan3A_354 : i32 to index
      %get3A_400 = arith.constant 16 : index
      %get3A_401 = tpu.vector_load %arg17[%get3A_399, %get3A_400] {strides = array<i32>} : memref<64x128xf32, #tpu.memory_space<vmem>>, vector<1x16xf32>,
      %get3A_402 = vector.shape_cast %get3A_401 : vector<1x16xf32> to vector<16xf32>
      %sub3A_403 = arith.subf %mul3A_398, %get3A_402 : vector<16xf32>
      %mul3A_404 = arith.mulf %get3A_377, %sub3A_403 : vector<16xf32>
      %add3A_405 = arith.addf %get3A_402, %mul3A_404 : vector<16xf32>
      %swap3A_406 = arith.index_cast %scan3A_354 : i32 to index
      %swap3A_407 = arith.constant 16 : index
      %swap3A_408 = tpu.vector_load %arg15[%swap3A_406, %swap3A_407] {strides = array<i32>} : memref<64x128xf32, #tpu.memory_space<vmem>>, vector<1x16xf32>,
      %swap3A_409 = vector.shape_cast %swap3A_408 : vector<1x16xf32> to vector<16xf32>
      %swap3A_410 = vector.shape_cast %add3A_405 : vector<16xf32> to vector<1x16xf32>
      tpu.vector_store %arg15[%swap3A_406, %swap3A_407], %swap3A_410 {strides = array<i32>} : memref<64x128xf32, #tpu.memory_space<vmem>>, vector<1x16xf32>,
      %get3A_411 = arith.index_cast %scan3A_354 : i32 to index
      %get3A_412 = arith.constant 32 : index
      %get3A_413 = tpu.vector_load %arg15[%get3A_411, %get3A_412] {strides = array<i32>} : memref<64x128xf32, #tpu.memory_space<vmem>>, vector<1x16xf32>,
      %get3A_414 = vector.shape_cast %get3A_413 : vector<1x16xf32> to vector<16xf32>
      %mul3A_415 = arith.mulf %get3A_414, %div3A_373 : vector<16xf32>
      %get3A_416 = arith.index_cast %scan3A_354 : i32 to index
      %get3A_417 = arith.constant 32 : index
      %get3A_418 = tpu.vector_load %arg17[%get3A_416, %get3A_417] {strides = array<i32>} : memref<64x128xf32, #tpu.memory_space<vmem>>, vector<1x16xf32>,
      %get3A_419 = vector.shape_cast %get3A_418 : vector<1x16xf32> to vector<16xf32>
      %sub3A_420 = arith.subf %mul3A_415, %get3A_419 : vector<16xf32>
      %mul3A_421 = arith.mulf %get3A_377, %sub3A_420 : vector<16xf32>
      %add3A_422 = arith.addf %get3A_419, %mul3A_421 : vector<16xf32>
      %swap3A_423 = arith.index_cast %scan3A_354 : i32 to index
      %swap3A_424 = arith.constant 32 : index
      %swap3A_425 = tpu.vector_load %arg15[%swap3A_423, %swap3A_424] {strides = array<i32>} : memref<64x128xf32, #tpu.memory_space<vmem>>, vector<1x16xf32>,
      %swap3A_426 = vector.shape_cast %swap3A_425 : vector<1x16xf32> to vector<16xf32>
      %swap3A_427 = vector.shape_cast %add3A_422 : vector<16xf32> to vector<1x16xf32>
      tpu.vector_store %arg15[%swap3A_423, %swap3A_424], %swap3A_427 {strides = array<i32>} : memref<64x128xf32, #tpu.memory_space<vmem>>, vector<1x16xf32>,
      %get3A_428 = arith.index_cast %scan3A_354 : i32 to index
      %get3A_429 = arith.constant 48 : index
      %get3A_430 = tpu.vector_load %arg15[%get3A_428, %get3A_429] {strides = array<i32>} : memref<64x128xf32, #tpu.memory_space<vmem>>, vector<1x16xf32>,
      %get3A_431 = vector.shape_cast %get3A_430 : vector<1x16xf32> to vector<16xf32>
      %mul3A_432 = arith.mulf %get3A_431, %div3A_373 : vector<16xf32>
      %get3A_433 = arith.index_cast %scan3A_354 : i32 to index
      %get3A_434 = arith.constant 48 : index
      %get3A_435 = tpu.vector_load %arg17[%get3A_433, %get3A_434] {strides = array<i32>} : memref<64x128xf32, #tpu.memory_space<vmem>>, vector<1x16xf32>,
      %get3A_436 = vector.shape_cast %get3A_435 : vector<1x16xf32> to vector<16xf32>
      %sub3A_437 = arith.subf %mul3A_432, %get3A_436 : vector<16xf32>
      %mul3A_438 = arith.mulf %get3A_377, %sub3A_437 : vector<16xf32>
      %add3A_439 = arith.addf %get3A_436, %mul3A_438 : vector<16xf32>
      %swap3A_440 = arith.index_cast %scan3A_354 : i32 to index
      %swap3A_441 = arith.constant 48 : index
      %swap3A_442 = tpu.vector_load %arg15[%swap3A_440, %swap3A_441] {strides = array<i32>} : memref<64x128xf32, #tpu.memory_space<vmem>>, vector<1x16xf32>,
      %swap3A_443 = vector.shape_cast %swap3A_442 : vector<1x16xf32> to vector<16xf32>
      %swap3A_444 = vector.shape_cast %add3A_439 : vector<16xf32> to vector<1x16xf32>
      tpu.vector_store %arg15[%swap3A_440, %swap3A_441], %swap3A_444 {strides = array<i32>} : memref<64x128xf32, #tpu.memory_space<vmem>>, vector<1x16xf32>,
      %get3A_445 = arith.index_cast %scan3A_354 : i32 to index
      %get3A_446 = arith.constant 64 : index
      %get3A_447 = tpu.vector_load %arg15[%get3A_445, %get3A_446] {strides = array<i32>} : memref<64x128xf32, #tpu.memory_space<vmem>>, vector<1x16xf32>,
      %get3A_448 = vector.shape_cast %get3A_447 : vector<1x16xf32> to vector<16xf32>
      %mul3A_449 = arith.mulf %get3A_448, %div3A_373 : vector<16xf32>
      %get3A_450 = arith.index_cast %scan3A_354 : i32 to index
      %get3A_451 = arith.constant 64 : index
      %get3A_452 = tpu.vector_load %arg17[%get3A_450, %get3A_451] {strides = array<i32>} : memref<64x128xf32, #tpu.memory_space<vmem>>, vector<1x16xf32>,
      %get3A_453 = vector.shape_cast %get3A_452 : vector<1x16xf32> to vector<16xf32>
      %sub3A_454 = arith.subf %mul3A_449, %get3A_453 : vector<16xf32>
      %mul3A_455 = arith.mulf %get3A_377, %sub3A_454 : vector<16xf32>
      %add3A_456 = arith.addf %get3A_453, %mul3A_455 : vector<16xf32>
      %swap3A_457 = arith.index_cast %scan3A_354 : i32 to index
      %swap3A_458 = arith.constant 64 : index
      %swap3A_459 = tpu.vector_load %arg15[%swap3A_457, %swap3A_458] {strides = array<i32>} : memref<64x128xf32, #tpu.memory_space<vmem>>, vector<1x16xf32>,
      %swap3A_460 = vector.shape_cast %swap3A_459 : vector<1x16xf32> to vector<16xf32>
      %swap3A_461 = vector.shape_cast %add3A_456 : vector<16xf32> to vector<1x16xf32>
      tpu.vector_store %arg15[%swap3A_457, %swap3A_458], %swap3A_461 {strides = array<i32>} : memref<64x128xf32, #tpu.memory_space<vmem>>, vector<1x16xf32>,
      %get3A_462 = arith.index_cast %scan3A_354 : i32 to index
      %get3A_463 = arith.constant 80 : index
      %get3A_464 = tpu.vector_load %arg15[%get3A_462, %get3A_463] {strides = array<i32>} : memref<64x128xf32, #tpu.memory_space<vmem>>, vector<1x16xf32>,
      %get3A_465 = vector.shape_cast %get3A_464 : vector<1x16xf32> to vector<16xf32>
      %mul3A_466 = arith.mulf %get3A_465, %div3A_373 : vector<16xf32>
      %get3A_467 = arith.index_cast %scan3A_354 : i32 to index
      %get3A_468 = arith.constant 80 : index
      %get3A_469 = tpu.vector_load %arg17[%get3A_467, %get3A_468] {strides = array<i32>} : memref<64x128xf32, #tpu.memory_space<vmem>>, vector<1x16xf32>,
      %get3A_470 = vector.shape_cast %get3A_469 : vector<1x16xf32> to vector<16xf32>
      %sub3A_471 = arith.subf %mul3A_466, %get3A_470 : vector<16xf32>
      %mul3A_472 = arith.mulf %get3A_377, %sub3A_471 : vector<16xf32>
      %add3A_473 = arith.addf %get3A_470, %mul3A_472 : vector<16xf32>
      %swap3A_474 = arith.index_cast %scan3A_354 : i32 to index
      %swap3A_475 = arith.constant 80 : index
      %swap3A_476 = tpu.vector_load %arg15[%swap3A_474, %swap3A_475] {strides = array<i32>} : memref<64x128xf32, #tpu.memory_space<vmem>>, vector<1x16xf32>,
      %swap3A_477 = vector.shape_cast %swap3A_476 : vector<1x16xf32> to vector<16xf32>
      %swap3A_478 = vector.shape_cast %add3A_473 : vector<16xf32> to vector<1x16xf32>
      tpu.vector_store %arg15[%swap3A_474, %swap3A_475], %swap3A_478 {strides = array<i32>} : memref<64x128xf32, #tpu.memory_space<vmem>>, vector<1x16xf32>,
      %get3A_479 = arith.index_cast %scan3A_354 : i32 to index
      %get3A_480 = arith.constant 96 : index
      %get3A_481 = tpu.vector_load %arg15[%get3A_479, %get3A_480] {strides = array<i32>} : memref<64x128xf32, #tpu.memory_space<vmem>>, vector<1x16xf32>,
      %get3A_482 = vector.shape_cast %get3A_481 : vector<1x16xf32> to vector<16xf32>
      %mul3A_483 = arith.mulf %get3A_482, %div3A_373 : vector<16xf32>
      %get3A_484 = arith.index_cast %scan3A_354 : i32 to index
      %get3A_485 = arith.constant 96 : index
      %get3A_486 = tpu.vector_load %arg17[%get3A_484, %get3A_485] {strides = array<i32>} : memref<64x128xf32, #tpu.memory_space<vmem>>, vector<1x16xf32>,
      %get3A_487 = vector.shape_cast %get3A_486 : vector<1x16xf32> to vector<16xf32>
      %sub3A_488 = arith.subf %mul3A_483, %get3A_487 : vector<16xf32>
      %mul3A_489 = arith.mulf %get3A_377, %sub3A_488 : vector<16xf32>
      %add3A_490 = arith.addf %get3A_487, %mul3A_489 : vector<16xf32>
      %swap3A_491 = arith.index_cast %scan3A_354 : i32 to index
      %swap3A_492 = arith.constant 96 : index
      %swap3A_493 = tpu.vector_load %arg15[%swap3A_491, %swap3A_492] {strides = array<i32>} : memref<64x128xf32, #tpu.memory_space<vmem>>, vector<1x16xf32>,
      %swap3A_494 = vector.shape_cast %swap3A_493 : vector<1x16xf32> to vector<16xf32>
      %swap3A_495 = vector.shape_cast %add3A_490 : vector<16xf32> to vector<1x16xf32>
      tpu.vector_store %arg15[%swap3A_491, %swap3A_492], %swap3A_495 {strides = array<i32>} : memref<64x128xf32, #tpu.memory_space<vmem>>, vector<1x16xf32>,
      %eq3A = arith.constant 15 : i32
      %eq3A_496 = vector.broadcast %eq3A : i32 to vector<16xi32>
      %eq3A_497 = arith.cmpi eq, %iota3A, %eq3A_496 : vector<16xi32>
      %select_n3A = arith.select %eq3A_497, %sub3A, %get3A_357 : vector<16xi1>, vector<16xf32>
      %mul3A_498 = arith.mulf %select_n3A, %div3A_373 : vector<16xf32>
      %get3A_499 = arith.index_cast %scan3A_354 : i32 to index
      %get3A_500 = arith.constant 112 : index
      %get3A_501 = tpu.vector_load %arg17[%get3A_499, %get3A_500] {strides = array<i32>} : memref<64x128xf32, #tpu.memory_space<vmem>>, vector<1x16xf32>,
      %get3A_502 = vector.shape_cast %get3A_501 : vector<1x16xf32> to vector<16xf32>
      %sub3A_503 = arith.subf %mul3A_498, %get3A_502 : vector<16xf32>
      %mul3A_504 = arith.mulf %get3A_377, %sub3A_503 : vector<16xf32>
      %add3A_505 = arith.addf %get3A_502, %mul3A_504 : vector<16xf32>
      %swap3A_506 = arith.index_cast %scan3A_354 : i32 to index
      %swap3A_507 = arith.constant 112 : index
      %swap3A_508 = tpu.vector_load %arg15[%swap3A_506, %swap3A_507] {strides = array<i32>} : memref<64x128xf32, #tpu.memory_space<vmem>>, vector<1x16xf32>,
      %swap3A_509 = vector.shape_cast %swap3A_508 : vector<1x16xf32> to vector<16xf32>
      %swap3A_510 = vector.shape_cast %add3A_505 : vector<16xf32> to vector<1x16xf32>
      tpu.vector_store %arg15[%swap3A_506, %swap3A_507], %swap3A_510 {strides = array<i32>} : memref<64x128xf32, #tpu.memory_space<vmem>>, vector<1x16xf32>,
    }
    %scan3A_161 = arith.constant 64 : i32
    "tpu.region"() ({
      %run_scoped3A = tpu.sem_alloc : memref<!tpu.dma_semaphore, #tpu.memory_space<semaphore_mem>>
      %dma_start3A_354 = arith.constant 0 : i32
      %dma_start3A_355 = tpu.memref_slice %arg7[%arg0, %add3A_131, %dma_start3A_354] : memref<2x10240x128xf32, #tpu.memory_space<hbm>> -> memref<1x64x128xf32, #tpu.memory_space<hbm>>
      %dma_start3A_356 = tpu.memref_squeeze %dma_start3A_355 : memref<1x64x128xf32, #tpu.memory_space<hbm>> -> memref<64x128xf32, #tpu.memory_space<hbm>>
      %dma_start3A_357 = arith.constant 0 : i32
      %dma_start3A_358 = tpu.memref_slice %arg7[%arg0, %add3A_131, %dma_start3A_357] : memref<2x10240x128xf32, #tpu.memory_space<hbm>> -> memref<1x64x128xf32, #tpu.memory_space<hbm>>
      %dma_start3A_359 = tpu.memref_squeeze %dma_start3A_358 : memref<1x64x128xf32, #tpu.memory_space<hbm>> -> memref<64x128xf32, #tpu.memory_space<hbm>>
      tpu.enqueue_dma source(%arg15 : memref<64x128xf32, #tpu.memory_space<vmem>>) target(%dma_start3A_359 : memref<64x128xf32, #tpu.memory_space<hbm>>) target_semaphore(%run_scoped3A : memref<!tpu.dma_semaphore, #tpu.memory_space<semaphore_mem>>)
      %dma_wait3A_360 = arith.constant 0 : i32
      %dma_wait3A_361 = tpu.memref_slice %arg7[%arg0, %add3A_131, %dma_wait3A_360] : memref<2x10240x128xf32, #tpu.memory_space<hbm>> -> memref<1x64x128xf32, #tpu.memory_space<hbm>>
      %dma_wait3A_362 = tpu.memref_squeeze %dma_wait3A_361 : memref<1x64x128xf32, #tpu.memory_space<hbm>> -> memref<64x128xf32, #tpu.memory_space<hbm>>
      %dma_wait3A_363 = arith.constant 0 : i32
      %dma_wait3A_364 = tpu.memref_slice %arg7[%arg0, %add3A_131, %dma_wait3A_363] : memref<2x10240x128xf32, #tpu.memory_space<hbm>> -> memref<1x64x128xf32, #tpu.memory_space<hbm>>
      %dma_wait3A_365 = tpu.memref_squeeze %dma_wait3A_364 : memref<1x64x128xf32, #tpu.memory_space<hbm>> -> memref<64x128xf32, #tpu.memory_space<hbm>>
      tpu.wait_dma2 semaphore(%run_scoped3A : memref<!tpu.dma_semaphore, #tpu.memory_space<semaphore_mem>>) src(%arg15 : memref<64x128xf32, #tpu.memory_space<vmem>>) dst(%dma_wait3A_365 : memref<64x128xf32, #tpu.memory_space<hbm>>)
      tpu.yield
    }) : () -> ()
    %add3A_162 = arith.constant 256 : i32
    %add3A_163 = arith.addi %mul3A_0, %add3A_162 : i32
    %dma_start3A_164 = arith.constant 0 : i32
    %dma_start3A_165 = tpu.memref_slice %arg8[%add3A_163, %dma_start3A_164] : memref<10240x128xf32, #tpu.memory_space<vmem_shared>> -> memref<64x128xf32, #tpu.memory_space<vmem_shared>>
    %dma_start3A_166 = arith.constant 0 : i32
    %dma_start3A_167 = tpu.memref_slice %arg8[%add3A_163, %dma_start3A_166] : memref<10240x128xf32, #tpu.memory_space<vmem_shared>> -> memref<64x128xf32, #tpu.memory_space<vmem_shared>>
    tpu.enqueue_dma source(%dma_start3A_167 : memref<64x128xf32, #tpu.memory_space<vmem_shared>>) target(%arg15 : memref<64x128xf32, #tpu.memory_space<vmem>>) target_semaphore(%arg22 : memref<!tpu.dma_semaphore, #tpu.memory_space<semaphore_mem>>)
    %dma_start3A_168 = arith.constant 0 : i32
    %dma_start3A_169 = tpu.memref_slice %arg5[%add3A_163, %dma_start3A_168] : memref<10240x128xf32, #tpu.memory_space<hbm>> -> memref<64x128xf32, #tpu.memory_space<hbm>>
    %dma_start3A_170 = arith.constant 0 : i32
    %dma_start3A_171 = tpu.memref_slice %arg5[%add3A_163, %dma_start3A_170] : memref<10240x128xf32, #tpu.memory_space<hbm>> -> memref<64x128xf32, #tpu.memory_space<hbm>>
    tpu.enqueue_dma source(%dma_start3A_171 : memref<64x128xf32, #tpu.memory_space<hbm>>) target(%arg16 : memref<64x128xf32, #tpu.memory_space<vmem>>) target_semaphore(%arg23 : memref<!tpu.dma_semaphore, #tpu.memory_space<semaphore_mem>>)
    %dma_start3A_172 = arith.constant 0 : i32
    %dma_start3A_173 = tpu.memref_slice %arg4[%add3A_163, %dma_start3A_172] : memref<10240x128xf32, #tpu.memory_space<hbm>> -> memref<64x128xf32, #tpu.memory_space<hbm>>
    %dma_start3A_174 = arith.constant 0 : i32
    %dma_start3A_175 = tpu.memref_slice %arg4[%add3A_163, %dma_start3A_174] : memref<10240x128xf32, #tpu.memory_space<hbm>> -> memref<64x128xf32, #tpu.memory_space<hbm>>
    tpu.enqueue_dma source(%dma_start3A_175 : memref<64x128xf32, #tpu.memory_space<hbm>>) target(%arg17 : memref<64x128xf32, #tpu.memory_space<vmem>>) target_semaphore(%arg24 : memref<!tpu.dma_semaphore, #tpu.memory_space<semaphore_mem>>)
    %dma_wait3A_176 = arith.constant 0 : i32
    %dma_wait3A_177 = tpu.memref_slice %arg8[%add3A_163, %dma_wait3A_176] : memref<10240x128xf32, #tpu.memory_space<vmem_shared>> -> memref<64x128xf32, #tpu.memory_space<vmem_shared>>
    %dma_wait3A_178 = arith.constant 0 : i32
    %dma_wait3A_179 = tpu.memref_slice %arg8[%add3A_163, %dma_wait3A_178] : memref<10240x128xf32, #tpu.memory_space<vmem_shared>> -> memref<64x128xf32, #tpu.memory_space<vmem_shared>>
    tpu.wait_dma2 semaphore(%arg22 : memref<!tpu.dma_semaphore, #tpu.memory_space<semaphore_mem>>) src(%dma_wait3A_179 : memref<64x128xf32, #tpu.memory_space<vmem_shared>>) dst(%arg15 : memref<64x128xf32, #tpu.memory_space<vmem>>)
    %dma_wait3A_180 = arith.constant 0 : i32
    %dma_wait3A_181 = tpu.memref_slice %arg5[%add3A_163, %dma_wait3A_180] : memref<10240x128xf32, #tpu.memory_space<hbm>> -> memref<64x128xf32, #tpu.memory_space<hbm>>
    %dma_wait3A_182 = arith.constant 0 : i32
    %dma_wait3A_183 = tpu.memref_slice %arg5[%add3A_163, %dma_wait3A_182] : memref<10240x128xf32, #tpu.memory_space<hbm>> -> memref<64x128xf32, #tpu.memory_space<hbm>>
    tpu.wait_dma2 semaphore(%arg23 : memref<!tpu.dma_semaphore, #tpu.memory_space<semaphore_mem>>) src(%dma_wait3A_183 : memref<64x128xf32, #tpu.memory_space<hbm>>) dst(%arg16 : memref<64x128xf32, #tpu.memory_space<vmem>>)
    %dma_wait3A_184 = arith.constant 0 : i32
    %dma_wait3A_185 = tpu.memref_slice %arg4[%add3A_163, %dma_wait3A_184] : memref<10240x128xf32, #tpu.memory_space<hbm>> -> memref<64x128xf32, #tpu.memory_space<hbm>>
    %dma_wait3A_186 = arith.constant 0 : i32
    %dma_wait3A_187 = tpu.memref_slice %arg4[%add3A_163, %dma_wait3A_186] : memref<10240x128xf32, #tpu.memory_space<hbm>> -> memref<64x128xf32, #tpu.memory_space<hbm>>
    tpu.wait_dma2 semaphore(%arg24 : memref<!tpu.dma_semaphore, #tpu.memory_space<semaphore_mem>>) src(%dma_wait3A_187 : memref<64x128xf32, #tpu.memory_space<hbm>>) dst(%arg17 : memref<64x128xf32, #tpu.memory_space<vmem>>)
    %scan3A_188 = arith.constant 0 : i32
    %scan3A_189 = arith.constant 0 : i32
    %scan3A_190 = arith.constant 64 : i32
    %scan3A_191 = arith.addi %scan3A_189, %scan3A_190 : i32
    %scan3A_192 = arith.constant 1 : i32
    scf.for %scan3A_354 = %scan3A_189 to %scan3A_191 step %scan3A_192  : i32 {
      %get3A = arith.index_cast %scan3A_354 : i32 to index
      %get3A_355 = arith.constant 112 : index
      %get3A_356 = tpu.vector_load %arg15[%get3A, %get3A_355] {strides = array<i32>} : memref<64x128xf32, #tpu.memory_space<vmem>>, vector<1x16xf32>,
      %get3A_357 = vector.shape_cast %get3A_356 : vector<1x16xf32> to vector<16xf32>
      %broadcast_in_dim3A = arith.constant 15 : i32
      %broadcast_in_dim3A_358 = vector.broadcast %broadcast_in_dim3A : i32 to vector<16x1xi32>
      %gather3A = vector.shape_cast %broadcast_in_dim3A_358 : vector<16x1xi32> to vector<16xi32>
      %gather3A_359 = tpu.dynamic_gather %get3A_357[%gather3A] in [0] : vector<16xf32>, vector<16xi32> -> vector<16xf32>
      %mul3A_360 = arith.constant 1.52587891E-5 : f32
      %mul3A_361 = vector.broadcast %mul3A_360 : f32 to vector<16xf32>
      %mul3A_362 = arith.mulf %gather3A_359, %mul3A_361 : vector<16xf32>
      %add3A_363 = arith.constant 5.000000e-01 : f32
      %add3A_364 = vector.broadcast %add3A_363 : f32 to vector<16xf32>
      %add3A_365 = arith.addf %mul3A_362, %add3A_364 : vector<16xf32>
      %convert_element_type3A = arith.fptosi %add3A_365 : vector<16xf32> to vector<16xi32>
      %convert_element_type3A_366 = arith.sitofp %convert_element_type3A : vector<16xi32> to vector<16xf32>
      %mul3A_367 = arith.constant 6.553600e+04 : f32
      %mul3A_368 = vector.broadcast %mul3A_367 : f32 to vector<16xf32>
      %mul3A_369 = arith.mulf %convert_element_type3A_366, %mul3A_368 : vector<16xf32>
      %sub3A = arith.subf %gather3A_359, %mul3A_369 : vector<16xf32>
      %max3A = arith.constant 1.000000e+00 : f32
      %max3A_370 = vector.broadcast %max3A : f32 to vector<16xf32>
      %max3A_371 = arith.maximumf %convert_element_type3A_366, %max3A_370 : vector<16xf32>
      %div3A = arith.constant 1.000000e+00 : f32
      %div3A_372 = vector.broadcast %div3A : f32 to vector<16xf32>
      %div3A_373 = arith.divf %div3A_372, %max3A_371 : vector<16xf32>
      %get3A_374 = arith.index_cast %scan3A_354 : i32 to index
      %get3A_375 = arith.constant 0 : index
      %get3A_376 = tpu.vector_load %arg16[%get3A_374, %get3A_375] {strides = array<i32>} : memref<64x128xf32, #tpu.memory_space<vmem>>, vector<1x16xf32>,
      %get3A_377 = vector.shape_cast %get3A_376 : vector<1x16xf32> to vector<16xf32>
      %get3A_378 = arith.index_cast %scan3A_354 : i32 to index
      %get3A_379 = arith.constant 0 : index
      %get3A_380 = tpu.vector_load %arg15[%get3A_378, %get3A_379] {strides = array<i32>} : memref<64x128xf32, #tpu.memory_space<vmem>>, vector<1x16xf32>,
      %get3A_381 = vector.shape_cast %get3A_380 : vector<1x16xf32> to vector<16xf32>
      %mul3A_382 = arith.mulf %get3A_381, %div3A_373 : vector<16xf32>
      %get3A_383 = arith.index_cast %scan3A_354 : i32 to index
      %get3A_384 = arith.constant 0 : index
      %get3A_385 = tpu.vector_load %arg17[%get3A_383, %get3A_384] {strides = array<i32>} : memref<64x128xf32, #tpu.memory_space<vmem>>, vector<1x16xf32>,
      %get3A_386 = vector.shape_cast %get3A_385 : vector<1x16xf32> to vector<16xf32>
      %sub3A_387 = arith.subf %mul3A_382, %get3A_386 : vector<16xf32>
      %mul3A_388 = arith.mulf %get3A_377, %sub3A_387 : vector<16xf32>
      %add3A_389 = arith.addf %get3A_386, %mul3A_388 : vector<16xf32>
      %swap3A = arith.index_cast %scan3A_354 : i32 to index
      %swap3A_390 = arith.constant 0 : index
      %swap3A_391 = tpu.vector_load %arg15[%swap3A, %swap3A_390] {strides = array<i32>} : memref<64x128xf32, #tpu.memory_space<vmem>>, vector<1x16xf32>,
      %swap3A_392 = vector.shape_cast %swap3A_391 : vector<1x16xf32> to vector<16xf32>
      %swap3A_393 = vector.shape_cast %add3A_389 : vector<16xf32> to vector<1x16xf32>
      tpu.vector_store %arg15[%swap3A, %swap3A_390], %swap3A_393 {strides = array<i32>} : memref<64x128xf32, #tpu.memory_space<vmem>>, vector<1x16xf32>,
      %get3A_394 = arith.index_cast %scan3A_354 : i32 to index
      %get3A_395 = arith.constant 16 : index
      %get3A_396 = tpu.vector_load %arg15[%get3A_394, %get3A_395] {strides = array<i32>} : memref<64x128xf32, #tpu.memory_space<vmem>>, vector<1x16xf32>,
      %get3A_397 = vector.shape_cast %get3A_396 : vector<1x16xf32> to vector<16xf32>
      %mul3A_398 = arith.mulf %get3A_397, %div3A_373 : vector<16xf32>
      %get3A_399 = arith.index_cast %scan3A_354 : i32 to index
      %get3A_400 = arith.constant 16 : index
      %get3A_401 = tpu.vector_load %arg17[%get3A_399, %get3A_400] {strides = array<i32>} : memref<64x128xf32, #tpu.memory_space<vmem>>, vector<1x16xf32>,
      %get3A_402 = vector.shape_cast %get3A_401 : vector<1x16xf32> to vector<16xf32>
      %sub3A_403 = arith.subf %mul3A_398, %get3A_402 : vector<16xf32>
      %mul3A_404 = arith.mulf %get3A_377, %sub3A_403 : vector<16xf32>
      %add3A_405 = arith.addf %get3A_402, %mul3A_404 : vector<16xf32>
      %swap3A_406 = arith.index_cast %scan3A_354 : i32 to index
      %swap3A_407 = arith.constant 16 : index
      %swap3A_408 = tpu.vector_load %arg15[%swap3A_406, %swap3A_407] {strides = array<i32>} : memref<64x128xf32, #tpu.memory_space<vmem>>, vector<1x16xf32>,
      %swap3A_409 = vector.shape_cast %swap3A_408 : vector<1x16xf32> to vector<16xf32>
      %swap3A_410 = vector.shape_cast %add3A_405 : vector<16xf32> to vector<1x16xf32>
      tpu.vector_store %arg15[%swap3A_406, %swap3A_407], %swap3A_410 {strides = array<i32>} : memref<64x128xf32, #tpu.memory_space<vmem>>, vector<1x16xf32>,
      %get3A_411 = arith.index_cast %scan3A_354 : i32 to index
      %get3A_412 = arith.constant 32 : index
      %get3A_413 = tpu.vector_load %arg15[%get3A_411, %get3A_412] {strides = array<i32>} : memref<64x128xf32, #tpu.memory_space<vmem>>, vector<1x16xf32>,
      %get3A_414 = vector.shape_cast %get3A_413 : vector<1x16xf32> to vector<16xf32>
      %mul3A_415 = arith.mulf %get3A_414, %div3A_373 : vector<16xf32>
      %get3A_416 = arith.index_cast %scan3A_354 : i32 to index
      %get3A_417 = arith.constant 32 : index
      %get3A_418 = tpu.vector_load %arg17[%get3A_416, %get3A_417] {strides = array<i32>} : memref<64x128xf32, #tpu.memory_space<vmem>>, vector<1x16xf32>,
      %get3A_419 = vector.shape_cast %get3A_418 : vector<1x16xf32> to vector<16xf32>
      %sub3A_420 = arith.subf %mul3A_415, %get3A_419 : vector<16xf32>
      %mul3A_421 = arith.mulf %get3A_377, %sub3A_420 : vector<16xf32>
      %add3A_422 = arith.addf %get3A_419, %mul3A_421 : vector<16xf32>
      %swap3A_423 = arith.index_cast %scan3A_354 : i32 to index
      %swap3A_424 = arith.constant 32 : index
      %swap3A_425 = tpu.vector_load %arg15[%swap3A_423, %swap3A_424] {strides = array<i32>} : memref<64x128xf32, #tpu.memory_space<vmem>>, vector<1x16xf32>,
      %swap3A_426 = vector.shape_cast %swap3A_425 : vector<1x16xf32> to vector<16xf32>
      %swap3A_427 = vector.shape_cast %add3A_422 : vector<16xf32> to vector<1x16xf32>
      tpu.vector_store %arg15[%swap3A_423, %swap3A_424], %swap3A_427 {strides = array<i32>} : memref<64x128xf32, #tpu.memory_space<vmem>>, vector<1x16xf32>,
      %get3A_428 = arith.index_cast %scan3A_354 : i32 to index
      %get3A_429 = arith.constant 48 : index
      %get3A_430 = tpu.vector_load %arg15[%get3A_428, %get3A_429] {strides = array<i32>} : memref<64x128xf32, #tpu.memory_space<vmem>>, vector<1x16xf32>,
      %get3A_431 = vector.shape_cast %get3A_430 : vector<1x16xf32> to vector<16xf32>
      %mul3A_432 = arith.mulf %get3A_431, %div3A_373 : vector<16xf32>
      %get3A_433 = arith.index_cast %scan3A_354 : i32 to index
      %get3A_434 = arith.constant 48 : index
      %get3A_435 = tpu.vector_load %arg17[%get3A_433, %get3A_434] {strides = array<i32>} : memref<64x128xf32, #tpu.memory_space<vmem>>, vector<1x16xf32>,
      %get3A_436 = vector.shape_cast %get3A_435 : vector<1x16xf32> to vector<16xf32>
      %sub3A_437 = arith.subf %mul3A_432, %get3A_436 : vector<16xf32>
      %mul3A_438 = arith.mulf %get3A_377, %sub3A_437 : vector<16xf32>
      %add3A_439 = arith.addf %get3A_436, %mul3A_438 : vector<16xf32>
      %swap3A_440 = arith.index_cast %scan3A_354 : i32 to index
      %swap3A_441 = arith.constant 48 : index
      %swap3A_442 = tpu.vector_load %arg15[%swap3A_440, %swap3A_441] {strides = array<i32>} : memref<64x128xf32, #tpu.memory_space<vmem>>, vector<1x16xf32>,
      %swap3A_443 = vector.shape_cast %swap3A_442 : vector<1x16xf32> to vector<16xf32>
      %swap3A_444 = vector.shape_cast %add3A_439 : vector<16xf32> to vector<1x16xf32>
      tpu.vector_store %arg15[%swap3A_440, %swap3A_441], %swap3A_444 {strides = array<i32>} : memref<64x128xf32, #tpu.memory_space<vmem>>, vector<1x16xf32>,
      %get3A_445 = arith.index_cast %scan3A_354 : i32 to index
      %get3A_446 = arith.constant 64 : index
      %get3A_447 = tpu.vector_load %arg15[%get3A_445, %get3A_446] {strides = array<i32>} : memref<64x128xf32, #tpu.memory_space<vmem>>, vector<1x16xf32>,
      %get3A_448 = vector.shape_cast %get3A_447 : vector<1x16xf32> to vector<16xf32>
      %mul3A_449 = arith.mulf %get3A_448, %div3A_373 : vector<16xf32>
      %get3A_450 = arith.index_cast %scan3A_354 : i32 to index
      %get3A_451 = arith.constant 64 : index
      %get3A_452 = tpu.vector_load %arg17[%get3A_450, %get3A_451] {strides = array<i32>} : memref<64x128xf32, #tpu.memory_space<vmem>>, vector<1x16xf32>,
      %get3A_453 = vector.shape_cast %get3A_452 : vector<1x16xf32> to vector<16xf32>
      %sub3A_454 = arith.subf %mul3A_449, %get3A_453 : vector<16xf32>
      %mul3A_455 = arith.mulf %get3A_377, %sub3A_454 : vector<16xf32>
      %add3A_456 = arith.addf %get3A_453, %mul3A_455 : vector<16xf32>
      %swap3A_457 = arith.index_cast %scan3A_354 : i32 to index
      %swap3A_458 = arith.constant 64 : index
      %swap3A_459 = tpu.vector_load %arg15[%swap3A_457, %swap3A_458] {strides = array<i32>} : memref<64x128xf32, #tpu.memory_space<vmem>>, vector<1x16xf32>,
      %swap3A_460 = vector.shape_cast %swap3A_459 : vector<1x16xf32> to vector<16xf32>
      %swap3A_461 = vector.shape_cast %add3A_456 : vector<16xf32> to vector<1x16xf32>
      tpu.vector_store %arg15[%swap3A_457, %swap3A_458], %swap3A_461 {strides = array<i32>} : memref<64x128xf32, #tpu.memory_space<vmem>>, vector<1x16xf32>,
      %get3A_462 = arith.index_cast %scan3A_354 : i32 to index
      %get3A_463 = arith.constant 80 : index
      %get3A_464 = tpu.vector_load %arg15[%get3A_462, %get3A_463] {strides = array<i32>} : memref<64x128xf32, #tpu.memory_space<vmem>>, vector<1x16xf32>,
      %get3A_465 = vector.shape_cast %get3A_464 : vector<1x16xf32> to vector<16xf32>
      %mul3A_466 = arith.mulf %get3A_465, %div3A_373 : vector<16xf32>
      %get3A_467 = arith.index_cast %scan3A_354 : i32 to index
      %get3A_468 = arith.constant 80 : index
      %get3A_469 = tpu.vector_load %arg17[%get3A_467, %get3A_468] {strides = array<i32>} : memref<64x128xf32, #tpu.memory_space<vmem>>, vector<1x16xf32>,
      %get3A_470 = vector.shape_cast %get3A_469 : vector<1x16xf32> to vector<16xf32>
      %sub3A_471 = arith.subf %mul3A_466, %get3A_470 : vector<16xf32>
      %mul3A_472 = arith.mulf %get3A_377, %sub3A_471 : vector<16xf32>
      %add3A_473 = arith.addf %get3A_470, %mul3A_472 : vector<16xf32>
      %swap3A_474 = arith.index_cast %scan3A_354 : i32 to index
      %swap3A_475 = arith.constant 80 : index
      %swap3A_476 = tpu.vector_load %arg15[%swap3A_474, %swap3A_475] {strides = array<i32>} : memref<64x128xf32, #tpu.memory_space<vmem>>, vector<1x16xf32>,
      %swap3A_477 = vector.shape_cast %swap3A_476 : vector<1x16xf32> to vector<16xf32>
      %swap3A_478 = vector.shape_cast %add3A_473 : vector<16xf32> to vector<1x16xf32>
      tpu.vector_store %arg15[%swap3A_474, %swap3A_475], %swap3A_478 {strides = array<i32>} : memref<64x128xf32, #tpu.memory_space<vmem>>, vector<1x16xf32>,
      %get3A_479 = arith.index_cast %scan3A_354 : i32 to index
      %get3A_480 = arith.constant 96 : index
      %get3A_481 = tpu.vector_load %arg15[%get3A_479, %get3A_480] {strides = array<i32>} : memref<64x128xf32, #tpu.memory_space<vmem>>, vector<1x16xf32>,
      %get3A_482 = vector.shape_cast %get3A_481 : vector<1x16xf32> to vector<16xf32>
      %mul3A_483 = arith.mulf %get3A_482, %div3A_373 : vector<16xf32>
      %get3A_484 = arith.index_cast %scan3A_354 : i32 to index
      %get3A_485 = arith.constant 96 : index
      %get3A_486 = tpu.vector_load %arg17[%get3A_484, %get3A_485] {strides = array<i32>} : memref<64x128xf32, #tpu.memory_space<vmem>>, vector<1x16xf32>,
      %get3A_487 = vector.shape_cast %get3A_486 : vector<1x16xf32> to vector<16xf32>
      %sub3A_488 = arith.subf %mul3A_483, %get3A_487 : vector<16xf32>
      %mul3A_489 = arith.mulf %get3A_377, %sub3A_488 : vector<16xf32>
      %add3A_490 = arith.addf %get3A_487, %mul3A_489 : vector<16xf32>
      %swap3A_491 = arith.index_cast %scan3A_354 : i32 to index
      %swap3A_492 = arith.constant 96 : index
      %swap3A_493 = tpu.vector_load %arg15[%swap3A_491, %swap3A_492] {strides = array<i32>} : memref<64x128xf32, #tpu.memory_space<vmem>>, vector<1x16xf32>,
      %swap3A_494 = vector.shape_cast %swap3A_493 : vector<1x16xf32> to vector<16xf32>
      %swap3A_495 = vector.shape_cast %add3A_490 : vector<16xf32> to vector<1x16xf32>
      tpu.vector_store %arg15[%swap3A_491, %swap3A_492], %swap3A_495 {strides = array<i32>} : memref<64x128xf32, #tpu.memory_space<vmem>>, vector<1x16xf32>,
      %eq3A = arith.constant 15 : i32
      %eq3A_496 = vector.broadcast %eq3A : i32 to vector<16xi32>
      %eq3A_497 = arith.cmpi eq, %iota3A, %eq3A_496 : vector<16xi32>
      %select_n3A = arith.select %eq3A_497, %sub3A, %get3A_357 : vector<16xi1>, vector<16xf32>
      %mul3A_498 = arith.mulf %select_n3A, %div3A_373 : vector<16xf32>
      %get3A_499 = arith.index_cast %scan3A_354 : i32 to index
      %get3A_500 = arith.constant 112 : index
      %get3A_501 = tpu.vector_load %arg17[%get3A_499, %get3A_500] {strides = array<i32>} : memref<64x128xf32, #tpu.memory_space<vmem>>, vector<1x16xf32>,
      %get3A_502 = vector.shape_cast %get3A_501 : vector<1x16xf32> to vector<16xf32>
      %sub3A_503 = arith.subf %mul3A_498, %get3A_502 : vector<16xf32>
      %mul3A_504 = arith.mulf %get3A_377, %sub3A_503 : vector<16xf32>
      %add3A_505 = arith.addf %get3A_502, %mul3A_504 : vector<16xf32>
      %swap3A_506 = arith.index_cast %scan3A_354 : i32 to index
      %swap3A_507 = arith.constant 112 : index
      %swap3A_508 = tpu.vector_load %arg15[%swap3A_506, %swap3A_507] {strides = array<i32>} : memref<64x128xf32, #tpu.memory_space<vmem>>, vector<1x16xf32>,
      %swap3A_509 = vector.shape_cast %swap3A_508 : vector<1x16xf32> to vector<16xf32>
      %swap3A_510 = vector.shape_cast %add3A_505 : vector<16xf32> to vector<1x16xf32>
      tpu.vector_store %arg15[%swap3A_506, %swap3A_507], %swap3A_510 {strides = array<i32>} : memref<64x128xf32, #tpu.memory_space<vmem>>, vector<1x16xf32>,
    }
    %scan3A_193 = arith.constant 64 : i32
    "tpu.region"() ({
      %run_scoped3A = tpu.sem_alloc : memref<!tpu.dma_semaphore, #tpu.memory_space<semaphore_mem>>
      %dma_start3A_354 = arith.constant 0 : i32
      %dma_start3A_355 = tpu.memref_slice %arg7[%arg0, %add3A_163, %dma_start3A_354] : memref<2x10240x128xf32, #tpu.memory_space<hbm>> -> memref<1x64x128xf32, #tpu.memory_space<hbm>>
      %dma_start3A_356 = tpu.memref_squeeze %dma_start3A_355 : memref<1x64x128xf32, #tpu.memory_space<hbm>> -> memref<64x128xf32, #tpu.memory_space<hbm>>
      %dma_start3A_357 = arith.constant 0 : i32
      %dma_start3A_358 = tpu.memref_slice %arg7[%arg0, %add3A_163, %dma_start3A_357] : memref<2x10240x128xf32, #tpu.memory_space<hbm>> -> memref<1x64x128xf32, #tpu.memory_space<hbm>>
      %dma_start3A_359 = tpu.memref_squeeze %dma_start3A_358 : memref<1x64x128xf32, #tpu.memory_space<hbm>> -> memref<64x128xf32, #tpu.memory_space<hbm>>
      tpu.enqueue_dma source(%arg15 : memref<64x128xf32, #tpu.memory_space<vmem>>) target(%dma_start3A_359 : memref<64x128xf32, #tpu.memory_space<hbm>>) target_semaphore(%run_scoped3A : memref<!tpu.dma_semaphore, #tpu.memory_space<semaphore_mem>>)
      %dma_wait3A_360 = arith.constant 0 : i32
      %dma_wait3A_361 = tpu.memref_slice %arg7[%arg0, %add3A_163, %dma_wait3A_360] : memref<2x10240x128xf32, #tpu.memory_space<hbm>> -> memref<1x64x128xf32, #tpu.memory_space<hbm>>
      %dma_wait3A_362 = tpu.memref_squeeze %dma_wait3A_361 : memref<1x64x128xf32, #tpu.memory_space<hbm>> -> memref<64x128xf32, #tpu.memory_space<hbm>>
      %dma_wait3A_363 = arith.constant 0 : i32
      %dma_wait3A_364 = tpu.memref_slice %arg7[%arg0, %add3A_163, %dma_wait3A_363] : memref<2x10240x128xf32, #tpu.memory_space<hbm>> -> memref<1x64x128xf32, #tpu.memory_space<hbm>>
      %dma_wait3A_365 = tpu.memref_squeeze %dma_wait3A_364 : memref<1x64x128xf32, #tpu.memory_space<hbm>> -> memref<64x128xf32, #tpu.memory_space<hbm>>
      tpu.wait_dma2 semaphore(%run_scoped3A : memref<!tpu.dma_semaphore, #tpu.memory_space<semaphore_mem>>) src(%arg15 : memref<64x128xf32, #tpu.memory_space<vmem>>) dst(%dma_wait3A_365 : memref<64x128xf32, #tpu.memory_space<hbm>>)
      tpu.yield
    }) : () -> ()
    %add3A_194 = arith.constant 320 : i32
    %add3A_195 = arith.addi %mul3A_0, %add3A_194 : i32
    %dma_start3A_196 = arith.constant 0 : i32
    %dma_start3A_197 = tpu.memref_slice %arg8[%add3A_195, %dma_start3A_196] : memref<10240x128xf32, #tpu.memory_space<vmem_shared>> -> memref<64x128xf32, #tpu.memory_space<vmem_shared>>
    %dma_start3A_198 = arith.constant 0 : i32
    %dma_start3A_199 = tpu.memref_slice %arg8[%add3A_195, %dma_start3A_198] : memref<10240x128xf32, #tpu.memory_space<vmem_shared>> -> memref<64x128xf32, #tpu.memory_space<vmem_shared>>
    tpu.enqueue_dma source(%dma_start3A_199 : memref<64x128xf32, #tpu.memory_space<vmem_shared>>) target(%arg15 : memref<64x128xf32, #tpu.memory_space<vmem>>) target_semaphore(%arg22 : memref<!tpu.dma_semaphore, #tpu.memory_space<semaphore_mem>>)
    %dma_start3A_200 = arith.constant 0 : i32
    %dma_start3A_201 = tpu.memref_slice %arg5[%add3A_195, %dma_start3A_200] : memref<10240x128xf32, #tpu.memory_space<hbm>> -> memref<64x128xf32, #tpu.memory_space<hbm>>
    %dma_start3A_202 = arith.constant 0 : i32
    %dma_start3A_203 = tpu.memref_slice %arg5[%add3A_195, %dma_start3A_202] : memref<10240x128xf32, #tpu.memory_space<hbm>> -> memref<64x128xf32, #tpu.memory_space<hbm>>
    tpu.enqueue_dma source(%dma_start3A_203 : memref<64x128xf32, #tpu.memory_space<hbm>>) target(%arg16 : memref<64x128xf32, #tpu.memory_space<vmem>>) target_semaphore(%arg23 : memref<!tpu.dma_semaphore, #tpu.memory_space<semaphore_mem>>)
    %dma_start3A_204 = arith.constant 0 : i32
    %dma_start3A_205 = tpu.memref_slice %arg4[%add3A_195, %dma_start3A_204] : memref<10240x128xf32, #tpu.memory_space<hbm>> -> memref<64x128xf32, #tpu.memory_space<hbm>>
    %dma_start3A_206 = arith.constant 0 : i32
    %dma_start3A_207 = tpu.memref_slice %arg4[%add3A_195, %dma_start3A_206] : memref<10240x128xf32, #tpu.memory_space<hbm>> -> memref<64x128xf32, #tpu.memory_space<hbm>>
    tpu.enqueue_dma source(%dma_start3A_207 : memref<64x128xf32, #tpu.memory_space<hbm>>) target(%arg17 : memref<64x128xf32, #tpu.memory_space<vmem>>) target_semaphore(%arg24 : memref<!tpu.dma_semaphore, #tpu.memory_space<semaphore_mem>>)
    %dma_wait3A_208 = arith.constant 0 : i32
    %dma_wait3A_209 = tpu.memref_slice %arg8[%add3A_195, %dma_wait3A_208] : memref<10240x128xf32, #tpu.memory_space<vmem_shared>> -> memref<64x128xf32, #tpu.memory_space<vmem_shared>>
    %dma_wait3A_210 = arith.constant 0 : i32
    %dma_wait3A_211 = tpu.memref_slice %arg8[%add3A_195, %dma_wait3A_210] : memref<10240x128xf32, #tpu.memory_space<vmem_shared>> -> memref<64x128xf32, #tpu.memory_space<vmem_shared>>
    tpu.wait_dma2 semaphore(%arg22 : memref<!tpu.dma_semaphore, #tpu.memory_space<semaphore_mem>>) src(%dma_wait3A_211 : memref<64x128xf32, #tpu.memory_space<vmem_shared>>) dst(%arg15 : memref<64x128xf32, #tpu.memory_space<vmem>>)
    %dma_wait3A_212 = arith.constant 0 : i32
    %dma_wait3A_213 = tpu.memref_slice %arg5[%add3A_195, %dma_wait3A_212] : memref<10240x128xf32, #tpu.memory_space<hbm>> -> memref<64x128xf32, #tpu.memory_space<hbm>>
    %dma_wait3A_214 = arith.constant 0 : i32
    %dma_wait3A_215 = tpu.memref_slice %arg5[%add3A_195, %dma_wait3A_214] : memref<10240x128xf32, #tpu.memory_space<hbm>> -> memref<64x128xf32, #tpu.memory_space<hbm>>
    tpu.wait_dma2 semaphore(%arg23 : memref<!tpu.dma_semaphore, #tpu.memory_space<semaphore_mem>>) src(%dma_wait3A_215 : memref<64x128xf32, #tpu.memory_space<hbm>>) dst(%arg16 : memref<64x128xf32, #tpu.memory_space<vmem>>)
    %dma_wait3A_216 = arith.constant 0 : i32
    %dma_wait3A_217 = tpu.memref_slice %arg4[%add3A_195, %dma_wait3A_216] : memref<10240x128xf32, #tpu.memory_space<hbm>> -> memref<64x128xf32, #tpu.memory_space<hbm>>
    %dma_wait3A_218 = arith.constant 0 : i32
    %dma_wait3A_219 = tpu.memref_slice %arg4[%add3A_195, %dma_wait3A_218] : memref<10240x128xf32, #tpu.memory_space<hbm>> -> memref<64x128xf32, #tpu.memory_space<hbm>>
    tpu.wait_dma2 semaphore(%arg24 : memref<!tpu.dma_semaphore, #tpu.memory_space<semaphore_mem>>) src(%dma_wait3A_219 : memref<64x128xf32, #tpu.memory_space<hbm>>) dst(%arg17 : memref<64x128xf32, #tpu.memory_space<vmem>>)
    %scan3A_220 = arith.constant 0 : i32
    %scan3A_221 = arith.constant 0 : i32
    %scan3A_222 = arith.constant 64 : i32
    %scan3A_223 = arith.addi %scan3A_221, %scan3A_222 : i32
    %scan3A_224 = arith.constant 1 : i32
    scf.for %scan3A_354 = %scan3A_221 to %scan3A_223 step %scan3A_224  : i32 {
      %get3A = arith.index_cast %scan3A_354 : i32 to index
      %get3A_355 = arith.constant 112 : index
      %get3A_356 = tpu.vector_load %arg15[%get3A, %get3A_355] {strides = array<i32>} : memref<64x128xf32, #tpu.memory_space<vmem>>, vector<1x16xf32>,
      %get3A_357 = vector.shape_cast %get3A_356 : vector<1x16xf32> to vector<16xf32>
      %broadcast_in_dim3A = arith.constant 15 : i32
      %broadcast_in_dim3A_358 = vector.broadcast %broadcast_in_dim3A : i32 to vector<16x1xi32>
      %gather3A = vector.shape_cast %broadcast_in_dim3A_358 : vector<16x1xi32> to vector<16xi32>
      %gather3A_359 = tpu.dynamic_gather %get3A_357[%gather3A] in [0] : vector<16xf32>, vector<16xi32> -> vector<16xf32>
      %mul3A_360 = arith.constant 1.52587891E-5 : f32
      %mul3A_361 = vector.broadcast %mul3A_360 : f32 to vector<16xf32>
      %mul3A_362 = arith.mulf %gather3A_359, %mul3A_361 : vector<16xf32>
      %add3A_363 = arith.constant 5.000000e-01 : f32
      %add3A_364 = vector.broadcast %add3A_363 : f32 to vector<16xf32>
      %add3A_365 = arith.addf %mul3A_362, %add3A_364 : vector<16xf32>
      %convert_element_type3A = arith.fptosi %add3A_365 : vector<16xf32> to vector<16xi32>
      %convert_element_type3A_366 = arith.sitofp %convert_element_type3A : vector<16xi32> to vector<16xf32>
      %mul3A_367 = arith.constant 6.553600e+04 : f32
      %mul3A_368 = vector.broadcast %mul3A_367 : f32 to vector<16xf32>
      %mul3A_369 = arith.mulf %convert_element_type3A_366, %mul3A_368 : vector<16xf32>
      %sub3A = arith.subf %gather3A_359, %mul3A_369 : vector<16xf32>
      %max3A = arith.constant 1.000000e+00 : f32
      %max3A_370 = vector.broadcast %max3A : f32 to vector<16xf32>
      %max3A_371 = arith.maximumf %convert_element_type3A_366, %max3A_370 : vector<16xf32>
      %div3A = arith.constant 1.000000e+00 : f32
      %div3A_372 = vector.broadcast %div3A : f32 to vector<16xf32>
      %div3A_373 = arith.divf %div3A_372, %max3A_371 : vector<16xf32>
      %get3A_374 = arith.index_cast %scan3A_354 : i32 to index
      %get3A_375 = arith.constant 0 : index
      %get3A_376 = tpu.vector_load %arg16[%get3A_374, %get3A_375] {strides = array<i32>} : memref<64x128xf32, #tpu.memory_space<vmem>>, vector<1x16xf32>,
      %get3A_377 = vector.shape_cast %get3A_376 : vector<1x16xf32> to vector<16xf32>
      %get3A_378 = arith.index_cast %scan3A_354 : i32 to index
      %get3A_379 = arith.constant 0 : index
      %get3A_380 = tpu.vector_load %arg15[%get3A_378, %get3A_379] {strides = array<i32>} : memref<64x128xf32, #tpu.memory_space<vmem>>, vector<1x16xf32>,
      %get3A_381 = vector.shape_cast %get3A_380 : vector<1x16xf32> to vector<16xf32>
      %mul3A_382 = arith.mulf %get3A_381, %div3A_373 : vector<16xf32>
      %get3A_383 = arith.index_cast %scan3A_354 : i32 to index
      %get3A_384 = arith.constant 0 : index
      %get3A_385 = tpu.vector_load %arg17[%get3A_383, %get3A_384] {strides = array<i32>} : memref<64x128xf32, #tpu.memory_space<vmem>>, vector<1x16xf32>,
      %get3A_386 = vector.shape_cast %get3A_385 : vector<1x16xf32> to vector<16xf32>
      %sub3A_387 = arith.subf %mul3A_382, %get3A_386 : vector<16xf32>
      %mul3A_388 = arith.mulf %get3A_377, %sub3A_387 : vector<16xf32>
      %add3A_389 = arith.addf %get3A_386, %mul3A_388 : vector<16xf32>
      %swap3A = arith.index_cast %scan3A_354 : i32 to index
      %swap3A_390 = arith.constant 0 : index
      %swap3A_391 = tpu.vector_load %arg15[%swap3A, %swap3A_390] {strides = array<i32>} : memref<64x128xf32, #tpu.memory_space<vmem>>, vector<1x16xf32>,
      %swap3A_392 = vector.shape_cast %swap3A_391 : vector<1x16xf32> to vector<16xf32>
      %swap3A_393 = vector.shape_cast %add3A_389 : vector<16xf32> to vector<1x16xf32>
      tpu.vector_store %arg15[%swap3A, %swap3A_390], %swap3A_393 {strides = array<i32>} : memref<64x128xf32, #tpu.memory_space<vmem>>, vector<1x16xf32>,
      %get3A_394 = arith.index_cast %scan3A_354 : i32 to index
      %get3A_395 = arith.constant 16 : index
      %get3A_396 = tpu.vector_load %arg15[%get3A_394, %get3A_395] {strides = array<i32>} : memref<64x128xf32, #tpu.memory_space<vmem>>, vector<1x16xf32>,
      %get3A_397 = vector.shape_cast %get3A_396 : vector<1x16xf32> to vector<16xf32>
      %mul3A_398 = arith.mulf %get3A_397, %div3A_373 : vector<16xf32>
      %get3A_399 = arith.index_cast %scan3A_354 : i32 to index
      %get3A_400 = arith.constant 16 : index
      %get3A_401 = tpu.vector_load %arg17[%get3A_399, %get3A_400] {strides = array<i32>} : memref<64x128xf32, #tpu.memory_space<vmem>>, vector<1x16xf32>,
      %get3A_402 = vector.shape_cast %get3A_401 : vector<1x16xf32> to vector<16xf32>
      %sub3A_403 = arith.subf %mul3A_398, %get3A_402 : vector<16xf32>
      %mul3A_404 = arith.mulf %get3A_377, %sub3A_403 : vector<16xf32>
      %add3A_405 = arith.addf %get3A_402, %mul3A_404 : vector<16xf32>
      %swap3A_406 = arith.index_cast %scan3A_354 : i32 to index
      %swap3A_407 = arith.constant 16 : index
      %swap3A_408 = tpu.vector_load %arg15[%swap3A_406, %swap3A_407] {strides = array<i32>} : memref<64x128xf32, #tpu.memory_space<vmem>>, vector<1x16xf32>,
      %swap3A_409 = vector.shape_cast %swap3A_408 : vector<1x16xf32> to vector<16xf32>
      %swap3A_410 = vector.shape_cast %add3A_405 : vector<16xf32> to vector<1x16xf32>
      tpu.vector_store %arg15[%swap3A_406, %swap3A_407], %swap3A_410 {strides = array<i32>} : memref<64x128xf32, #tpu.memory_space<vmem>>, vector<1x16xf32>,
      %get3A_411 = arith.index_cast %scan3A_354 : i32 to index
      %get3A_412 = arith.constant 32 : index
      %get3A_413 = tpu.vector_load %arg15[%get3A_411, %get3A_412] {strides = array<i32>} : memref<64x128xf32, #tpu.memory_space<vmem>>, vector<1x16xf32>,
      %get3A_414 = vector.shape_cast %get3A_413 : vector<1x16xf32> to vector<16xf32>
      %mul3A_415 = arith.mulf %get3A_414, %div3A_373 : vector<16xf32>
      %get3A_416 = arith.index_cast %scan3A_354 : i32 to index
      %get3A_417 = arith.constant 32 : index
      %get3A_418 = tpu.vector_load %arg17[%get3A_416, %get3A_417] {strides = array<i32>} : memref<64x128xf32, #tpu.memory_space<vmem>>, vector<1x16xf32>,
      %get3A_419 = vector.shape_cast %get3A_418 : vector<1x16xf32> to vector<16xf32>
      %sub3A_420 = arith.subf %mul3A_415, %get3A_419 : vector<16xf32>
      %mul3A_421 = arith.mulf %get3A_377, %sub3A_420 : vector<16xf32>
      %add3A_422 = arith.addf %get3A_419, %mul3A_421 : vector<16xf32>
      %swap3A_423 = arith.index_cast %scan3A_354 : i32 to index
      %swap3A_424 = arith.constant 32 : index
      %swap3A_425 = tpu.vector_load %arg15[%swap3A_423, %swap3A_424] {strides = array<i32>} : memref<64x128xf32, #tpu.memory_space<vmem>>, vector<1x16xf32>,
      %swap3A_426 = vector.shape_cast %swap3A_425 : vector<1x16xf32> to vector<16xf32>
      %swap3A_427 = vector.shape_cast %add3A_422 : vector<16xf32> to vector<1x16xf32>
      tpu.vector_store %arg15[%swap3A_423, %swap3A_424], %swap3A_427 {strides = array<i32>} : memref<64x128xf32, #tpu.memory_space<vmem>>, vector<1x16xf32>,
      %get3A_428 = arith.index_cast %scan3A_354 : i32 to index
      %get3A_429 = arith.constant 48 : index
      %get3A_430 = tpu.vector_load %arg15[%get3A_428, %get3A_429] {strides = array<i32>} : memref<64x128xf32, #tpu.memory_space<vmem>>, vector<1x16xf32>,
      %get3A_431 = vector.shape_cast %get3A_430 : vector<1x16xf32> to vector<16xf32>
      %mul3A_432 = arith.mulf %get3A_431, %div3A_373 : vector<16xf32>
      %get3A_433 = arith.index_cast %scan3A_354 : i32 to index
      %get3A_434 = arith.constant 48 : index
      %get3A_435 = tpu.vector_load %arg17[%get3A_433, %get3A_434] {strides = array<i32>} : memref<64x128xf32, #tpu.memory_space<vmem>>, vector<1x16xf32>,
      %get3A_436 = vector.shape_cast %get3A_435 : vector<1x16xf32> to vector<16xf32>
      %sub3A_437 = arith.subf %mul3A_432, %get3A_436 : vector<16xf32>
      %mul3A_438 = arith.mulf %get3A_377, %sub3A_437 : vector<16xf32>
      %add3A_439 = arith.addf %get3A_436, %mul3A_438 : vector<16xf32>
      %swap3A_440 = arith.index_cast %scan3A_354 : i32 to index
      %swap3A_441 = arith.constant 48 : index
      %swap3A_442 = tpu.vector_load %arg15[%swap3A_440, %swap3A_441] {strides = array<i32>} : memref<64x128xf32, #tpu.memory_space<vmem>>, vector<1x16xf32>,
      %swap3A_443 = vector.shape_cast %swap3A_442 : vector<1x16xf32> to vector<16xf32>
      %swap3A_444 = vector.shape_cast %add3A_439 : vector<16xf32> to vector<1x16xf32>
      tpu.vector_store %arg15[%swap3A_440, %swap3A_441], %swap3A_444 {strides = array<i32>} : memref<64x128xf32, #tpu.memory_space<vmem>>, vector<1x16xf32>,
      %get3A_445 = arith.index_cast %scan3A_354 : i32 to index
      %get3A_446 = arith.constant 64 : index
      %get3A_447 = tpu.vector_load %arg15[%get3A_445, %get3A_446] {strides = array<i32>} : memref<64x128xf32, #tpu.memory_space<vmem>>, vector<1x16xf32>,
      %get3A_448 = vector.shape_cast %get3A_447 : vector<1x16xf32> to vector<16xf32>
      %mul3A_449 = arith.mulf %get3A_448, %div3A_373 : vector<16xf32>
      %get3A_450 = arith.index_cast %scan3A_354 : i32 to index
      %get3A_451 = arith.constant 64 : index
      %get3A_452 = tpu.vector_load %arg17[%get3A_450, %get3A_451] {strides = array<i32>} : memref<64x128xf32, #tpu.memory_space<vmem>>, vector<1x16xf32>,
      %get3A_453 = vector.shape_cast %get3A_452 : vector<1x16xf32> to vector<16xf32>
      %sub3A_454 = arith.subf %mul3A_449, %get3A_453 : vector<16xf32>
      %mul3A_455 = arith.mulf %get3A_377, %sub3A_454 : vector<16xf32>
      %add3A_456 = arith.addf %get3A_453, %mul3A_455 : vector<16xf32>
      %swap3A_457 = arith.index_cast %scan3A_354 : i32 to index
      %swap3A_458 = arith.constant 64 : index
      %swap3A_459 = tpu.vector_load %arg15[%swap3A_457, %swap3A_458] {strides = array<i32>} : memref<64x128xf32, #tpu.memory_space<vmem>>, vector<1x16xf32>,
      %swap3A_460 = vector.shape_cast %swap3A_459 : vector<1x16xf32> to vector<16xf32>
      %swap3A_461 = vector.shape_cast %add3A_456 : vector<16xf32> to vector<1x16xf32>
      tpu.vector_store %arg15[%swap3A_457, %swap3A_458], %swap3A_461 {strides = array<i32>} : memref<64x128xf32, #tpu.memory_space<vmem>>, vector<1x16xf32>,
      %get3A_462 = arith.index_cast %scan3A_354 : i32 to index
      %get3A_463 = arith.constant 80 : index
      %get3A_464 = tpu.vector_load %arg15[%get3A_462, %get3A_463] {strides = array<i32>} : memref<64x128xf32, #tpu.memory_space<vmem>>, vector<1x16xf32>,
      %get3A_465 = vector.shape_cast %get3A_464 : vector<1x16xf32> to vector<16xf32>
      %mul3A_466 = arith.mulf %get3A_465, %div3A_373 : vector<16xf32>
      %get3A_467 = arith.index_cast %scan3A_354 : i32 to index
      %get3A_468 = arith.constant 80 : index
      %get3A_469 = tpu.vector_load %arg17[%get3A_467, %get3A_468] {strides = array<i32>} : memref<64x128xf32, #tpu.memory_space<vmem>>, vector<1x16xf32>,
      %get3A_470 = vector.shape_cast %get3A_469 : vector<1x16xf32> to vector<16xf32>
      %sub3A_471 = arith.subf %mul3A_466, %get3A_470 : vector<16xf32>
      %mul3A_472 = arith.mulf %get3A_377, %sub3A_471 : vector<16xf32>
      %add3A_473 = arith.addf %get3A_470, %mul3A_472 : vector<16xf32>
      %swap3A_474 = arith.index_cast %scan3A_354 : i32 to index
      %swap3A_475 = arith.constant 80 : index
      %swap3A_476 = tpu.vector_load %arg15[%swap3A_474, %swap3A_475] {strides = array<i32>} : memref<64x128xf32, #tpu.memory_space<vmem>>, vector<1x16xf32>,
      %swap3A_477 = vector.shape_cast %swap3A_476 : vector<1x16xf32> to vector<16xf32>
      %swap3A_478 = vector.shape_cast %add3A_473 : vector<16xf32> to vector<1x16xf32>
      tpu.vector_store %arg15[%swap3A_474, %swap3A_475], %swap3A_478 {strides = array<i32>} : memref<64x128xf32, #tpu.memory_space<vmem>>, vector<1x16xf32>,
      %get3A_479 = arith.index_cast %scan3A_354 : i32 to index
      %get3A_480 = arith.constant 96 : index
      %get3A_481 = tpu.vector_load %arg15[%get3A_479, %get3A_480] {strides = array<i32>} : memref<64x128xf32, #tpu.memory_space<vmem>>, vector<1x16xf32>,
      %get3A_482 = vector.shape_cast %get3A_481 : vector<1x16xf32> to vector<16xf32>
      %mul3A_483 = arith.mulf %get3A_482, %div3A_373 : vector<16xf32>
      %get3A_484 = arith.index_cast %scan3A_354 : i32 to index
      %get3A_485 = arith.constant 96 : index
      %get3A_486 = tpu.vector_load %arg17[%get3A_484, %get3A_485] {strides = array<i32>} : memref<64x128xf32, #tpu.memory_space<vmem>>, vector<1x16xf32>,
      %get3A_487 = vector.shape_cast %get3A_486 : vector<1x16xf32> to vector<16xf32>
      %sub3A_488 = arith.subf %mul3A_483, %get3A_487 : vector<16xf32>
      %mul3A_489 = arith.mulf %get3A_377, %sub3A_488 : vector<16xf32>
      %add3A_490 = arith.addf %get3A_487, %mul3A_489 : vector<16xf32>
      %swap3A_491 = arith.index_cast %scan3A_354 : i32 to index
      %swap3A_492 = arith.constant 96 : index
      %swap3A_493 = tpu.vector_load %arg15[%swap3A_491, %swap3A_492] {strides = array<i32>} : memref<64x128xf32, #tpu.memory_space<vmem>>, vector<1x16xf32>,
      %swap3A_494 = vector.shape_cast %swap3A_493 : vector<1x16xf32> to vector<16xf32>
      %swap3A_495 = vector.shape_cast %add3A_490 : vector<16xf32> to vector<1x16xf32>
      tpu.vector_store %arg15[%swap3A_491, %swap3A_492], %swap3A_495 {strides = array<i32>} : memref<64x128xf32, #tpu.memory_space<vmem>>, vector<1x16xf32>,
      %eq3A = arith.constant 15 : i32
      %eq3A_496 = vector.broadcast %eq3A : i32 to vector<16xi32>
      %eq3A_497 = arith.cmpi eq, %iota3A, %eq3A_496 : vector<16xi32>
      %select_n3A = arith.select %eq3A_497, %sub3A, %get3A_357 : vector<16xi1>, vector<16xf32>
      %mul3A_498 = arith.mulf %select_n3A, %div3A_373 : vector<16xf32>
      %get3A_499 = arith.index_cast %scan3A_354 : i32 to index
      %get3A_500 = arith.constant 112 : index
      %get3A_501 = tpu.vector_load %arg17[%get3A_499, %get3A_500] {strides = array<i32>} : memref<64x128xf32, #tpu.memory_space<vmem>>, vector<1x16xf32>,
      %get3A_502 = vector.shape_cast %get3A_501 : vector<1x16xf32> to vector<16xf32>
      %sub3A_503 = arith.subf %mul3A_498, %get3A_502 : vector<16xf32>
      %mul3A_504 = arith.mulf %get3A_377, %sub3A_503 : vector<16xf32>
      %add3A_505 = arith.addf %get3A_502, %mul3A_504 : vector<16xf32>
      %swap3A_506 = arith.index_cast %scan3A_354 : i32 to index
      %swap3A_507 = arith.constant 112 : index
      %swap3A_508 = tpu.vector_load %arg15[%swap3A_506, %swap3A_507] {strides = array<i32>} : memref<64x128xf32, #tpu.memory_space<vmem>>, vector<1x16xf32>,
      %swap3A_509 = vector.shape_cast %swap3A_508 : vector<1x16xf32> to vector<16xf32>
      %swap3A_510 = vector.shape_cast %add3A_505 : vector<16xf32> to vector<1x16xf32>
      tpu.vector_store %arg15[%swap3A_506, %swap3A_507], %swap3A_510 {strides = array<i32>} : memref<64x128xf32, #tpu.memory_space<vmem>>, vector<1x16xf32>,
    }
    %scan3A_225 = arith.constant 64 : i32
    "tpu.region"() ({
      %run_scoped3A = tpu.sem_alloc : memref<!tpu.dma_semaphore, #tpu.memory_space<semaphore_mem>>
      %dma_start3A_354 = arith.constant 0 : i32
      %dma_start3A_355 = tpu.memref_slice %arg7[%arg0, %add3A_195, %dma_start3A_354] : memref<2x10240x128xf32, #tpu.memory_space<hbm>> -> memref<1x64x128xf32, #tpu.memory_space<hbm>>
      %dma_start3A_356 = tpu.memref_squeeze %dma_start3A_355 : memref<1x64x128xf32, #tpu.memory_space<hbm>> -> memref<64x128xf32, #tpu.memory_space<hbm>>
      %dma_start3A_357 = arith.constant 0 : i32
      %dma_start3A_358 = tpu.memref_slice %arg7[%arg0, %add3A_195, %dma_start3A_357] : memref<2x10240x128xf32, #tpu.memory_space<hbm>> -> memref<1x64x128xf32, #tpu.memory_space<hbm>>
      %dma_start3A_359 = tpu.memref_squeeze %dma_start3A_358 : memref<1x64x128xf32, #tpu.memory_space<hbm>> -> memref<64x128xf32, #tpu.memory_space<hbm>>
      tpu.enqueue_dma source(%arg15 : memref<64x128xf32, #tpu.memory_space<vmem>>) target(%dma_start3A_359 : memref<64x128xf32, #tpu.memory_space<hbm>>) target_semaphore(%run_scoped3A : memref<!tpu.dma_semaphore, #tpu.memory_space<semaphore_mem>>)
      %dma_wait3A_360 = arith.constant 0 : i32
      %dma_wait3A_361 = tpu.memref_slice %arg7[%arg0, %add3A_195, %dma_wait3A_360] : memref<2x10240x128xf32, #tpu.memory_space<hbm>> -> memref<1x64x128xf32, #tpu.memory_space<hbm>>
      %dma_wait3A_362 = tpu.memref_squeeze %dma_wait3A_361 : memref<1x64x128xf32, #tpu.memory_space<hbm>> -> memref<64x128xf32, #tpu.memory_space<hbm>>
      %dma_wait3A_363 = arith.constant 0 : i32
      %dma_wait3A_364 = tpu.memref_slice %arg7[%arg0, %add3A_195, %dma_wait3A_363] : memref<2x10240x128xf32, #tpu.memory_space<hbm>> -> memref<1x64x128xf32, #tpu.memory_space<hbm>>
      %dma_wait3A_365 = tpu.memref_squeeze %dma_wait3A_364 : memref<1x64x128xf32, #tpu.memory_space<hbm>> -> memref<64x128xf32, #tpu.memory_space<hbm>>
      tpu.wait_dma2 semaphore(%run_scoped3A : memref<!tpu.dma_semaphore, #tpu.memory_space<semaphore_mem>>) src(%arg15 : memref<64x128xf32, #tpu.memory_space<vmem>>) dst(%dma_wait3A_365 : memref<64x128xf32, #tpu.memory_space<hbm>>)
      tpu.yield
    }) : () -> ()
    %add3A_226 = arith.constant 384 : i32
    %add3A_227 = arith.addi %mul3A_0, %add3A_226 : i32
    %dma_start3A_228 = arith.constant 0 : i32
    %dma_start3A_229 = tpu.memref_slice %arg8[%add3A_227, %dma_start3A_228] : memref<10240x128xf32, #tpu.memory_space<vmem_shared>> -> memref<64x128xf32, #tpu.memory_space<vmem_shared>>
    %dma_start3A_230 = arith.constant 0 : i32
    %dma_start3A_231 = tpu.memref_slice %arg8[%add3A_227, %dma_start3A_230] : memref<10240x128xf32, #tpu.memory_space<vmem_shared>> -> memref<64x128xf32, #tpu.memory_space<vmem_shared>>
    tpu.enqueue_dma source(%dma_start3A_231 : memref<64x128xf32, #tpu.memory_space<vmem_shared>>) target(%arg15 : memref<64x128xf32, #tpu.memory_space<vmem>>) target_semaphore(%arg22 : memref<!tpu.dma_semaphore, #tpu.memory_space<semaphore_mem>>)
    %dma_start3A_232 = arith.constant 0 : i32
    %dma_start3A_233 = tpu.memref_slice %arg5[%add3A_227, %dma_start3A_232] : memref<10240x128xf32, #tpu.memory_space<hbm>> -> memref<64x128xf32, #tpu.memory_space<hbm>>
    %dma_start3A_234 = arith.constant 0 : i32
    %dma_start3A_235 = tpu.memref_slice %arg5[%add3A_227, %dma_start3A_234] : memref<10240x128xf32, #tpu.memory_space<hbm>> -> memref<64x128xf32, #tpu.memory_space<hbm>>
    tpu.enqueue_dma source(%dma_start3A_235 : memref<64x128xf32, #tpu.memory_space<hbm>>) target(%arg16 : memref<64x128xf32, #tpu.memory_space<vmem>>) target_semaphore(%arg23 : memref<!tpu.dma_semaphore, #tpu.memory_space<semaphore_mem>>)
    %dma_start3A_236 = arith.constant 0 : i32
    %dma_start3A_237 = tpu.memref_slice %arg4[%add3A_227, %dma_start3A_236] : memref<10240x128xf32, #tpu.memory_space<hbm>> -> memref<64x128xf32, #tpu.memory_space<hbm>>
    %dma_start3A_238 = arith.constant 0 : i32
    %dma_start3A_239 = tpu.memref_slice %arg4[%add3A_227, %dma_start3A_238] : memref<10240x128xf32, #tpu.memory_space<hbm>> -> memref<64x128xf32, #tpu.memory_space<hbm>>
    tpu.enqueue_dma source(%dma_start3A_239 : memref<64x128xf32, #tpu.memory_space<hbm>>) target(%arg17 : memref<64x128xf32, #tpu.memory_space<vmem>>) target_semaphore(%arg24 : memref<!tpu.dma_semaphore, #tpu.memory_space<semaphore_mem>>)
    %dma_wait3A_240 = arith.constant 0 : i32
    %dma_wait3A_241 = tpu.memref_slice %arg8[%add3A_227, %dma_wait3A_240] : memref<10240x128xf32, #tpu.memory_space<vmem_shared>> -> memref<64x128xf32, #tpu.memory_space<vmem_shared>>
    %dma_wait3A_242 = arith.constant 0 : i32
    %dma_wait3A_243 = tpu.memref_slice %arg8[%add3A_227, %dma_wait3A_242] : memref<10240x128xf32, #tpu.memory_space<vmem_shared>> -> memref<64x128xf32, #tpu.memory_space<vmem_shared>>
    tpu.wait_dma2 semaphore(%arg22 : memref<!tpu.dma_semaphore, #tpu.memory_space<semaphore_mem>>) src(%dma_wait3A_243 : memref<64x128xf32, #tpu.memory_space<vmem_shared>>) dst(%arg15 : memref<64x128xf32, #tpu.memory_space<vmem>>)
    %dma_wait3A_244 = arith.constant 0 : i32
    %dma_wait3A_245 = tpu.memref_slice %arg5[%add3A_227, %dma_wait3A_244] : memref<10240x128xf32, #tpu.memory_space<hbm>> -> memref<64x128xf32, #tpu.memory_space<hbm>>
    %dma_wait3A_246 = arith.constant 0 : i32
    %dma_wait3A_247 = tpu.memref_slice %arg5[%add3A_227, %dma_wait3A_246] : memref<10240x128xf32, #tpu.memory_space<hbm>> -> memref<64x128xf32, #tpu.memory_space<hbm>>
    tpu.wait_dma2 semaphore(%arg23 : memref<!tpu.dma_semaphore, #tpu.memory_space<semaphore_mem>>) src(%dma_wait3A_247 : memref<64x128xf32, #tpu.memory_space<hbm>>) dst(%arg16 : memref<64x128xf32, #tpu.memory_space<vmem>>)
    %dma_wait3A_248 = arith.constant 0 : i32
    %dma_wait3A_249 = tpu.memref_slice %arg4[%add3A_227, %dma_wait3A_248] : memref<10240x128xf32, #tpu.memory_space<hbm>> -> memref<64x128xf32, #tpu.memory_space<hbm>>
    %dma_wait3A_250 = arith.constant 0 : i32
    %dma_wait3A_251 = tpu.memref_slice %arg4[%add3A_227, %dma_wait3A_250] : memref<10240x128xf32, #tpu.memory_space<hbm>> -> memref<64x128xf32, #tpu.memory_space<hbm>>
    tpu.wait_dma2 semaphore(%arg24 : memref<!tpu.dma_semaphore, #tpu.memory_space<semaphore_mem>>) src(%dma_wait3A_251 : memref<64x128xf32, #tpu.memory_space<hbm>>) dst(%arg17 : memref<64x128xf32, #tpu.memory_space<vmem>>)
    %scan3A_252 = arith.constant 0 : i32
    %scan3A_253 = arith.constant 0 : i32
    %scan3A_254 = arith.constant 64 : i32
    %scan3A_255 = arith.addi %scan3A_253, %scan3A_254 : i32
    %scan3A_256 = arith.constant 1 : i32
    scf.for %scan3A_354 = %scan3A_253 to %scan3A_255 step %scan3A_256  : i32 {
      %get3A = arith.index_cast %scan3A_354 : i32 to index
      %get3A_355 = arith.constant 112 : index
      %get3A_356 = tpu.vector_load %arg15[%get3A, %get3A_355] {strides = array<i32>} : memref<64x128xf32, #tpu.memory_space<vmem>>, vector<1x16xf32>,
      %get3A_357 = vector.shape_cast %get3A_356 : vector<1x16xf32> to vector<16xf32>
      %broadcast_in_dim3A = arith.constant 15 : i32
      %broadcast_in_dim3A_358 = vector.broadcast %broadcast_in_dim3A : i32 to vector<16x1xi32>
      %gather3A = vector.shape_cast %broadcast_in_dim3A_358 : vector<16x1xi32> to vector<16xi32>
      %gather3A_359 = tpu.dynamic_gather %get3A_357[%gather3A] in [0] : vector<16xf32>, vector<16xi32> -> vector<16xf32>
      %mul3A_360 = arith.constant 1.52587891E-5 : f32
      %mul3A_361 = vector.broadcast %mul3A_360 : f32 to vector<16xf32>
      %mul3A_362 = arith.mulf %gather3A_359, %mul3A_361 : vector<16xf32>
      %add3A_363 = arith.constant 5.000000e-01 : f32
      %add3A_364 = vector.broadcast %add3A_363 : f32 to vector<16xf32>
      %add3A_365 = arith.addf %mul3A_362, %add3A_364 : vector<16xf32>
      %convert_element_type3A = arith.fptosi %add3A_365 : vector<16xf32> to vector<16xi32>
      %convert_element_type3A_366 = arith.sitofp %convert_element_type3A : vector<16xi32> to vector<16xf32>
      %mul3A_367 = arith.constant 6.553600e+04 : f32
      %mul3A_368 = vector.broadcast %mul3A_367 : f32 to vector<16xf32>
      %mul3A_369 = arith.mulf %convert_element_type3A_366, %mul3A_368 : vector<16xf32>
      %sub3A = arith.subf %gather3A_359, %mul3A_369 : vector<16xf32>
      %max3A = arith.constant 1.000000e+00 : f32
      %max3A_370 = vector.broadcast %max3A : f32 to vector<16xf32>
      %max3A_371 = arith.maximumf %convert_element_type3A_366, %max3A_370 : vector<16xf32>
      %div3A = arith.constant 1.000000e+00 : f32
      %div3A_372 = vector.broadcast %div3A : f32 to vector<16xf32>
      %div3A_373 = arith.divf %div3A_372, %max3A_371 : vector<16xf32>
      %get3A_374 = arith.index_cast %scan3A_354 : i32 to index
      %get3A_375 = arith.constant 0 : index
      %get3A_376 = tpu.vector_load %arg16[%get3A_374, %get3A_375] {strides = array<i32>} : memref<64x128xf32, #tpu.memory_space<vmem>>, vector<1x16xf32>,
      %get3A_377 = vector.shape_cast %get3A_376 : vector<1x16xf32> to vector<16xf32>
      %get3A_378 = arith.index_cast %scan3A_354 : i32 to index
      %get3A_379 = arith.constant 0 : index
      %get3A_380 = tpu.vector_load %arg15[%get3A_378, %get3A_379] {strides = array<i32>} : memref<64x128xf32, #tpu.memory_space<vmem>>, vector<1x16xf32>,
      %get3A_381 = vector.shape_cast %get3A_380 : vector<1x16xf32> to vector<16xf32>
      %mul3A_382 = arith.mulf %get3A_381, %div3A_373 : vector<16xf32>
      %get3A_383 = arith.index_cast %scan3A_354 : i32 to index
      %get3A_384 = arith.constant 0 : index
      %get3A_385 = tpu.vector_load %arg17[%get3A_383, %get3A_384] {strides = array<i32>} : memref<64x128xf32, #tpu.memory_space<vmem>>, vector<1x16xf32>,
      %get3A_386 = vector.shape_cast %get3A_385 : vector<1x16xf32> to vector<16xf32>
      %sub3A_387 = arith.subf %mul3A_382, %get3A_386 : vector<16xf32>
      %mul3A_388 = arith.mulf %get3A_377, %sub3A_387 : vector<16xf32>
      %add3A_389 = arith.addf %get3A_386, %mul3A_388 : vector<16xf32>
      %swap3A = arith.index_cast %scan3A_354 : i32 to index
      %swap3A_390 = arith.constant 0 : index
      %swap3A_391 = tpu.vector_load %arg15[%swap3A, %swap3A_390] {strides = array<i32>} : memref<64x128xf32, #tpu.memory_space<vmem>>, vector<1x16xf32>,
      %swap3A_392 = vector.shape_cast %swap3A_391 : vector<1x16xf32> to vector<16xf32>
      %swap3A_393 = vector.shape_cast %add3A_389 : vector<16xf32> to vector<1x16xf32>
      tpu.vector_store %arg15[%swap3A, %swap3A_390], %swap3A_393 {strides = array<i32>} : memref<64x128xf32, #tpu.memory_space<vmem>>, vector<1x16xf32>,
      %get3A_394 = arith.index_cast %scan3A_354 : i32 to index
      %get3A_395 = arith.constant 16 : index
      %get3A_396 = tpu.vector_load %arg15[%get3A_394, %get3A_395] {strides = array<i32>} : memref<64x128xf32, #tpu.memory_space<vmem>>, vector<1x16xf32>,
      %get3A_397 = vector.shape_cast %get3A_396 : vector<1x16xf32> to vector<16xf32>
      %mul3A_398 = arith.mulf %get3A_397, %div3A_373 : vector<16xf32>
      %get3A_399 = arith.index_cast %scan3A_354 : i32 to index
      %get3A_400 = arith.constant 16 : index
      %get3A_401 = tpu.vector_load %arg17[%get3A_399, %get3A_400] {strides = array<i32>} : memref<64x128xf32, #tpu.memory_space<vmem>>, vector<1x16xf32>,
      %get3A_402 = vector.shape_cast %get3A_401 : vector<1x16xf32> to vector<16xf32>
      %sub3A_403 = arith.subf %mul3A_398, %get3A_402 : vector<16xf32>
      %mul3A_404 = arith.mulf %get3A_377, %sub3A_403 : vector<16xf32>
      %add3A_405 = arith.addf %get3A_402, %mul3A_404 : vector<16xf32>
      %swap3A_406 = arith.index_cast %scan3A_354 : i32 to index
      %swap3A_407 = arith.constant 16 : index
      %swap3A_408 = tpu.vector_load %arg15[%swap3A_406, %swap3A_407] {strides = array<i32>} : memref<64x128xf32, #tpu.memory_space<vmem>>, vector<1x16xf32>,
      %swap3A_409 = vector.shape_cast %swap3A_408 : vector<1x16xf32> to vector<16xf32>
      %swap3A_410 = vector.shape_cast %add3A_405 : vector<16xf32> to vector<1x16xf32>
      tpu.vector_store %arg15[%swap3A_406, %swap3A_407], %swap3A_410 {strides = array<i32>} : memref<64x128xf32, #tpu.memory_space<vmem>>, vector<1x16xf32>,
      %get3A_411 = arith.index_cast %scan3A_354 : i32 to index
      %get3A_412 = arith.constant 32 : index
      %get3A_413 = tpu.vector_load %arg15[%get3A_411, %get3A_412] {strides = array<i32>} : memref<64x128xf32, #tpu.memory_space<vmem>>, vector<1x16xf32>,
      %get3A_414 = vector.shape_cast %get3A_413 : vector<1x16xf32> to vector<16xf32>
      %mul3A_415 = arith.mulf %get3A_414, %div3A_373 : vector<16xf32>
      %get3A_416 = arith.index_cast %scan3A_354 : i32 to index
      %get3A_417 = arith.constant 32 : index
      %get3A_418 = tpu.vector_load %arg17[%get3A_416, %get3A_417] {strides = array<i32>} : memref<64x128xf32, #tpu.memory_space<vmem>>, vector<1x16xf32>,
      %get3A_419 = vector.shape_cast %get3A_418 : vector<1x16xf32> to vector<16xf32>
      %sub3A_420 = arith.subf %mul3A_415, %get3A_419 : vector<16xf32>
      %mul3A_421 = arith.mulf %get3A_377, %sub3A_420 : vector<16xf32>
      %add3A_422 = arith.addf %get3A_419, %mul3A_421 : vector<16xf32>
      %swap3A_423 = arith.index_cast %scan3A_354 : i32 to index
      %swap3A_424 = arith.constant 32 : index
      %swap3A_425 = tpu.vector_load %arg15[%swap3A_423, %swap3A_424] {strides = array<i32>} : memref<64x128xf32, #tpu.memory_space<vmem>>, vector<1x16xf32>,
      %swap3A_426 = vector.shape_cast %swap3A_425 : vector<1x16xf32> to vector<16xf32>
      %swap3A_427 = vector.shape_cast %add3A_422 : vector<16xf32> to vector<1x16xf32>
      tpu.vector_store %arg15[%swap3A_423, %swap3A_424], %swap3A_427 {strides = array<i32>} : memref<64x128xf32, #tpu.memory_space<vmem>>, vector<1x16xf32>,
      %get3A_428 = arith.index_cast %scan3A_354 : i32 to index
      %get3A_429 = arith.constant 48 : index
      %get3A_430 = tpu.vector_load %arg15[%get3A_428, %get3A_429] {strides = array<i32>} : memref<64x128xf32, #tpu.memory_space<vmem>>, vector<1x16xf32>,
      %get3A_431 = vector.shape_cast %get3A_430 : vector<1x16xf32> to vector<16xf32>
      %mul3A_432 = arith.mulf %get3A_431, %div3A_373 : vector<16xf32>
      %get3A_433 = arith.index_cast %scan3A_354 : i32 to index
      %get3A_434 = arith.constant 48 : index
      %get3A_435 = tpu.vector_load %arg17[%get3A_433, %get3A_434] {strides = array<i32>} : memref<64x128xf32, #tpu.memory_space<vmem>>, vector<1x16xf32>,
      %get3A_436 = vector.shape_cast %get3A_435 : vector<1x16xf32> to vector<16xf32>
      %sub3A_437 = arith.subf %mul3A_432, %get3A_436 : vector<16xf32>
      %mul3A_438 = arith.mulf %get3A_377, %sub3A_437 : vector<16xf32>
      %add3A_439 = arith.addf %get3A_436, %mul3A_438 : vector<16xf32>
      %swap3A_440 = arith.index_cast %scan3A_354 : i32 to index
      %swap3A_441 = arith.constant 48 : index
      %swap3A_442 = tpu.vector_load %arg15[%swap3A_440, %swap3A_441] {strides = array<i32>} : memref<64x128xf32, #tpu.memory_space<vmem>>, vector<1x16xf32>,
      %swap3A_443 = vector.shape_cast %swap3A_442 : vector<1x16xf32> to vector<16xf32>
      %swap3A_444 = vector.shape_cast %add3A_439 : vector<16xf32> to vector<1x16xf32>
      tpu.vector_store %arg15[%swap3A_440, %swap3A_441], %swap3A_444 {strides = array<i32>} : memref<64x128xf32, #tpu.memory_space<vmem>>, vector<1x16xf32>,
      %get3A_445 = arith.index_cast %scan3A_354 : i32 to index
      %get3A_446 = arith.constant 64 : index
      %get3A_447 = tpu.vector_load %arg15[%get3A_445, %get3A_446] {strides = array<i32>} : memref<64x128xf32, #tpu.memory_space<vmem>>, vector<1x16xf32>,
      %get3A_448 = vector.shape_cast %get3A_447 : vector<1x16xf32> to vector<16xf32>
      %mul3A_449 = arith.mulf %get3A_448, %div3A_373 : vector<16xf32>
      %get3A_450 = arith.index_cast %scan3A_354 : i32 to index
      %get3A_451 = arith.constant 64 : index
      %get3A_452 = tpu.vector_load %arg17[%get3A_450, %get3A_451] {strides = array<i32>} : memref<64x128xf32, #tpu.memory_space<vmem>>, vector<1x16xf32>,
      %get3A_453 = vector.shape_cast %get3A_452 : vector<1x16xf32> to vector<16xf32>
      %sub3A_454 = arith.subf %mul3A_449, %get3A_453 : vector<16xf32>
      %mul3A_455 = arith.mulf %get3A_377, %sub3A_454 : vector<16xf32>
      %add3A_456 = arith.addf %get3A_453, %mul3A_455 : vector<16xf32>
      %swap3A_457 = arith.index_cast %scan3A_354 : i32 to index
      %swap3A_458 = arith.constant 64 : index
      %swap3A_459 = tpu.vector_load %arg15[%swap3A_457, %swap3A_458] {strides = array<i32>} : memref<64x128xf32, #tpu.memory_space<vmem>>, vector<1x16xf32>,
      %swap3A_460 = vector.shape_cast %swap3A_459 : vector<1x16xf32> to vector<16xf32>
      %swap3A_461 = vector.shape_cast %add3A_456 : vector<16xf32> to vector<1x16xf32>
      tpu.vector_store %arg15[%swap3A_457, %swap3A_458], %swap3A_461 {strides = array<i32>} : memref<64x128xf32, #tpu.memory_space<vmem>>, vector<1x16xf32>,
      %get3A_462 = arith.index_cast %scan3A_354 : i32 to index
      %get3A_463 = arith.constant 80 : index
      %get3A_464 = tpu.vector_load %arg15[%get3A_462, %get3A_463] {strides = array<i32>} : memref<64x128xf32, #tpu.memory_space<vmem>>, vector<1x16xf32>,
      %get3A_465 = vector.shape_cast %get3A_464 : vector<1x16xf32> to vector<16xf32>
      %mul3A_466 = arith.mulf %get3A_465, %div3A_373 : vector<16xf32>
      %get3A_467 = arith.index_cast %scan3A_354 : i32 to index
      %get3A_468 = arith.constant 80 : index
      %get3A_469 = tpu.vector_load %arg17[%get3A_467, %get3A_468] {strides = array<i32>} : memref<64x128xf32, #tpu.memory_space<vmem>>, vector<1x16xf32>,
      %get3A_470 = vector.shape_cast %get3A_469 : vector<1x16xf32> to vector<16xf32>
      %sub3A_471 = arith.subf %mul3A_466, %get3A_470 : vector<16xf32>
      %mul3A_472 = arith.mulf %get3A_377, %sub3A_471 : vector<16xf32>
      %add3A_473 = arith.addf %get3A_470, %mul3A_472 : vector<16xf32>
      %swap3A_474 = arith.index_cast %scan3A_354 : i32 to index
      %swap3A_475 = arith.constant 80 : index
      %swap3A_476 = tpu.vector_load %arg15[%swap3A_474, %swap3A_475] {strides = array<i32>} : memref<64x128xf32, #tpu.memory_space<vmem>>, vector<1x16xf32>,
      %swap3A_477 = vector.shape_cast %swap3A_476 : vector<1x16xf32> to vector<16xf32>
      %swap3A_478 = vector.shape_cast %add3A_473 : vector<16xf32> to vector<1x16xf32>
      tpu.vector_store %arg15[%swap3A_474, %swap3A_475], %swap3A_478 {strides = array<i32>} : memref<64x128xf32, #tpu.memory_space<vmem>>, vector<1x16xf32>,
      %get3A_479 = arith.index_cast %scan3A_354 : i32 to index
      %get3A_480 = arith.constant 96 : index
      %get3A_481 = tpu.vector_load %arg15[%get3A_479, %get3A_480] {strides = array<i32>} : memref<64x128xf32, #tpu.memory_space<vmem>>, vector<1x16xf32>,
      %get3A_482 = vector.shape_cast %get3A_481 : vector<1x16xf32> to vector<16xf32>
      %mul3A_483 = arith.mulf %get3A_482, %div3A_373 : vector<16xf32>
      %get3A_484 = arith.index_cast %scan3A_354 : i32 to index
      %get3A_485 = arith.constant 96 : index
      %get3A_486 = tpu.vector_load %arg17[%get3A_484, %get3A_485] {strides = array<i32>} : memref<64x128xf32, #tpu.memory_space<vmem>>, vector<1x16xf32>,
      %get3A_487 = vector.shape_cast %get3A_486 : vector<1x16xf32> to vector<16xf32>
      %sub3A_488 = arith.subf %mul3A_483, %get3A_487 : vector<16xf32>
      %mul3A_489 = arith.mulf %get3A_377, %sub3A_488 : vector<16xf32>
      %add3A_490 = arith.addf %get3A_487, %mul3A_489 : vector<16xf32>
      %swap3A_491 = arith.index_cast %scan3A_354 : i32 to index
      %swap3A_492 = arith.constant 96 : index
      %swap3A_493 = tpu.vector_load %arg15[%swap3A_491, %swap3A_492] {strides = array<i32>} : memref<64x128xf32, #tpu.memory_space<vmem>>, vector<1x16xf32>,
      %swap3A_494 = vector.shape_cast %swap3A_493 : vector<1x16xf32> to vector<16xf32>
      %swap3A_495 = vector.shape_cast %add3A_490 : vector<16xf32> to vector<1x16xf32>
      tpu.vector_store %arg15[%swap3A_491, %swap3A_492], %swap3A_495 {strides = array<i32>} : memref<64x128xf32, #tpu.memory_space<vmem>>, vector<1x16xf32>,
      %eq3A = arith.constant 15 : i32
      %eq3A_496 = vector.broadcast %eq3A : i32 to vector<16xi32>
      %eq3A_497 = arith.cmpi eq, %iota3A, %eq3A_496 : vector<16xi32>
      %select_n3A = arith.select %eq3A_497, %sub3A, %get3A_357 : vector<16xi1>, vector<16xf32>
      %mul3A_498 = arith.mulf %select_n3A, %div3A_373 : vector<16xf32>
      %get3A_499 = arith.index_cast %scan3A_354 : i32 to index
      %get3A_500 = arith.constant 112 : index
      %get3A_501 = tpu.vector_load %arg17[%get3A_499, %get3A_500] {strides = array<i32>} : memref<64x128xf32, #tpu.memory_space<vmem>>, vector<1x16xf32>,
      %get3A_502 = vector.shape_cast %get3A_501 : vector<1x16xf32> to vector<16xf32>
      %sub3A_503 = arith.subf %mul3A_498, %get3A_502 : vector<16xf32>
      %mul3A_504 = arith.mulf %get3A_377, %sub3A_503 : vector<16xf32>
      %add3A_505 = arith.addf %get3A_502, %mul3A_504 : vector<16xf32>
      %swap3A_506 = arith.index_cast %scan3A_354 : i32 to index
      %swap3A_507 = arith.constant 112 : index
      %swap3A_508 = tpu.vector_load %arg15[%swap3A_506, %swap3A_507] {strides = array<i32>} : memref<64x128xf32, #tpu.memory_space<vmem>>, vector<1x16xf32>,
      %swap3A_509 = vector.shape_cast %swap3A_508 : vector<1x16xf32> to vector<16xf32>
      %swap3A_510 = vector.shape_cast %add3A_505 : vector<16xf32> to vector<1x16xf32>
      tpu.vector_store %arg15[%swap3A_506, %swap3A_507], %swap3A_510 {strides = array<i32>} : memref<64x128xf32, #tpu.memory_space<vmem>>, vector<1x16xf32>,
    }
    %scan3A_257 = arith.constant 64 : i32
    "tpu.region"() ({
      %run_scoped3A = tpu.sem_alloc : memref<!tpu.dma_semaphore, #tpu.memory_space<semaphore_mem>>
      %dma_start3A_354 = arith.constant 0 : i32
      %dma_start3A_355 = tpu.memref_slice %arg7[%arg0, %add3A_227, %dma_start3A_354] : memref<2x10240x128xf32, #tpu.memory_space<hbm>> -> memref<1x64x128xf32, #tpu.memory_space<hbm>>
      %dma_start3A_356 = tpu.memref_squeeze %dma_start3A_355 : memref<1x64x128xf32, #tpu.memory_space<hbm>> -> memref<64x128xf32, #tpu.memory_space<hbm>>
      %dma_start3A_357 = arith.constant 0 : i32
      %dma_start3A_358 = tpu.memref_slice %arg7[%arg0, %add3A_227, %dma_start3A_357] : memref<2x10240x128xf32, #tpu.memory_space<hbm>> -> memref<1x64x128xf32, #tpu.memory_space<hbm>>
      %dma_start3A_359 = tpu.memref_squeeze %dma_start3A_358 : memref<1x64x128xf32, #tpu.memory_space<hbm>> -> memref<64x128xf32, #tpu.memory_space<hbm>>
      tpu.enqueue_dma source(%arg15 : memref<64x128xf32, #tpu.memory_space<vmem>>) target(%dma_start3A_359 : memref<64x128xf32, #tpu.memory_space<hbm>>) target_semaphore(%run_scoped3A : memref<!tpu.dma_semaphore, #tpu.memory_space<semaphore_mem>>)
      %dma_wait3A_360 = arith.constant 0 : i32
      %dma_wait3A_361 = tpu.memref_slice %arg7[%arg0, %add3A_227, %dma_wait3A_360] : memref<2x10240x128xf32, #tpu.memory_space<hbm>> -> memref<1x64x128xf32, #tpu.memory_space<hbm>>
      %dma_wait3A_362 = tpu.memref_squeeze %dma_wait3A_361 : memref<1x64x128xf32, #tpu.memory_space<hbm>> -> memref<64x128xf32, #tpu.memory_space<hbm>>
      %dma_wait3A_363 = arith.constant 0 : i32
      %dma_wait3A_364 = tpu.memref_slice %arg7[%arg0, %add3A_227, %dma_wait3A_363] : memref<2x10240x128xf32, #tpu.memory_space<hbm>> -> memref<1x64x128xf32, #tpu.memory_space<hbm>>
      %dma_wait3A_365 = tpu.memref_squeeze %dma_wait3A_364 : memref<1x64x128xf32, #tpu.memory_space<hbm>> -> memref<64x128xf32, #tpu.memory_space<hbm>>
      tpu.wait_dma2 semaphore(%run_scoped3A : memref<!tpu.dma_semaphore, #tpu.memory_space<semaphore_mem>>) src(%arg15 : memref<64x128xf32, #tpu.memory_space<vmem>>) dst(%dma_wait3A_365 : memref<64x128xf32, #tpu.memory_space<hbm>>)
      tpu.yield
    }) : () -> ()
    %add3A_258 = arith.constant 448 : i32
    %add3A_259 = arith.addi %mul3A_0, %add3A_258 : i32
    %dma_start3A_260 = arith.constant 0 : i32
    %dma_start3A_261 = tpu.memref_slice %arg8[%add3A_259, %dma_start3A_260] : memref<10240x128xf32, #tpu.memory_space<vmem_shared>> -> memref<64x128xf32, #tpu.memory_space<vmem_shared>>
    %dma_start3A_262 = arith.constant 0 : i32
    %dma_start3A_263 = tpu.memref_slice %arg8[%add3A_259, %dma_start3A_262] : memref<10240x128xf32, #tpu.memory_space<vmem_shared>> -> memref<64x128xf32, #tpu.memory_space<vmem_shared>>
    tpu.enqueue_dma source(%dma_start3A_263 : memref<64x128xf32, #tpu.memory_space<vmem_shared>>) target(%arg15 : memref<64x128xf32, #tpu.memory_space<vmem>>) target_semaphore(%arg22 : memref<!tpu.dma_semaphore, #tpu.memory_space<semaphore_mem>>)
    %dma_start3A_264 = arith.constant 0 : i32
    %dma_start3A_265 = tpu.memref_slice %arg5[%add3A_259, %dma_start3A_264] : memref<10240x128xf32, #tpu.memory_space<hbm>> -> memref<64x128xf32, #tpu.memory_space<hbm>>
    %dma_start3A_266 = arith.constant 0 : i32
    %dma_start3A_267 = tpu.memref_slice %arg5[%add3A_259, %dma_start3A_266] : memref<10240x128xf32, #tpu.memory_space<hbm>> -> memref<64x128xf32, #tpu.memory_space<hbm>>
    tpu.enqueue_dma source(%dma_start3A_267 : memref<64x128xf32, #tpu.memory_space<hbm>>) target(%arg16 : memref<64x128xf32, #tpu.memory_space<vmem>>) target_semaphore(%arg23 : memref<!tpu.dma_semaphore, #tpu.memory_space<semaphore_mem>>)
    %dma_start3A_268 = arith.constant 0 : i32
    %dma_start3A_269 = tpu.memref_slice %arg4[%add3A_259, %dma_start3A_268] : memref<10240x128xf32, #tpu.memory_space<hbm>> -> memref<64x128xf32, #tpu.memory_space<hbm>>
    %dma_start3A_270 = arith.constant 0 : i32
    %dma_start3A_271 = tpu.memref_slice %arg4[%add3A_259, %dma_start3A_270] : memref<10240x128xf32, #tpu.memory_space<hbm>> -> memref<64x128xf32, #tpu.memory_space<hbm>>
    tpu.enqueue_dma source(%dma_start3A_271 : memref<64x128xf32, #tpu.memory_space<hbm>>) target(%arg17 : memref<64x128xf32, #tpu.memory_space<vmem>>) target_semaphore(%arg24 : memref<!tpu.dma_semaphore, #tpu.memory_space<semaphore_mem>>)
    %dma_wait3A_272 = arith.constant 0 : i32
    %dma_wait3A_273 = tpu.memref_slice %arg8[%add3A_259, %dma_wait3A_272] : memref<10240x128xf32, #tpu.memory_space<vmem_shared>> -> memref<64x128xf32, #tpu.memory_space<vmem_shared>>
    %dma_wait3A_274 = arith.constant 0 : i32
    %dma_wait3A_275 = tpu.memref_slice %arg8[%add3A_259, %dma_wait3A_274] : memref<10240x128xf32, #tpu.memory_space<vmem_shared>> -> memref<64x128xf32, #tpu.memory_space<vmem_shared>>
    tpu.wait_dma2 semaphore(%arg22 : memref<!tpu.dma_semaphore, #tpu.memory_space<semaphore_mem>>) src(%dma_wait3A_275 : memref<64x128xf32, #tpu.memory_space<vmem_shared>>) dst(%arg15 : memref<64x128xf32, #tpu.memory_space<vmem>>)
    %dma_wait3A_276 = arith.constant 0 : i32
    %dma_wait3A_277 = tpu.memref_slice %arg5[%add3A_259, %dma_wait3A_276] : memref<10240x128xf32, #tpu.memory_space<hbm>> -> memref<64x128xf32, #tpu.memory_space<hbm>>
    %dma_wait3A_278 = arith.constant 0 : i32
    %dma_wait3A_279 = tpu.memref_slice %arg5[%add3A_259, %dma_wait3A_278] : memref<10240x128xf32, #tpu.memory_space<hbm>> -> memref<64x128xf32, #tpu.memory_space<hbm>>
    tpu.wait_dma2 semaphore(%arg23 : memref<!tpu.dma_semaphore, #tpu.memory_space<semaphore_mem>>) src(%dma_wait3A_279 : memref<64x128xf32, #tpu.memory_space<hbm>>) dst(%arg16 : memref<64x128xf32, #tpu.memory_space<vmem>>)
    %dma_wait3A_280 = arith.constant 0 : i32
    %dma_wait3A_281 = tpu.memref_slice %arg4[%add3A_259, %dma_wait3A_280] : memref<10240x128xf32, #tpu.memory_space<hbm>> -> memref<64x128xf32, #tpu.memory_space<hbm>>
    %dma_wait3A_282 = arith.constant 0 : i32
    %dma_wait3A_283 = tpu.memref_slice %arg4[%add3A_259, %dma_wait3A_282] : memref<10240x128xf32, #tpu.memory_space<hbm>> -> memref<64x128xf32, #tpu.memory_space<hbm>>
    tpu.wait_dma2 semaphore(%arg24 : memref<!tpu.dma_semaphore, #tpu.memory_space<semaphore_mem>>) src(%dma_wait3A_283 : memref<64x128xf32, #tpu.memory_space<hbm>>) dst(%arg17 : memref<64x128xf32, #tpu.memory_space<vmem>>)
    %scan3A_284 = arith.constant 0 : i32
    %scan3A_285 = arith.constant 0 : i32
    %scan3A_286 = arith.constant 64 : i32
    %scan3A_287 = arith.addi %scan3A_285, %scan3A_286 : i32
    %scan3A_288 = arith.constant 1 : i32
    scf.for %scan3A_354 = %scan3A_285 to %scan3A_287 step %scan3A_288  : i32 {
      %get3A = arith.index_cast %scan3A_354 : i32 to index
      %get3A_355 = arith.constant 112 : index
      %get3A_356 = tpu.vector_load %arg15[%get3A, %get3A_355] {strides = array<i32>} : memref<64x128xf32, #tpu.memory_space<vmem>>, vector<1x16xf32>,
      %get3A_357 = vector.shape_cast %get3A_356 : vector<1x16xf32> to vector<16xf32>
      %broadcast_in_dim3A = arith.constant 15 : i32
      %broadcast_in_dim3A_358 = vector.broadcast %broadcast_in_dim3A : i32 to vector<16x1xi32>
      %gather3A = vector.shape_cast %broadcast_in_dim3A_358 : vector<16x1xi32> to vector<16xi32>
      %gather3A_359 = tpu.dynamic_gather %get3A_357[%gather3A] in [0] : vector<16xf32>, vector<16xi32> -> vector<16xf32>
      %mul3A_360 = arith.constant 1.52587891E-5 : f32
      %mul3A_361 = vector.broadcast %mul3A_360 : f32 to vector<16xf32>
      %mul3A_362 = arith.mulf %gather3A_359, %mul3A_361 : vector<16xf32>
      %add3A_363 = arith.constant 5.000000e-01 : f32
      %add3A_364 = vector.broadcast %add3A_363 : f32 to vector<16xf32>
      %add3A_365 = arith.addf %mul3A_362, %add3A_364 : vector<16xf32>
      %convert_element_type3A = arith.fptosi %add3A_365 : vector<16xf32> to vector<16xi32>
      %convert_element_type3A_366 = arith.sitofp %convert_element_type3A : vector<16xi32> to vector<16xf32>
      %mul3A_367 = arith.constant 6.553600e+04 : f32
      %mul3A_368 = vector.broadcast %mul3A_367 : f32 to vector<16xf32>
      %mul3A_369 = arith.mulf %convert_element_type3A_366, %mul3A_368 : vector<16xf32>
      %sub3A = arith.subf %gather3A_359, %mul3A_369 : vector<16xf32>
      %max3A = arith.constant 1.000000e+00 : f32
      %max3A_370 = vector.broadcast %max3A : f32 to vector<16xf32>
      %max3A_371 = arith.maximumf %convert_element_type3A_366, %max3A_370 : vector<16xf32>
      %div3A = arith.constant 1.000000e+00 : f32
      %div3A_372 = vector.broadcast %div3A : f32 to vector<16xf32>
      %div3A_373 = arith.divf %div3A_372, %max3A_371 : vector<16xf32>
      %get3A_374 = arith.index_cast %scan3A_354 : i32 to index
      %get3A_375 = arith.constant 0 : index
      %get3A_376 = tpu.vector_load %arg16[%get3A_374, %get3A_375] {strides = array<i32>} : memref<64x128xf32, #tpu.memory_space<vmem>>, vector<1x16xf32>,
      %get3A_377 = vector.shape_cast %get3A_376 : vector<1x16xf32> to vector<16xf32>
      %get3A_378 = arith.index_cast %scan3A_354 : i32 to index
      %get3A_379 = arith.constant 0 : index
      %get3A_380 = tpu.vector_load %arg15[%get3A_378, %get3A_379] {strides = array<i32>} : memref<64x128xf32, #tpu.memory_space<vmem>>, vector<1x16xf32>,
      %get3A_381 = vector.shape_cast %get3A_380 : vector<1x16xf32> to vector<16xf32>
      %mul3A_382 = arith.mulf %get3A_381, %div3A_373 : vector<16xf32>
      %get3A_383 = arith.index_cast %scan3A_354 : i32 to index
      %get3A_384 = arith.constant 0 : index
      %get3A_385 = tpu.vector_load %arg17[%get3A_383, %get3A_384] {strides = array<i32>} : memref<64x128xf32, #tpu.memory_space<vmem>>, vector<1x16xf32>,
      %get3A_386 = vector.shape_cast %get3A_385 : vector<1x16xf32> to vector<16xf32>
      %sub3A_387 = arith.subf %mul3A_382, %get3A_386 : vector<16xf32>
      %mul3A_388 = arith.mulf %get3A_377, %sub3A_387 : vector<16xf32>
      %add3A_389 = arith.addf %get3A_386, %mul3A_388 : vector<16xf32>
      %swap3A = arith.index_cast %scan3A_354 : i32 to index
      %swap3A_390 = arith.constant 0 : index
      %swap3A_391 = tpu.vector_load %arg15[%swap3A, %swap3A_390] {strides = array<i32>} : memref<64x128xf32, #tpu.memory_space<vmem>>, vector<1x16xf32>,
      %swap3A_392 = vector.shape_cast %swap3A_391 : vector<1x16xf32> to vector<16xf32>
      %swap3A_393 = vector.shape_cast %add3A_389 : vector<16xf32> to vector<1x16xf32>
      tpu.vector_store %arg15[%swap3A, %swap3A_390], %swap3A_393 {strides = array<i32>} : memref<64x128xf32, #tpu.memory_space<vmem>>, vector<1x16xf32>,
      %get3A_394 = arith.index_cast %scan3A_354 : i32 to index
      %get3A_395 = arith.constant 16 : index
      %get3A_396 = tpu.vector_load %arg15[%get3A_394, %get3A_395] {strides = array<i32>} : memref<64x128xf32, #tpu.memory_space<vmem>>, vector<1x16xf32>,
      %get3A_397 = vector.shape_cast %get3A_396 : vector<1x16xf32> to vector<16xf32>
      %mul3A_398 = arith.mulf %get3A_397, %div3A_373 : vector<16xf32>
      %get3A_399 = arith.index_cast %scan3A_354 : i32 to index
      %get3A_400 = arith.constant 16 : index
      %get3A_401 = tpu.vector_load %arg17[%get3A_399, %get3A_400] {strides = array<i32>} : memref<64x128xf32, #tpu.memory_space<vmem>>, vector<1x16xf32>,
      %get3A_402 = vector.shape_cast %get3A_401 : vector<1x16xf32> to vector<16xf32>
      %sub3A_403 = arith.subf %mul3A_398, %get3A_402 : vector<16xf32>
      %mul3A_404 = arith.mulf %get3A_377, %sub3A_403 : vector<16xf32>
      %add3A_405 = arith.addf %get3A_402, %mul3A_404 : vector<16xf32>
      %swap3A_406 = arith.index_cast %scan3A_354 : i32 to index
      %swap3A_407 = arith.constant 16 : index
      %swap3A_408 = tpu.vector_load %arg15[%swap3A_406, %swap3A_407] {strides = array<i32>} : memref<64x128xf32, #tpu.memory_space<vmem>>, vector<1x16xf32>,
      %swap3A_409 = vector.shape_cast %swap3A_408 : vector<1x16xf32> to vector<16xf32>
      %swap3A_410 = vector.shape_cast %add3A_405 : vector<16xf32> to vector<1x16xf32>
      tpu.vector_store %arg15[%swap3A_406, %swap3A_407], %swap3A_410 {strides = array<i32>} : memref<64x128xf32, #tpu.memory_space<vmem>>, vector<1x16xf32>,
      %get3A_411 = arith.index_cast %scan3A_354 : i32 to index
      %get3A_412 = arith.constant 32 : index
      %get3A_413 = tpu.vector_load %arg15[%get3A_411, %get3A_412] {strides = array<i32>} : memref<64x128xf32, #tpu.memory_space<vmem>>, vector<1x16xf32>,
      %get3A_414 = vector.shape_cast %get3A_413 : vector<1x16xf32> to vector<16xf32>
      %mul3A_415 = arith.mulf %get3A_414, %div3A_373 : vector<16xf32>
      %get3A_416 = arith.index_cast %scan3A_354 : i32 to index
      %get3A_417 = arith.constant 32 : index
      %get3A_418 = tpu.vector_load %arg17[%get3A_416, %get3A_417] {strides = array<i32>} : memref<64x128xf32, #tpu.memory_space<vmem>>, vector<1x16xf32>,
      %get3A_419 = vector.shape_cast %get3A_418 : vector<1x16xf32> to vector<16xf32>
      %sub3A_420 = arith.subf %mul3A_415, %get3A_419 : vector<16xf32>
      %mul3A_421 = arith.mulf %get3A_377, %sub3A_420 : vector<16xf32>
      %add3A_422 = arith.addf %get3A_419, %mul3A_421 : vector<16xf32>
      %swap3A_423 = arith.index_cast %scan3A_354 : i32 to index
      %swap3A_424 = arith.constant 32 : index
      %swap3A_425 = tpu.vector_load %arg15[%swap3A_423, %swap3A_424] {strides = array<i32>} : memref<64x128xf32, #tpu.memory_space<vmem>>, vector<1x16xf32>,
      %swap3A_426 = vector.shape_cast %swap3A_425 : vector<1x16xf32> to vector<16xf32>
      %swap3A_427 = vector.shape_cast %add3A_422 : vector<16xf32> to vector<1x16xf32>
      tpu.vector_store %arg15[%swap3A_423, %swap3A_424], %swap3A_427 {strides = array<i32>} : memref<64x128xf32, #tpu.memory_space<vmem>>, vector<1x16xf32>,
      %get3A_428 = arith.index_cast %scan3A_354 : i32 to index
      %get3A_429 = arith.constant 48 : index
      %get3A_430 = tpu.vector_load %arg15[%get3A_428, %get3A_429] {strides = array<i32>} : memref<64x128xf32, #tpu.memory_space<vmem>>, vector<1x16xf32>,
      %get3A_431 = vector.shape_cast %get3A_430 : vector<1x16xf32> to vector<16xf32>
      %mul3A_432 = arith.mulf %get3A_431, %div3A_373 : vector<16xf32>
      %get3A_433 = arith.index_cast %scan3A_354 : i32 to index
      %get3A_434 = arith.constant 48 : index
      %get3A_435 = tpu.vector_load %arg17[%get3A_433, %get3A_434] {strides = array<i32>} : memref<64x128xf32, #tpu.memory_space<vmem>>, vector<1x16xf32>,
      %get3A_436 = vector.shape_cast %get3A_435 : vector<1x16xf32> to vector<16xf32>
      %sub3A_437 = arith.subf %mul3A_432, %get3A_436 : vector<16xf32>
      %mul3A_438 = arith.mulf %get3A_377, %sub3A_437 : vector<16xf32>
      %add3A_439 = arith.addf %get3A_436, %mul3A_438 : vector<16xf32>
      %swap3A_440 = arith.index_cast %scan3A_354 : i32 to index
      %swap3A_441 = arith.constant 48 : index
      %swap3A_442 = tpu.vector_load %arg15[%swap3A_440, %swap3A_441] {strides = array<i32>} : memref<64x128xf32, #tpu.memory_space<vmem>>, vector<1x16xf32>,
      %swap3A_443 = vector.shape_cast %swap3A_442 : vector<1x16xf32> to vector<16xf32>
      %swap3A_444 = vector.shape_cast %add3A_439 : vector<16xf32> to vector<1x16xf32>
      tpu.vector_store %arg15[%swap3A_440, %swap3A_441], %swap3A_444 {strides = array<i32>} : memref<64x128xf32, #tpu.memory_space<vmem>>, vector<1x16xf32>,
      %get3A_445 = arith.index_cast %scan3A_354 : i32 to index
      %get3A_446 = arith.constant 64 : index
      %get3A_447 = tpu.vector_load %arg15[%get3A_445, %get3A_446] {strides = array<i32>} : memref<64x128xf32, #tpu.memory_space<vmem>>, vector<1x16xf32>,
      %get3A_448 = vector.shape_cast %get3A_447 : vector<1x16xf32> to vector<16xf32>
      %mul3A_449 = arith.mulf %get3A_448, %div3A_373 : vector<16xf32>
      %get3A_450 = arith.index_cast %scan3A_354 : i32 to index
      %get3A_451 = arith.constant 64 : index
      %get3A_452 = tpu.vector_load %arg17[%get3A_450, %get3A_451] {strides = array<i32>} : memref<64x128xf32, #tpu.memory_space<vmem>>, vector<1x16xf32>,
      %get3A_453 = vector.shape_cast %get3A_452 : vector<1x16xf32> to vector<16xf32>
      %sub3A_454 = arith.subf %mul3A_449, %get3A_453 : vector<16xf32>
      %mul3A_455 = arith.mulf %get3A_377, %sub3A_454 : vector<16xf32>
      %add3A_456 = arith.addf %get3A_453, %mul3A_455 : vector<16xf32>
      %swap3A_457 = arith.index_cast %scan3A_354 : i32 to index
      %swap3A_458 = arith.constant 64 : index
      %swap3A_459 = tpu.vector_load %arg15[%swap3A_457, %swap3A_458] {strides = array<i32>} : memref<64x128xf32, #tpu.memory_space<vmem>>, vector<1x16xf32>,
      %swap3A_460 = vector.shape_cast %swap3A_459 : vector<1x16xf32> to vector<16xf32>
      %swap3A_461 = vector.shape_cast %add3A_456 : vector<16xf32> to vector<1x16xf32>
      tpu.vector_store %arg15[%swap3A_457, %swap3A_458], %swap3A_461 {strides = array<i32>} : memref<64x128xf32, #tpu.memory_space<vmem>>, vector<1x16xf32>,
      %get3A_462 = arith.index_cast %scan3A_354 : i32 to index
      %get3A_463 = arith.constant 80 : index
      %get3A_464 = tpu.vector_load %arg15[%get3A_462, %get3A_463] {strides = array<i32>} : memref<64x128xf32, #tpu.memory_space<vmem>>, vector<1x16xf32>,
      %get3A_465 = vector.shape_cast %get3A_464 : vector<1x16xf32> to vector<16xf32>
      %mul3A_466 = arith.mulf %get3A_465, %div3A_373 : vector<16xf32>
      %get3A_467 = arith.index_cast %scan3A_354 : i32 to index
      %get3A_468 = arith.constant 80 : index
      %get3A_469 = tpu.vector_load %arg17[%get3A_467, %get3A_468] {strides = array<i32>} : memref<64x128xf32, #tpu.memory_space<vmem>>, vector<1x16xf32>,
      %get3A_470 = vector.shape_cast %get3A_469 : vector<1x16xf32> to vector<16xf32>
      %sub3A_471 = arith.subf %mul3A_466, %get3A_470 : vector<16xf32>
      %mul3A_472 = arith.mulf %get3A_377, %sub3A_471 : vector<16xf32>
      %add3A_473 = arith.addf %get3A_470, %mul3A_472 : vector<16xf32>
      %swap3A_474 = arith.index_cast %scan3A_354 : i32 to index
      %swap3A_475 = arith.constant 80 : index
      %swap3A_476 = tpu.vector_load %arg15[%swap3A_474, %swap3A_475] {strides = array<i32>} : memref<64x128xf32, #tpu.memory_space<vmem>>, vector<1x16xf32>,
      %swap3A_477 = vector.shape_cast %swap3A_476 : vector<1x16xf32> to vector<16xf32>
      %swap3A_478 = vector.shape_cast %add3A_473 : vector<16xf32> to vector<1x16xf32>
      tpu.vector_store %arg15[%swap3A_474, %swap3A_475], %swap3A_478 {strides = array<i32>} : memref<64x128xf32, #tpu.memory_space<vmem>>, vector<1x16xf32>,
      %get3A_479 = arith.index_cast %scan3A_354 : i32 to index
      %get3A_480 = arith.constant 96 : index
      %get3A_481 = tpu.vector_load %arg15[%get3A_479, %get3A_480] {strides = array<i32>} : memref<64x128xf32, #tpu.memory_space<vmem>>, vector<1x16xf32>,
      %get3A_482 = vector.shape_cast %get3A_481 : vector<1x16xf32> to vector<16xf32>
      %mul3A_483 = arith.mulf %get3A_482, %div3A_373 : vector<16xf32>
      %get3A_484 = arith.index_cast %scan3A_354 : i32 to index
      %get3A_485 = arith.constant 96 : index
      %get3A_486 = tpu.vector_load %arg17[%get3A_484, %get3A_485] {strides = array<i32>} : memref<64x128xf32, #tpu.memory_space<vmem>>, vector<1x16xf32>,
      %get3A_487 = vector.shape_cast %get3A_486 : vector<1x16xf32> to vector<16xf32>
      %sub3A_488 = arith.subf %mul3A_483, %get3A_487 : vector<16xf32>
      %mul3A_489 = arith.mulf %get3A_377, %sub3A_488 : vector<16xf32>
      %add3A_490 = arith.addf %get3A_487, %mul3A_489 : vector<16xf32>
      %swap3A_491 = arith.index_cast %scan3A_354 : i32 to index
      %swap3A_492 = arith.constant 96 : index
      %swap3A_493 = tpu.vector_load %arg15[%swap3A_491, %swap3A_492] {strides = array<i32>} : memref<64x128xf32, #tpu.memory_space<vmem>>, vector<1x16xf32>,
      %swap3A_494 = vector.shape_cast %swap3A_493 : vector<1x16xf32> to vector<16xf32>
      %swap3A_495 = vector.shape_cast %add3A_490 : vector<16xf32> to vector<1x16xf32>
      tpu.vector_store %arg15[%swap3A_491, %swap3A_492], %swap3A_495 {strides = array<i32>} : memref<64x128xf32, #tpu.memory_space<vmem>>, vector<1x16xf32>,
      %eq3A = arith.constant 15 : i32
      %eq3A_496 = vector.broadcast %eq3A : i32 to vector<16xi32>
      %eq3A_497 = arith.cmpi eq, %iota3A, %eq3A_496 : vector<16xi32>
      %select_n3A = arith.select %eq3A_497, %sub3A, %get3A_357 : vector<16xi1>, vector<16xf32>
      %mul3A_498 = arith.mulf %select_n3A, %div3A_373 : vector<16xf32>
      %get3A_499 = arith.index_cast %scan3A_354 : i32 to index
      %get3A_500 = arith.constant 112 : index
      %get3A_501 = tpu.vector_load %arg17[%get3A_499, %get3A_500] {strides = array<i32>} : memref<64x128xf32, #tpu.memory_space<vmem>>, vector<1x16xf32>,
      %get3A_502 = vector.shape_cast %get3A_501 : vector<1x16xf32> to vector<16xf32>
      %sub3A_503 = arith.subf %mul3A_498, %get3A_502 : vector<16xf32>
      %mul3A_504 = arith.mulf %get3A_377, %sub3A_503 : vector<16xf32>
      %add3A_505 = arith.addf %get3A_502, %mul3A_504 : vector<16xf32>
      %swap3A_506 = arith.index_cast %scan3A_354 : i32 to index
      %swap3A_507 = arith.constant 112 : index
      %swap3A_508 = tpu.vector_load %arg15[%swap3A_506, %swap3A_507] {strides = array<i32>} : memref<64x128xf32, #tpu.memory_space<vmem>>, vector<1x16xf32>,
      %swap3A_509 = vector.shape_cast %swap3A_508 : vector<1x16xf32> to vector<16xf32>
      %swap3A_510 = vector.shape_cast %add3A_505 : vector<16xf32> to vector<1x16xf32>
      tpu.vector_store %arg15[%swap3A_506, %swap3A_507], %swap3A_510 {strides = array<i32>} : memref<64x128xf32, #tpu.memory_space<vmem>>, vector<1x16xf32>,
    }
    %scan3A_289 = arith.constant 64 : i32
    "tpu.region"() ({
      %run_scoped3A = tpu.sem_alloc : memref<!tpu.dma_semaphore, #tpu.memory_space<semaphore_mem>>
      %dma_start3A_354 = arith.constant 0 : i32
      %dma_start3A_355 = tpu.memref_slice %arg7[%arg0, %add3A_259, %dma_start3A_354] : memref<2x10240x128xf32, #tpu.memory_space<hbm>> -> memref<1x64x128xf32, #tpu.memory_space<hbm>>
      %dma_start3A_356 = tpu.memref_squeeze %dma_start3A_355 : memref<1x64x128xf32, #tpu.memory_space<hbm>> -> memref<64x128xf32, #tpu.memory_space<hbm>>
      %dma_start3A_357 = arith.constant 0 : i32
      %dma_start3A_358 = tpu.memref_slice %arg7[%arg0, %add3A_259, %dma_start3A_357] : memref<2x10240x128xf32, #tpu.memory_space<hbm>> -> memref<1x64x128xf32, #tpu.memory_space<hbm>>
      %dma_start3A_359 = tpu.memref_squeeze %dma_start3A_358 : memref<1x64x128xf32, #tpu.memory_space<hbm>> -> memref<64x128xf32, #tpu.memory_space<hbm>>
      tpu.enqueue_dma source(%arg15 : memref<64x128xf32, #tpu.memory_space<vmem>>) target(%dma_start3A_359 : memref<64x128xf32, #tpu.memory_space<hbm>>) target_semaphore(%run_scoped3A : memref<!tpu.dma_semaphore, #tpu.memory_space<semaphore_mem>>)
      %dma_wait3A_360 = arith.constant 0 : i32
      %dma_wait3A_361 = tpu.memref_slice %arg7[%arg0, %add3A_259, %dma_wait3A_360] : memref<2x10240x128xf32, #tpu.memory_space<hbm>> -> memref<1x64x128xf32, #tpu.memory_space<hbm>>
      %dma_wait3A_362 = tpu.memref_squeeze %dma_wait3A_361 : memref<1x64x128xf32, #tpu.memory_space<hbm>> -> memref<64x128xf32, #tpu.memory_space<hbm>>
      %dma_wait3A_363 = arith.constant 0 : i32
      %dma_wait3A_364 = tpu.memref_slice %arg7[%arg0, %add3A_259, %dma_wait3A_363] : memref<2x10240x128xf32, #tpu.memory_space<hbm>> -> memref<1x64x128xf32, #tpu.memory_space<hbm>>
      %dma_wait3A_365 = tpu.memref_squeeze %dma_wait3A_364 : memref<1x64x128xf32, #tpu.memory_space<hbm>> -> memref<64x128xf32, #tpu.memory_space<hbm>>
      tpu.wait_dma2 semaphore(%run_scoped3A : memref<!tpu.dma_semaphore, #tpu.memory_space<semaphore_mem>>) src(%arg15 : memref<64x128xf32, #tpu.memory_space<vmem>>) dst(%dma_wait3A_365 : memref<64x128xf32, #tpu.memory_space<hbm>>)
      tpu.yield
    }) : () -> ()
    %add3A_290 = arith.constant 512 : i32
    %add3A_291 = arith.addi %mul3A_0, %add3A_290 : i32
    %dma_start3A_292 = arith.constant 0 : i32
    %dma_start3A_293 = tpu.memref_slice %arg8[%add3A_291, %dma_start3A_292] : memref<10240x128xf32, #tpu.memory_space<vmem_shared>> -> memref<64x128xf32, #tpu.memory_space<vmem_shared>>
    %dma_start3A_294 = arith.constant 0 : i32
    %dma_start3A_295 = tpu.memref_slice %arg8[%add3A_291, %dma_start3A_294] : memref<10240x128xf32, #tpu.memory_space<vmem_shared>> -> memref<64x128xf32, #tpu.memory_space<vmem_shared>>
    tpu.enqueue_dma source(%dma_start3A_295 : memref<64x128xf32, #tpu.memory_space<vmem_shared>>) target(%arg15 : memref<64x128xf32, #tpu.memory_space<vmem>>) target_semaphore(%arg22 : memref<!tpu.dma_semaphore, #tpu.memory_space<semaphore_mem>>)
    %dma_start3A_296 = arith.constant 0 : i32
    %dma_start3A_297 = tpu.memref_slice %arg5[%add3A_291, %dma_start3A_296] : memref<10240x128xf32, #tpu.memory_space<hbm>> -> memref<64x128xf32, #tpu.memory_space<hbm>>
    %dma_start3A_298 = arith.constant 0 : i32
    %dma_start3A_299 = tpu.memref_slice %arg5[%add3A_291, %dma_start3A_298] : memref<10240x128xf32, #tpu.memory_space<hbm>> -> memref<64x128xf32, #tpu.memory_space<hbm>>
    tpu.enqueue_dma source(%dma_start3A_299 : memref<64x128xf32, #tpu.memory_space<hbm>>) target(%arg16 : memref<64x128xf32, #tpu.memory_space<vmem>>) target_semaphore(%arg23 : memref<!tpu.dma_semaphore, #tpu.memory_space<semaphore_mem>>)
    %dma_start3A_300 = arith.constant 0 : i32
    %dma_start3A_301 = tpu.memref_slice %arg4[%add3A_291, %dma_start3A_300] : memref<10240x128xf32, #tpu.memory_space<hbm>> -> memref<64x128xf32, #tpu.memory_space<hbm>>
    %dma_start3A_302 = arith.constant 0 : i32
    %dma_start3A_303 = tpu.memref_slice %arg4[%add3A_291, %dma_start3A_302] : memref<10240x128xf32, #tpu.memory_space<hbm>> -> memref<64x128xf32, #tpu.memory_space<hbm>>
    tpu.enqueue_dma source(%dma_start3A_303 : memref<64x128xf32, #tpu.memory_space<hbm>>) target(%arg17 : memref<64x128xf32, #tpu.memory_space<vmem>>) target_semaphore(%arg24 : memref<!tpu.dma_semaphore, #tpu.memory_space<semaphore_mem>>)
    %dma_wait3A_304 = arith.constant 0 : i32
    %dma_wait3A_305 = tpu.memref_slice %arg8[%add3A_291, %dma_wait3A_304] : memref<10240x128xf32, #tpu.memory_space<vmem_shared>> -> memref<64x128xf32, #tpu.memory_space<vmem_shared>>
    %dma_wait3A_306 = arith.constant 0 : i32
    %dma_wait3A_307 = tpu.memref_slice %arg8[%add3A_291, %dma_wait3A_306] : memref<10240x128xf32, #tpu.memory_space<vmem_shared>> -> memref<64x128xf32, #tpu.memory_space<vmem_shared>>
    tpu.wait_dma2 semaphore(%arg22 : memref<!tpu.dma_semaphore, #tpu.memory_space<semaphore_mem>>) src(%dma_wait3A_307 : memref<64x128xf32, #tpu.memory_space<vmem_shared>>) dst(%arg15 : memref<64x128xf32, #tpu.memory_space<vmem>>)
    %dma_wait3A_308 = arith.constant 0 : i32
    %dma_wait3A_309 = tpu.memref_slice %arg5[%add3A_291, %dma_wait3A_308] : memref<10240x128xf32, #tpu.memory_space<hbm>> -> memref<64x128xf32, #tpu.memory_space<hbm>>
    %dma_wait3A_310 = arith.constant 0 : i32
    %dma_wait3A_311 = tpu.memref_slice %arg5[%add3A_291, %dma_wait3A_310] : memref<10240x128xf32, #tpu.memory_space<hbm>> -> memref<64x128xf32, #tpu.memory_space<hbm>>
    tpu.wait_dma2 semaphore(%arg23 : memref<!tpu.dma_semaphore, #tpu.memory_space<semaphore_mem>>) src(%dma_wait3A_311 : memref<64x128xf32, #tpu.memory_space<hbm>>) dst(%arg16 : memref<64x128xf32, #tpu.memory_space<vmem>>)
    %dma_wait3A_312 = arith.constant 0 : i32
    %dma_wait3A_313 = tpu.memref_slice %arg4[%add3A_291, %dma_wait3A_312] : memref<10240x128xf32, #tpu.memory_space<hbm>> -> memref<64x128xf32, #tpu.memory_space<hbm>>
    %dma_wait3A_314 = arith.constant 0 : i32
    %dma_wait3A_315 = tpu.memref_slice %arg4[%add3A_291, %dma_wait3A_314] : memref<10240x128xf32, #tpu.memory_space<hbm>> -> memref<64x128xf32, #tpu.memory_space<hbm>>
    tpu.wait_dma2 semaphore(%arg24 : memref<!tpu.dma_semaphore, #tpu.memory_space<semaphore_mem>>) src(%dma_wait3A_315 : memref<64x128xf32, #tpu.memory_space<hbm>>) dst(%arg17 : memref<64x128xf32, #tpu.memory_space<vmem>>)
    %scan3A_316 = arith.constant 0 : i32
    %scan3A_317 = arith.constant 0 : i32
    %scan3A_318 = arith.constant 64 : i32
    %scan3A_319 = arith.addi %scan3A_317, %scan3A_318 : i32
    %scan3A_320 = arith.constant 1 : i32
    scf.for %scan3A_354 = %scan3A_317 to %scan3A_319 step %scan3A_320  : i32 {
      %get3A = arith.index_cast %scan3A_354 : i32 to index
      %get3A_355 = arith.constant 112 : index
      %get3A_356 = tpu.vector_load %arg15[%get3A, %get3A_355] {strides = array<i32>} : memref<64x128xf32, #tpu.memory_space<vmem>>, vector<1x16xf32>,
      %get3A_357 = vector.shape_cast %get3A_356 : vector<1x16xf32> to vector<16xf32>
      %broadcast_in_dim3A = arith.constant 15 : i32
      %broadcast_in_dim3A_358 = vector.broadcast %broadcast_in_dim3A : i32 to vector<16x1xi32>
      %gather3A = vector.shape_cast %broadcast_in_dim3A_358 : vector<16x1xi32> to vector<16xi32>
      %gather3A_359 = tpu.dynamic_gather %get3A_357[%gather3A] in [0] : vector<16xf32>, vector<16xi32> -> vector<16xf32>
      %mul3A_360 = arith.constant 1.52587891E-5 : f32
      %mul3A_361 = vector.broadcast %mul3A_360 : f32 to vector<16xf32>
      %mul3A_362 = arith.mulf %gather3A_359, %mul3A_361 : vector<16xf32>
      %add3A_363 = arith.constant 5.000000e-01 : f32
      %add3A_364 = vector.broadcast %add3A_363 : f32 to vector<16xf32>
      %add3A_365 = arith.addf %mul3A_362, %add3A_364 : vector<16xf32>
      %convert_element_type3A = arith.fptosi %add3A_365 : vector<16xf32> to vector<16xi32>
      %convert_element_type3A_366 = arith.sitofp %convert_element_type3A : vector<16xi32> to vector<16xf32>
      %mul3A_367 = arith.constant 6.553600e+04 : f32
      %mul3A_368 = vector.broadcast %mul3A_367 : f32 to vector<16xf32>
      %mul3A_369 = arith.mulf %convert_element_type3A_366, %mul3A_368 : vector<16xf32>
      %sub3A = arith.subf %gather3A_359, %mul3A_369 : vector<16xf32>
      %max3A = arith.constant 1.000000e+00 : f32
      %max3A_370 = vector.broadcast %max3A : f32 to vector<16xf32>
      %max3A_371 = arith.maximumf %convert_element_type3A_366, %max3A_370 : vector<16xf32>
      %div3A = arith.constant 1.000000e+00 : f32
      %div3A_372 = vector.broadcast %div3A : f32 to vector<16xf32>
      %div3A_373 = arith.divf %div3A_372, %max3A_371 : vector<16xf32>
      %get3A_374 = arith.index_cast %scan3A_354 : i32 to index
      %get3A_375 = arith.constant 0 : index
      %get3A_376 = tpu.vector_load %arg16[%get3A_374, %get3A_375] {strides = array<i32>} : memref<64x128xf32, #tpu.memory_space<vmem>>, vector<1x16xf32>,
      %get3A_377 = vector.shape_cast %get3A_376 : vector<1x16xf32> to vector<16xf32>
      %get3A_378 = arith.index_cast %scan3A_354 : i32 to index
      %get3A_379 = arith.constant 0 : index
      %get3A_380 = tpu.vector_load %arg15[%get3A_378, %get3A_379] {strides = array<i32>} : memref<64x128xf32, #tpu.memory_space<vmem>>, vector<1x16xf32>,
      %get3A_381 = vector.shape_cast %get3A_380 : vector<1x16xf32> to vector<16xf32>
      %mul3A_382 = arith.mulf %get3A_381, %div3A_373 : vector<16xf32>
      %get3A_383 = arith.index_cast %scan3A_354 : i32 to index
      %get3A_384 = arith.constant 0 : index
      %get3A_385 = tpu.vector_load %arg17[%get3A_383, %get3A_384] {strides = array<i32>} : memref<64x128xf32, #tpu.memory_space<vmem>>, vector<1x16xf32>,
      %get3A_386 = vector.shape_cast %get3A_385 : vector<1x16xf32> to vector<16xf32>
      %sub3A_387 = arith.subf %mul3A_382, %get3A_386 : vector<16xf32>
      %mul3A_388 = arith.mulf %get3A_377, %sub3A_387 : vector<16xf32>
      %add3A_389 = arith.addf %get3A_386, %mul3A_388 : vector<16xf32>
      %swap3A = arith.index_cast %scan3A_354 : i32 to index
      %swap3A_390 = arith.constant 0 : index
      %swap3A_391 = tpu.vector_load %arg15[%swap3A, %swap3A_390] {strides = array<i32>} : memref<64x128xf32, #tpu.memory_space<vmem>>, vector<1x16xf32>,
      %swap3A_392 = vector.shape_cast %swap3A_391 : vector<1x16xf32> to vector<16xf32>
      %swap3A_393 = vector.shape_cast %add3A_389 : vector<16xf32> to vector<1x16xf32>
      tpu.vector_store %arg15[%swap3A, %swap3A_390], %swap3A_393 {strides = array<i32>} : memref<64x128xf32, #tpu.memory_space<vmem>>, vector<1x16xf32>,
      %get3A_394 = arith.index_cast %scan3A_354 : i32 to index
      %get3A_395 = arith.constant 16 : index
      %get3A_396 = tpu.vector_load %arg15[%get3A_394, %get3A_395] {strides = array<i32>} : memref<64x128xf32, #tpu.memory_space<vmem>>, vector<1x16xf32>,
      %get3A_397 = vector.shape_cast %get3A_396 : vector<1x16xf32> to vector<16xf32>
      %mul3A_398 = arith.mulf %get3A_397, %div3A_373 : vector<16xf32>
      %get3A_399 = arith.index_cast %scan3A_354 : i32 to index
      %get3A_400 = arith.constant 16 : index
      %get3A_401 = tpu.vector_load %arg17[%get3A_399, %get3A_400] {strides = array<i32>} : memref<64x128xf32, #tpu.memory_space<vmem>>, vector<1x16xf32>,
      %get3A_402 = vector.shape_cast %get3A_401 : vector<1x16xf32> to vector<16xf32>
      %sub3A_403 = arith.subf %mul3A_398, %get3A_402 : vector<16xf32>
      %mul3A_404 = arith.mulf %get3A_377, %sub3A_403 : vector<16xf32>
      %add3A_405 = arith.addf %get3A_402, %mul3A_404 : vector<16xf32>
      %swap3A_406 = arith.index_cast %scan3A_354 : i32 to index
      %swap3A_407 = arith.constant 16 : index
      %swap3A_408 = tpu.vector_load %arg15[%swap3A_406, %swap3A_407] {strides = array<i32>} : memref<64x128xf32, #tpu.memory_space<vmem>>, vector<1x16xf32>,
      %swap3A_409 = vector.shape_cast %swap3A_408 : vector<1x16xf32> to vector<16xf32>
      %swap3A_410 = vector.shape_cast %add3A_405 : vector<16xf32> to vector<1x16xf32>
      tpu.vector_store %arg15[%swap3A_406, %swap3A_407], %swap3A_410 {strides = array<i32>} : memref<64x128xf32, #tpu.memory_space<vmem>>, vector<1x16xf32>,
      %get3A_411 = arith.index_cast %scan3A_354 : i32 to index
      %get3A_412 = arith.constant 32 : index
      %get3A_413 = tpu.vector_load %arg15[%get3A_411, %get3A_412] {strides = array<i32>} : memref<64x128xf32, #tpu.memory_space<vmem>>, vector<1x16xf32>,
      %get3A_414 = vector.shape_cast %get3A_413 : vector<1x16xf32> to vector<16xf32>
      %mul3A_415 = arith.mulf %get3A_414, %div3A_373 : vector<16xf32>
      %get3A_416 = arith.index_cast %scan3A_354 : i32 to index
      %get3A_417 = arith.constant 32 : index
      %get3A_418 = tpu.vector_load %arg17[%get3A_416, %get3A_417] {strides = array<i32>} : memref<64x128xf32, #tpu.memory_space<vmem>>, vector<1x16xf32>,
      %get3A_419 = vector.shape_cast %get3A_418 : vector<1x16xf32> to vector<16xf32>
      %sub3A_420 = arith.subf %mul3A_415, %get3A_419 : vector<16xf32>
      %mul3A_421 = arith.mulf %get3A_377, %sub3A_420 : vector<16xf32>
      %add3A_422 = arith.addf %get3A_419, %mul3A_421 : vector<16xf32>
      %swap3A_423 = arith.index_cast %scan3A_354 : i32 to index
      %swap3A_424 = arith.constant 32 : index
      %swap3A_425 = tpu.vector_load %arg15[%swap3A_423, %swap3A_424] {strides = array<i32>} : memref<64x128xf32, #tpu.memory_space<vmem>>, vector<1x16xf32>,
      %swap3A_426 = vector.shape_cast %swap3A_425 : vector<1x16xf32> to vector<16xf32>
      %swap3A_427 = vector.shape_cast %add3A_422 : vector<16xf32> to vector<1x16xf32>
      tpu.vector_store %arg15[%swap3A_423, %swap3A_424], %swap3A_427 {strides = array<i32>} : memref<64x128xf32, #tpu.memory_space<vmem>>, vector<1x16xf32>,
      %get3A_428 = arith.index_cast %scan3A_354 : i32 to index
      %get3A_429 = arith.constant 48 : index
      %get3A_430 = tpu.vector_load %arg15[%get3A_428, %get3A_429] {strides = array<i32>} : memref<64x128xf32, #tpu.memory_space<vmem>>, vector<1x16xf32>,
      %get3A_431 = vector.shape_cast %get3A_430 : vector<1x16xf32> to vector<16xf32>
      %mul3A_432 = arith.mulf %get3A_431, %div3A_373 : vector<16xf32>
      %get3A_433 = arith.index_cast %scan3A_354 : i32 to index
      %get3A_434 = arith.constant 48 : index
      %get3A_435 = tpu.vector_load %arg17[%get3A_433, %get3A_434] {strides = array<i32>} : memref<64x128xf32, #tpu.memory_space<vmem>>, vector<1x16xf32>,
      %get3A_436 = vector.shape_cast %get3A_435 : vector<1x16xf32> to vector<16xf32>
      %sub3A_437 = arith.subf %mul3A_432, %get3A_436 : vector<16xf32>
      %mul3A_438 = arith.mulf %get3A_377, %sub3A_437 : vector<16xf32>
      %add3A_439 = arith.addf %get3A_436, %mul3A_438 : vector<16xf32>
      %swap3A_440 = arith.index_cast %scan3A_354 : i32 to index
      %swap3A_441 = arith.constant 48 : index
      %swap3A_442 = tpu.vector_load %arg15[%swap3A_440, %swap3A_441] {strides = array<i32>} : memref<64x128xf32, #tpu.memory_space<vmem>>, vector<1x16xf32>,
      %swap3A_443 = vector.shape_cast %swap3A_442 : vector<1x16xf32> to vector<16xf32>
      %swap3A_444 = vector.shape_cast %add3A_439 : vector<16xf32> to vector<1x16xf32>
      tpu.vector_store %arg15[%swap3A_440, %swap3A_441], %swap3A_444 {strides = array<i32>} : memref<64x128xf32, #tpu.memory_space<vmem>>, vector<1x16xf32>,
      %get3A_445 = arith.index_cast %scan3A_354 : i32 to index
      %get3A_446 = arith.constant 64 : index
      %get3A_447 = tpu.vector_load %arg15[%get3A_445, %get3A_446] {strides = array<i32>} : memref<64x128xf32, #tpu.memory_space<vmem>>, vector<1x16xf32>,
      %get3A_448 = vector.shape_cast %get3A_447 : vector<1x16xf32> to vector<16xf32>
      %mul3A_449 = arith.mulf %get3A_448, %div3A_373 : vector<16xf32>
      %get3A_450 = arith.index_cast %scan3A_354 : i32 to index
      %get3A_451 = arith.constant 64 : index
      %get3A_452 = tpu.vector_load %arg17[%get3A_450, %get3A_451] {strides = array<i32>} : memref<64x128xf32, #tpu.memory_space<vmem>>, vector<1x16xf32>,
      %get3A_453 = vector.shape_cast %get3A_452 : vector<1x16xf32> to vector<16xf32>
      %sub3A_454 = arith.subf %mul3A_449, %get3A_453 : vector<16xf32>
      %mul3A_455 = arith.mulf %get3A_377, %sub3A_454 : vector<16xf32>
      %add3A_456 = arith.addf %get3A_453, %mul3A_455 : vector<16xf32>
      %swap3A_457 = arith.index_cast %scan3A_354 : i32 to index
      %swap3A_458 = arith.constant 64 : index
      %swap3A_459 = tpu.vector_load %arg15[%swap3A_457, %swap3A_458] {strides = array<i32>} : memref<64x128xf32, #tpu.memory_space<vmem>>, vector<1x16xf32>,
      %swap3A_460 = vector.shape_cast %swap3A_459 : vector<1x16xf32> to vector<16xf32>
      %swap3A_461 = vector.shape_cast %add3A_456 : vector<16xf32> to vector<1x16xf32>
      tpu.vector_store %arg15[%swap3A_457, %swap3A_458], %swap3A_461 {strides = array<i32>} : memref<64x128xf32, #tpu.memory_space<vmem>>, vector<1x16xf32>,
      %get3A_462 = arith.index_cast %scan3A_354 : i32 to index
      %get3A_463 = arith.constant 80 : index
      %get3A_464 = tpu.vector_load %arg15[%get3A_462, %get3A_463] {strides = array<i32>} : memref<64x128xf32, #tpu.memory_space<vmem>>, vector<1x16xf32>,
      %get3A_465 = vector.shape_cast %get3A_464 : vector<1x16xf32> to vector<16xf32>
      %mul3A_466 = arith.mulf %get3A_465, %div3A_373 : vector<16xf32>
      %get3A_467 = arith.index_cast %scan3A_354 : i32 to index
      %get3A_468 = arith.constant 80 : index
      %get3A_469 = tpu.vector_load %arg17[%get3A_467, %get3A_468] {strides = array<i32>} : memref<64x128xf32, #tpu.memory_space<vmem>>, vector<1x16xf32>,
      %get3A_470 = vector.shape_cast %get3A_469 : vector<1x16xf32> to vector<16xf32>
      %sub3A_471 = arith.subf %mul3A_466, %get3A_470 : vector<16xf32>
      %mul3A_472 = arith.mulf %get3A_377, %sub3A_471 : vector<16xf32>
      %add3A_473 = arith.addf %get3A_470, %mul3A_472 : vector<16xf32>
      %swap3A_474 = arith.index_cast %scan3A_354 : i32 to index
      %swap3A_475 = arith.constant 80 : index
      %swap3A_476 = tpu.vector_load %arg15[%swap3A_474, %swap3A_475] {strides = array<i32>} : memref<64x128xf32, #tpu.memory_space<vmem>>, vector<1x16xf32>,
      %swap3A_477 = vector.shape_cast %swap3A_476 : vector<1x16xf32> to vector<16xf32>
      %swap3A_478 = vector.shape_cast %add3A_473 : vector<16xf32> to vector<1x16xf32>
      tpu.vector_store %arg15[%swap3A_474, %swap3A_475], %swap3A_478 {strides = array<i32>} : memref<64x128xf32, #tpu.memory_space<vmem>>, vector<1x16xf32>,
      %get3A_479 = arith.index_cast %scan3A_354 : i32 to index
      %get3A_480 = arith.constant 96 : index
      %get3A_481 = tpu.vector_load %arg15[%get3A_479, %get3A_480] {strides = array<i32>} : memref<64x128xf32, #tpu.memory_space<vmem>>, vector<1x16xf32>,
      %get3A_482 = vector.shape_cast %get3A_481 : vector<1x16xf32> to vector<16xf32>
      %mul3A_483 = arith.mulf %get3A_482, %div3A_373 : vector<16xf32>
      %get3A_484 = arith.index_cast %scan3A_354 : i32 to index
      %get3A_485 = arith.constant 96 : index
      %get3A_486 = tpu.vector_load %arg17[%get3A_484, %get3A_485] {strides = array<i32>} : memref<64x128xf32, #tpu.memory_space<vmem>>, vector<1x16xf32>,
      %get3A_487 = vector.shape_cast %get3A_486 : vector<1x16xf32> to vector<16xf32>
      %sub3A_488 = arith.subf %mul3A_483, %get3A_487 : vector<16xf32>
      %mul3A_489 = arith.mulf %get3A_377, %sub3A_488 : vector<16xf32>
      %add3A_490 = arith.addf %get3A_487, %mul3A_489 : vector<16xf32>
      %swap3A_491 = arith.index_cast %scan3A_354 : i32 to index
      %swap3A_492 = arith.constant 96 : index
      %swap3A_493 = tpu.vector_load %arg15[%swap3A_491, %swap3A_492] {strides = array<i32>} : memref<64x128xf32, #tpu.memory_space<vmem>>, vector<1x16xf32>,
      %swap3A_494 = vector.shape_cast %swap3A_493 : vector<1x16xf32> to vector<16xf32>
      %swap3A_495 = vector.shape_cast %add3A_490 : vector<16xf32> to vector<1x16xf32>
      tpu.vector_store %arg15[%swap3A_491, %swap3A_492], %swap3A_495 {strides = array<i32>} : memref<64x128xf32, #tpu.memory_space<vmem>>, vector<1x16xf32>,
      %eq3A = arith.constant 15 : i32
      %eq3A_496 = vector.broadcast %eq3A : i32 to vector<16xi32>
      %eq3A_497 = arith.cmpi eq, %iota3A, %eq3A_496 : vector<16xi32>
      %select_n3A = arith.select %eq3A_497, %sub3A, %get3A_357 : vector<16xi1>, vector<16xf32>
      %mul3A_498 = arith.mulf %select_n3A, %div3A_373 : vector<16xf32>
      %get3A_499 = arith.index_cast %scan3A_354 : i32 to index
      %get3A_500 = arith.constant 112 : index
      %get3A_501 = tpu.vector_load %arg17[%get3A_499, %get3A_500] {strides = array<i32>} : memref<64x128xf32, #tpu.memory_space<vmem>>, vector<1x16xf32>,
      %get3A_502 = vector.shape_cast %get3A_501 : vector<1x16xf32> to vector<16xf32>
      %sub3A_503 = arith.subf %mul3A_498, %get3A_502 : vector<16xf32>
      %mul3A_504 = arith.mulf %get3A_377, %sub3A_503 : vector<16xf32>
      %add3A_505 = arith.addf %get3A_502, %mul3A_504 : vector<16xf32>
      %swap3A_506 = arith.index_cast %scan3A_354 : i32 to index
      %swap3A_507 = arith.constant 112 : index
      %swap3A_508 = tpu.vector_load %arg15[%swap3A_506, %swap3A_507] {strides = array<i32>} : memref<64x128xf32, #tpu.memory_space<vmem>>, vector<1x16xf32>,
      %swap3A_509 = vector.shape_cast %swap3A_508 : vector<1x16xf32> to vector<16xf32>
      %swap3A_510 = vector.shape_cast %add3A_505 : vector<16xf32> to vector<1x16xf32>
      tpu.vector_store %arg15[%swap3A_506, %swap3A_507], %swap3A_510 {strides = array<i32>} : memref<64x128xf32, #tpu.memory_space<vmem>>, vector<1x16xf32>,
    }
    %scan3A_321 = arith.constant 64 : i32
    "tpu.region"() ({
      %run_scoped3A = tpu.sem_alloc : memref<!tpu.dma_semaphore, #tpu.memory_space<semaphore_mem>>
      %dma_start3A_354 = arith.constant 0 : i32
      %dma_start3A_355 = tpu.memref_slice %arg7[%arg0, %add3A_291, %dma_start3A_354] : memref<2x10240x128xf32, #tpu.memory_space<hbm>> -> memref<1x64x128xf32, #tpu.memory_space<hbm>>
      %dma_start3A_356 = tpu.memref_squeeze %dma_start3A_355 : memref<1x64x128xf32, #tpu.memory_space<hbm>> -> memref<64x128xf32, #tpu.memory_space<hbm>>
      %dma_start3A_357 = arith.constant 0 : i32
      %dma_start3A_358 = tpu.memref_slice %arg7[%arg0, %add3A_291, %dma_start3A_357] : memref<2x10240x128xf32, #tpu.memory_space<hbm>> -> memref<1x64x128xf32, #tpu.memory_space<hbm>>
      %dma_start3A_359 = tpu.memref_squeeze %dma_start3A_358 : memref<1x64x128xf32, #tpu.memory_space<hbm>> -> memref<64x128xf32, #tpu.memory_space<hbm>>
      tpu.enqueue_dma source(%arg15 : memref<64x128xf32, #tpu.memory_space<vmem>>) target(%dma_start3A_359 : memref<64x128xf32, #tpu.memory_space<hbm>>) target_semaphore(%run_scoped3A : memref<!tpu.dma_semaphore, #tpu.memory_space<semaphore_mem>>)
      %dma_wait3A_360 = arith.constant 0 : i32
      %dma_wait3A_361 = tpu.memref_slice %arg7[%arg0, %add3A_291, %dma_wait3A_360] : memref<2x10240x128xf32, #tpu.memory_space<hbm>> -> memref<1x64x128xf32, #tpu.memory_space<hbm>>
      %dma_wait3A_362 = tpu.memref_squeeze %dma_wait3A_361 : memref<1x64x128xf32, #tpu.memory_space<hbm>> -> memref<64x128xf32, #tpu.memory_space<hbm>>
      %dma_wait3A_363 = arith.constant 0 : i32
      %dma_wait3A_364 = tpu.memref_slice %arg7[%arg0, %add3A_291, %dma_wait3A_363] : memref<2x10240x128xf32, #tpu.memory_space<hbm>> -> memref<1x64x128xf32, #tpu.memory_space<hbm>>
      %dma_wait3A_365 = tpu.memref_squeeze %dma_wait3A_364 : memref<1x64x128xf32, #tpu.memory_space<hbm>> -> memref<64x128xf32, #tpu.memory_space<hbm>>
      tpu.wait_dma2 semaphore(%run_scoped3A : memref<!tpu.dma_semaphore, #tpu.memory_space<semaphore_mem>>) src(%arg15 : memref<64x128xf32, #tpu.memory_space<vmem>>) dst(%dma_wait3A_365 : memref<64x128xf32, #tpu.memory_space<hbm>>)
      tpu.yield
    }) : () -> ()
    %add3A_322 = arith.constant 576 : i32
    %add3A_323 = arith.addi %mul3A_0, %add3A_322 : i32
    %dma_start3A_324 = arith.constant 0 : i32
    %dma_start3A_325 = tpu.memref_slice %arg8[%add3A_323, %dma_start3A_324] : memref<10240x128xf32, #tpu.memory_space<vmem_shared>> -> memref<64x128xf32, #tpu.memory_space<vmem_shared>>
    %dma_start3A_326 = arith.constant 0 : i32
    %dma_start3A_327 = tpu.memref_slice %arg8[%add3A_323, %dma_start3A_326] : memref<10240x128xf32, #tpu.memory_space<vmem_shared>> -> memref<64x128xf32, #tpu.memory_space<vmem_shared>>
    tpu.enqueue_dma source(%dma_start3A_327 : memref<64x128xf32, #tpu.memory_space<vmem_shared>>) target(%arg15 : memref<64x128xf32, #tpu.memory_space<vmem>>) target_semaphore(%arg22 : memref<!tpu.dma_semaphore, #tpu.memory_space<semaphore_mem>>)
    %dma_start3A_328 = arith.constant 0 : i32
    %dma_start3A_329 = tpu.memref_slice %arg5[%add3A_323, %dma_start3A_328] : memref<10240x128xf32, #tpu.memory_space<hbm>> -> memref<64x128xf32, #tpu.memory_space<hbm>>
    %dma_start3A_330 = arith.constant 0 : i32
    %dma_start3A_331 = tpu.memref_slice %arg5[%add3A_323, %dma_start3A_330] : memref<10240x128xf32, #tpu.memory_space<hbm>> -> memref<64x128xf32, #tpu.memory_space<hbm>>
    tpu.enqueue_dma source(%dma_start3A_331 : memref<64x128xf32, #tpu.memory_space<hbm>>) target(%arg16 : memref<64x128xf32, #tpu.memory_space<vmem>>) target_semaphore(%arg23 : memref<!tpu.dma_semaphore, #tpu.memory_space<semaphore_mem>>)
    %dma_start3A_332 = arith.constant 0 : i32
    %dma_start3A_333 = tpu.memref_slice %arg4[%add3A_323, %dma_start3A_332] : memref<10240x128xf32, #tpu.memory_space<hbm>> -> memref<64x128xf32, #tpu.memory_space<hbm>>
    %dma_start3A_334 = arith.constant 0 : i32
    %dma_start3A_335 = tpu.memref_slice %arg4[%add3A_323, %dma_start3A_334] : memref<10240x128xf32, #tpu.memory_space<hbm>> -> memref<64x128xf32, #tpu.memory_space<hbm>>
    tpu.enqueue_dma source(%dma_start3A_335 : memref<64x128xf32, #tpu.memory_space<hbm>>) target(%arg17 : memref<64x128xf32, #tpu.memory_space<vmem>>) target_semaphore(%arg24 : memref<!tpu.dma_semaphore, #tpu.memory_space<semaphore_mem>>)
    %dma_wait3A_336 = arith.constant 0 : i32
    %dma_wait3A_337 = tpu.memref_slice %arg8[%add3A_323, %dma_wait3A_336] : memref<10240x128xf32, #tpu.memory_space<vmem_shared>> -> memref<64x128xf32, #tpu.memory_space<vmem_shared>>
    %dma_wait3A_338 = arith.constant 0 : i32
    %dma_wait3A_339 = tpu.memref_slice %arg8[%add3A_323, %dma_wait3A_338] : memref<10240x128xf32, #tpu.memory_space<vmem_shared>> -> memref<64x128xf32, #tpu.memory_space<vmem_shared>>
    tpu.wait_dma2 semaphore(%arg22 : memref<!tpu.dma_semaphore, #tpu.memory_space<semaphore_mem>>) src(%dma_wait3A_339 : memref<64x128xf32, #tpu.memory_space<vmem_shared>>) dst(%arg15 : memref<64x128xf32, #tpu.memory_space<vmem>>)
    %dma_wait3A_340 = arith.constant 0 : i32
    %dma_wait3A_341 = tpu.memref_slice %arg5[%add3A_323, %dma_wait3A_340] : memref<10240x128xf32, #tpu.memory_space<hbm>> -> memref<64x128xf32, #tpu.memory_space<hbm>>
    %dma_wait3A_342 = arith.constant 0 : i32
    %dma_wait3A_343 = tpu.memref_slice %arg5[%add3A_323, %dma_wait3A_342] : memref<10240x128xf32, #tpu.memory_space<hbm>> -> memref<64x128xf32, #tpu.memory_space<hbm>>
    tpu.wait_dma2 semaphore(%arg23 : memref<!tpu.dma_semaphore, #tpu.memory_space<semaphore_mem>>) src(%dma_wait3A_343 : memref<64x128xf32, #tpu.memory_space<hbm>>) dst(%arg16 : memref<64x128xf32, #tpu.memory_space<vmem>>)
    %dma_wait3A_344 = arith.constant 0 : i32
    %dma_wait3A_345 = tpu.memref_slice %arg4[%add3A_323, %dma_wait3A_344] : memref<10240x128xf32, #tpu.memory_space<hbm>> -> memref<64x128xf32, #tpu.memory_space<hbm>>
    %dma_wait3A_346 = arith.constant 0 : i32
    %dma_wait3A_347 = tpu.memref_slice %arg4[%add3A_323, %dma_wait3A_346] : memref<10240x128xf32, #tpu.memory_space<hbm>> -> memref<64x128xf32, #tpu.memory_space<hbm>>
    tpu.wait_dma2 semaphore(%arg24 : memref<!tpu.dma_semaphore, #tpu.memory_space<semaphore_mem>>) src(%dma_wait3A_347 : memref<64x128xf32, #tpu.memory_space<hbm>>) dst(%arg17 : memref<64x128xf32, #tpu.memory_space<vmem>>)
    %scan3A_348 = arith.constant 0 : i32
    %scan3A_349 = arith.constant 0 : i32
    %scan3A_350 = arith.constant 64 : i32
    %scan3A_351 = arith.addi %scan3A_349, %scan3A_350 : i32
    %scan3A_352 = arith.constant 1 : i32
    scf.for %scan3A_354 = %scan3A_349 to %scan3A_351 step %scan3A_352  : i32 {
      %get3A = arith.index_cast %scan3A_354 : i32 to index
      %get3A_355 = arith.constant 112 : index
      %get3A_356 = tpu.vector_load %arg15[%get3A, %get3A_355] {strides = array<i32>} : memref<64x128xf32, #tpu.memory_space<vmem>>, vector<1x16xf32>,
      %get3A_357 = vector.shape_cast %get3A_356 : vector<1x16xf32> to vector<16xf32>
      %broadcast_in_dim3A = arith.constant 15 : i32
      %broadcast_in_dim3A_358 = vector.broadcast %broadcast_in_dim3A : i32 to vector<16x1xi32>
      %gather3A = vector.shape_cast %broadcast_in_dim3A_358 : vector<16x1xi32> to vector<16xi32>
      %gather3A_359 = tpu.dynamic_gather %get3A_357[%gather3A] in [0] : vector<16xf32>, vector<16xi32> -> vector<16xf32>
      %mul3A_360 = arith.constant 1.52587891E-5 : f32
      %mul3A_361 = vector.broadcast %mul3A_360 : f32 to vector<16xf32>
      %mul3A_362 = arith.mulf %gather3A_359, %mul3A_361 : vector<16xf32>
      %add3A_363 = arith.constant 5.000000e-01 : f32
      %add3A_364 = vector.broadcast %add3A_363 : f32 to vector<16xf32>
      %add3A_365 = arith.addf %mul3A_362, %add3A_364 : vector<16xf32>
      %convert_element_type3A = arith.fptosi %add3A_365 : vector<16xf32> to vector<16xi32>
      %convert_element_type3A_366 = arith.sitofp %convert_element_type3A : vector<16xi32> to vector<16xf32>
      %mul3A_367 = arith.constant 6.553600e+04 : f32
      %mul3A_368 = vector.broadcast %mul3A_367 : f32 to vector<16xf32>
      %mul3A_369 = arith.mulf %convert_element_type3A_366, %mul3A_368 : vector<16xf32>
      %sub3A = arith.subf %gather3A_359, %mul3A_369 : vector<16xf32>
      %max3A = arith.constant 1.000000e+00 : f32
      %max3A_370 = vector.broadcast %max3A : f32 to vector<16xf32>
      %max3A_371 = arith.maximumf %convert_element_type3A_366, %max3A_370 : vector<16xf32>
      %div3A = arith.constant 1.000000e+00 : f32
      %div3A_372 = vector.broadcast %div3A : f32 to vector<16xf32>
      %div3A_373 = arith.divf %div3A_372, %max3A_371 : vector<16xf32>
      %get3A_374 = arith.index_cast %scan3A_354 : i32 to index
      %get3A_375 = arith.constant 0 : index
      %get3A_376 = tpu.vector_load %arg16[%get3A_374, %get3A_375] {strides = array<i32>} : memref<64x128xf32, #tpu.memory_space<vmem>>, vector<1x16xf32>,
      %get3A_377 = vector.shape_cast %get3A_376 : vector<1x16xf32> to vector<16xf32>
      %get3A_378 = arith.index_cast %scan3A_354 : i32 to index
      %get3A_379 = arith.constant 0 : index
      %get3A_380 = tpu.vector_load %arg15[%get3A_378, %get3A_379] {strides = array<i32>} : memref<64x128xf32, #tpu.memory_space<vmem>>, vector<1x16xf32>,
      %get3A_381 = vector.shape_cast %get3A_380 : vector<1x16xf32> to vector<16xf32>
      %mul3A_382 = arith.mulf %get3A_381, %div3A_373 : vector<16xf32>
      %get3A_383 = arith.index_cast %scan3A_354 : i32 to index
      %get3A_384 = arith.constant 0 : index
      %get3A_385 = tpu.vector_load %arg17[%get3A_383, %get3A_384] {strides = array<i32>} : memref<64x128xf32, #tpu.memory_space<vmem>>, vector<1x16xf32>,
      %get3A_386 = vector.shape_cast %get3A_385 : vector<1x16xf32> to vector<16xf32>
      %sub3A_387 = arith.subf %mul3A_382, %get3A_386 : vector<16xf32>
      %mul3A_388 = arith.mulf %get3A_377, %sub3A_387 : vector<16xf32>
      %add3A_389 = arith.addf %get3A_386, %mul3A_388 : vector<16xf32>
      %swap3A = arith.index_cast %scan3A_354 : i32 to index
      %swap3A_390 = arith.constant 0 : index
      %swap3A_391 = tpu.vector_load %arg15[%swap3A, %swap3A_390] {strides = array<i32>} : memref<64x128xf32, #tpu.memory_space<vmem>>, vector<1x16xf32>,
      %swap3A_392 = vector.shape_cast %swap3A_391 : vector<1x16xf32> to vector<16xf32>
      %swap3A_393 = vector.shape_cast %add3A_389 : vector<16xf32> to vector<1x16xf32>
      tpu.vector_store %arg15[%swap3A, %swap3A_390], %swap3A_393 {strides = array<i32>} : memref<64x128xf32, #tpu.memory_space<vmem>>, vector<1x16xf32>,
      %get3A_394 = arith.index_cast %scan3A_354 : i32 to index
      %get3A_395 = arith.constant 16 : index
      %get3A_396 = tpu.vector_load %arg15[%get3A_394, %get3A_395] {strides = array<i32>} : memref<64x128xf32, #tpu.memory_space<vmem>>, vector<1x16xf32>,
      %get3A_397 = vector.shape_cast %get3A_396 : vector<1x16xf32> to vector<16xf32>
      %mul3A_398 = arith.mulf %get3A_397, %div3A_373 : vector<16xf32>
      %get3A_399 = arith.index_cast %scan3A_354 : i32 to index
      %get3A_400 = arith.constant 16 : index
      %get3A_401 = tpu.vector_load %arg17[%get3A_399, %get3A_400] {strides = array<i32>} : memref<64x128xf32, #tpu.memory_space<vmem>>, vector<1x16xf32>,
      %get3A_402 = vector.shape_cast %get3A_401 : vector<1x16xf32> to vector<16xf32>
      %sub3A_403 = arith.subf %mul3A_398, %get3A_402 : vector<16xf32>
      %mul3A_404 = arith.mulf %get3A_377, %sub3A_403 : vector<16xf32>
      %add3A_405 = arith.addf %get3A_402, %mul3A_404 : vector<16xf32>
      %swap3A_406 = arith.index_cast %scan3A_354 : i32 to index
      %swap3A_407 = arith.constant 16 : index
      %swap3A_408 = tpu.vector_load %arg15[%swap3A_406, %swap3A_407] {strides = array<i32>} : memref<64x128xf32, #tpu.memory_space<vmem>>, vector<1x16xf32>,
      %swap3A_409 = vector.shape_cast %swap3A_408 : vector<1x16xf32> to vector<16xf32>
      %swap3A_410 = vector.shape_cast %add3A_405 : vector<16xf32> to vector<1x16xf32>
      tpu.vector_store %arg15[%swap3A_406, %swap3A_407], %swap3A_410 {strides = array<i32>} : memref<64x128xf32, #tpu.memory_space<vmem>>, vector<1x16xf32>,
      %get3A_411 = arith.index_cast %scan3A_354 : i32 to index
      %get3A_412 = arith.constant 32 : index
      %get3A_413 = tpu.vector_load %arg15[%get3A_411, %get3A_412] {strides = array<i32>} : memref<64x128xf32, #tpu.memory_space<vmem>>, vector<1x16xf32>,
      %get3A_414 = vector.shape_cast %get3A_413 : vector<1x16xf32> to vector<16xf32>
      %mul3A_415 = arith.mulf %get3A_414, %div3A_373 : vector<16xf32>
      %get3A_416 = arith.index_cast %scan3A_354 : i32 to index
      %get3A_417 = arith.constant 32 : index
      %get3A_418 = tpu.vector_load %arg17[%get3A_416, %get3A_417] {strides = array<i32>} : memref<64x128xf32, #tpu.memory_space<vmem>>, vector<1x16xf32>,
      %get3A_419 = vector.shape_cast %get3A_418 : vector<1x16xf32> to vector<16xf32>
      %sub3A_420 = arith.subf %mul3A_415, %get3A_419 : vector<16xf32>
      %mul3A_421 = arith.mulf %get3A_377, %sub3A_420 : vector<16xf32>
      %add3A_422 = arith.addf %get3A_419, %mul3A_421 : vector<16xf32>
      %swap3A_423 = arith.index_cast %scan3A_354 : i32 to index
      %swap3A_424 = arith.constant 32 : index
      %swap3A_425 = tpu.vector_load %arg15[%swap3A_423, %swap3A_424] {strides = array<i32>} : memref<64x128xf32, #tpu.memory_space<vmem>>, vector<1x16xf32>,
      %swap3A_426 = vector.shape_cast %swap3A_425 : vector<1x16xf32> to vector<16xf32>
      %swap3A_427 = vector.shape_cast %add3A_422 : vector<16xf32> to vector<1x16xf32>
      tpu.vector_store %arg15[%swap3A_423, %swap3A_424], %swap3A_427 {strides = array<i32>} : memref<64x128xf32, #tpu.memory_space<vmem>>, vector<1x16xf32>,
      %get3A_428 = arith.index_cast %scan3A_354 : i32 to index
      %get3A_429 = arith.constant 48 : index
      %get3A_430 = tpu.vector_load %arg15[%get3A_428, %get3A_429] {strides = array<i32>} : memref<64x128xf32, #tpu.memory_space<vmem>>, vector<1x16xf32>,
      %get3A_431 = vector.shape_cast %get3A_430 : vector<1x16xf32> to vector<16xf32>
      %mul3A_432 = arith.mulf %get3A_431, %div3A_373 : vector<16xf32>
      %get3A_433 = arith.index_cast %scan3A_354 : i32 to index
      %get3A_434 = arith.constant 48 : index
      %get3A_435 = tpu.vector_load %arg17[%get3A_433, %get3A_434] {strides = array<i32>} : memref<64x128xf32, #tpu.memory_space<vmem>>, vector<1x16xf32>,
      %get3A_436 = vector.shape_cast %get3A_435 : vector<1x16xf32> to vector<16xf32>
      %sub3A_437 = arith.subf %mul3A_432, %get3A_436 : vector<16xf32>
      %mul3A_438 = arith.mulf %get3A_377, %sub3A_437 : vector<16xf32>
      %add3A_439 = arith.addf %get3A_436, %mul3A_438 : vector<16xf32>
      %swap3A_440 = arith.index_cast %scan3A_354 : i32 to index
      %swap3A_441 = arith.constant 48 : index
      %swap3A_442 = tpu.vector_load %arg15[%swap3A_440, %swap3A_441] {strides = array<i32>} : memref<64x128xf32, #tpu.memory_space<vmem>>, vector<1x16xf32>,
      %swap3A_443 = vector.shape_cast %swap3A_442 : vector<1x16xf32> to vector<16xf32>
      %swap3A_444 = vector.shape_cast %add3A_439 : vector<16xf32> to vector<1x16xf32>
      tpu.vector_store %arg15[%swap3A_440, %swap3A_441], %swap3A_444 {strides = array<i32>} : memref<64x128xf32, #tpu.memory_space<vmem>>, vector<1x16xf32>,
      %get3A_445 = arith.index_cast %scan3A_354 : i32 to index
      %get3A_446 = arith.constant 64 : index
      %get3A_447 = tpu.vector_load %arg15[%get3A_445, %get3A_446] {strides = array<i32>} : memref<64x128xf32, #tpu.memory_space<vmem>>, vector<1x16xf32>,
      %get3A_448 = vector.shape_cast %get3A_447 : vector<1x16xf32> to vector<16xf32>
      %mul3A_449 = arith.mulf %get3A_448, %div3A_373 : vector<16xf32>
      %get3A_450 = arith.index_cast %scan3A_354 : i32 to index
      %get3A_451 = arith.constant 64 : index
      %get3A_452 = tpu.vector_load %arg17[%get3A_450, %get3A_451] {strides = array<i32>} : memref<64x128xf32, #tpu.memory_space<vmem>>, vector<1x16xf32>,
      %get3A_453 = vector.shape_cast %get3A_452 : vector<1x16xf32> to vector<16xf32>
      %sub3A_454 = arith.subf %mul3A_449, %get3A_453 : vector<16xf32>
      %mul3A_455 = arith.mulf %get3A_377, %sub3A_454 : vector<16xf32>
      %add3A_456 = arith.addf %get3A_453, %mul3A_455 : vector<16xf32>
      %swap3A_457 = arith.index_cast %scan3A_354 : i32 to index
      %swap3A_458 = arith.constant 64 : index
      %swap3A_459 = tpu.vector_load %arg15[%swap3A_457, %swap3A_458] {strides = array<i32>} : memref<64x128xf32, #tpu.memory_space<vmem>>, vector<1x16xf32>,
      %swap3A_460 = vector.shape_cast %swap3A_459 : vector<1x16xf32> to vector<16xf32>
      %swap3A_461 = vector.shape_cast %add3A_456 : vector<16xf32> to vector<1x16xf32>
      tpu.vector_store %arg15[%swap3A_457, %swap3A_458], %swap3A_461 {strides = array<i32>} : memref<64x128xf32, #tpu.memory_space<vmem>>, vector<1x16xf32>,
      %get3A_462 = arith.index_cast %scan3A_354 : i32 to index
      %get3A_463 = arith.constant 80 : index
      %get3A_464 = tpu.vector_load %arg15[%get3A_462, %get3A_463] {strides = array<i32>} : memref<64x128xf32, #tpu.memory_space<vmem>>, vector<1x16xf32>,
      %get3A_465 = vector.shape_cast %get3A_464 : vector<1x16xf32> to vector<16xf32>
      %mul3A_466 = arith.mulf %get3A_465, %div3A_373 : vector<16xf32>
      %get3A_467 = arith.index_cast %scan3A_354 : i32 to index
      %get3A_468 = arith.constant 80 : index
      %get3A_469 = tpu.vector_load %arg17[%get3A_467, %get3A_468] {strides = array<i32>} : memref<64x128xf32, #tpu.memory_space<vmem>>, vector<1x16xf32>,
      %get3A_470 = vector.shape_cast %get3A_469 : vector<1x16xf32> to vector<16xf32>
      %sub3A_471 = arith.subf %mul3A_466, %get3A_470 : vector<16xf32>
      %mul3A_472 = arith.mulf %get3A_377, %sub3A_471 : vector<16xf32>
      %add3A_473 = arith.addf %get3A_470, %mul3A_472 : vector<16xf32>
      %swap3A_474 = arith.index_cast %scan3A_354 : i32 to index
      %swap3A_475 = arith.constant 80 : index
      %swap3A_476 = tpu.vector_load %arg15[%swap3A_474, %swap3A_475] {strides = array<i32>} : memref<64x128xf32, #tpu.memory_space<vmem>>, vector<1x16xf32>,
      %swap3A_477 = vector.shape_cast %swap3A_476 : vector<1x16xf32> to vector<16xf32>
      %swap3A_478 = vector.shape_cast %add3A_473 : vector<16xf32> to vector<1x16xf32>
      tpu.vector_store %arg15[%swap3A_474, %swap3A_475], %swap3A_478 {strides = array<i32>} : memref<64x128xf32, #tpu.memory_space<vmem>>, vector<1x16xf32>,
      %get3A_479 = arith.index_cast %scan3A_354 : i32 to index
      %get3A_480 = arith.constant 96 : index
      %get3A_481 = tpu.vector_load %arg15[%get3A_479, %get3A_480] {strides = array<i32>} : memref<64x128xf32, #tpu.memory_space<vmem>>, vector<1x16xf32>,
      %get3A_482 = vector.shape_cast %get3A_481 : vector<1x16xf32> to vector<16xf32>
      %mul3A_483 = arith.mulf %get3A_482, %div3A_373 : vector<16xf32>
      %get3A_484 = arith.index_cast %scan3A_354 : i32 to index
      %get3A_485 = arith.constant 96 : index
      %get3A_486 = tpu.vector_load %arg17[%get3A_484, %get3A_485] {strides = array<i32>} : memref<64x128xf32, #tpu.memory_space<vmem>>, vector<1x16xf32>,
      %get3A_487 = vector.shape_cast %get3A_486 : vector<1x16xf32> to vector<16xf32>
      %sub3A_488 = arith.subf %mul3A_483, %get3A_487 : vector<16xf32>
      %mul3A_489 = arith.mulf %get3A_377, %sub3A_488 : vector<16xf32>
      %add3A_490 = arith.addf %get3A_487, %mul3A_489 : vector<16xf32>
      %swap3A_491 = arith.index_cast %scan3A_354 : i32 to index
      %swap3A_492 = arith.constant 96 : index
      %swap3A_493 = tpu.vector_load %arg15[%swap3A_491, %swap3A_492] {strides = array<i32>} : memref<64x128xf32, #tpu.memory_space<vmem>>, vector<1x16xf32>,
      %swap3A_494 = vector.shape_cast %swap3A_493 : vector<1x16xf32> to vector<16xf32>
      %swap3A_495 = vector.shape_cast %add3A_490 : vector<16xf32> to vector<1x16xf32>
      tpu.vector_store %arg15[%swap3A_491, %swap3A_492], %swap3A_495 {strides = array<i32>} : memref<64x128xf32, #tpu.memory_space<vmem>>, vector<1x16xf32>,
      %eq3A = arith.constant 15 : i32
      %eq3A_496 = vector.broadcast %eq3A : i32 to vector<16xi32>
      %eq3A_497 = arith.cmpi eq, %iota3A, %eq3A_496 : vector<16xi32>
      %select_n3A = arith.select %eq3A_497, %sub3A, %get3A_357 : vector<16xi1>, vector<16xf32>
      %mul3A_498 = arith.mulf %select_n3A, %div3A_373 : vector<16xf32>
      %get3A_499 = arith.index_cast %scan3A_354 : i32 to index
      %get3A_500 = arith.constant 112 : index
      %get3A_501 = tpu.vector_load %arg17[%get3A_499, %get3A_500] {strides = array<i32>} : memref<64x128xf32, #tpu.memory_space<vmem>>, vector<1x16xf32>,
      %get3A_502 = vector.shape_cast %get3A_501 : vector<1x16xf32> to vector<16xf32>
      %sub3A_503 = arith.subf %mul3A_498, %get3A_502 : vector<16xf32>
      %mul3A_504 = arith.mulf %get3A_377, %sub3A_503 : vector<16xf32>
      %add3A_505 = arith.addf %get3A_502, %mul3A_504 : vector<16xf32>
      %swap3A_506 = arith.index_cast %scan3A_354 : i32 to index
      %swap3A_507 = arith.constant 112 : index
      %swap3A_508 = tpu.vector_load %arg15[%swap3A_506, %swap3A_507] {strides = array<i32>} : memref<64x128xf32, #tpu.memory_space<vmem>>, vector<1x16xf32>,
      %swap3A_509 = vector.shape_cast %swap3A_508 : vector<1x16xf32> to vector<16xf32>
      %swap3A_510 = vector.shape_cast %add3A_505 : vector<16xf32> to vector<1x16xf32>
      tpu.vector_store %arg15[%swap3A_506, %swap3A_507], %swap3A_510 {strides = array<i32>} : memref<64x128xf32, #tpu.memory_space<vmem>>, vector<1x16xf32>,
    }
    %scan3A_353 = arith.constant 64 : i32
    "tpu.region"() ({
      %run_scoped3A = tpu.sem_alloc : memref<!tpu.dma_semaphore, #tpu.memory_space<semaphore_mem>>
      %dma_start3A_354 = arith.constant 0 : i32
      %dma_start3A_355 = tpu.memref_slice %arg7[%arg0, %add3A_323, %dma_start3A_354] : memref<2x10240x128xf32, #tpu.memory_space<hbm>> -> memref<1x64x128xf32, #tpu.memory_space<hbm>>
      %dma_start3A_356 = tpu.memref_squeeze %dma_start3A_355 : memref<1x64x128xf32, #tpu.memory_space<hbm>> -> memref<64x128xf32, #tpu.memory_space<hbm>>
      %dma_start3A_357 = arith.constant 0 : i32
      %dma_start3A_358 = tpu.memref_slice %arg7[%arg0, %add3A_323, %dma_start3A_357] : memref<2x10240x128xf32, #tpu.memory_space<hbm>> -> memref<1x64x128xf32, #tpu.memory_space<hbm>>
      %dma_start3A_359 = tpu.memref_squeeze %dma_start3A_358 : memref<1x64x128xf32, #tpu.memory_space<hbm>> -> memref<64x128xf32, #tpu.memory_space<hbm>>
      tpu.enqueue_dma source(%arg15 : memref<64x128xf32, #tpu.memory_space<vmem>>) target(%dma_start3A_359 : memref<64x128xf32, #tpu.memory_space<hbm>>) target_semaphore(%run_scoped3A : memref<!tpu.dma_semaphore, #tpu.memory_space<semaphore_mem>>)
      %dma_wait3A_360 = arith.constant 0 : i32
      %dma_wait3A_361 = tpu.memref_slice %arg7[%arg0, %add3A_323, %dma_wait3A_360] : memref<2x10240x128xf32, #tpu.memory_space<hbm>> -> memref<1x64x128xf32, #tpu.memory_space<hbm>>
      %dma_wait3A_362 = tpu.memref_squeeze %dma_wait3A_361 : memref<1x64x128xf32, #tpu.memory_space<hbm>> -> memref<64x128xf32, #tpu.memory_space<hbm>>
      %dma_wait3A_363 = arith.constant 0 : i32
      %dma_wait3A_364 = tpu.memref_slice %arg7[%arg0, %add3A_323, %dma_wait3A_363] : memref<2x10240x128xf32, #tpu.memory_space<hbm>> -> memref<1x64x128xf32, #tpu.memory_space<hbm>>
      %dma_wait3A_365 = tpu.memref_squeeze %dma_wait3A_364 : memref<1x64x128xf32, #tpu.memory_space<hbm>> -> memref<64x128xf32, #tpu.memory_space<hbm>>
      tpu.wait_dma2 semaphore(%run_scoped3A : memref<!tpu.dma_semaphore, #tpu.memory_space<semaphore_mem>>) src(%arg15 : memref<64x128xf32, #tpu.memory_space<vmem>>) dst(%dma_wait3A_365 : memref<64x128xf32, #tpu.memory_space<hbm>>)
      tpu.yield
    }) : () -> ()
    return
  }
}

</mosaic_0001>

<sc_bundles>
// kernel: kernel.3.cloned.1.call-start
scs
__scs_entry_jumppad:
0x0: {  	(pc) =	sbr.rel $0x88, $3  }
0x1: {  	(tag) =	ssettag $0x0;
	lr =	simm.s32 $0x1  }
0x2: {  	[smem:$0x3F9D] =	sst lr;
	_ =	strace $0xD0000000  }
0x3: {  	_ = 	snop  }
0x4: {  	_ = 	snop  }
0x5: {  	_ = 	snop  }
0x6: {  	_ = 	snop  }
0x7: {  	_ = 	snop  }
__scs_overlays_trampoline_lowered:
0x8: {  	[smem:$0x3FAC] =	sst s0  }
0x9: {  	[smem:$0x3FAD] =	sst s1  }
0xa: {  	[smem:$0x3FAE] =	sst s2  }
0xb: {  	[smem:$0x3FAF] =	sst s3  }
0xc: {  	[smem:$0x3FB0] =	sst s4  }
0xd: {  	[smem:$0x3FB1] =	sst s5  }
0xe: {  	[smem:$0x3FB2] =	sst s6  }
0xf: {  	[smem:$0x3FB3] =	sst s7  }
0x10: {  	[smem:$0x3FB4] =	sst s8  }
0x11: {  	[smem:$0x3FB5] =	sst s9;
	s0 =	simm.s32 @!p0 $0x0  }
0x12: {  	s1 =	sld [smem:$0x3F9B];
	s0 =	simm.s32 @p0 $0x1  }
0x13: {  	[smem:$0x3FB6] =	sst s0;
	s0 =	simm.s32 @!p1 $0x0  }
0x14: {  	s2 =	sld [smem:$0x3F9A];
	s0 =	simm.s32 @p1 $0x1  }
0x15: {  	[smem:$0x3FB7] =	sst s0;
	s0 =	simm.s32 @!p2 $0x0  }
0x16: {  	s3 =	sld [smem:$0x3FDB];
	s0 =	simm.s32 @p2 $0x1  }
0x17: {  	s4 =	simm.s32 $0x1BF5;
	[smem:$0x3FB9] =	sst s0  }
0x18: {  	s0 =	sld [smem:$0x3F9C];
	_ =	swait.ge [sflag:s4], $0x0  }
0x19: {  	s7 =	sld [smem:$0x3F9D]  }
0x1a: {  	s8 =	sadd.s32 $0xFFFFE003, lr  }
0x1b: {  	s9 =	sadd.s32 $0xFFFFFEF7, lr;
	s5 =	simm.s32 $0xFFFFFFFF;
	p2 =	slt.u32 s8, $0xFFFFF086  }
0x1c: {  	p1 =	slt.u32 s9, $0xF7A;
	s5 =	simm.s32 @!p2 $0x0  }
0x1d: {  	s5 =	simm.s32 @p1 $0x1;
	p0 =	seq.s32 s7, s2  }
0x1e: {  	s7 =	smul.u32 @!p0 $0xF7A, s2;
	p2 =	seq.s32 @!p0 s5, $0x0  }
0x1f: {  	s9 =	smul.u32 $0xF7A, s1;
	s8 =	simm.s32 @!p0 $0x1BF5;
	p2 =	por !p2, p0  }
0x20: {  	[sflag:s8] =	ssyncset.s32 @!p0 $0xFFFFF086;
	s6 =	sadd.s32 @!p0 s3, s7;
	s7 =	simm.s32 @!p0 $0x108  }
0x21: {  	s3 =	sadd.s32 s3, s9;
	s6 =	sadd.s32 @!p0 $0x88, s6;
	s7 =	simm.s32 @p2 $0x1082  }
0x22: {  	[simem:s7], [sflag:s8] =	dma.local @!p0 [hbm:s6], $0xF7A  }
0x23: {  	s9 =	sor.u32 $0xD0000000, s2;
	s6 =	simm.s32 $0x108;
	_ =	swait.ge @!p0 [sflag:s8], $0x0  }
0x24: {  	s3 =	sadd.s32 $0x88, s3;
	s6 =	simm.s32 @!p1 $0x1082;
	[sflag:s4] =	ssyncset.s32 $0xFFFFF086  }
0x25: {  	[simem:s6], [sflag:s4] =	dma.local [hbm:s3], $0xF7A  }
0x26: {  	[smem:$0x3F9D] =	sst s1;
	(tag) =	ssettag s2;
	_ =	strace s9  }
0x27: {  	s1 =	sld [smem:$0x3FAD]  }
0x28: {  	s2 =	sld [smem:$0x3FAE]  }
0x29: {  	s4 =	sld [smem:$0x3FB0]  }
0x2a: {  	p0 =	seq.s32 s5, $0x0;
	s5 =	sld [smem:$0x3FB1]  }
0x2b: {  	s6 =	sld [smem:$0x3FB2]  }
0x2c: {  	s7 =	sld [smem:$0x3FB3]  }
0x2d: {  	s3 =	simm.s32 $0x108;
	s8 =	sld [smem:$0x3FB4]  }
0x2e: {  	s3 =	simm.s32 @!p0 $0x1082;
	s9 =	sld [smem:$0x3FB5]  }
0x2f: {  	lr =	sadd.s32 s0, s3;
	s0 =	sld [smem:$0x3FAC]  }
0x30: {  	s3 =	sld [smem:$0x3FAF]  }
0x31: {  	[smem:$0x3FB8] =	sst s10  }
0x32: {  	s10 =	sld [smem:$0x3FB6];
	_ =	sdelay $0x3  }
0x33: {  	p0 =	seq.s32 s10, $0x1;
	s10 =	sld [smem:$0x3FB8];
	_ =	sdelay $0x3  }
0x34: {  	[smem:$0x3FB8] =	sst s10  }
0x35: {  	s10 =	sld [smem:$0x3FB7];
	_ =	sdelay $0x3  }
0x36: {  	p1 =	seq.s32 s10, $0x1;
	s10 =	sld [smem:$0x3FB8];
	_ =	sdelay $0x3  }
0x37: {  	[smem:$0x3FB8] =	sst s10  }
0x38: {  	s10 =	sld [smem:$0x3FB9]  }
0x39: {  	_ = 	snop;
	(pc) =	sbr.ind lr, $3  }
0x3a: {  	_ = 	snop  }
0x3b: {  	_ = 	snop  }
0x3c: {  	p2 =	seq.s32 s10, $0x1;
	s10 =	sld [smem:$0x3FB8]  }
0x3d: {  	_ =	shalt  }
0x3e: {  	_ =	shalt  }
0x3f: {  	_ =	shalt  }
0x40: {  	_ =	shalt  }
0x41: {  	_ =	shalt  }
0x42: {  	_ =	shalt  }
0x43: {  	_ =	shalt  }
0x44: {  	_ =	shalt  }
0x45: {  	_ =	shalt  }
0x46: {  	_ =	shalt  }
0x47: {  	_ =	shalt  }
0x48: {  	_ =	shalt  }
0x49: {  	_ =	shalt  }
0x4a: {  	_ =	shalt  }
0x4b: {  	_ =	shalt  }
0x4c: {  	_ =	shalt  }
0x4d: {  	_ =	shalt  }
0x4e: {  	_ =	shalt  }
0x4f: {  	_ =	shalt  }
0x50: {  	_ =	shalt  }
0x51: {  	_ =	shalt  }
0x52: {  	_ =	shalt  }
0x53: {  	_ =	shalt  }
0x54: {  	_ =	shalt  }
0x55: {  	_ =	shalt  }
0x56: {  	_ =	shalt  }
0x57: {  	_ =	shalt  }
0x58: {  	_ =	shalt  }
0x59: {  	_ =	shalt  }
0x5a: {  	_ =	shalt  }
0x5b: {  	_ =	shalt  }
0x5c: {  	_ =	shalt  }
0x5d: {  	_ =	shalt  }
0x5e: {  	_ =	shalt  }
0x5f: {  	_ =	shalt  }
0x60: {  	_ =	shalt  }
0x61: {  	_ =	shalt  }
0x62: {  	_ =	shalt  }
0x63: {  	_ =	shalt  }
0x64: {  	_ =	shalt  }
0x65: {  	_ =	shalt  }
0x66: {  	_ =	shalt  }
0x67: {  	_ =	shalt  }
0x68: {  	_ =	shalt  }
0x69: {  	_ =	shalt  }
0x6a: {  	_ =	shalt  }
0x6b: {  	_ =	shalt  }
0x6c: {  	_ =	shalt  }
0x6d: {  	_ =	shalt  }
0x6e: {  	_ =	shalt  }
0x6f: {  	_ =	shalt  }
0x70: {  	_ =	shalt  }
0x71: {  	_ =	shalt  }
0x72: {  	_ =	shalt  }
0x73: {  	_ =	shalt  }
0x74: {  	_ =	shalt  }
0x75: {  	_ =	shalt  }
0x76: {  	_ =	shalt  }
0x77: {  	_ =	shalt  }
0x78: {  	_ =	shalt  }
0x79: {  	_ =	shalt  }
0x7a: {  	_ =	shalt  }
0x7b: {  	_ =	shalt  }
0x7c: {  	_ =	shalt  }
0x7d: {  	_ =	shalt  }
0x7e: {  	_ =	shalt  }
0x7f: {  	_ =	shalt  }
0x80: {  	_ =	shalt  }
0x81: {  	_ =	shalt  }
0x82: {  	_ =	shalt  }
0x83: {  	_ =	shalt  }
0x84: {  	_ =	shalt  }
0x85: {  	_ =	shalt  }
0x86: {  	_ =	shalt  }
0x87: {  	_ =	shalt  }
.Lfunc_end0:
.L_simem_size_0:
called_computation_lowered:
.L_overlay_start_0:
0x88: {  	s2 =	sld [smem:$0x3FD9]  }
0x89: {  	s3 =	sld [smem:$0x3FFE];
	_ =	sdelay $0x1  }
0x8a: {  	s1 =	srdreg.scid  }
0x8b: {  	s0 =	sand.u32 $0x1, s1  }
0x8c: {  	s17 =	sshll.u32 s0, $0xA;
	s2 =	sadd.s32 s3, s2  }
0x8d: {  	s2 =	sadd.s32 s2, s17  }
0x8e: {  	[smem:$0x3FC4] =	sst s2  }
0x8f: {  	_ = 	snop  }
0x90: {  	s2 =	sld [smem:$0x3FD0];
	(tm) =	ssettm $0x1  }
0x91: {  	s18 =	sld [smem:$0x3FFB];
	_ =	sdelay $0x3  }
0x92: {  	_ =	strace s18  }
0x93: {  	s3 =	sld [smem:$0x3FFC];
	_ =	sdelay $0x3  }
0x94: {  	_ =	strace s3  }
0x95: {  	s3 =	sld [smem:$0x3FFD];
	_ =	sdelay $0x3  }
0x96: {  	_ =	strace s3  }
0x97: {  	_ =	strace $0x8FFFFFFF  }
0x98: {  	s19 =	sld [smem:$0x3FDB];
	_ =	sdelay $0x1  }
0x99: {  	s4 =	simm.s32 $_scs_section_size  }
0x9a: {  	s5 =	simm.s32 $_size__tile_overlayer_lowered;
	s6 =	simm.s32 $_tile_overlayer_lowered  }
0x9b: {  	s22 =	simm.s32 $0x1BFF;
	s21 =	sshll.u32 s6, $0x1;
	s3 =	sadd.s32 s4, s19  }
0x9c: {  	s7 =	simm.s32 $0x0;
	s20 =	sshll.u32 s5, $0x1;
	s5 =	sadd.s32 s21, s3  }
0x9d: {  	[timem:s7], [sflag:s22] =	dma.local [hbm:s5], s20  }
0x9e: {  	_ =	swait.ge [sflag:s22], s20  }
0x9f: {  	s4 =	ssub.s32 $0x0, s20;
	[sflag:s22] =	ssyncset.done $0x0  }
0xa0: {  	[sflag:s22] =	ssyncadd.s32 s4;
	_ =	sdelay $0x1  }
0xa1: {  	s23 =	simm.s32 $0x1B8B  }
0xa2: {  	_ =	swait.ge [sflag:s23], $0x1  }
0xa3: {  	[sflag:s23] =	ssyncset.done $0x0  }
0xa4: {  	s25 =	simm.s32 $0x1B8E;
	s24 =	sld [smem:$0x3FFE];
	[sflag:s23] =	ssyncadd.s32 $0xFFFFFFFF  }
0xa5: {  	s26 =	simm.s32 $execute0_lowered;
	[smem:$0x3FD2] =	sst s25  }
0xa6: {  	s5 =	sshll.u32 s26, $0x1;
	_ =	strace $0x80000046;
	[dreg:$0x1] =	wrdreg $0xFFFFFFFF  }
0xa7: {  	s28 =	simm.s32 $_size_execute0_lowered;
	s3 =	sadd.s32 s3, s5;
	[dreg:$0x0] =	wrdreg $0x0  }
0xa8: {  	s5 =	sshll.u32 s28, $0x1;
	[dreg:$0x2] =	wrdreg s3  }
0xa9: {  	[dreg:$0x3] =	wrdreg s5  }
0xaa: {  	[dreg:$0x4] =	wrdreg $0xC0  }
0xab: {  	_ =	task [dreg:s7], $0x5FFFF  }
0xac: {  	[dreg:$0x1] =	wrdreg $0xFFFFFFFF  }
0xad: {  	[dreg:$0x0] =	wrdreg $0x60  }
0xae: {  	[dreg:$0x2] =	wrdreg s24  }
0xaf: {  	[dreg:$0x3] =	wrdreg s2  }
0xb0: {  	[dreg:$0x4] =	wrdreg $0x0  }
0xb1: {  	[dreg:$0x5] =	wrdreg $0x9  }
0xb2: {  	_ =	task.clear_ibuf [dreg:s7], $0x6FFFF;
	_ =	strace $0x90000046  }
0xb3: {  	s29 =	simm.s32 $0x9;
	_ =	strace $0x80000048  }
0xb4: {  	_ =	swait.ge [sflag:s29], $0x1  }
0xb5: {  	[sflag:s29] =	ssyncadd.s32 $0xFFFFFFFF  }
0xb6: {  	_ =	strace $0x90000048  }
0xb7: {  	_ =	sfence  }
0xb8: {  	s30 =	sld [smem:$0x0];
	_ =	sdelay $0x2  }
0xb9: {  	s31 =	sshll.u32 s1, $0xD;
	s1 =	sshrl.u32 s1, $0x2  }
0xba: {  	s3 =	sand.u32 $0x4000, s31;
	s1 =	sadd.s32 s1, s30  }
0xbb: {  	s0 =	sor.u32 s3, s0;
	s1 =	sshll.u32 s1, $0x11  }
0xbc: {  	s0 =	sor.u32 s1, s0  }
0xbd: {  	s0 =	sadd.s32 $0x8F2B, s0  }
0xbe: {  	[sflag:s0] =	ssyncadd.remote.s32 $0x1  }
0xbf: {  	_ =	sfence.sel $0xFFFF  }
0xc0: {  	[dreg:$0x0] =	wrdreg $0xFFFFFFFF;
	(pc) =	sbr.abs _section_cstart, $3  }
0xc1: {  	[dreg:$0x1] =	wrdreg $0xFFFFFFFF  }
0xc2: {  	_ =	task.clear_ibuf [dreg:s7], $0x2FFFF;
	_ =	strace $0x9FFFFFFF  }
0xc3: {  	(tm) =	ssettm $0x7FFFFFFF  }
tec
execute0_lowered:
.L_overlay_start_1:
0x0: {  	(tag) =	ssettag $0x1  }
0x1: {  	s0 =	srdreg.scid;
	s18 =	stileid.u32  }
0x2: {  	s1 =	rddreg [dreg:$0x0];
	s28 =	simm.s32 $0x14200;
	s29 =	simm.s32 $0x16300  }
0x3: {  	s30 =	simm.s32 $0x3;
	s31 =	simm.s32 $0x14180;
	s4 =	smul.u32 $0x280, s18  }
0x4: {  	s0 =	sand.u32 $0x1, s0;
	s5 =	sadd.s32 $0x27400, s1;
	s21 =	smul.u32 $0x9D00, s18  }
0x5: {  	s6 =	sadd.s32 $0x77400, s1;
	s11 =	smul.u32 $0x14000, s18;
	s2 =	ssub.s32 $0x2, s0  }
0x6: {  	s14 =	smul.u32 $0x9D000, s0;
	s3 =	sshrl.u32 s2, $0x1;
	s7 =	sor.u32 $0x40, s4  }
0x7: {  	s8 =	sadd.s32 $0x80, s4;
	s9 =	sadd.s32 $0xC0, s4;
	s17 =	sshrl.u32 s11, $0x3  }
0x8: {  	s10 =	sadd.s32 $0x100, s4;
	s2 =	ssub.s32 s2, s3;
	s22 =	sadd.s32 s6, s17  }
0x9: {  	s23 =	sadd.s32 s5, s17;
	s24 =	sshll.u32 s7, $0x4;
	[dreg:$0x4] =	wrdreg s22  }
0xa: {  	s3 =	sadd.s32 s21, s14;
	[dreg:$0x5] =	wrdreg s23;
	s19 =	sadd.s32 s6, s24  }
0xb: {  	s25 =	sshll.u32 s8, $0x4;
	s14 =	sadd.s32 s5, s24;
	[dreg:$0x6] =	wrdreg s19  }
0xc: {  	s20 =	sshll.u32 s9, $0x4;
	s26 =	sadd.s32 s6, s25;
	[dreg:$0x7] =	wrdreg s14  }
0xd: {  	s21 =	sshll.u32 s10, $0x4;
	s22 =	sadd.s32 s6, s20;
	[dreg:$0x8] =	wrdreg s26  }
0xe: {  	s0 =	smul.u32 $0x140000, s0;
	s23 =	sadd.s32 s6, s21;
	[dreg:$0xa] =	wrdreg s22  }
0xf: {  	s12 =	sadd.s32 $0x140, s4;
	s24 =	sadd.s32 s5, s21;
	[dreg:$0xc] =	wrdreg s23  }
0x10: {  	s13 =	sadd.s32 $0x180, s4;
	s19 =	sadd.s32 s5, s25;
	[dreg:$0xd] =	wrdreg s24  }
0x11: {  	s14 =	sadd.s32 s5, s20;
	s25 =	sshll.u32 s12, $0x4;
	[dreg:$0x9] =	wrdreg s19  }
0x12: {  	s15 =	sadd.s32 $0x1C0, s4;
	[dreg:$0xb] =	wrdreg s14;
	s20 =	sadd.s32 s6, s25  }
0x13: {  	s26 =	sshll.u32 s13, $0x4;
	s14 =	sadd.s32 s5, s25;
	[dreg:$0xe] =	wrdreg s20  }
0x14: {  	s16 =	sadd.s32 $0x200, s4;
	s21 =	sadd.s32 s6, s26;
	[dreg:$0xf] =	wrdreg s14  }
0x15: {  	s23 =	sshll.u32 s15, $0x4;
	s22 =	sadd.s32 s5, s26;
	[dreg:$0x10] =	wrdreg s21  }
0x16: {  	s24 =	sshll.u32 s16, $0x4;
	s25 =	sadd.s32 s6, s23;
	[dreg:$0x11] =	wrdreg s22  }
0x17: {  	s4 =	sadd.s32 $0x240, s4;
	s26 =	sadd.s32 s6, s24;
	[dreg:$0x12] =	wrdreg s25  }
0x18: {  	s11 =	sadd.s32 s11, s0;
	s17 =	sadd.s32 s5, s24;
	[dreg:$0x14] =	wrdreg s26  }
0x19: {  	s11 =	sshrl.u32 s11, $0x3;
	s14 =	sadd.s32 s5, s23;
	[dreg:$0x15] =	wrdreg s17  }
0x1a: {  	s20 =	sshll.u32 s4, $0x4;
	s22 =	simm.s32 $0x0;
	[dreg:$0x13] =	wrdreg s14  }
0x1b: {  	s19 =	smul.u32 $0x50000, s18;
	s6 =	sadd.s32 s6, s20;
	[smem:$0x7FF] =	sst s22  }
0x1c: {  	s4 =	sshll.u32 s4, $0x7;
	s5 =	sadd.s32 s5, s20;
	[dreg:$0x16] =	wrdreg s6  }
0x1d: {  	s14 =	sshll.u32 s16, $0x7;
	[dreg:$0x17] =	wrdreg s5;
	s5 =	sshrl.u32 s19, $0x2  }
0x1e: {  	s6 =	sshll.u32 s7, $0x7;
	s7 =	sshll.u32 s8, $0x7;
	s8 =	sshll.u32 s9, $0x7  }
0x1f: {  	s9 =	sshll.u32 s10, $0x7;
	s10 =	sshll.u32 s12, $0x7;
	s12 =	sshll.u32 s13, $0x7  }
0x20: {  	s13 =	sshll.u32 s15, $0x7;
	s15 =	sadd.s32 $0x9F400, s1;
	s21 =	sadd.s32 s0, s6  }
0x21: {  	s11 =	sadd.s32 s15, s11;
	s24 =	sadd.s32 s0, s7;
	s25 =	sadd.s32 s0, s8  }
0x22: {  	s26 =	sadd.s32 s0, s9;
	s19 =	sadd.s32 s0, s10;
	s20 =	sadd.s32 s0, s12  }
0x23: {  	[dreg:$0x18] =	wrdreg s11;
	s23 =	sshrl.u32 s21, $0x3;
	s16 =	sshrl.u32 s25, $0x3  }
0x24: {  	s18 =	sshrl.u32 s26, $0x3;
	s21 =	sadd.s32 s0, s13;
	s25 =	sadd.s32 s0, s14  }
0x25: {  	s26 =	sadd.s32 s0, s4;
	s0 =	rddreg [dreg:$0x2];
	s11 =	sadd.s32 s15, s23  }
0x26: {  	s2 =	smax.u32 s2, $0x1;
	[dreg:$0x19] =	wrdreg s11;
	s11 =	sshrl.u32 s24, $0x3  }
0x27: {  	s16 =	sadd.s32 s15, s16;
	s17 =	sshrl.u32 s26, $0x3;
	s11 =	sadd.s32 s15, s11  }
0x28: {  	s8 =	sadd.s32 s8, s0;
	[dreg:$0x1a] =	wrdreg s11;
	s11 =	sadd.s32 s15, s18  }
0x29: {  	s9 =	sadd.s32 s9, s0;
	[dreg:$0x1c] =	wrdreg s11;
	s11 =	sshrl.u32 s19, $0x3  }
0x2a: {  	[dreg:$0x1b] =	wrdreg s16;
	s24 =	sshrl.u32 s21, $0x3;
	s11 =	sadd.s32 s15, s11  }
0x2b: {  	s16 =	sshrl.u32 s20, $0x3;
	[dreg:$0x1d] =	wrdreg s11;
	s11 =	sadd.s32 s15, s24  }
0x2c: {  	s23 =	sadd.s32 s15, s16;
	[dreg:$0x1f] =	wrdreg s11;
	s11 =	sshrl.u32 s25, $0x3  }
0x2d: {  	s10 =	sadd.s32 s10, s0;
	[dreg:$0x1e] =	wrdreg s23;
	s11 =	sadd.s32 s15, s11  }
0x2e: {  	s12 =	sadd.s32 s12, s0;
	[smem:$0x7F2] =	sst s11;
	s11 =	sadd.s32 s15, s17  }
0x2f: {  	s4 =	sadd.s32 s4, s0;
	s18 =	sadd.s32 s6, s0;
	[smem:$0x7F3] =	sst s11  }
0x30: {  	s19 =	sadd.s32 s7, s0;
	_ =	strace $0x80000047;
	[smem:$0x7F4] =	sst s18  }
0x31: {  	s20 =	sadd.s32 s13, s0;
	s21 =	sadd.s32 s14, s0;
	[smem:$0x7F5] =	sst s19  }
0x32: {  	s14 =	simm.s32 $0x5;
	s23 =	sshrl.u32 s3, $0x3;
	[smem:$0x7F6] =	sst s20  }
0x33: {  	s16 =	sadd.s32 $0x100, s3;
	s24 =	sadd.s32 s1, s23;
	[smem:$0x7F7] =	sst s21  }
0x34: {  	s23 =	simm.s32 $0x40;
	s25 =	sor.u32 $0x80, s3;
	[smem:$0x7F8] =	sst s4  }
0x35: {  	s26 =	sshrl.u32 s25, $0x3;
	s25 =	simm.s32 $0x14080;
	[smem:$0x7F9] =	sst s24  }
0x36: {  	s15 =	simm.s32 $0x6;
	s11 =	sadd.s32 s5, s0;
	[smem:$0x7FA] =	sst s2  }
0x37: {  	s2 =	sadd.s32 s26, s1;
	s18 =	sadd.s32 $0x4F400, s1;
	s19 =	simm.s32 $0x14300  }
0x38: {  	s20 =	simm.s32 $0x8;
	s21 =	simm.s32 $0x1;
	[smem:$0x7FC] =	sst s10  }
0x39: {  	s24 =	simm.s32 $0x14100;
	s26 =	simm.s32 $0x2;
	[smem:$0x7FD] =	sst s12  }
0x3a: {  	v0 =	vimm.s32 $0xF;
	vm0 =	vmmov $0x7fff;
	s4 =	simm.s32 $0x0;
	[smem:$0x7FB] =	sst s2;
	s2 =	simm.s32 $0x7  }
.LBB2_1:
0x3b: {  	s5 =	rddreg [dreg:$0x1]  }
0x3c: {  	[tilespmem:s19], [sflag:$0x8] =	stream.linear.gather [hbm4b:s5+s22], $0x2000, $0x38;
	[tilespmem:$0x1A300] =	vst v63  }
0x3d: {  	_ =	swait.ge [sflag:s20], $0x2000  }
0x3e: {  	[sflag:s20] =	ssyncset.done $0x0  }
0x3f: {  	[sflag:s20] =	ssyncadd.s32 $0xFFFFE000  }
0x40: {  	[spmem:s11] =	stream.linear.scatter [tilespmem:s19], [sflag:$0x8], $0x2000, $0x38;
	[tilespmem:$0x1A300] =	vst v63  }
0x41: {  	_ =	swait.ge [sflag:s20], $0x2000  }
0x42: {  	s6 =	sld [smem:$0x7F4]  }
0x43: {  	[sflag:s20] =	ssyncset.done $0x0  }
0x44: {  	[sflag:s20] =	ssyncadd.s32 $0xFFFFE000  }
0x45: {  	[spmem:s6] =	stream.linear.scatter [tilespmem:s19], [sflag:$0x8], $0x2000, $0x38;
	[tilespmem:$0x1A300] =	vst v63  }
0x46: {  	_ =	swait.ge [sflag:s20], $0x2000  }
0x47: {  	s7 =	sld [smem:$0x7F5]  }
0x48: {  	[sflag:s20] =	ssyncset.done $0x0  }
0x49: {  	[sflag:s20] =	ssyncadd.s32 $0xFFFFE000  }
0x4a: {  	[spmem:s7] =	stream.linear.scatter [tilespmem:s19], [sflag:$0x8], $0x2000, $0x38;
	[tilespmem:$0x1A300] =	vst v63  }
0x4b: {  	_ =	swait.ge [sflag:s20], $0x2000  }
0x4c: {  	[sflag:s20] =	ssyncset.done $0x0  }
0x4d: {  	[sflag:s20] =	ssyncadd.s32 $0xFFFFE000  }
0x4e: {  	[spmem:s8] =	stream.linear.scatter [tilespmem:s19], [sflag:$0x8], $0x2000, $0x38;
	[tilespmem:$0x1A300] =	vst v63  }
0x4f: {  	_ =	swait.ge [sflag:s20], $0x2000  }
0x50: {  	[sflag:s20] =	ssyncset.done $0x0  }
0x51: {  	[sflag:s20] =	ssyncadd.s32 $0xFFFFE000  }
0x52: {  	[spmem:s9] =	stream.linear.scatter [tilespmem:s19], [sflag:$0x8], $0x2000, $0x38;
	[tilespmem:$0x1A300] =	vst v63  }
0x53: {  	_ =	swait.ge [sflag:s20], $0x2000  }
0x54: {  	[sflag:s20] =	ssyncset.done $0x0  }
0x55: {  	[sflag:s20] =	ssyncadd.s32 $0xFFFFE000  }
0x56: {  	[spmem:s10] =	stream.linear.scatter [tilespmem:s19], [sflag:$0x8], $0x2000, $0x38;
	[tilespmem:$0x1A300] =	vst v63  }
0x57: {  	_ =	swait.ge [sflag:s20], $0x2000  }
0x58: {  	[sflag:s20] =	ssyncset.done $0x0  }
0x59: {  	[sflag:s20] =	ssyncadd.s32 $0xFFFFE000  }
0x5a: {  	[spmem:s12] =	stream.linear.scatter [tilespmem:s19], [sflag:$0x8], $0x2000, $0x38;
	[tilespmem:$0x1A300] =	vst v63  }
0x5b: {  	_ =	swait.ge [sflag:s20], $0x2000  }
0x5c: {  	s7 =	smov.u32 s8;
	s8 =	sld [smem:$0x7F6]  }
0x5d: {  	[sflag:s20] =	ssyncset.done $0x0  }
0x5e: {  	[sflag:s20] =	ssyncadd.s32 $0xFFFFE000  }
0x5f: {  	[spmem:s8] =	stream.linear.scatter [tilespmem:s19], [sflag:$0x8], $0x2000, $0x38;
	[tilespmem:$0x1A300] =	vst v63  }
0x60: {  	_ =	swait.ge [sflag:s20], $0x2000  }
0x61: {  	s3 =	smov.u32 s9;
	s9 =	sld [smem:$0x7F7]  }
0x62: {  	[sflag:s20] =	ssyncset.done $0x0  }
0x63: {  	[sflag:s20] =	ssyncadd.s32 $0xFFFFE000  }
0x64: {  	[spmem:s9] =	stream.linear.scatter [tilespmem:s19], [sflag:$0x8], $0x2000, $0x38;
	[tilespmem:$0x1A300] =	vst v63  }
0x65: {  	_ =	swait.ge [sflag:s20], $0x2000  }
0x66: {  	s10 =	sld [smem:$0x7F8]  }
0x67: {  	[sflag:s20] =	ssyncset.done $0x0  }
0x68: {  	[sflag:s20] =	ssyncadd.s32 $0xFFFFE000  }
0x69: {  	[spmem:s10] =	stream.linear.scatter [tilespmem:s19], [sflag:$0x8], $0x2000, $0x38;
	[tilespmem:$0x1A300] =	vst v63  }
0x6a: {  	_ =	swait.ge [sflag:s20], $0x2000  }
0x6b: {  	[sflag:s20] =	ssyncset.done $0x0  }
0x6c: {  	[sflag:s20] =	ssyncadd.s32 $0xFFFFE000  }
0x6d: {  	[bflag:$0x0] =	sbarrier.arrive $0xFFFF  }
0x6e: {  	s13 =	smov.u32 s11;
	s11 =	sld [smem:$0x7F9];
	_ =	sdelay $0x1  }
0x6f: {  	s6 =	simm.s32 $0x14000  }
0x70: {  	[tilespmem:s6], [sflag:$0x1] =	stream.linear.gather [hbm4b:s11+s22], $0x80, $0x38;
	[tilespmem:$0x1A300] =	vst v63  }
0x71: {  	_ =	swait.ge [sflag:s21], $0x80  }
0x72: {  	[sflag:s21] =	ssyncset.done $0x0  }
0x73: {  	[sflag:s21] =	ssyncadd.s32 $0xFFFFFF80  }
0x74: {  	v1 =	vld [tilespmem:$0x14060]  }
0x75: {  	v2 =	vld [tilespmem:$0x14030]  }
0x76: {  	v3 =	vld [tilespmem:$0x14050]  }
0x77: {  	v4 =	vld [tilespmem:$0x14020]  }
0x78: {  	v5 =	vld [tilespmem:$0x14000]  }
0x79: {  	v6 =	vld [tilespmem:$0x14010];
	[tilespmem:$0x141A0] =	vst v1  }
0x7a: {  	v1 =	vld [tilespmem:$0x14040];
	[tilespmem:$0x14130] =	vst v2  }
0x7b: {  	[tilespmem:$0x14190] =	vst v3;
	v2 =	vld [tilespmem:$0x14070]  }
0x7c: {  	[tilespmem:$0x14120] =	vst v4  }
0x7d: {  	[tilespmem:$0x14100] =	vst v5  }
0x7e: {  	[tilespmem:$0x14110] =	vst v6  }
0x7f: {  	[tilespmem:$0x14180] =	vst v1  }
0x80: {  	p0 =	por $0x1, $0x1;
	s12 =	sld [smem:$0x7FB];
	[tilespmem:$0x141B0] =	vst v2  }
0x81: {  	[tilespmem:s19], [sflag:$0x3] =	stream.indirect.gather [hbm4b:s18+s23], $0x80, s24, s23, $0xb8;
	[tilespmem:$0x1A300] =	vst v63  }
0x82: {  	s5 =	simm.s32 @!p0 $0x4  }
0x83: {  	[tilespmem:s25], [sflag:$0x2] =	stream.linear.gather [hbm4b:s12+s22], $0x80, $0x38;
	[tilespmem:$0x1A300] =	vst v63  }
0x84: {  	_ =	swait.ge @!p0 [sflag:s5], $0x2000  }
0x85: {  	s17 =	simm.s32 @!p0 $0x40;
	[sflag:s5] =	ssyncset.done @!p0 $0x0  }
0x86: {  	s6 =	simm.s32 @!p0 $0x16300;
	[sflag:s5] =	ssyncadd.s32 @!p0 $0xFFFFE000;
	s5 =	simm.s32 @!p0 $0x14280  }
0x87: {  	[spmem:s0] =	stream.indirect.scatter.add.f32 @!p0 [tilespmem:s6], [sflag:$0x8], $0x80, s5, s17, $0xb8;
	[tilespmem:$0x1A300] =	vst v63  }
0x88: {  	s5 =	simm.s32 @!p0 $0x8  }
0x89: {  	_ =	swait.ge @!p0 [sflag:s5], $0x2000  }
0x8a: {  	[sflag:s5] =	ssyncset.done @!p0 $0x0  }
0x8b: {  	[sflag:s5] =	ssyncadd.s32 @!p0 $0xFFFFE000  }
0x8c: {  	_ =	swait.ge [sflag:s26], $0x80  }
0x8d: {  	[sflag:s26] =	ssyncset.done $0x0  }
0x8e: {  	[sflag:s26] =	ssyncadd.s32 $0xFFFFFF80  }
0x8f: {  	v4 =	vld [tilespmem:$0x14080]  }
0x90: {  	v5 =	vld [tilespmem:$0x140C0]  }
0x91: {  	v3 =	vld [tilespmem:$0x14090]  }
0x92: {  	v1 =	vld [tilespmem:$0x140A0]  }
0x93: {  	v2 =	vld [tilespmem:$0x140E0]  }
0x94: {  	s6 =	simm.s32 $0x100;
	s17 =	smov.u32 s12;
	s5 =	simm.s32 $0x0;
	[tilespmem:$0x14200] =	vst v4;
	v4 =	vld [tilespmem:$0x140B0]  }
.LBB2_2:
0x95: {  	[tilespmem:$0x14280] =	vst v5;
	v5 =	vld [tilespmem:$0x140F0];
	s17 =	sadd.s32 $0x20, s17;
	s8 =	smov.u32 s6;
	s6 =	sadd.s32 $0x100, s6  }
0x96: {  	p0 =	sne.s32 s6, $0x9D00;
	[tilespmem:$0x14210] =	vst v3;
	v3 =	vld [tilespmem:$0x140D0]  }
0x97: {  	[tilespmem:$0x14220] =	vst v1  }
0x98: {  	[tilespmem:$0x142A0] =	vst v2  }
0x99: {  	p1 =	seq.s32 s5, $0x9C00;
	[tilespmem:$0x14230] =	vst v4  }
0x9a: {  	s9 =	sadd.s32 @!p1 s5, s16;
	s5 =	smov.u32 s8;
	[tilespmem:$0x142B0] =	vst v5  }
0x9b: {  	s10 =	simm.s32 @!p1 $0x14000;
	s8 =	sshrl.u32 @!p1 s9, $0x3;
	s9 =	simm.s32 @!p1 $0x0;
	[tilespmem:$0x14290] =	vst v3  }
0x9c: {  	[tilespmem:s29], [sflag:$0x4] =	stream.indirect.gather [hbm4b:s18+s23], $0x80, s28, s23, $0xb8;
	[tilespmem:$0x1A300] =	vst v63  }
0x9d: {  	s8 =	sadd.s32 @!p1 s1, s8  }
0x9e: {  	[tilespmem:s10], [sflag:$0x1] =	stream.linear.gather @!p1 [hbm4b:s8+s9], $0x80, $0x38;
	[tilespmem:$0x1A300] =	vst v63  }
0x9f: {  	_ =	swait.ge [sflag:s30], $0x2000  }
0xa0: {  	[sflag:s30] =	ssyncset.done $0x0  }
0xa1: {  	[sflag:s30] =	ssyncadd.s32 $0xFFFFE000  }
0xa2: {  	[spmem:s0] =	stream.indirect.scatter.add.f32 [tilespmem:s19], [sflag:$0x8], $0x80, s31, s23, $0xb8;
	[tilespmem:$0x1A300] =	vst v63  }
0xa3: {  	_ =	swait.ge [sflag:s20], $0x2000  }
0xa4: {  	[sflag:s20] =	ssyncset.done $0x0  }
0xa5: {  	[sflag:s20] =	ssyncadd.s32 $0xFFFFE000  }
0xa6: {  	_ =	swait.ge [sflag:s21], $0x80  }
0xa7: {  	[sflag:s21] =	ssyncset.done $0x0  }
0xa8: {  	[sflag:s21] =	ssyncadd.s32 $0xFFFFFF80  }
0xa9: {  	v1 =	vld [tilespmem:$0x14060]  }
0xaa: {  	v2 =	vld [tilespmem:$0x14030]  }
0xab: {  	v3 =	vld [tilespmem:$0x14050]  }
0xac: {  	v4 =	vld [tilespmem:$0x14020]  }
0xad: {  	v5 =	vld [tilespmem:$0x14000]  }
0xae: {  	v6 =	vld [tilespmem:$0x14010];
	[tilespmem:$0x141A0] =	vst v1  }
0xaf: {  	v1 =	vld [tilespmem:$0x14040];
	[tilespmem:$0x14130] =	vst v2  }
0xb0: {  	[tilespmem:$0x14190] =	vst v3;
	v2 =	vld [tilespmem:$0x14070]  }
0xb1: {  	[tilespmem:$0x14120] =	vst v4  }
0xb2: {  	[tilespmem:$0x14100] =	vst v5  }
0xb3: {  	[tilespmem:$0x14110] =	vst v6  }
0xb4: {  	[tilespmem:$0x14180] =	vst v1  }
0xb5: {  	p1 =	seq.s32 s5, $0x0;
	[tilespmem:$0x141B0] =	vst v2  }
0xb6: {  	[tilespmem:s19], [sflag:$0x3] =	stream.indirect.gather [hbm4b:s18+s23], $0x80, s24, s23, $0xb8;
	[tilespmem:$0x1A300] =	vst v63  }
0xb7: {  	s8 =	simm.s32 @!p1 $0x4  }
0xb8: {  	[tilespmem:s25], [sflag:$0x2] =	stream.linear.gather [hbm4b:s17+s22], $0x80, $0x38;
	[tilespmem:$0x1A300] =	vst v63  }
0xb9: {  	s9 =	simm.s32 @!p1 $0x16300;
	s10 =	simm.s32 @!p1 $0x8;
	_ =	swait.ge @!p1 [sflag:s8], $0x2000  }
0xba: {  	s11 =	simm.s32 @!p1 $0x40;
	s12 =	simm.s32 @!p1 $0x14280;
	[sflag:s8] =	ssyncset.done @!p1 $0x0  }
0xbb: {  	[sflag:s8] =	ssyncadd.s32 @!p1 $0xFFFFE000  }
0xbc: {  	[spmem:s0] =	stream.indirect.scatter.add.f32 @!p1 [tilespmem:s9], [sflag:$0x8], $0x80, s12, s11, $0xb8;
	[tilespmem:$0x1A300] =	vst v63  }
0xbd: {  	_ =	swait.ge @!p1 [sflag:s10], $0x2000  }
0xbe: {  	[sflag:s10] =	ssyncset.done @!p1 $0x0  }
0xbf: {  	[sflag:s10] =	ssyncadd.s32 @!p1 $0xFFFFE000  }
0xc0: {  	_ =	swait.ge [sflag:s26], $0x80  }
0xc1: {  	[sflag:s26] =	ssyncset.done $0x0  }
0xc2: {  	[sflag:s26] =	ssyncadd.s32 $0xFFFFFF80  }
0xc3: {  	v4 =	vld [tilespmem:$0x14080]  }
.Ltmp0:
0xc4: {  	v5 =	vld [tilespmem:$0x140C0];
	(pc) =	sbr.rel @p0 .LBB2_2-.Ltmp0, $4  }
0xc5: {  	v3 =	vld [tilespmem:$0x14090]  }
0xc6: {  	v1 =	vld [tilespmem:$0x140A0]  }
0xc7: {  	v2 =	vld [tilespmem:$0x140E0]  }
0xc8: {  	[tilespmem:$0x14200] =	vst v4;
	v4 =	vld [tilespmem:$0x140B0]  }
0xc9: {  	[tilespmem:$0x14280] =	vst v5;
	v5 =	vld [tilespmem:$0x140F0]  }
0xca: {  	[tilespmem:$0x14210] =	vst v3;
	v3 =	vld [tilespmem:$0x140D0]  }
0xcb: {  	[tilespmem:$0x14220] =	vst v1  }
0xcc: {  	[tilespmem:$0x142A0] =	vst v2  }
0xcd: {  	p0 =	seq.s32 s5, $0x9C00;
	[tilespmem:$0x14230] =	vst v4  }
0xce: {  	s5 =	sadd.s32 @!p0 s5, s16;
	[tilespmem:$0x142B0] =	vst v5  }
0xcf: {  	s5 =	sshrl.u32 @!p0 s5, $0x3;
	[tilespmem:$0x14290] =	vst v3  }
0xd0: {  	[tilespmem:s29], [sflag:$0x4] =	stream.indirect.gather [hbm4b:s18+s23], $0x80, s28, s23, $0xb8;
	[tilespmem:$0x1A300] =	vst v63  }
0xd1: {  	s6 =	simm.s32 @!p0 $0x0;
	s8 =	simm.s32 @!p0 $0x14000;
	s5 =	sadd.s32 @!p0 s1, s5  }
0xd2: {  	[tilespmem:s8], [sflag:$0x1] =	stream.linear.gather @!p0 [hbm4b:s5+s6], $0x80, $0x38;
	[tilespmem:$0x1A300] =	vst v63  }
0xd3: {  	_ =	swait.ge [sflag:s30], $0x2000  }
0xd4: {  	[sflag:s30] =	ssyncset.done $0x0  }
0xd5: {  	[sflag:s30] =	ssyncadd.s32 $0xFFFFE000  }
0xd6: {  	[spmem:s0] =	stream.indirect.scatter.add.f32 [tilespmem:s19], [sflag:$0x8], $0x80, s31, s23, $0xb8;
	[tilespmem:$0x1A300] =	vst v63  }
0xd7: {  	_ =	swait.ge [sflag:s20], $0x2000  }
0xd8: {  	[sflag:s20] =	ssyncset.done $0x0  }
0xd9: {  	s10 =	simm.s32 $0x4;
	[sflag:s20] =	ssyncadd.s32 $0xFFFFE000  }
0xda: {  	_ =	swait.ge [sflag:s10], $0x2000  }
0xdb: {  	[sflag:s10] =	ssyncset.done $0x0  }
0xdc: {  	s11 =	simm.s32 $0x14280;
	[sflag:s10] =	ssyncadd.s32 $0xFFFFE000  }
0xdd: {  	[spmem:s0] =	stream.indirect.scatter.add.f32 [tilespmem:s29], [sflag:$0x8], $0x80, s11, s23, $0xb8;
	[tilespmem:$0x1A300] =	vst v63  }
0xde: {  	_ =	swait.ge [sflag:s20], $0x2000  }
0xdf: {  	[sflag:s20] =	ssyncset.done $0x0  }
0xe0: {  	[sflag:s20] =	ssyncadd.s32 $0xFFFFE000  }
0xe1: {  	[bflag:$0x0] =	sbarrier.arrive $0xFFFF  }
0xe2: {  	[tilespmem:s19], [sflag:$0x5] =	stream.linear.gather [spmem:s13], $0x2000, $0x38;
	[tilespmem:$0x1A300] =	vst v63  }
0xe3: {  	s12 =	simm.s32 $0x0;
	s11 =	smov.u32 s13;
	s13 =	rddreg [dreg:$0x4]  }
0xe4: {  	[tilespmem:s29], [sflag:$0x6] =	stream.linear.gather [hbm4b:s13+s12], $0x2000, $0x38;
	[tilespmem:$0x1A300] =	vst v63  }
0xe5: {  	s17 =	rddreg [dreg:$0x5];
	s13 =	simm.s32 $0x18300  }
0xe6: {  	[tilespmem:s13], [sflag:$0x7] =	stream.linear.gather [hbm4b:s17+s12], $0x2000, $0x38;
	[tilespmem:$0x1A300] =	vst v63  }
0xe7: {  	_ =	swait.ge [sflag:s14], $0x2000  }
0xe8: {  	[sflag:s14] =	ssyncset.done $0x0  }
0xe9: {  	[sflag:s14] =	ssyncadd.s32 $0xFFFFE000  }
0xea: {  	_ =	swait.ge [sflag:s15], $0x2000  }
0xeb: {  	[sflag:s15] =	ssyncset.done $0x0  }
0xec: {  	[sflag:s15] =	ssyncadd.s32 $0xFFFFE000  }
0xed: {  	_ =	swait.ge [sflag:s2], $0x2000  }
0xee: {  	[sflag:s2] =	ssyncset.done $0x0  }
0xef: {  	s5 =	simm.s32 $0x0;
	[sflag:s2] =	ssyncadd.s32 $0xFFFFE000  }
0xf0: {  	v2 =	vld [tilespmem:s5+$0x14370];
	_ =	sdelay $0x4  }
0xf1: {  	v3 =	vperm.xlane v2, v0;
	_ =	sdelay $0x1  }
0xf2: {  	v1 =	vmul.f32 $1.525878910e-05, v3;
	_ =	sdelay $0x1  }
0xf3: {  	v1 =	vadd.f32 $5.000000000e-01, v1;
	_ =	sdelay $0x1  }
0xf4: {  	v1 =	vtrunc.f32 v1  }
0xf5: {  	v1 =	vcvt.f32.s32 v1;
	_ =	sdelay $0x1  }
0xf6: {  	v4 =	vcvt.s32.f32 v1;
	_ =	sdelay $0x1  }
0xf7: {  	v8 =	vld [tilespmem:s5+$0x18340];
	v5 =	vmax.f32 v4, $1.000000000e+00  }
0xf8: {  	v9 =	vld [tilespmem:s5+$0x18350];
	(erf) = vrcp.f32 v5  }
0xf9: {  	v7 =	vld [tilespmem:s5+$0x18370]  }
0xfa: {  	v6 =	vld [tilespmem:s5+$0x14340]  }
0xfb: {  	v10 =	vld [tilespmem:s5+$0x14360]  }
0xfc: {  	v11 =	vld [tilespmem:s5+$0x14350]  }
0xfd: {  	v12 =	vld [tilespmem:s5+$0x14320];
	v4 =	vmul.f32 $-6.553600000e+04, v4  }
0xfe: {  	v5 =	vld [tilespmem:s5+$0x18360]  }
0xff: {  	v3 =	vadd.f32 v4, v3;
	v4 =	vld [tilespmem:s5+$0x14330]  }
0x100: {  	v13 =	vld [tilespmem:s5+$0x18330]  }
0x101: {  	v1 =	vld [tilespmem:s5+$0x16300];
	v14 =	vpop (erf)  }
0x102: {  	v3 =	vsel vm0, v2, v3;
	v10 =	vmul.f32 v10, v14  }
0x103: {  	v2 =	vld [tilespmem:s5+$0x18320];
	v3 =	vmul.f32 v3, v14;
	v6 =	vmul.f32 v6, v14  }
0x104: {  	v11 =	vmul.f32 v11, v14;
	v4 =	vmul.f32 v4, v14;
	v10 =	vsub.f32 v10, v5  }
0x105: {  	v15 =	vld [tilespmem:s5+$0x14300];
	v12 =	vmul.f32 v12, v14;
	v3 =	vsub.f32 v3, v7;
	v6 =	vsub.f32 v6, v8  }
0x106: {  	v16 =	vld [tilespmem:s5+$0x14310];
	v11 =	vsub.f32 v11, v9;
	v4 =	vsub.f32 v4, v13;
	v10 =	vmul.f32 v10, v1  }
0x107: {  	v17 =	vmul.f32 v3, v1;
	v18 =	vmul.f32 v6, v1;
	v3 =	vld [tilespmem:s5+$0x18300]  }
0x108: {  	v12 =	vsub.f32 v12, v2;
	v11 =	vmul.f32 v11, v1;
	v19 =	vmul.f32 v4, v1;
	v4 =	vld [tilespmem:s5+$0x18310]  }
0x109: {  	v6 =	vadd.f32 v10, v5;
	v17 =	vadd.f32 v17, v7  }
0x10a: {  	v7 =	vmul.f32 v12, v1;
	v5 =	vadd.f32 v18, v8;
	v9 =	vadd.f32 v11, v9  }
0x10b: {  	s6 =	simm.s32 $0x80;
	s17 =	simm.s32 $0x400;
	v10 =	vmul.f32 v14, v15;
	v11 =	vmul.f32 v14, v16;
	v8 =	vadd.f32 v19, v13;
	[tilespmem:s5+$0x14370] =	vst v17  }
.LBB2_4:
0x10c: {  	p0 =	sne.s32 s17, $0x7E00;
	v12 =	vld [tilespmem:s6+$0x14370];
	v2 =	vadd.f32 v7, v2;
	[tilespmem:s5+$0x14360] =	vst v6  }
0x10d: {  	v6 =	vsub.f32 v10, v3;
	v7 =	vsub.f32 v11, v4;
	[tilespmem:s5+$0x14350] =	vst v9  }
0x10e: {  	[tilespmem:s5+$0x14340] =	vst v5  }
0x10f: {  	v5 =	vmul.f32 v6, v1;
	v1 =	vmul.f32 v7, v1;
	[tilespmem:s5+$0x14330] =	vst v8  }
0x110: {  	[tilespmem:s5+$0x14320] =	vst v2  }
0x111: {  	v2 =	vperm.xlane v12, v0;
	v3 =	vadd.f32 v5, v3;
	v1 =	vadd.f32 v1, v4;
	_ =	sdelay $0x1  }
0x112: {  	v4 =	vmul.f32 $1.525878910e-05, v2;
	[tilespmem:s5+$0x14310] =	vst v1  }
0x113: {  	[tilespmem:s5+$0x14300] =	vst v3;
	s5 =	smov.u32 s6  }
0x114: {  	v1 =	vadd.f32 $5.000000000e-01, v4;
	_ =	sdelay $0x1  }
0x115: {  	v1 =	vtrunc.f32 v1  }
0x116: {  	v1 =	vcvt.f32.s32 v1;
	_ =	sdelay $0x1  }
0x117: {  	v3 =	vcvt.s32.f32 v1;
	_ =	sdelay $0x1  }
0x118: {  	v4 =	vmax.f32 v3, $1.000000000e+00;
	v1 =	vld [tilespmem:s5+$0x16300]  }
0x119: {  	v5 =	vld [tilespmem:s5+$0x18340];
	(erf) = vrcp.f32 v4  }
0x11a: {  	v8 =	vld [tilespmem:s5+$0x18350]  }
0x11b: {  	v6 =	vld [tilespmem:s5+$0x18360]  }
0x11c: {  	v7 =	vld [tilespmem:s5+$0x18370]  }
0x11d: {  	v4 =	vld [tilespmem:s5+$0x14340]  }
0x11e: {  	v3 =	vmul.f32 $-6.553600000e+04, v3;
	v9 =	vld [tilespmem:s5+$0x14360]  }
0x11f: {  	v10 =	vld [tilespmem:s5+$0x14350]  }
0x120: {  	v2 =	vadd.f32 v3, v2;
	v3 =	vld [tilespmem:s5+$0x14330]  }
0x121: {  	v11 =	vld [tilespmem:s5+$0x14320]  }
0x122: {  	v12 =	vsel vm0, v12, v2;
	v13 =	vld [tilespmem:s5+$0x18330];
	v14 =	vpop (erf)  }
0x123: {  	v2 =	vld [tilespmem:s5+$0x18320];
	v9 =	vmul.f32 v9, v14;
	v12 =	vmul.f32 v12, v14  }
0x124: {  	v4 =	vmul.f32 v4, v14;
	v10 =	vmul.f32 v10, v14  }
0x125: {  	v15 =	vld [tilespmem:s5+$0x14300];
	v16 =	vmul.f32 v3, v14;
	v9 =	vsub.f32 v9, v6;
	v12 =	vsub.f32 v12, v7  }
0x126: {  	v18 =	vsub.f32 v4, v5;
	v17 =	vld [tilespmem:s5+$0x14310];
	v11 =	vmul.f32 v11, v14;
	v10 =	vsub.f32 v10, v8  }
.Ltmp1:
0x127: {  	v3 =	vld [tilespmem:s5+$0x18300];
	v16 =	vsub.f32 v16, v13;
	v9 =	vmul.f32 v9, v1;
	v12 =	vmul.f32 v12, v1;
	(pc) =	sbr.rel @p0 .LBB2_4-.Ltmp1, $4  }
0x128: {  	v18 =	vmul.f32 v18, v1;
	v4 =	vld [tilespmem:s5+$0x18310];
	v11 =	vsub.f32 v11, v2;
	v10 =	vmul.f32 v10, v1  }
0x129: {  	v16 =	vmul.f32 v16, v1;
	v6 =	vadd.f32 v9, v6;
	v12 =	vadd.f32 v12, v7  }
0x12a: {  	v5 =	vadd.f32 v18, v5;
	v7 =	vmul.f32 v11, v1;
	v9 =	vadd.f32 v10, v8  }
0x12b: {  	s6 =	sshra.s32 s17, $0x2;
	s17 =	sadd.s32 $0x200, s17;
	v10 =	vmul.f32 v14, v15;
	v11 =	vmul.f32 v14, v17;
	v8 =	vadd.f32 v16, v13;
	[tilespmem:s5+$0x14370] =	vst v12  }
0x12c: {  	v12 =	vld [tilespmem:s6+$0x14370];
	_ =	sdelay $0x4  }
0x12d: {  	v13 =	vperm.xlane v12, v0;
	_ =	sdelay $0x1  }
0x12e: {  	v14 =	vmul.f32 $1.525878910e-05, v13  }
0x12f: {  	v11 =	vsub.f32 v11, v4  }
0x130: {  	[tilespmem:s5+$0x14360] =	vst v6;
	v6 =	vsub.f32 v10, v3;
	v10 =	vadd.f32 $5.000000000e-01, v14  }
0x131: {  	[tilespmem:s5+$0x14350] =	vst v9;
	v9 =	vmul.f32 v11, v1  }
0x132: {  	v2 =	vadd.f32 v7, v2;
	[tilespmem:s5+$0x14340] =	vst v5;
	v1 =	vmul.f32 v6, v1;
	v5 =	vtrunc.f32 v10  }
0x133: {  	[tilespmem:s5+$0x14330] =	vst v8;
	v4 =	vadd.f32 v9, v4;
	v5 =	vcvt.f32.s32 v5  }
0x134: {  	[tilespmem:s5+$0x14320] =	vst v2;
	v1 =	vadd.f32 v1, v3  }
0x135: {  	[tilespmem:s5+$0x14310] =	vst v4;
	v2 =	vcvt.s32.f32 v5  }
0x136: {  	[tilespmem:s5+$0x14300] =	vst v1  }
0x137: {  	v3 =	vld [tilespmem:s6+$0x16300];
	v1 =	vmax.f32 v2, $1.000000000e+00  }
0x138: {  	v4 =	vld [tilespmem:s6+$0x18340];
	(erf) = vrcp.f32 v1  }
0x139: {  	v6 =	vld [tilespmem:s6+$0x18370]  }
0x13a: {  	v7 =	vld [tilespmem:s6+$0x14340]  }
0x13b: {  	v8 =	vld [tilespmem:s6+$0x14360]  }
0x13c: {  	v9 =	vld [tilespmem:s6+$0x14350]  }
0x13d: {  	v11 =	vld [tilespmem:s6+$0x14320];
	v2 =	vmul.f32 $-6.553600000e+04, v2  }
0x13e: {  	v54 =	vld [tilespmem:s6+$0x18330]  }
0x13f: {  	v10 =	vld [tilespmem:s6+$0x14330];
	v2 =	vadd.f32 v2, v13  }
0x140: {  	v5 =	vld [tilespmem:s6+$0x18360]  }
0x141: {  	v1 =	vld [tilespmem:s6+$0x18350];
	v2 =	vsel vm0, v12, v2;
	v55 =	vpop (erf)  }
0x142: {  	v56 =	vld [tilespmem:s6+$0x18320];
	v2 =	vmul.f32 v2, v55  }
0x143: {  	v15 =	vld [tilespmem:s6+$0x14310];
	v8 =	vmul.f32 v8, v55  }
0x144: {  	v16 =	vld [tilespmem:s6+$0x14300];
	v7 =	vmul.f32 v7, v55;
	v9 =	vmul.f32 v9, v55;
	v2 =	vsub.f32 v2, v6  }
0x145: {  	v17 =	vld [tilespmem:s6+$0x18310];
	v10 =	vmul.f32 v10, v55;
	v11 =	vmul.f32 v11, v55;
	v8 =	vsub.f32 v8, v5  }
0x146: {  	v18 =	vld [tilespmem:s6+$0x18300];
	v7 =	vsub.f32 v7, v4;
	v9 =	vsub.f32 v9, v1;
	v2 =	vmul.f32 v2, v3  }
0x147: {  	v10 =	vsub.f32 v10, v54;
	v11 =	vsub.f32 v11, v56;
	v8 =	vmul.f32 v8, v3  }
0x148: {  	v9 =	vmul.f32 v9, v3;
	v2 =	vadd.f32 v2, v6;
	v6 =	vmul.f32 v55, v15  }
0x149: {  	v7 =	vmul.f32 v7, v3;
	v5 =	vadd.f32 v8, v5;
	v8 =	vmul.f32 v55, v16  }
0x14a: {  	v10 =	vmul.f32 v10, v3;
	v1 =	vadd.f32 v9, v1;
	[tilespmem:s6+$0x14370] =	vst v2;
	v2 =	vsub.f32 v6, v17  }
0x14b: {  	v4 =	vadd.f32 v7, v4;
	v6 =	vmul.f32 v11, v3;
	[tilespmem:s6+$0x14360] =	vst v5;
	v5 =	vsub.f32 v8, v18  }
0x14c: {  	v7 =	vadd.f32 v10, v54;
	[tilespmem:s6+$0x14350] =	vst v1;
	v1 =	vmul.f32 v2, v3  }
0x14d: {  	[tilespmem:s6+$0x14340] =	vst v4;
	v2 =	vadd.f32 v6, v56;
	v3 =	vmul.f32 v5, v3  }
0x14e: {  	[tilespmem:s6+$0x14330] =	vst v7;
	v1 =	vadd.f32 v1, v17  }
0x14f: {  	[tilespmem:s6+$0x14320] =	vst v2;
	v2 =	vadd.f32 v3, v18  }
0x150: {  	[tilespmem:s6+$0x14310] =	vst v1  }
0x151: {  	s8 =	simm.s32 $0x0;
	s9 =	rddreg [dreg:$0x18];
	[tilespmem:s6+$0x14300] =	vst v2  }
0x152: {  	[hbm4b:s9+s8] =	stream.linear.scatter [tilespmem:s19], [sflag:$0x8], $0x2000, $0x38;
	[tilespmem:$0x1A300] =	vst v63  }
0x153: {  	_ =	swait.ge [sflag:s20], $0x2000  }
0x154: {  	s10 =	sld [smem:$0x7F4]  }
0x155: {  	[sflag:s20] =	ssyncset.done $0x0  }
0x156: {  	[sflag:s20] =	ssyncadd.s32 $0xFFFFE000  }
0x157: {  	[tilespmem:s19], [sflag:$0x5] =	stream.linear.gather [spmem:s10], $0x2000, $0x38;
	[tilespmem:$0x1A300] =	vst v63  }
0x158: {  	s12 =	rddreg [dreg:$0x6]  }
0x159: {  	[tilespmem:s29], [sflag:$0x6] =	stream.linear.gather [hbm4b:s12+s8], $0x2000, $0x38;
	[tilespmem:$0x1A300] =	vst v63  }
0x15a: {  	s17 =	rddreg [dreg:$0x7]  }
0x15b: {  	[tilespmem:s13], [sflag:$0x7] =	stream.linear.gather [hbm4b:s17+s8], $0x2000, $0x38;
	[tilespmem:$0x1A300] =	vst v63  }
0x15c: {  	_ =	swait.ge [sflag:s14], $0x2000  }
0x15d: {  	[sflag:s14] =	ssyncset.done $0x0  }
0x15e: {  	[sflag:s14] =	ssyncadd.s32 $0xFFFFE000  }
0x15f: {  	_ =	swait.ge [sflag:s15], $0x2000  }
0x160: {  	[sflag:s15] =	ssyncset.done $0x0  }
0x161: {  	[sflag:s15] =	ssyncadd.s32 $0xFFFFE000  }
0x162: {  	_ =	swait.ge [sflag:s2], $0x2000  }
0x163: {  	[sflag:s2] =	ssyncset.done $0x0  }
0x164: {  	s5 =	simm.s32 $0x0;
	[sflag:s2] =	ssyncadd.s32 $0xFFFFE000  }
0x165: {  	v2 =	vld [tilespmem:s5+$0x14370];
	_ =	sdelay $0x4  }
0x166: {  	v3 =	vperm.xlane v2, v0;
	_ =	sdelay $0x1  }
0x167: {  	v1 =	vmul.f32 $1.525878910e-05, v3;
	_ =	sdelay $0x1  }
0x168: {  	v1 =	vadd.f32 $5.000000000e-01, v1;
	_ =	sdelay $0x1  }
0x169: {  	v1 =	vtrunc.f32 v1  }
0x16a: {  	v1 =	vcvt.f32.s32 v1;
	_ =	sdelay $0x1  }
0x16b: {  	v4 =	vcvt.s32.f32 v1;
	_ =	sdelay $0x1  }
0x16c: {  	v8 =	vld [tilespmem:s5+$0x18340];
	v5 =	vmax.f32 v4, $1.000000000e+00  }
0x16d: {  	v9 =	vld [tilespmem:s5+$0x18350];
	(erf) = vrcp.f32 v5  }
0x16e: {  	v7 =	vld [tilespmem:s5+$0x18370]  }
0x16f: {  	v6 =	vld [tilespmem:s5+$0x14340]  }
0x170: {  	v10 =	vld [tilespmem:s5+$0x14360]  }
0x171: {  	v11 =	vld [tilespmem:s5+$0x14350]  }
0x172: {  	v57 =	vld [tilespmem:s5+$0x14320];
	v4 =	vmul.f32 $-6.553600000e+04, v4  }
0x173: {  	v5 =	vld [tilespmem:s5+$0x18360]  }
0x174: {  	v3 =	vadd.f32 v4, v3;
	v4 =	vld [tilespmem:s5+$0x14330]  }
0x175: {  	v58 =	vld [tilespmem:s5+$0x18330]  }
0x176: {  	v1 =	vld [tilespmem:s5+$0x16300];
	v59 =	vpop (erf)  }
0x177: {  	v3 =	vsel vm0, v2, v3;
	v10 =	vmul.f32 v10, v59  }
0x178: {  	v2 =	vld [tilespmem:s5+$0x18320];
	v3 =	vmul.f32 v3, v59;
	v6 =	vmul.f32 v6, v59  }
0x179: {  	v11 =	vmul.f32 v11, v59;
	v4 =	vmul.f32 v4, v59;
	v10 =	vsub.f32 v10, v5  }
0x17a: {  	v60 =	vld [tilespmem:s5+$0x14300];
	v12 =	vmul.f32 v57, v59;
	v3 =	vsub.f32 v3, v7;
	v6 =	vsub.f32 v6, v8  }
0x17b: {  	v61 =	vld [tilespmem:s5+$0x14310];
	v11 =	vsub.f32 v11, v9;
	v4 =	vsub.f32 v4, v58;
	v10 =	vmul.f32 v10, v1  }
0x17c: {  	v62 =	vmul.f32 v3, v1;
	v63 =	vmul.f32 v6, v1;
	v3 =	vld [tilespmem:s5+$0x18300]  }
0x17d: {  	v12 =	vsub.f32 v12, v2;
	v11 =	vmul.f32 v11, v1;
	v19 =	vmul.f32 v4, v1;
	v4 =	vld [tilespmem:s5+$0x18310]  }
0x17e: {  	v6 =	vadd.f32 v10, v5;
	v17 =	vadd.f32 v62, v7  }
0x17f: {  	v7 =	vmul.f32 v12, v1;
	v5 =	vadd.f32 v63, v8;
	v9 =	vadd.f32 v11, v9  }
0x180: {  	s6 =	simm.s32 $0x80;
	s17 =	simm.s32 $0x400;
	v10 =	vmul.f32 v59, v60;
	v11 =	vmul.f32 v59, v61;
	v8 =	vadd.f32 v19, v58;
	[tilespmem:s5+$0x14370] =	vst v17  }
.LBB2_6:
0x181: {  	p0 =	sne.s32 s17, $0x7E00;
	v12 =	vld [tilespmem:s6+$0x14370];
	v2 =	vadd.f32 v7, v2;
	[tilespmem:s5+$0x14360] =	vst v6  }
0x182: {  	v6 =	vsub.f32 v10, v3;
	v7 =	vsub.f32 v11, v4;
	[tilespmem:s5+$0x14350] =	vst v9  }
0x183: {  	[tilespmem:s5+$0x14340] =	vst v5  }
0x184: {  	v5 =	vmul.f32 v6, v1;
	v1 =	vmul.f32 v7, v1;
	[tilespmem:s5+$0x14330] =	vst v8  }
0x185: {  	[tilespmem:s5+$0x14320] =	vst v2  }
0x186: {  	v2 =	vperm.xlane v12, v0;
	v3 =	vadd.f32 v5, v3;
	v1 =	vadd.f32 v1, v4;
	_ =	sdelay $0x1  }
0x187: {  	v4 =	vmul.f32 $1.525878910e-05, v2;
	[tilespmem:s5+$0x14310] =	vst v1  }
0x188: {  	[tilespmem:s5+$0x14300] =	vst v3;
	s5 =	smov.u32 s6  }
0x189: {  	v1 =	vadd.f32 $5.000000000e-01, v4;
	_ =	sdelay $0x1  }
0x18a: {  	v1 =	vtrunc.f32 v1  }
0x18b: {  	v1 =	vcvt.f32.s32 v1;
	_ =	sdelay $0x1  }
0x18c: {  	v3 =	vcvt.s32.f32 v1;
	_ =	sdelay $0x1  }
0x18d: {  	v4 =	vmax.f32 v3, $1.000000000e+00;
	v1 =	vld [tilespmem:s5+$0x16300]  }
0x18e: {  	v5 =	vld [tilespmem:s5+$0x18340];
	(erf) = vrcp.f32 v4  }
0x18f: {  	v8 =	vld [tilespmem:s5+$0x18350]  }
0x190: {  	v6 =	vld [tilespmem:s5+$0x18360]  }
0x191: {  	v7 =	vld [tilespmem:s5+$0x18370]  }
0x192: {  	v4 =	vld [tilespmem:s5+$0x14340]  }
0x193: {  	v3 =	vmul.f32 $-6.553600000e+04, v3;
	v9 =	vld [tilespmem:s5+$0x14360]  }
0x194: {  	v10 =	vld [tilespmem:s5+$0x14350]  }
0x195: {  	v2 =	vadd.f32 v3, v2;
	v3 =	vld [tilespmem:s5+$0x14330]  }
0x196: {  	v11 =	vld [tilespmem:s5+$0x14320]  }
0x197: {  	v12 =	vsel vm0, v12, v2;
	v13 =	vld [tilespmem:s5+$0x18330];
	v14 =	vpop (erf)  }
0x198: {  	v2 =	vld [tilespmem:s5+$0x18320];
	v9 =	vmul.f32 v9, v14;
	v12 =	vmul.f32 v12, v14  }
0x199: {  	v4 =	vmul.f32 v4, v14;
	v10 =	vmul.f32 v10, v14  }
0x19a: {  	v15 =	vld [tilespmem:s5+$0x14300];
	v16 =	vmul.f32 v3, v14;
	v9 =	vsub.f32 v9, v6;
	v12 =	vsub.f32 v12, v7  }
0x19b: {  	v18 =	vsub.f32 v4, v5;
	v17 =	vld [tilespmem:s5+$0x14310];
	v11 =	vmul.f32 v11, v14;
	v10 =	vsub.f32 v10, v8  }
.Ltmp2:
0x19c: {  	v3 =	vld [tilespmem:s5+$0x18300];
	v16 =	vsub.f32 v16, v13;
	v9 =	vmul.f32 v9, v1;
	v12 =	vmul.f32 v12, v1;
	(pc) =	sbr.rel @p0 .LBB2_6-.Ltmp2, $4  }
0x19d: {  	v18 =	vmul.f32 v18, v1;
	v4 =	vld [tilespmem:s5+$0x18310];
	v11 =	vsub.f32 v11, v2;
	v10 =	vmul.f32 v10, v1  }
0x19e: {  	v16 =	vmul.f32 v16, v1;
	v6 =	vadd.f32 v9, v6;
	v12 =	vadd.f32 v12, v7  }
0x19f: {  	v5 =	vadd.f32 v18, v5;
	v7 =	vmul.f32 v11, v1;
	v9 =	vadd.f32 v10, v8  }
0x1a0: {  	s6 =	sshra.s32 s17, $0x2;
	s17 =	sadd.s32 $0x200, s17;
	v10 =	vmul.f32 v14, v15;
	v11 =	vmul.f32 v14, v17;
	v8 =	vadd.f32 v16, v13;
	[tilespmem:s5+$0x14370] =	vst v12  }
0x1a1: {  	v12 =	vld [tilespmem:s6+$0x14370];
	_ =	sdelay $0x4  }
0x1a2: {  	v13 =	vperm.xlane v12, v0;
	_ =	sdelay $0x1  }
0x1a3: {  	v14 =	vmul.f32 $1.525878910e-05, v13  }
0x1a4: {  	v11 =	vsub.f32 v11, v4  }
0x1a5: {  	[tilespmem:s5+$0x14360] =	vst v6;
	v6 =	vsub.f32 v10, v3;
	v10 =	vadd.f32 $5.000000000e-01, v14  }
0x1a6: {  	[tilespmem:s5+$0x14350] =	vst v9;
	v9 =	vmul.f32 v11, v1  }
0x1a7: {  	v2 =	vadd.f32 v7, v2;
	[tilespmem:s5+$0x14340] =	vst v5;
	v1 =	vmul.f32 v6, v1;
	v5 =	vtrunc.f32 v10  }
0x1a8: {  	[tilespmem:s5+$0x14330] =	vst v8;
	v4 =	vadd.f32 v9, v4;
	v5 =	vcvt.f32.s32 v5  }
0x1a9: {  	[tilespmem:s5+$0x14320] =	vst v2;
	v1 =	vadd.f32 v1, v3  }
0x1aa: {  	[tilespmem:s5+$0x14310] =	vst v4;
	v2 =	vcvt.s32.f32 v5  }
0x1ab: {  	[tilespmem:s5+$0x14300] =	vst v1  }
0x1ac: {  	v3 =	vld [tilespmem:s6+$0x16300];
	v1 =	vmax.f32 v2, $1.000000000e+00  }
0x1ad: {  	v4 =	vld [tilespmem:s6+$0x18340];
	(erf) = vrcp.f32 v1  }
0x1ae: {  	v6 =	vld [tilespmem:s6+$0x18370]  }
0x1af: {  	v7 =	vld [tilespmem:s6+$0x14340]  }
0x1b0: {  	v8 =	vld [tilespmem:s6+$0x14360]  }
0x1b1: {  	v9 =	vld [tilespmem:s6+$0x14350]  }
0x1b2: {  	v11 =	vld [tilespmem:s6+$0x14320];
	v2 =	vmul.f32 $-6.553600000e+04, v2  }
0x1b3: {  	v54 =	vld [tilespmem:s6+$0x18330]  }
0x1b4: {  	v10 =	vld [tilespmem:s6+$0x14330];
	v2 =	vadd.f32 v2, v13  }
0x1b5: {  	v5 =	vld [tilespmem:s6+$0x18360]  }
0x1b6: {  	v1 =	vld [tilespmem:s6+$0x18350];
	v2 =	vsel vm0, v12, v2;
	v55 =	vpop (erf)  }
0x1b7: {  	v56 =	vld [tilespmem:s6+$0x18320];
	v2 =	vmul.f32 v2, v55  }
0x1b8: {  	v15 =	vld [tilespmem:s6+$0x14310];
	v8 =	vmul.f32 v8, v55  }
0x1b9: {  	v16 =	vld [tilespmem:s6+$0x14300];
	v7 =	vmul.f32 v7, v55;
	v9 =	vmul.f32 v9, v55;
	v2 =	vsub.f32 v2, v6  }
0x1ba: {  	v17 =	vld [tilespmem:s6+$0x18310];
	v10 =	vmul.f32 v10, v55;
	v11 =	vmul.f32 v11, v55;
	v8 =	vsub.f32 v8, v5  }
0x1bb: {  	v18 =	vld [tilespmem:s6+$0x18300];
	v7 =	vsub.f32 v7, v4;
	v9 =	vsub.f32 v9, v1;
	v2 =	vmul.f32 v2, v3  }
0x1bc: {  	v10 =	vsub.f32 v10, v54;
	v11 =	vsub.f32 v11, v56;
	v8 =	vmul.f32 v8, v3  }
0x1bd: {  	v9 =	vmul.f32 v9, v3;
	v2 =	vadd.f32 v2, v6;
	v6 =	vmul.f32 v55, v15  }
0x1be: {  	v7 =	vmul.f32 v7, v3;
	v5 =	vadd.f32 v8, v5;
	v8 =	vmul.f32 v55, v16  }
0x1bf: {  	v10 =	vmul.f32 v10, v3;
	v1 =	vadd.f32 v9, v1;
	[tilespmem:s6+$0x14370] =	vst v2;
	v2 =	vsub.f32 v6, v17  }
0x1c0: {  	v4 =	vadd.f32 v7, v4;
	v6 =	vmul.f32 v11, v3;
	[tilespmem:s6+$0x14360] =	vst v5;
	v5 =	vsub.f32 v8, v18  }
0x1c1: {  	v7 =	vadd.f32 v10, v54;
	[tilespmem:s6+$0x14350] =	vst v1;
	v1 =	vmul.f32 v2, v3  }
0x1c2: {  	[tilespmem:s6+$0x14340] =	vst v4;
	v2 =	vadd.f32 v6, v56;
	v3 =	vmul.f32 v5, v3  }
0x1c3: {  	[tilespmem:s6+$0x14330] =	vst v7;
	v1 =	vadd.f32 v1, v17  }
0x1c4: {  	[tilespmem:s6+$0x14320] =	vst v2;
	v2 =	vadd.f32 v3, v18  }
0x1c5: {  	[tilespmem:s6+$0x14310] =	vst v1  }
0x1c6: {  	s8 =	simm.s32 $0x0;
	s9 =	rddreg [dreg:$0x19];
	[tilespmem:s6+$0x14300] =	vst v2  }
0x1c7: {  	[hbm4b:s9+s8] =	stream.linear.scatter [tilespmem:s19], [sflag:$0x8], $0x2000, $0x38;
	[tilespmem:$0x1A300] =	vst v63  }
0x1c8: {  	_ =	swait.ge [sflag:s20], $0x2000  }
0x1c9: {  	s10 =	sld [smem:$0x7F5]  }
0x1ca: {  	[sflag:s20] =	ssyncset.done $0x0  }
0x1cb: {  	[sflag:s20] =	ssyncadd.s32 $0xFFFFE000  }
0x1cc: {  	[tilespmem:s19], [sflag:$0x5] =	stream.linear.gather [spmem:s10], $0x2000, $0x38;
	[tilespmem:$0x1A300] =	vst v63  }
0x1cd: {  	s12 =	rddreg [dreg:$0x8]  }
0x1ce: {  	[tilespmem:s29], [sflag:$0x6] =	stream.linear.gather [hbm4b:s12+s8], $0x2000, $0x38;
	[tilespmem:$0x1A300] =	vst v63  }
0x1cf: {  	s17 =	rddreg [dreg:$0x9]  }
0x1d0: {  	[tilespmem:s13], [sflag:$0x7] =	stream.linear.gather [hbm4b:s17+s8], $0x2000, $0x38;
	[tilespmem:$0x1A300] =	vst v63  }
0x1d1: {  	_ =	swait.ge [sflag:s14], $0x2000  }
0x1d2: {  	[sflag:s14] =	ssyncset.done $0x0  }
0x1d3: {  	[sflag:s14] =	ssyncadd.s32 $0xFFFFE000  }
0x1d4: {  	_ =	swait.ge [sflag:s15], $0x2000  }
0x1d5: {  	[sflag:s15] =	ssyncset.done $0x0  }
0x1d6: {  	[sflag:s15] =	ssyncadd.s32 $0xFFFFE000  }
0x1d7: {  	_ =	swait.ge [sflag:s2], $0x2000  }
0x1d8: {  	[sflag:s2] =	ssyncset.done $0x0  }
0x1d9: {  	s5 =	simm.s32 $0x0;
	[sflag:s2] =	ssyncadd.s32 $0xFFFFE000  }
0x1da: {  	v2 =	vld [tilespmem:s5+$0x14370];
	_ =	sdelay $0x4  }
0x1db: {  	v3 =	vperm.xlane v2, v0;
	_ =	sdelay $0x1  }
0x1dc: {  	v1 =	vmul.f32 $1.525878910e-05, v3;
	_ =	sdelay $0x1  }
0x1dd: {  	v1 =	vadd.f32 $5.000000000e-01, v1;
	_ =	sdelay $0x1  }
0x1de: {  	v1 =	vtrunc.f32 v1  }
0x1df: {  	v1 =	vcvt.f32.s32 v1;
	_ =	sdelay $0x1  }
0x1e0: {  	v4 =	vcvt.s32.f32 v1;
	_ =	sdelay $0x1  }
0x1e1: {  	v8 =	vld [tilespmem:s5+$0x18340];
	v5 =	vmax.f32 v4, $1.000000000e+00  }
0x1e2: {  	v9 =	vld [tilespmem:s5+$0x18350];
	(erf) = vrcp.f32 v5  }
0x1e3: {  	v7 =	vld [tilespmem:s5+$0x18370]  }
0x1e4: {  	v6 =	vld [tilespmem:s5+$0x14340]  }
0x1e5: {  	v10 =	vld [tilespmem:s5+$0x14360]  }
0x1e6: {  	v11 =	vld [tilespmem:s5+$0x14350]  }
0x1e7: {  	v57 =	vld [tilespmem:s5+$0x14320];
	v4 =	vmul.f32 $-6.553600000e+04, v4  }
0x1e8: {  	v5 =	vld [tilespmem:s5+$0x18360]  }
0x1e9: {  	v3 =	vadd.f32 v4, v3;
	v4 =	vld [tilespmem:s5+$0x14330]  }
0x1ea: {  	v58 =	vld [tilespmem:s5+$0x18330]  }
0x1eb: {  	v1 =	vld [tilespmem:s5+$0x16300];
	v59 =	vpop (erf)  }
0x1ec: {  	v3 =	vsel vm0, v2, v3;
	v10 =	vmul.f32 v10, v59  }
0x1ed: {  	v2 =	vld [tilespmem:s5+$0x18320];
	v3 =	vmul.f32 v3, v59;
	v6 =	vmul.f32 v6, v59  }
0x1ee: {  	v11 =	vmul.f32 v11, v59;
	v4 =	vmul.f32 v4, v59;
	v10 =	vsub.f32 v10, v5  }
0x1ef: {  	v60 =	vld [tilespmem:s5+$0x14300];
	v12 =	vmul.f32 v57, v59;
	v3 =	vsub.f32 v3, v7;
	v6 =	vsub.f32 v6, v8  }
0x1f0: {  	v61 =	vld [tilespmem:s5+$0x14310];
	v11 =	vsub.f32 v11, v9;
	v4 =	vsub.f32 v4, v58;
	v10 =	vmul.f32 v10, v1  }
0x1f1: {  	v62 =	vmul.f32 v3, v1;
	v63 =	vmul.f32 v6, v1;
	v3 =	vld [tilespmem:s5+$0x18300]  }
0x1f2: {  	v12 =	vsub.f32 v12, v2;
	v11 =	vmul.f32 v11, v1;
	v19 =	vmul.f32 v4, v1;
	v4 =	vld [tilespmem:s5+$0x18310]  }
0x1f3: {  	v6 =	vadd.f32 v10, v5;
	v17 =	vadd.f32 v62, v7  }
0x1f4: {  	s6 =	simm.s32 $0x80;
	v7 =	vmul.f32 v12, v1;
	v5 =	vadd.f32 v63, v8;
	v9 =	vadd.f32 v11, v9  }
0x1f5: {  	s9 =	smov.u32 s3;
	s17 =	simm.s32 $0x400;
	s8 =	smov.u32 s7;
	v10 =	vmul.f32 v59, v60;
	v11 =	vmul.f32 v59, v61;
	v8 =	vadd.f32 v19, v58;
	[tilespmem:s5+$0x14370] =	vst v17  }
.LBB2_8:
0x1f6: {  	p0 =	sne.s32 s17, $0x7E00;
	v12 =	vld [tilespmem:s6+$0x14370];
	v2 =	vadd.f32 v7, v2;
	[tilespmem:s5+$0x14360] =	vst v6  }
0x1f7: {  	v6 =	vsub.f32 v10, v3;
	v7 =	vsub.f32 v11, v4;
	[tilespmem:s5+$0x14350] =	vst v9  }
0x1f8: {  	[tilespmem:s5+$0x14340] =	vst v5  }
0x1f9: {  	v5 =	vmul.f32 v6, v1;
	v1 =	vmul.f32 v7, v1;
	[tilespmem:s5+$0x14330] =	vst v8  }
0x1fa: {  	[tilespmem:s5+$0x14320] =	vst v2  }
0x1fb: {  	v2 =	vperm.xlane v12, v0;
	v3 =	vadd.f32 v5, v3;
	v1 =	vadd.f32 v1, v4;
	_ =	sdelay $0x1  }
0x1fc: {  	v4 =	vmul.f32 $1.525878910e-05, v2;
	[tilespmem:s5+$0x14310] =	vst v1  }
0x1fd: {  	[tilespmem:s5+$0x14300] =	vst v3;
	s5 =	smov.u32 s6  }
0x1fe: {  	v1 =	vadd.f32 $5.000000000e-01, v4;
	_ =	sdelay $0x1  }
0x1ff: {  	v1 =	vtrunc.f32 v1  }
0x200: {  	v1 =	vcvt.f32.s32 v1;
	_ =	sdelay $0x1  }
0x201: {  	v3 =	vcvt.s32.f32 v1;
	_ =	sdelay $0x1  }
0x202: {  	v4 =	vmax.f32 v3, $1.000000000e+00;
	v1 =	vld [tilespmem:s5+$0x16300]  }
0x203: {  	v5 =	vld [tilespmem:s5+$0x18340];
	(erf) = vrcp.f32 v4  }
0x204: {  	v8 =	vld [tilespmem:s5+$0x18350]  }
0x205: {  	v6 =	vld [tilespmem:s5+$0x18360]  }
0x206: {  	v7 =	vld [tilespmem:s5+$0x18370]  }
0x207: {  	v4 =	vld [tilespmem:s5+$0x14340]  }
0x208: {  	v3 =	vmul.f32 $-6.553600000e+04, v3;
	v9 =	vld [tilespmem:s5+$0x14360]  }
0x209: {  	v10 =	vld [tilespmem:s5+$0x14350]  }
0x20a: {  	v2 =	vadd.f32 v3, v2;
	v3 =	vld [tilespmem:s5+$0x14330]  }
0x20b: {  	v11 =	vld [tilespmem:s5+$0x14320]  }
0x20c: {  	v12 =	vsel vm0, v12, v2;
	v13 =	vld [tilespmem:s5+$0x18330];
	v14 =	vpop (erf)  }
0x20d: {  	v2 =	vld [tilespmem:s5+$0x18320];
	v9 =	vmul.f32 v9, v14;
	v12 =	vmul.f32 v12, v14  }
0x20e: {  	v4 =	vmul.f32 v4, v14;
	v10 =	vmul.f32 v10, v14  }
0x20f: {  	v15 =	vld [tilespmem:s5+$0x14300];
	v16 =	vmul.f32 v3, v14;
	v9 =	vsub.f32 v9, v6;
	v12 =	vsub.f32 v12, v7  }
0x210: {  	v18 =	vsub.f32 v4, v5;
	v17 =	vld [tilespmem:s5+$0x14310];
	v11 =	vmul.f32 v11, v14;
	v10 =	vsub.f32 v10, v8  }
.Ltmp3:
0x211: {  	v3 =	vld [tilespmem:s5+$0x18300];
	v16 =	vsub.f32 v16, v13;
	v9 =	vmul.f32 v9, v1;
	v12 =	vmul.f32 v12, v1;
	(pc) =	sbr.rel @p0 .LBB2_8-.Ltmp3, $4  }
0x212: {  	v18 =	vmul.f32 v18, v1;
	v4 =	vld [tilespmem:s5+$0x18310];
	v11 =	vsub.f32 v11, v2;
	v10 =	vmul.f32 v10, v1  }
0x213: {  	v16 =	vmul.f32 v16, v1;
	v6 =	vadd.f32 v9, v6;
	v12 =	vadd.f32 v12, v7  }
0x214: {  	v5 =	vadd.f32 v18, v5;
	v7 =	vmul.f32 v11, v1;
	v9 =	vadd.f32 v10, v8  }
0x215: {  	s6 =	sshra.s32 s17, $0x2;
	s17 =	sadd.s32 $0x200, s17;
	v10 =	vmul.f32 v14, v15;
	v11 =	vmul.f32 v14, v17;
	v8 =	vadd.f32 v16, v13;
	[tilespmem:s5+$0x14370] =	vst v12  }
0x216: {  	v12 =	vld [tilespmem:s6+$0x14370];
	_ =	sdelay $0x4  }
0x217: {  	v13 =	vperm.xlane v12, v0;
	_ =	sdelay $0x1  }
0x218: {  	v14 =	vmul.f32 $1.525878910e-05, v13  }
0x219: {  	v11 =	vsub.f32 v11, v4  }
0x21a: {  	[tilespmem:s5+$0x14360] =	vst v6;
	v6 =	vsub.f32 v10, v3;
	v10 =	vadd.f32 $5.000000000e-01, v14  }
0x21b: {  	[tilespmem:s5+$0x14350] =	vst v9;
	v9 =	vmul.f32 v11, v1  }
0x21c: {  	v2 =	vadd.f32 v7, v2;
	[tilespmem:s5+$0x14340] =	vst v5;
	v1 =	vmul.f32 v6, v1;
	v5 =	vtrunc.f32 v10  }
0x21d: {  	[tilespmem:s5+$0x14330] =	vst v8;
	v4 =	vadd.f32 v9, v4;
	v5 =	vcvt.f32.s32 v5  }
0x21e: {  	[tilespmem:s5+$0x14320] =	vst v2;
	v1 =	vadd.f32 v1, v3  }
0x21f: {  	[tilespmem:s5+$0x14310] =	vst v4;
	v2 =	vcvt.s32.f32 v5  }
0x220: {  	[tilespmem:s5+$0x14300] =	vst v1  }
0x221: {  	v3 =	vld [tilespmem:s6+$0x16300];
	v1 =	vmax.f32 v2, $1.000000000e+00  }
0x222: {  	v4 =	vld [tilespmem:s6+$0x18340];
	(erf) = vrcp.f32 v1  }
0x223: {  	v6 =	vld [tilespmem:s6+$0x18370]  }
0x224: {  	v7 =	vld [tilespmem:s6+$0x14340]  }
0x225: {  	v8 =	vld [tilespmem:s6+$0x14360]  }
0x226: {  	v9 =	vld [tilespmem:s6+$0x14350]  }
0x227: {  	v11 =	vld [tilespmem:s6+$0x14320];
	v2 =	vmul.f32 $-6.553600000e+04, v2  }
0x228: {  	v54 =	vld [tilespmem:s6+$0x18330]  }
0x229: {  	v10 =	vld [tilespmem:s6+$0x14330];
	v2 =	vadd.f32 v2, v13  }
0x22a: {  	v5 =	vld [tilespmem:s6+$0x18360]  }
0x22b: {  	v1 =	vld [tilespmem:s6+$0x18350];
	v2 =	vsel vm0, v12, v2;
	v55 =	vpop (erf)  }
0x22c: {  	v56 =	vld [tilespmem:s6+$0x18320];
	v2 =	vmul.f32 v2, v55  }
0x22d: {  	v15 =	vld [tilespmem:s6+$0x14310];
	v8 =	vmul.f32 v8, v55  }
0x22e: {  	v16 =	vld [tilespmem:s6+$0x14300];
	v7 =	vmul.f32 v7, v55;
	v9 =	vmul.f32 v9, v55;
	v2 =	vsub.f32 v2, v6  }
0x22f: {  	v17 =	vld [tilespmem:s6+$0x18310];
	v10 =	vmul.f32 v10, v55;
	v11 =	vmul.f32 v11, v55;
	v8 =	vsub.f32 v8, v5  }
0x230: {  	v18 =	vld [tilespmem:s6+$0x18300];
	v7 =	vsub.f32 v7, v4;
	v9 =	vsub.f32 v9, v1;
	v2 =	vmul.f32 v2, v3  }
0x231: {  	v10 =	vsub.f32 v10, v54;
	v11 =	vsub.f32 v11, v56;
	v8 =	vmul.f32 v8, v3  }
0x232: {  	v9 =	vmul.f32 v9, v3;
	v2 =	vadd.f32 v2, v6;
	v6 =	vmul.f32 v55, v15  }
0x233: {  	v7 =	vmul.f32 v7, v3;
	v5 =	vadd.f32 v8, v5;
	v8 =	vmul.f32 v55, v16  }
0x234: {  	v10 =	vmul.f32 v10, v3;
	v1 =	vadd.f32 v9, v1;
	[tilespmem:s6+$0x14370] =	vst v2;
	v2 =	vsub.f32 v6, v17  }
0x235: {  	v4 =	vadd.f32 v7, v4;
	v6 =	vmul.f32 v11, v3;
	[tilespmem:s6+$0x14360] =	vst v5;
	v5 =	vsub.f32 v8, v18  }
0x236: {  	v7 =	vadd.f32 v10, v54;
	[tilespmem:s6+$0x14350] =	vst v1;
	v1 =	vmul.f32 v2, v3  }
0x237: {  	[tilespmem:s6+$0x14340] =	vst v4;
	v2 =	vadd.f32 v6, v56;
	v3 =	vmul.f32 v5, v3  }
0x238: {  	[tilespmem:s6+$0x14330] =	vst v7;
	v1 =	vadd.f32 v1, v17  }
0x239: {  	[tilespmem:s6+$0x14320] =	vst v2;
	v2 =	vadd.f32 v3, v18  }
0x23a: {  	[tilespmem:s6+$0x14310] =	vst v1  }
0x23b: {  	s7 =	simm.s32 $0x0;
	s10 =	rddreg [dreg:$0x1a];
	[tilespmem:s6+$0x14300] =	vst v2  }
0x23c: {  	[hbm4b:s10+s7] =	stream.linear.scatter [tilespmem:s19], [sflag:$0x8], $0x2000, $0x38;
	[tilespmem:$0x1A300] =	vst v63  }
0x23d: {  	_ =	swait.ge [sflag:s20], $0x2000  }
0x23e: {  	[sflag:s20] =	ssyncset.done $0x0  }
0x23f: {  	[sflag:s20] =	ssyncadd.s32 $0xFFFFE000  }
0x240: {  	[tilespmem:s19], [sflag:$0x5] =	stream.linear.gather [spmem:s8], $0x2000, $0x38;
	[tilespmem:$0x1A300] =	vst v63  }
0x241: {  	s12 =	rddreg [dreg:$0xa]  }
0x242: {  	[tilespmem:s29], [sflag:$0x6] =	stream.linear.gather [hbm4b:s12+s7], $0x2000, $0x38;
	[tilespmem:$0x1A300] =	vst v63  }
0x243: {  	s17 =	rddreg [dreg:$0xb]  }
0x244: {  	[tilespmem:s13], [sflag:$0x7] =	stream.linear.gather [hbm4b:s17+s7], $0x2000, $0x38;
	[tilespmem:$0x1A300] =	vst v63  }
0x245: {  	_ =	swait.ge [sflag:s14], $0x2000  }
0x246: {  	[sflag:s14] =	ssyncset.done $0x0  }
0x247: {  	[sflag:s14] =	ssyncadd.s32 $0xFFFFE000  }
0x248: {  	_ =	swait.ge [sflag:s15], $0x2000  }
0x249: {  	[sflag:s15] =	ssyncset.done $0x0  }
0x24a: {  	[sflag:s15] =	ssyncadd.s32 $0xFFFFE000  }
0x24b: {  	_ =	swait.ge [sflag:s2], $0x2000  }
0x24c: {  	[sflag:s2] =	ssyncset.done $0x0  }
0x24d: {  	s5 =	simm.s32 $0x0;
	[sflag:s2] =	ssyncadd.s32 $0xFFFFE000  }
0x24e: {  	v2 =	vld [tilespmem:s5+$0x14370];
	_ =	sdelay $0x4  }
0x24f: {  	v3 =	vperm.xlane v2, v0;
	_ =	sdelay $0x1  }
0x250: {  	v1 =	vmul.f32 $1.525878910e-05, v3;
	_ =	sdelay $0x1  }
0x251: {  	v1 =	vadd.f32 $5.000000000e-01, v1;
	_ =	sdelay $0x1  }
0x252: {  	v1 =	vtrunc.f32 v1  }
0x253: {  	v1 =	vcvt.f32.s32 v1;
	_ =	sdelay $0x1  }
0x254: {  	v4 =	vcvt.s32.f32 v1;
	_ =	sdelay $0x1  }
0x255: {  	v8 =	vld [tilespmem:s5+$0x18340];
	v5 =	vmax.f32 v4, $1.000000000e+00  }
0x256: {  	v9 =	vld [tilespmem:s5+$0x18350];
	(erf) = vrcp.f32 v5  }
0x257: {  	v7 =	vld [tilespmem:s5+$0x18370]  }
0x258: {  	v6 =	vld [tilespmem:s5+$0x14340]  }
0x259: {  	v10 =	vld [tilespmem:s5+$0x14360]  }
0x25a: {  	v11 =	vld [tilespmem:s5+$0x14350]  }
0x25b: {  	v57 =	vld [tilespmem:s5+$0x14320];
	v4 =	vmul.f32 $-6.553600000e+04, v4  }
0x25c: {  	v5 =	vld [tilespmem:s5+$0x18360]  }
0x25d: {  	v3 =	vadd.f32 v4, v3;
	v4 =	vld [tilespmem:s5+$0x14330]  }
0x25e: {  	v58 =	vld [tilespmem:s5+$0x18330]  }
0x25f: {  	v1 =	vld [tilespmem:s5+$0x16300];
	v59 =	vpop (erf)  }
0x260: {  	v3 =	vsel vm0, v2, v3;
	v10 =	vmul.f32 v10, v59  }
0x261: {  	v2 =	vld [tilespmem:s5+$0x18320];
	v3 =	vmul.f32 v3, v59;
	v6 =	vmul.f32 v6, v59  }
0x262: {  	v11 =	vmul.f32 v11, v59;
	v4 =	vmul.f32 v4, v59;
	v10 =	vsub.f32 v10, v5  }
0x263: {  	v60 =	vld [tilespmem:s5+$0x14300];
	v12 =	vmul.f32 v57, v59;
	v3 =	vsub.f32 v3, v7;
	v6 =	vsub.f32 v6, v8  }
0x264: {  	v61 =	vld [tilespmem:s5+$0x14310];
	v11 =	vsub.f32 v11, v9;
	v4 =	vsub.f32 v4, v58;
	v10 =	vmul.f32 v10, v1  }
0x265: {  	v62 =	vmul.f32 v3, v1;
	v63 =	vmul.f32 v6, v1;
	v3 =	vld [tilespmem:s5+$0x18300]  }
0x266: {  	v12 =	vsub.f32 v12, v2;
	v11 =	vmul.f32 v11, v1;
	v19 =	vmul.f32 v4, v1;
	v4 =	vld [tilespmem:s5+$0x18310]  }
0x267: {  	v6 =	vadd.f32 v10, v5;
	v17 =	vadd.f32 v62, v7  }
0x268: {  	s10 =	sld [smem:$0x7FC];
	v7 =	vmul.f32 v12, v1;
	v5 =	vadd.f32 v63, v8;
	v9 =	vadd.f32 v11, v9  }
0x269: {  	s6 =	simm.s32 $0x80;
	s17 =	simm.s32 $0x400;
	s12 =	sld [smem:$0x7FD];
	v10 =	vmul.f32 v59, v60;
	v11 =	vmul.f32 v59, v61;
	v8 =	vadd.f32 v19, v58;
	[tilespmem:s5+$0x14370] =	vst v17  }
.LBB2_10:
0x26a: {  	p0 =	sne.s32 s17, $0x7E00;
	v12 =	vld [tilespmem:s6+$0x14370];
	v2 =	vadd.f32 v7, v2;
	[tilespmem:s5+$0x14360] =	vst v6  }
0x26b: {  	v6 =	vsub.f32 v10, v3;
	v7 =	vsub.f32 v11, v4;
	[tilespmem:s5+$0x14350] =	vst v9  }
0x26c: {  	[tilespmem:s5+$0x14340] =	vst v5  }
0x26d: {  	v5 =	vmul.f32 v6, v1;
	v1 =	vmul.f32 v7, v1;
	[tilespmem:s5+$0x14330] =	vst v8  }
0x26e: {  	[tilespmem:s5+$0x14320] =	vst v2  }
0x26f: {  	v2 =	vperm.xlane v12, v0;
	v3 =	vadd.f32 v5, v3;
	v1 =	vadd.f32 v1, v4;
	_ =	sdelay $0x1  }
0x270: {  	v4 =	vmul.f32 $1.525878910e-05, v2;
	[tilespmem:s5+$0x14310] =	vst v1  }
0x271: {  	[tilespmem:s5+$0x14300] =	vst v3;
	s5 =	smov.u32 s6  }
0x272: {  	v1 =	vadd.f32 $5.000000000e-01, v4;
	_ =	sdelay $0x1  }
0x273: {  	v1 =	vtrunc.f32 v1  }
0x274: {  	v1 =	vcvt.f32.s32 v1;
	_ =	sdelay $0x1  }
0x275: {  	v3 =	vcvt.s32.f32 v1;
	_ =	sdelay $0x1  }
0x276: {  	v4 =	vmax.f32 v3, $1.000000000e+00;
	v1 =	vld [tilespmem:s5+$0x16300]  }
0x277: {  	v5 =	vld [tilespmem:s5+$0x18340];
	(erf) = vrcp.f32 v4  }
0x278: {  	v8 =	vld [tilespmem:s5+$0x18350]  }
0x279: {  	v6 =	vld [tilespmem:s5+$0x18360]  }
0x27a: {  	v7 =	vld [tilespmem:s5+$0x18370]  }
0x27b: {  	v4 =	vld [tilespmem:s5+$0x14340]  }
0x27c: {  	v3 =	vmul.f32 $-6.553600000e+04, v3;
	v9 =	vld [tilespmem:s5+$0x14360]  }
0x27d: {  	v10 =	vld [tilespmem:s5+$0x14350]  }
0x27e: {  	v2 =	vadd.f32 v3, v2;
	v3 =	vld [tilespmem:s5+$0x14330]  }
0x27f: {  	v11 =	vld [tilespmem:s5+$0x14320]  }
0x280: {  	v12 =	vsel vm0, v12, v2;
	v13 =	vld [tilespmem:s5+$0x18330];
	v14 =	vpop (erf)  }
0x281: {  	v2 =	vld [tilespmem:s5+$0x18320];
	v9 =	vmul.f32 v9, v14;
	v12 =	vmul.f32 v12, v14  }
0x282: {  	v4 =	vmul.f32 v4, v14;
	v10 =	vmul.f32 v10, v14  }
0x283: {  	v15 =	vld [tilespmem:s5+$0x14300];
	v16 =	vmul.f32 v3, v14;
	v9 =	vsub.f32 v9, v6;
	v12 =	vsub.f32 v12, v7  }
0x284: {  	v18 =	vsub.f32 v4, v5;
	v17 =	vld [tilespmem:s5+$0x14310];
	v11 =	vmul.f32 v11, v14;
	v10 =	vsub.f32 v10, v8  }
.Ltmp4:
0x285: {  	v3 =	vld [tilespmem:s5+$0x18300];
	v16 =	vsub.f32 v16, v13;
	v9 =	vmul.f32 v9, v1;
	v12 =	vmul.f32 v12, v1;
	(pc) =	sbr.rel @p0 .LBB2_10-.Ltmp4, $4  }
0x286: {  	v18 =	vmul.f32 v18, v1;
	v4 =	vld [tilespmem:s5+$0x18310];
	v11 =	vsub.f32 v11, v2;
	v10 =	vmul.f32 v10, v1  }
0x287: {  	v16 =	vmul.f32 v16, v1;
	v6 =	vadd.f32 v9, v6;
	v12 =	vadd.f32 v12, v7  }
0x288: {  	v5 =	vadd.f32 v18, v5;
	v7 =	vmul.f32 v11, v1;
	v9 =	vadd.f32 v10, v8  }
0x289: {  	s6 =	sshra.s32 s17, $0x2;
	s17 =	sadd.s32 $0x200, s17;
	v10 =	vmul.f32 v14, v15;
	v11 =	vmul.f32 v14, v17;
	v8 =	vadd.f32 v16, v13;
	[tilespmem:s5+$0x14370] =	vst v12  }
0x28a: {  	v12 =	vld [tilespmem:s6+$0x14370];
	_ =	sdelay $0x4  }
0x28b: {  	v13 =	vperm.xlane v12, v0;
	_ =	sdelay $0x1  }
0x28c: {  	v14 =	vmul.f32 $1.525878910e-05, v13  }
0x28d: {  	v11 =	vsub.f32 v11, v4  }
0x28e: {  	[tilespmem:s5+$0x14360] =	vst v6;
	v6 =	vsub.f32 v10, v3;
	v10 =	vadd.f32 $5.000000000e-01, v14  }
0x28f: {  	[tilespmem:s5+$0x14350] =	vst v9;
	v9 =	vmul.f32 v11, v1  }
0x290: {  	v2 =	vadd.f32 v7, v2;
	[tilespmem:s5+$0x14340] =	vst v5;
	v1 =	vmul.f32 v6, v1;
	v5 =	vtrunc.f32 v10  }
0x291: {  	[tilespmem:s5+$0x14330] =	vst v8;
	v4 =	vadd.f32 v9, v4;
	v5 =	vcvt.f32.s32 v5  }
0x292: {  	[tilespmem:s5+$0x14320] =	vst v2;
	v1 =	vadd.f32 v1, v3  }
0x293: {  	[tilespmem:s5+$0x14310] =	vst v4;
	v2 =	vcvt.s32.f32 v5  }
0x294: {  	[tilespmem:s5+$0x14300] =	vst v1  }
0x295: {  	v3 =	vld [tilespmem:s6+$0x16300];
	v1 =	vmax.f32 v2, $1.000000000e+00  }
0x296: {  	v4 =	vld [tilespmem:s6+$0x18340];
	(erf) = vrcp.f32 v1  }
0x297: {  	v6 =	vld [tilespmem:s6+$0x18370]  }
0x298: {  	v7 =	vld [tilespmem:s6+$0x14340]  }
0x299: {  	v8 =	vld [tilespmem:s6+$0x14360]  }
0x29a: {  	v9 =	vld [tilespmem:s6+$0x14350]  }
0x29b: {  	v11 =	vld [tilespmem:s6+$0x14320];
	v2 =	vmul.f32 $-6.553600000e+04, v2  }
0x29c: {  	v54 =	vld [tilespmem:s6+$0x18330]  }
0x29d: {  	v10 =	vld [tilespmem:s6+$0x14330];
	v2 =	vadd.f32 v2, v13  }
0x29e: {  	v5 =	vld [tilespmem:s6+$0x18360]  }
0x29f: {  	v1 =	vld [tilespmem:s6+$0x18350];
	v2 =	vsel vm0, v12, v2;
	v55 =	vpop (erf)  }
0x2a0: {  	v56 =	vld [tilespmem:s6+$0x18320];
	v2 =	vmul.f32 v2, v55  }
0x2a1: {  	v15 =	vld [tilespmem:s6+$0x14310];
	v8 =	vmul.f32 v8, v55  }
0x2a2: {  	v16 =	vld [tilespmem:s6+$0x14300];
	v7 =	vmul.f32 v7, v55;
	v9 =	vmul.f32 v9, v55;
	v2 =	vsub.f32 v2, v6  }
0x2a3: {  	v17 =	vld [tilespmem:s6+$0x18310];
	v10 =	vmul.f32 v10, v55;
	v11 =	vmul.f32 v11, v55;
	v8 =	vsub.f32 v8, v5  }
0x2a4: {  	v18 =	vld [tilespmem:s6+$0x18300];
	v7 =	vsub.f32 v7, v4;
	v9 =	vsub.f32 v9, v1;
	v2 =	vmul.f32 v2, v3  }
0x2a5: {  	v10 =	vsub.f32 v10, v54;
	v11 =	vsub.f32 v11, v56;
	v8 =	vmul.f32 v8, v3  }
0x2a6: {  	v9 =	vmul.f32 v9, v3;
	v2 =	vadd.f32 v2, v6;
	v6 =	vmul.f32 v55, v15  }
0x2a7: {  	v7 =	vmul.f32 v7, v3;
	v5 =	vadd.f32 v8, v5;
	v8 =	vmul.f32 v55, v16  }
0x2a8: {  	v10 =	vmul.f32 v10, v3;
	v1 =	vadd.f32 v9, v1;
	[tilespmem:s6+$0x14370] =	vst v2;
	v2 =	vsub.f32 v6, v17  }
0x2a9: {  	v4 =	vadd.f32 v7, v4;
	v6 =	vmul.f32 v11, v3;
	[tilespmem:s6+$0x14360] =	vst v5;
	v5 =	vsub.f32 v8, v18  }
0x2aa: {  	v7 =	vadd.f32 v10, v54;
	[tilespmem:s6+$0x14350] =	vst v1;
	v1 =	vmul.f32 v2, v3  }
0x2ab: {  	[tilespmem:s6+$0x14340] =	vst v4;
	v2 =	vadd.f32 v6, v56;
	v3 =	vmul.f32 v5, v3  }
0x2ac: {  	[tilespmem:s6+$0x14330] =	vst v7;
	v1 =	vadd.f32 v1, v17  }
0x2ad: {  	[tilespmem:s6+$0x14320] =	vst v2;
	v2 =	vadd.f32 v3, v18  }
0x2ae: {  	[tilespmem:s6+$0x14310] =	vst v1  }
0x2af: {  	s3 =	rddreg [dreg:$0x1b];
	s5 =	simm.s32 $0x0;
	[tilespmem:s6+$0x14300] =	vst v2  }
0x2b0: {  	[hbm4b:s3+s5] =	stream.linear.scatter [tilespmem:s19], [sflag:$0x8], $0x2000, $0x38;
	[tilespmem:$0x1A300] =	vst v63  }
0x2b1: {  	_ =	swait.ge [sflag:s20], $0x2000  }
0x2b2: {  	[sflag:s20] =	ssyncset.done $0x0  }
0x2b3: {  	[sflag:s20] =	ssyncadd.s32 $0xFFFFE000  }
0x2b4: {  	[tilespmem:s19], [sflag:$0x5] =	stream.linear.gather [spmem:s9], $0x2000, $0x38;
	[tilespmem:$0x1A300] =	vst v63  }
0x2b5: {  	s7 =	rddreg [dreg:$0xc]  }
0x2b6: {  	[tilespmem:s29], [sflag:$0x6] =	stream.linear.gather [hbm4b:s7+s5], $0x2000, $0x38;
	[tilespmem:$0x1A300] =	vst v63  }
0x2b7: {  	s17 =	rddreg [dreg:$0xd]  }
0x2b8: {  	[tilespmem:s13], [sflag:$0x7] =	stream.linear.gather [hbm4b:s17+s5], $0x2000, $0x38;
	[tilespmem:$0x1A300] =	vst v63  }
0x2b9: {  	_ =	swait.ge [sflag:s14], $0x2000  }
0x2ba: {  	[sflag:s14] =	ssyncset.done $0x0  }
0x2bb: {  	[sflag:s14] =	ssyncadd.s32 $0xFFFFE000  }
0x2bc: {  	_ =	swait.ge [sflag:s15], $0x2000  }
0x2bd: {  	[sflag:s15] =	ssyncset.done $0x0  }
0x2be: {  	[sflag:s15] =	ssyncadd.s32 $0xFFFFE000  }
0x2bf: {  	_ =	swait.ge [sflag:s2], $0x2000  }
0x2c0: {  	[sflag:s2] =	ssyncset.done $0x0  }
0x2c1: {  	s5 =	simm.s32 $0x0;
	[sflag:s2] =	ssyncadd.s32 $0xFFFFE000  }
0x2c2: {  	v2 =	vld [tilespmem:s5+$0x14370];
	_ =	sdelay $0x4  }
0x2c3: {  	v3 =	vperm.xlane v2, v0;
	_ =	sdelay $0x1  }
0x2c4: {  	v1 =	vmul.f32 $1.525878910e-05, v3;
	_ =	sdelay $0x1  }
0x2c5: {  	v1 =	vadd.f32 $5.000000000e-01, v1;
	_ =	sdelay $0x1  }
0x2c6: {  	v1 =	vtrunc.f32 v1  }
0x2c7: {  	v1 =	vcvt.f32.s32 v1;
	_ =	sdelay $0x1  }
0x2c8: {  	v4 =	vcvt.s32.f32 v1;
	_ =	sdelay $0x1  }
0x2c9: {  	v8 =	vld [tilespmem:s5+$0x18340];
	v5 =	vmax.f32 v4, $1.000000000e+00  }
0x2ca: {  	v9 =	vld [tilespmem:s5+$0x18350];
	(erf) = vrcp.f32 v5  }
0x2cb: {  	v7 =	vld [tilespmem:s5+$0x18370]  }
0x2cc: {  	v6 =	vld [tilespmem:s5+$0x14340]  }
0x2cd: {  	v10 =	vld [tilespmem:s5+$0x14360]  }
0x2ce: {  	v11 =	vld [tilespmem:s5+$0x14350]  }
0x2cf: {  	v57 =	vld [tilespmem:s5+$0x14320];
	v4 =	vmul.f32 $-6.553600000e+04, v4  }
0x2d0: {  	v5 =	vld [tilespmem:s5+$0x18360]  }
0x2d1: {  	v3 =	vadd.f32 v4, v3;
	v4 =	vld [tilespmem:s5+$0x14330]  }
0x2d2: {  	v58 =	vld [tilespmem:s5+$0x18330]  }
0x2d3: {  	v1 =	vld [tilespmem:s5+$0x16300];
	v59 =	vpop (erf)  }
0x2d4: {  	v3 =	vsel vm0, v2, v3;
	v10 =	vmul.f32 v10, v59  }
0x2d5: {  	v2 =	vld [tilespmem:s5+$0x18320];
	v3 =	vmul.f32 v3, v59;
	v6 =	vmul.f32 v6, v59  }
0x2d6: {  	v11 =	vmul.f32 v11, v59;
	v4 =	vmul.f32 v4, v59;
	v10 =	vsub.f32 v10, v5  }
0x2d7: {  	v60 =	vld [tilespmem:s5+$0x14300];
	v12 =	vmul.f32 v57, v59;
	v3 =	vsub.f32 v3, v7;
	v6 =	vsub.f32 v6, v8  }
0x2d8: {  	v61 =	vld [tilespmem:s5+$0x14310];
	v11 =	vsub.f32 v11, v9;
	v4 =	vsub.f32 v4, v58;
	v10 =	vmul.f32 v10, v1  }
0x2d9: {  	v62 =	vmul.f32 v3, v1;
	v63 =	vmul.f32 v6, v1;
	v3 =	vld [tilespmem:s5+$0x18300]  }
0x2da: {  	v12 =	vsub.f32 v12, v2;
	v11 =	vmul.f32 v11, v1;
	v19 =	vmul.f32 v4, v1;
	v4 =	vld [tilespmem:s5+$0x18310]  }
0x2db: {  	v6 =	vadd.f32 v10, v5;
	v17 =	vadd.f32 v62, v7  }
0x2dc: {  	v7 =	vmul.f32 v12, v1;
	v5 =	vadd.f32 v63, v8;
	v9 =	vadd.f32 v11, v9  }
0x2dd: {  	s6 =	simm.s32 $0x80;
	s17 =	simm.s32 $0x400;
	v10 =	vmul.f32 v59, v60;
	v11 =	vmul.f32 v59, v61;
	v8 =	vadd.f32 v19, v58;
	[tilespmem:s5+$0x14370] =	vst v17  }
.LBB2_12:
0x2de: {  	p0 =	sne.s32 s17, $0x7E00;
	v12 =	vld [tilespmem:s6+$0x14370];
	v2 =	vadd.f32 v7, v2;
	[tilespmem:s5+$0x14360] =	vst v6  }
0x2df: {  	v6 =	vsub.f32 v10, v3;
	v7 =	vsub.f32 v11, v4;
	[tilespmem:s5+$0x14350] =	vst v9  }
0x2e0: {  	[tilespmem:s5+$0x14340] =	vst v5  }
0x2e1: {  	v5 =	vmul.f32 v6, v1;
	v1 =	vmul.f32 v7, v1;
	[tilespmem:s5+$0x14330] =	vst v8  }
0x2e2: {  	[tilespmem:s5+$0x14320] =	vst v2  }
0x2e3: {  	v2 =	vperm.xlane v12, v0;
	v3 =	vadd.f32 v5, v3;
	v1 =	vadd.f32 v1, v4;
	_ =	sdelay $0x1  }
0x2e4: {  	v4 =	vmul.f32 $1.525878910e-05, v2;
	[tilespmem:s5+$0x14310] =	vst v1  }
0x2e5: {  	[tilespmem:s5+$0x14300] =	vst v3;
	s5 =	smov.u32 s6  }
0x2e6: {  	v1 =	vadd.f32 $5.000000000e-01, v4;
	_ =	sdelay $0x1  }
0x2e7: {  	v1 =	vtrunc.f32 v1  }
0x2e8: {  	v1 =	vcvt.f32.s32 v1;
	_ =	sdelay $0x1  }
0x2e9: {  	v3 =	vcvt.s32.f32 v1;
	_ =	sdelay $0x1  }
0x2ea: {  	v4 =	vmax.f32 v3, $1.000000000e+00;
	v1 =	vld [tilespmem:s5+$0x16300]  }
0x2eb: {  	v5 =	vld [tilespmem:s5+$0x18340];
	(erf) = vrcp.f32 v4  }
0x2ec: {  	v8 =	vld [tilespmem:s5+$0x18350]  }
0x2ed: {  	v6 =	vld [tilespmem:s5+$0x18360]  }
0x2ee: {  	v7 =	vld [tilespmem:s5+$0x18370]  }
0x2ef: {  	v4 =	vld [tilespmem:s5+$0x14340]  }
0x2f0: {  	v3 =	vmul.f32 $-6.553600000e+04, v3;
	v9 =	vld [tilespmem:s5+$0x14360]  }
0x2f1: {  	v10 =	vld [tilespmem:s5+$0x14350]  }
0x2f2: {  	v2 =	vadd.f32 v3, v2;
	v3 =	vld [tilespmem:s5+$0x14330]  }
0x2f3: {  	v11 =	vld [tilespmem:s5+$0x14320]  }
0x2f4: {  	v12 =	vsel vm0, v12, v2;
	v13 =	vld [tilespmem:s5+$0x18330];
	v14 =	vpop (erf)  }
0x2f5: {  	v2 =	vld [tilespmem:s5+$0x18320];
	v9 =	vmul.f32 v9, v14;
	v12 =	vmul.f32 v12, v14  }
0x2f6: {  	v4 =	vmul.f32 v4, v14;
	v10 =	vmul.f32 v10, v14  }
0x2f7: {  	v15 =	vld [tilespmem:s5+$0x14300];
	v16 =	vmul.f32 v3, v14;
	v9 =	vsub.f32 v9, v6;
	v12 =	vsub.f32 v12, v7  }
0x2f8: {  	v18 =	vsub.f32 v4, v5;
	v17 =	vld [tilespmem:s5+$0x14310];
	v11 =	vmul.f32 v11, v14;
	v10 =	vsub.f32 v10, v8  }
.Ltmp5:
0x2f9: {  	v3 =	vld [tilespmem:s5+$0x18300];
	v16 =	vsub.f32 v16, v13;
	v9 =	vmul.f32 v9, v1;
	v12 =	vmul.f32 v12, v1;
	(pc) =	sbr.rel @p0 .LBB2_12-.Ltmp5, $4  }
0x2fa: {  	v18 =	vmul.f32 v18, v1;
	v4 =	vld [tilespmem:s5+$0x18310];
	v11 =	vsub.f32 v11, v2;
	v10 =	vmul.f32 v10, v1  }
0x2fb: {  	v16 =	vmul.f32 v16, v1;
	v6 =	vadd.f32 v9, v6;
	v12 =	vadd.f32 v12, v7  }
0x2fc: {  	v5 =	vadd.f32 v18, v5;
	v7 =	vmul.f32 v11, v1;
	v9 =	vadd.f32 v10, v8  }
0x2fd: {  	s6 =	sshra.s32 s17, $0x2;
	s17 =	sadd.s32 $0x200, s17;
	v10 =	vmul.f32 v14, v15;
	v11 =	vmul.f32 v14, v17;
	v8 =	vadd.f32 v16, v13;
	[tilespmem:s5+$0x14370] =	vst v12  }
0x2fe: {  	v12 =	vld [tilespmem:s6+$0x14370];
	_ =	sdelay $0x4  }
0x2ff: {  	v13 =	vperm.xlane v12, v0;
	_ =	sdelay $0x1  }
0x300: {  	v14 =	vmul.f32 $1.525878910e-05, v13  }
0x301: {  	v11 =	vsub.f32 v11, v4  }
0x302: {  	[tilespmem:s5+$0x14360] =	vst v6;
	v6 =	vsub.f32 v10, v3;
	v10 =	vadd.f32 $5.000000000e-01, v14  }
0x303: {  	[tilespmem:s5+$0x14350] =	vst v9;
	v9 =	vmul.f32 v11, v1  }
0x304: {  	v2 =	vadd.f32 v7, v2;
	[tilespmem:s5+$0x14340] =	vst v5;
	v1 =	vmul.f32 v6, v1;
	v5 =	vtrunc.f32 v10  }
0x305: {  	[tilespmem:s5+$0x14330] =	vst v8;
	v4 =	vadd.f32 v9, v4;
	v5 =	vcvt.f32.s32 v5  }
0x306: {  	[tilespmem:s5+$0x14320] =	vst v2;
	v1 =	vadd.f32 v1, v3  }
0x307: {  	[tilespmem:s5+$0x14310] =	vst v4;
	v2 =	vcvt.s32.f32 v5  }
0x308: {  	[tilespmem:s5+$0x14300] =	vst v1  }
0x309: {  	v3 =	vld [tilespmem:s6+$0x16300];
	v1 =	vmax.f32 v2, $1.000000000e+00  }
0x30a: {  	v4 =	vld [tilespmem:s6+$0x18340];
	(erf) = vrcp.f32 v1  }
0x30b: {  	v6 =	vld [tilespmem:s6+$0x18370]  }
0x30c: {  	v7 =	vld [tilespmem:s6+$0x14340]  }
0x30d: {  	v8 =	vld [tilespmem:s6+$0x14360]  }
0x30e: {  	v9 =	vld [tilespmem:s6+$0x14350]  }
0x30f: {  	v11 =	vld [tilespmem:s6+$0x14320];
	v2 =	vmul.f32 $-6.553600000e+04, v2  }
0x310: {  	v54 =	vld [tilespmem:s6+$0x18330]  }
0x311: {  	v10 =	vld [tilespmem:s6+$0x14330];
	v2 =	vadd.f32 v2, v13  }
0x312: {  	v5 =	vld [tilespmem:s6+$0x18360]  }
0x313: {  	v1 =	vld [tilespmem:s6+$0x18350];
	v2 =	vsel vm0, v12, v2;
	v55 =	vpop (erf)  }
0x314: {  	v56 =	vld [tilespmem:s6+$0x18320];
	v2 =	vmul.f32 v2, v55  }
0x315: {  	v15 =	vld [tilespmem:s6+$0x14310];
	v8 =	vmul.f32 v8, v55  }
0x316: {  	v16 =	vld [tilespmem:s6+$0x14300];
	v7 =	vmul.f32 v7, v55;
	v9 =	vmul.f32 v9, v55;
	v2 =	vsub.f32 v2, v6  }
0x317: {  	v17 =	vld [tilespmem:s6+$0x18310];
	v10 =	vmul.f32 v10, v55;
	v11 =	vmul.f32 v11, v55;
	v8 =	vsub.f32 v8, v5  }
0x318: {  	v18 =	vld [tilespmem:s6+$0x18300];
	v7 =	vsub.f32 v7, v4;
	v9 =	vsub.f32 v9, v1;
	v2 =	vmul.f32 v2, v3  }
0x319: {  	v10 =	vsub.f32 v10, v54;
	v11 =	vsub.f32 v11, v56;
	v8 =	vmul.f32 v8, v3  }
0x31a: {  	v9 =	vmul.f32 v9, v3;
	v2 =	vadd.f32 v2, v6;
	v6 =	vmul.f32 v55, v15  }
0x31b: {  	v7 =	vmul.f32 v7, v3;
	v5 =	vadd.f32 v8, v5;
	v8 =	vmul.f32 v55, v16  }
0x31c: {  	v10 =	vmul.f32 v10, v3;
	v1 =	vadd.f32 v9, v1;
	[tilespmem:s6+$0x14370] =	vst v2;
	v2 =	vsub.f32 v6, v17  }
0x31d: {  	v4 =	vadd.f32 v7, v4;
	v6 =	vmul.f32 v11, v3;
	[tilespmem:s6+$0x14360] =	vst v5;
	v5 =	vsub.f32 v8, v18  }
0x31e: {  	v7 =	vadd.f32 v10, v54;
	[tilespmem:s6+$0x14350] =	vst v1;
	v1 =	vmul.f32 v2, v3  }
0x31f: {  	[tilespmem:s6+$0x14340] =	vst v4;
	v2 =	vadd.f32 v6, v56;
	v3 =	vmul.f32 v5, v3  }
0x320: {  	[tilespmem:s6+$0x14330] =	vst v7;
	v1 =	vadd.f32 v1, v17  }
0x321: {  	[tilespmem:s6+$0x14320] =	vst v2;
	v2 =	vadd.f32 v3, v18  }
0x322: {  	[tilespmem:s6+$0x14310] =	vst v1  }
0x323: {  	s3 =	rddreg [dreg:$0x1c];
	s5 =	simm.s32 $0x0;
	[tilespmem:s6+$0x14300] =	vst v2  }
0x324: {  	[hbm4b:s3+s5] =	stream.linear.scatter [tilespmem:s19], [sflag:$0x8], $0x2000, $0x38;
	[tilespmem:$0x1A300] =	vst v63  }
0x325: {  	_ =	swait.ge [sflag:s20], $0x2000  }
0x326: {  	[sflag:s20] =	ssyncset.done $0x0  }
0x327: {  	[sflag:s20] =	ssyncadd.s32 $0xFFFFE000  }
0x328: {  	[tilespmem:s19], [sflag:$0x5] =	stream.linear.gather [spmem:s10], $0x2000, $0x38;
	[tilespmem:$0x1A300] =	vst v63  }
0x329: {  	s7 =	rddreg [dreg:$0xe]  }
0x32a: {  	[tilespmem:s29], [sflag:$0x6] =	stream.linear.gather [hbm4b:s7+s5], $0x2000, $0x38;
	[tilespmem:$0x1A300] =	vst v63  }
0x32b: {  	s17 =	rddreg [dreg:$0xf]  }
0x32c: {  	[tilespmem:s13], [sflag:$0x7] =	stream.linear.gather [hbm4b:s17+s5], $0x2000, $0x38;
	[tilespmem:$0x1A300] =	vst v63  }
0x32d: {  	_ =	swait.ge [sflag:s14], $0x2000  }
0x32e: {  	[sflag:s14] =	ssyncset.done $0x0  }
0x32f: {  	[sflag:s14] =	ssyncadd.s32 $0xFFFFE000  }
0x330: {  	_ =	swait.ge [sflag:s15], $0x2000  }
0x331: {  	[sflag:s15] =	ssyncset.done $0x0  }
0x332: {  	[sflag:s15] =	ssyncadd.s32 $0xFFFFE000  }
0x333: {  	_ =	swait.ge [sflag:s2], $0x2000  }
0x334: {  	[sflag:s2] =	ssyncset.done $0x0  }
0x335: {  	s5 =	simm.s32 $0x0;
	[sflag:s2] =	ssyncadd.s32 $0xFFFFE000  }
0x336: {  	v2 =	vld [tilespmem:s5+$0x14370];
	_ =	sdelay $0x4  }
0x337: {  	v3 =	vperm.xlane v2, v0;
	_ =	sdelay $0x1  }
0x338: {  	v1 =	vmul.f32 $1.525878910e-05, v3;
	_ =	sdelay $0x1  }
0x339: {  	v1 =	vadd.f32 $5.000000000e-01, v1;
	_ =	sdelay $0x1  }
0x33a: {  	v1 =	vtrunc.f32 v1  }
0x33b: {  	v1 =	vcvt.f32.s32 v1;
	_ =	sdelay $0x1  }
0x33c: {  	v4 =	vcvt.s32.f32 v1;
	_ =	sdelay $0x1  }
0x33d: {  	v8 =	vld [tilespmem:s5+$0x18340];
	v5 =	vmax.f32 v4, $1.000000000e+00  }
0x33e: {  	v9 =	vld [tilespmem:s5+$0x18350];
	(erf) = vrcp.f32 v5  }
0x33f: {  	v7 =	vld [tilespmem:s5+$0x18370]  }
0x340: {  	v6 =	vld [tilespmem:s5+$0x14340]  }
0x341: {  	v10 =	vld [tilespmem:s5+$0x14360]  }
0x342: {  	v11 =	vld [tilespmem:s5+$0x14350]  }
0x343: {  	v57 =	vld [tilespmem:s5+$0x14320];
	v4 =	vmul.f32 $-6.553600000e+04, v4  }
0x344: {  	v5 =	vld [tilespmem:s5+$0x18360]  }
0x345: {  	v3 =	vadd.f32 v4, v3;
	v4 =	vld [tilespmem:s5+$0x14330]  }
0x346: {  	v58 =	vld [tilespmem:s5+$0x18330]  }
0x347: {  	v1 =	vld [tilespmem:s5+$0x16300];
	v59 =	vpop (erf)  }
0x348: {  	v3 =	vsel vm0, v2, v3;
	v10 =	vmul.f32 v10, v59  }
0x349: {  	v2 =	vld [tilespmem:s5+$0x18320];
	v3 =	vmul.f32 v3, v59;
	v6 =	vmul.f32 v6, v59  }
0x34a: {  	v11 =	vmul.f32 v11, v59;
	v4 =	vmul.f32 v4, v59;
	v10 =	vsub.f32 v10, v5  }
0x34b: {  	v60 =	vld [tilespmem:s5+$0x14300];
	v12 =	vmul.f32 v57, v59;
	v3 =	vsub.f32 v3, v7;
	v6 =	vsub.f32 v6, v8  }
0x34c: {  	v61 =	vld [tilespmem:s5+$0x14310];
	v11 =	vsub.f32 v11, v9;
	v4 =	vsub.f32 v4, v58;
	v10 =	vmul.f32 v10, v1  }
0x34d: {  	v62 =	vmul.f32 v3, v1;
	v63 =	vmul.f32 v6, v1;
	v3 =	vld [tilespmem:s5+$0x18300]  }
0x34e: {  	v12 =	vsub.f32 v12, v2;
	v11 =	vmul.f32 v11, v1;
	v19 =	vmul.f32 v4, v1;
	v4 =	vld [tilespmem:s5+$0x18310]  }
0x34f: {  	v6 =	vadd.f32 v10, v5;
	v17 =	vadd.f32 v62, v7  }
0x350: {  	v7 =	vmul.f32 v12, v1;
	v5 =	vadd.f32 v63, v8;
	v9 =	vadd.f32 v11, v9  }
0x351: {  	s6 =	simm.s32 $0x80;
	s17 =	simm.s32 $0x400;
	v10 =	vmul.f32 v59, v60;
	v11 =	vmul.f32 v59, v61;
	v8 =	vadd.f32 v19, v58;
	[tilespmem:s5+$0x14370] =	vst v17  }
.LBB2_14:
0x352: {  	p0 =	sne.s32 s17, $0x7E00;
	v12 =	vld [tilespmem:s6+$0x14370];
	v2 =	vadd.f32 v7, v2;
	[tilespmem:s5+$0x14360] =	vst v6  }
0x353: {  	v6 =	vsub.f32 v10, v3;
	v7 =	vsub.f32 v11, v4;
	[tilespmem:s5+$0x14350] =	vst v9  }
0x354: {  	[tilespmem:s5+$0x14340] =	vst v5  }
0x355: {  	v5 =	vmul.f32 v6, v1;
	v1 =	vmul.f32 v7, v1;
	[tilespmem:s5+$0x14330] =	vst v8  }
0x356: {  	[tilespmem:s5+$0x14320] =	vst v2  }
0x357: {  	v2 =	vperm.xlane v12, v0;
	v3 =	vadd.f32 v5, v3;
	v1 =	vadd.f32 v1, v4;
	_ =	sdelay $0x1  }
0x358: {  	v4 =	vmul.f32 $1.525878910e-05, v2;
	[tilespmem:s5+$0x14310] =	vst v1  }
0x359: {  	[tilespmem:s5+$0x14300] =	vst v3;
	s5 =	smov.u32 s6  }
0x35a: {  	v1 =	vadd.f32 $5.000000000e-01, v4;
	_ =	sdelay $0x1  }
0x35b: {  	v1 =	vtrunc.f32 v1  }
0x35c: {  	v1 =	vcvt.f32.s32 v1;
	_ =	sdelay $0x1  }
0x35d: {  	v3 =	vcvt.s32.f32 v1;
	_ =	sdelay $0x1  }
0x35e: {  	v4 =	vmax.f32 v3, $1.000000000e+00;
	v1 =	vld [tilespmem:s5+$0x16300]  }
0x35f: {  	v5 =	vld [tilespmem:s5+$0x18340];
	(erf) = vrcp.f32 v4  }
0x360: {  	v8 =	vld [tilespmem:s5+$0x18350]  }
0x361: {  	v6 =	vld [tilespmem:s5+$0x18360]  }
0x362: {  	v7 =	vld [tilespmem:s5+$0x18370]  }
0x363: {  	v4 =	vld [tilespmem:s5+$0x14340]  }
0x364: {  	v3 =	vmul.f32 $-6.553600000e+04, v3;
	v9 =	vld [tilespmem:s5+$0x14360]  }
0x365: {  	v10 =	vld [tilespmem:s5+$0x14350]  }
0x366: {  	v2 =	vadd.f32 v3, v2;
	v3 =	vld [tilespmem:s5+$0x14330]  }
0x367: {  	v11 =	vld [tilespmem:s5+$0x14320]  }
0x368: {  	v12 =	vsel vm0, v12, v2;
	v13 =	vld [tilespmem:s5+$0x18330];
	v14 =	vpop (erf)  }
0x369: {  	v2 =	vld [tilespmem:s5+$0x18320];
	v9 =	vmul.f32 v9, v14;
	v12 =	vmul.f32 v12, v14  }
0x36a: {  	v4 =	vmul.f32 v4, v14;
	v10 =	vmul.f32 v10, v14  }
0x36b: {  	v15 =	vld [tilespmem:s5+$0x14300];
	v16 =	vmul.f32 v3, v14;
	v9 =	vsub.f32 v9, v6;
	v12 =	vsub.f32 v12, v7  }
0x36c: {  	v18 =	vsub.f32 v4, v5;
	v17 =	vld [tilespmem:s5+$0x14310];
	v11 =	vmul.f32 v11, v14;
	v10 =	vsub.f32 v10, v8  }
.Ltmp6:
0x36d: {  	v3 =	vld [tilespmem:s5+$0x18300];
	v16 =	vsub.f32 v16, v13;
	v9 =	vmul.f32 v9, v1;
	v12 =	vmul.f32 v12, v1;
	(pc) =	sbr.rel @p0 .LBB2_14-.Ltmp6, $4  }
0x36e: {  	v18 =	vmul.f32 v18, v1;
	v4 =	vld [tilespmem:s5+$0x18310];
	v11 =	vsub.f32 v11, v2;
	v10 =	vmul.f32 v10, v1  }
0x36f: {  	v16 =	vmul.f32 v16, v1;
	v6 =	vadd.f32 v9, v6;
	v12 =	vadd.f32 v12, v7  }
0x370: {  	v5 =	vadd.f32 v18, v5;
	v7 =	vmul.f32 v11, v1;
	v9 =	vadd.f32 v10, v8  }
0x371: {  	s6 =	sshra.s32 s17, $0x2;
	s17 =	sadd.s32 $0x200, s17;
	v10 =	vmul.f32 v14, v15;
	v11 =	vmul.f32 v14, v17;
	v8 =	vadd.f32 v16, v13;
	[tilespmem:s5+$0x14370] =	vst v12  }
0x372: {  	v12 =	vld [tilespmem:s6+$0x14370];
	_ =	sdelay $0x4  }
0x373: {  	v13 =	vperm.xlane v12, v0;
	_ =	sdelay $0x1  }
0x374: {  	v14 =	vmul.f32 $1.525878910e-05, v13  }
0x375: {  	v11 =	vsub.f32 v11, v4  }
0x376: {  	[tilespmem:s5+$0x14360] =	vst v6;
	v6 =	vsub.f32 v10, v3;
	v10 =	vadd.f32 $5.000000000e-01, v14  }
0x377: {  	[tilespmem:s5+$0x14350] =	vst v9;
	v9 =	vmul.f32 v11, v1  }
0x378: {  	v2 =	vadd.f32 v7, v2;
	[tilespmem:s5+$0x14340] =	vst v5;
	v1 =	vmul.f32 v6, v1;
	v5 =	vtrunc.f32 v10  }
0x379: {  	[tilespmem:s5+$0x14330] =	vst v8;
	v4 =	vadd.f32 v9, v4;
	v5 =	vcvt.f32.s32 v5  }
0x37a: {  	[tilespmem:s5+$0x14320] =	vst v2;
	v1 =	vadd.f32 v1, v3  }
0x37b: {  	[tilespmem:s5+$0x14310] =	vst v4;
	v2 =	vcvt.s32.f32 v5  }
0x37c: {  	[tilespmem:s5+$0x14300] =	vst v1  }
0x37d: {  	v3 =	vld [tilespmem:s6+$0x16300];
	v1 =	vmax.f32 v2, $1.000000000e+00  }
0x37e: {  	v4 =	vld [tilespmem:s6+$0x18340];
	(erf) = vrcp.f32 v1  }
0x37f: {  	v6 =	vld [tilespmem:s6+$0x18370]  }
0x380: {  	v7 =	vld [tilespmem:s6+$0x14340]  }
0x381: {  	v8 =	vld [tilespmem:s6+$0x14360]  }
0x382: {  	v9 =	vld [tilespmem:s6+$0x14350]  }
0x383: {  	v11 =	vld [tilespmem:s6+$0x14320];
	v2 =	vmul.f32 $-6.553600000e+04, v2  }
0x384: {  	v54 =	vld [tilespmem:s6+$0x18330]  }
0x385: {  	v10 =	vld [tilespmem:s6+$0x14330];
	v2 =	vadd.f32 v2, v13  }
0x386: {  	v5 =	vld [tilespmem:s6+$0x18360]  }
0x387: {  	v1 =	vld [tilespmem:s6+$0x18350];
	v2 =	vsel vm0, v12, v2;
	v55 =	vpop (erf)  }
0x388: {  	v56 =	vld [tilespmem:s6+$0x18320];
	v2 =	vmul.f32 v2, v55  }
0x389: {  	v15 =	vld [tilespmem:s6+$0x14310];
	v8 =	vmul.f32 v8, v55  }
0x38a: {  	v16 =	vld [tilespmem:s6+$0x14300];
	v7 =	vmul.f32 v7, v55;
	v9 =	vmul.f32 v9, v55;
	v2 =	vsub.f32 v2, v6  }
0x38b: {  	v17 =	vld [tilespmem:s6+$0x18310];
	v10 =	vmul.f32 v10, v55;
	v11 =	vmul.f32 v11, v55;
	v8 =	vsub.f32 v8, v5  }
0x38c: {  	v18 =	vld [tilespmem:s6+$0x18300];
	v7 =	vsub.f32 v7, v4;
	v9 =	vsub.f32 v9, v1;
	v2 =	vmul.f32 v2, v3  }
0x38d: {  	v10 =	vsub.f32 v10, v54;
	v11 =	vsub.f32 v11, v56;
	v8 =	vmul.f32 v8, v3  }
0x38e: {  	v9 =	vmul.f32 v9, v3;
	v2 =	vadd.f32 v2, v6;
	v6 =	vmul.f32 v55, v15  }
0x38f: {  	v7 =	vmul.f32 v7, v3;
	v5 =	vadd.f32 v8, v5;
	v8 =	vmul.f32 v55, v16  }
0x390: {  	v10 =	vmul.f32 v10, v3;
	v1 =	vadd.f32 v9, v1;
	[tilespmem:s6+$0x14370] =	vst v2;
	v2 =	vsub.f32 v6, v17  }
0x391: {  	v4 =	vadd.f32 v7, v4;
	v6 =	vmul.f32 v11, v3;
	[tilespmem:s6+$0x14360] =	vst v5;
	v5 =	vsub.f32 v8, v18  }
0x392: {  	v7 =	vadd.f32 v10, v54;
	[tilespmem:s6+$0x14350] =	vst v1;
	v1 =	vmul.f32 v2, v3  }
0x393: {  	[tilespmem:s6+$0x14340] =	vst v4;
	v2 =	vadd.f32 v6, v56;
	v3 =	vmul.f32 v5, v3  }
0x394: {  	[tilespmem:s6+$0x14330] =	vst v7;
	v1 =	vadd.f32 v1, v17  }
0x395: {  	[tilespmem:s6+$0x14320] =	vst v2;
	v2 =	vadd.f32 v3, v18  }
0x396: {  	[tilespmem:s6+$0x14310] =	vst v1  }
0x397: {  	s3 =	rddreg [dreg:$0x1d];
	s5 =	simm.s32 $0x0;
	[tilespmem:s6+$0x14300] =	vst v2  }
0x398: {  	[hbm4b:s3+s5] =	stream.linear.scatter [tilespmem:s19], [sflag:$0x8], $0x2000, $0x38;
	[tilespmem:$0x1A300] =	vst v63  }
0x399: {  	_ =	swait.ge [sflag:s20], $0x2000  }
0x39a: {  	[sflag:s20] =	ssyncset.done $0x0  }
0x39b: {  	[sflag:s20] =	ssyncadd.s32 $0xFFFFE000  }
0x39c: {  	[tilespmem:s19], [sflag:$0x5] =	stream.linear.gather [spmem:s12], $0x2000, $0x38;
	[tilespmem:$0x1A300] =	vst v63  }
0x39d: {  	s7 =	rddreg [dreg:$0x10]  }
0x39e: {  	[tilespmem:s29], [sflag:$0x6] =	stream.linear.gather [hbm4b:s7+s5], $0x2000, $0x38;
	[tilespmem:$0x1A300] =	vst v63  }
0x39f: {  	s17 =	rddreg [dreg:$0x11]  }
0x3a0: {  	[tilespmem:s13], [sflag:$0x7] =	stream.linear.gather [hbm4b:s17+s5], $0x2000, $0x38;
	[tilespmem:$0x1A300] =	vst v63  }
0x3a1: {  	_ =	swait.ge [sflag:s14], $0x2000  }
0x3a2: {  	[sflag:s14] =	ssyncset.done $0x0  }
0x3a3: {  	[sflag:s14] =	ssyncadd.s32 $0xFFFFE000  }
0x3a4: {  	_ =	swait.ge [sflag:s15], $0x2000  }
0x3a5: {  	[sflag:s15] =	ssyncset.done $0x0  }
0x3a6: {  	[sflag:s15] =	ssyncadd.s32 $0xFFFFE000  }
0x3a7: {  	_ =	swait.ge [sflag:s2], $0x2000  }
0x3a8: {  	[sflag:s2] =	ssyncset.done $0x0  }
0x3a9: {  	s5 =	simm.s32 $0x0;
	[sflag:s2] =	ssyncadd.s32 $0xFFFFE000  }
0x3aa: {  	v2 =	vld [tilespmem:s5+$0x14370];
	_ =	sdelay $0x4  }
0x3ab: {  	v3 =	vperm.xlane v2, v0;
	_ =	sdelay $0x1  }
0x3ac: {  	v1 =	vmul.f32 $1.525878910e-05, v3;
	_ =	sdelay $0x1  }
0x3ad: {  	v1 =	vadd.f32 $5.000000000e-01, v1;
	_ =	sdelay $0x1  }
0x3ae: {  	v1 =	vtrunc.f32 v1  }
0x3af: {  	v1 =	vcvt.f32.s32 v1;
	_ =	sdelay $0x1  }
0x3b0: {  	v4 =	vcvt.s32.f32 v1;
	_ =	sdelay $0x1  }
0x3b1: {  	v8 =	vld [tilespmem:s5+$0x18340];
	v5 =	vmax.f32 v4, $1.000000000e+00  }
0x3b2: {  	v9 =	vld [tilespmem:s5+$0x18350];
	(erf) = vrcp.f32 v5  }
0x3b3: {  	v7 =	vld [tilespmem:s5+$0x18370]  }
0x3b4: {  	v6 =	vld [tilespmem:s5+$0x14340]  }
0x3b5: {  	v10 =	vld [tilespmem:s5+$0x14360]  }
0x3b6: {  	v11 =	vld [tilespmem:s5+$0x14350]  }
0x3b7: {  	v57 =	vld [tilespmem:s5+$0x14320];
	v4 =	vmul.f32 $-6.553600000e+04, v4  }
0x3b8: {  	v5 =	vld [tilespmem:s5+$0x18360]  }
0x3b9: {  	v3 =	vadd.f32 v4, v3;
	v4 =	vld [tilespmem:s5+$0x14330]  }
0x3ba: {  	v58 =	vld [tilespmem:s5+$0x18330]  }
0x3bb: {  	v1 =	vld [tilespmem:s5+$0x16300];
	v59 =	vpop (erf)  }
0x3bc: {  	v3 =	vsel vm0, v2, v3;
	v10 =	vmul.f32 v10, v59  }
0x3bd: {  	v2 =	vld [tilespmem:s5+$0x18320];
	v3 =	vmul.f32 v3, v59;
	v6 =	vmul.f32 v6, v59  }
0x3be: {  	v11 =	vmul.f32 v11, v59;
	v4 =	vmul.f32 v4, v59;
	v10 =	vsub.f32 v10, v5  }
0x3bf: {  	v60 =	vld [tilespmem:s5+$0x14300];
	v12 =	vmul.f32 v57, v59;
	v3 =	vsub.f32 v3, v7;
	v6 =	vsub.f32 v6, v8  }
0x3c0: {  	v61 =	vld [tilespmem:s5+$0x14310];
	v11 =	vsub.f32 v11, v9;
	v4 =	vsub.f32 v4, v58;
	v10 =	vmul.f32 v10, v1  }
0x3c1: {  	v62 =	vmul.f32 v3, v1;
	v63 =	vmul.f32 v6, v1;
	v3 =	vld [tilespmem:s5+$0x18300]  }
0x3c2: {  	v12 =	vsub.f32 v12, v2;
	v11 =	vmul.f32 v11, v1;
	v19 =	vmul.f32 v4, v1;
	v4 =	vld [tilespmem:s5+$0x18310]  }
0x3c3: {  	v6 =	vadd.f32 v10, v5;
	v17 =	vadd.f32 v62, v7  }
0x3c4: {  	v7 =	vmul.f32 v12, v1;
	v5 =	vadd.f32 v63, v8;
	v9 =	vadd.f32 v11, v9  }
0x3c5: {  	s6 =	simm.s32 $0x80;
	s17 =	simm.s32 $0x400;
	v10 =	vmul.f32 v59, v60;
	v11 =	vmul.f32 v59, v61;
	v8 =	vadd.f32 v19, v58;
	[tilespmem:s5+$0x14370] =	vst v17  }
.LBB2_16:
0x3c6: {  	p0 =	sne.s32 s17, $0x7E00;
	v12 =	vld [tilespmem:s6+$0x14370];
	v2 =	vadd.f32 v7, v2;
	[tilespmem:s5+$0x14360] =	vst v6  }
0x3c7: {  	v6 =	vsub.f32 v10, v3;
	v7 =	vsub.f32 v11, v4;
	[tilespmem:s5+$0x14350] =	vst v9  }
0x3c8: {  	[tilespmem:s5+$0x14340] =	vst v5  }
0x3c9: {  	v5 =	vmul.f32 v6, v1;
	v1 =	vmul.f32 v7, v1;
	[tilespmem:s5+$0x14330] =	vst v8  }
0x3ca: {  	[tilespmem:s5+$0x14320] =	vst v2  }
0x3cb: {  	v2 =	vperm.xlane v12, v0;
	v3 =	vadd.f32 v5, v3;
	v1 =	vadd.f32 v1, v4;
	_ =	sdelay $0x1  }
0x3cc: {  	v4 =	vmul.f32 $1.525878910e-05, v2;
	[tilespmem:s5+$0x14310] =	vst v1  }
0x3cd: {  	[tilespmem:s5+$0x14300] =	vst v3;
	s5 =	smov.u32 s6  }
0x3ce: {  	v1 =	vadd.f32 $5.000000000e-01, v4;
	_ =	sdelay $0x1  }
0x3cf: {  	v1 =	vtrunc.f32 v1  }
0x3d0: {  	v1 =	vcvt.f32.s32 v1;
	_ =	sdelay $0x1  }
0x3d1: {  	v3 =	vcvt.s32.f32 v1;
	_ =	sdelay $0x1  }
0x3d2: {  	v4 =	vmax.f32 v3, $1.000000000e+00;
	v1 =	vld [tilespmem:s5+$0x16300]  }
0x3d3: {  	v5 =	vld [tilespmem:s5+$0x18340];
	(erf) = vrcp.f32 v4  }
0x3d4: {  	v8 =	vld [tilespmem:s5+$0x18350]  }
0x3d5: {  	v6 =	vld [tilespmem:s5+$0x18360]  }
0x3d6: {  	v7 =	vld [tilespmem:s5+$0x18370]  }
0x3d7: {  	v4 =	vld [tilespmem:s5+$0x14340]  }
0x3d8: {  	v3 =	vmul.f32 $-6.553600000e+04, v3;
	v9 =	vld [tilespmem:s5+$0x14360]  }
0x3d9: {  	v10 =	vld [tilespmem:s5+$0x14350]  }
0x3da: {  	v2 =	vadd.f32 v3, v2;
	v3 =	vld [tilespmem:s5+$0x14330]  }
0x3db: {  	v11 =	vld [tilespmem:s5+$0x14320]  }
0x3dc: {  	v12 =	vsel vm0, v12, v2;
	v13 =	vld [tilespmem:s5+$0x18330];
	v14 =	vpop (erf)  }
0x3dd: {  	v2 =	vld [tilespmem:s5+$0x18320];
	v9 =	vmul.f32 v9, v14;
	v12 =	vmul.f32 v12, v14  }
0x3de: {  	v4 =	vmul.f32 v4, v14;
	v10 =	vmul.f32 v10, v14  }
0x3df: {  	v15 =	vld [tilespmem:s5+$0x14300];
	v16 =	vmul.f32 v3, v14;
	v9 =	vsub.f32 v9, v6;
	v12 =	vsub.f32 v12, v7  }
0x3e0: {  	v18 =	vsub.f32 v4, v5;
	v17 =	vld [tilespmem:s5+$0x14310];
	v11 =	vmul.f32 v11, v14;
	v10 =	vsub.f32 v10, v8  }
.Ltmp7:
0x3e1: {  	v3 =	vld [tilespmem:s5+$0x18300];
	v16 =	vsub.f32 v16, v13;
	v9 =	vmul.f32 v9, v1;
	v12 =	vmul.f32 v12, v1;
	(pc) =	sbr.rel @p0 .LBB2_16-.Ltmp7, $4  }
0x3e2: {  	v18 =	vmul.f32 v18, v1;
	v4 =	vld [tilespmem:s5+$0x18310];
	v11 =	vsub.f32 v11, v2;
	v10 =	vmul.f32 v10, v1  }
0x3e3: {  	v16 =	vmul.f32 v16, v1;
	v6 =	vadd.f32 v9, v6;
	v12 =	vadd.f32 v12, v7  }
0x3e4: {  	v5 =	vadd.f32 v18, v5;
	v7 =	vmul.f32 v11, v1;
	v9 =	vadd.f32 v10, v8  }
0x3e5: {  	s6 =	sshra.s32 s17, $0x2;
	s17 =	sadd.s32 $0x200, s17;
	v10 =	vmul.f32 v14, v15;
	v11 =	vmul.f32 v14, v17;
	v8 =	vadd.f32 v16, v13;
	[tilespmem:s5+$0x14370] =	vst v12  }
0x3e6: {  	v12 =	vld [tilespmem:s6+$0x14370];
	_ =	sdelay $0x4  }
0x3e7: {  	v13 =	vperm.xlane v12, v0;
	_ =	sdelay $0x1  }
0x3e8: {  	v14 =	vmul.f32 $1.525878910e-05, v13  }
0x3e9: {  	v11 =	vsub.f32 v11, v4  }
0x3ea: {  	[tilespmem:s5+$0x14360] =	vst v6;
	v6 =	vsub.f32 v10, v3;
	v10 =	vadd.f32 $5.000000000e-01, v14  }
0x3eb: {  	[tilespmem:s5+$0x14350] =	vst v9;
	v9 =	vmul.f32 v11, v1  }
0x3ec: {  	v2 =	vadd.f32 v7, v2;
	[tilespmem:s5+$0x14340] =	vst v5;
	v1 =	vmul.f32 v6, v1;
	v5 =	vtrunc.f32 v10  }
0x3ed: {  	[tilespmem:s5+$0x14330] =	vst v8;
	v4 =	vadd.f32 v9, v4;
	v5 =	vcvt.f32.s32 v5  }
0x3ee: {  	[tilespmem:s5+$0x14320] =	vst v2;
	v1 =	vadd.f32 v1, v3  }
0x3ef: {  	[tilespmem:s5+$0x14310] =	vst v4;
	v2 =	vcvt.s32.f32 v5  }
0x3f0: {  	[tilespmem:s5+$0x14300] =	vst v1  }
0x3f1: {  	v3 =	vld [tilespmem:s6+$0x16300];
	v1 =	vmax.f32 v2, $1.000000000e+00  }
0x3f2: {  	v4 =	vld [tilespmem:s6+$0x18340];
	(erf) = vrcp.f32 v1  }
0x3f3: {  	v6 =	vld [tilespmem:s6+$0x18370]  }
0x3f4: {  	v7 =	vld [tilespmem:s6+$0x14340]  }
0x3f5: {  	v8 =	vld [tilespmem:s6+$0x14360]  }
0x3f6: {  	v9 =	vld [tilespmem:s6+$0x14350]  }
0x3f7: {  	v11 =	vld [tilespmem:s6+$0x14320];
	v2 =	vmul.f32 $-6.553600000e+04, v2  }
0x3f8: {  	v54 =	vld [tilespmem:s6+$0x18330]  }
0x3f9: {  	v10 =	vld [tilespmem:s6+$0x14330];
	v2 =	vadd.f32 v2, v13  }
0x3fa: {  	v5 =	vld [tilespmem:s6+$0x18360]  }
0x3fb: {  	v1 =	vld [tilespmem:s6+$0x18350];
	v2 =	vsel vm0, v12, v2;
	v55 =	vpop (erf)  }
0x3fc: {  	v56 =	vld [tilespmem:s6+$0x18320];
	v2 =	vmul.f32 v2, v55  }
0x3fd: {  	v15 =	vld [tilespmem:s6+$0x14310];
	v8 =	vmul.f32 v8, v55  }
0x3fe: {  	v16 =	vld [tilespmem:s6+$0x14300];
	v7 =	vmul.f32 v7, v55;
	v9 =	vmul.f32 v9, v55;
	v2 =	vsub.f32 v2, v6  }
0x3ff: {  	v17 =	vld [tilespmem:s6+$0x18310];
	v10 =	vmul.f32 v10, v55;
	v11 =	vmul.f32 v11, v55;
	v8 =	vsub.f32 v8, v5  }
0x400: {  	v18 =	vld [tilespmem:s6+$0x18300];
	v7 =	vsub.f32 v7, v4;
	v9 =	vsub.f32 v9, v1;
	v2 =	vmul.f32 v2, v3  }
0x401: {  	v10 =	vsub.f32 v10, v54;
	v11 =	vsub.f32 v11, v56;
	v8 =	vmul.f32 v8, v3  }
0x402: {  	v9 =	vmul.f32 v9, v3;
	v2 =	vadd.f32 v2, v6;
	v6 =	vmul.f32 v55, v15  }
0x403: {  	v7 =	vmul.f32 v7, v3;
	v5 =	vadd.f32 v8, v5;
	v8 =	vmul.f32 v55, v16  }
0x404: {  	v10 =	vmul.f32 v10, v3;
	v1 =	vadd.f32 v9, v1;
	[tilespmem:s6+$0x14370] =	vst v2;
	v2 =	vsub.f32 v6, v17  }
0x405: {  	v4 =	vadd.f32 v7, v4;
	v6 =	vmul.f32 v11, v3;
	[tilespmem:s6+$0x14360] =	vst v5;
	v5 =	vsub.f32 v8, v18  }
0x406: {  	v7 =	vadd.f32 v10, v54;
	[tilespmem:s6+$0x14350] =	vst v1;
	v1 =	vmul.f32 v2, v3  }
0x407: {  	[tilespmem:s6+$0x14340] =	vst v4;
	v2 =	vadd.f32 v6, v56;
	v3 =	vmul.f32 v5, v3  }
0x408: {  	[tilespmem:s6+$0x14330] =	vst v7;
	v1 =	vadd.f32 v1, v17  }
0x409: {  	[tilespmem:s6+$0x14320] =	vst v2;
	v2 =	vadd.f32 v3, v18  }
0x40a: {  	[tilespmem:s6+$0x14310] =	vst v1  }
0x40b: {  	s3 =	rddreg [dreg:$0x1e];
	s5 =	simm.s32 $0x0;
	[tilespmem:s6+$0x14300] =	vst v2  }
0x40c: {  	[hbm4b:s3+s5] =	stream.linear.scatter [tilespmem:s19], [sflag:$0x8], $0x2000, $0x38;
	[tilespmem:$0x1A300] =	vst v63  }
0x40d: {  	_ =	swait.ge [sflag:s20], $0x2000  }
0x40e: {  	s3 =	sld [smem:$0x7F6]  }
0x40f: {  	[sflag:s20] =	ssyncset.done $0x0  }
0x410: {  	[sflag:s20] =	ssyncadd.s32 $0xFFFFE000  }
0x411: {  	[tilespmem:s19], [sflag:$0x5] =	stream.linear.gather [spmem:s3], $0x2000, $0x38;
	[tilespmem:$0x1A300] =	vst v63  }
0x412: {  	s7 =	rddreg [dreg:$0x12]  }
0x413: {  	[tilespmem:s29], [sflag:$0x6] =	stream.linear.gather [hbm4b:s7+s5], $0x2000, $0x38;
	[tilespmem:$0x1A300] =	vst v63  }
0x414: {  	s17 =	rddreg [dreg:$0x13]  }
0x415: {  	[tilespmem:s13], [sflag:$0x7] =	stream.linear.gather [hbm4b:s17+s5], $0x2000, $0x38;
	[tilespmem:$0x1A300] =	vst v63  }
0x416: {  	_ =	swait.ge [sflag:s14], $0x2000  }
0x417: {  	[sflag:s14] =	ssyncset.done $0x0  }
0x418: {  	[sflag:s14] =	ssyncadd.s32 $0xFFFFE000  }
0x419: {  	_ =	swait.ge [sflag:s15], $0x2000  }
0x41a: {  	[sflag:s15] =	ssyncset.done $0x0  }
0x41b: {  	[sflag:s15] =	ssyncadd.s32 $0xFFFFE000  }
0x41c: {  	_ =	swait.ge [sflag:s2], $0x2000  }
0x41d: {  	[sflag:s2] =	ssyncset.done $0x0  }
0x41e: {  	s5 =	simm.s32 $0x0;
	[sflag:s2] =	ssyncadd.s32 $0xFFFFE000  }
0x41f: {  	v2 =	vld [tilespmem:s5+$0x14370];
	_ =	sdelay $0x4  }
0x420: {  	v3 =	vperm.xlane v2, v0;
	_ =	sdelay $0x1  }
0x421: {  	v1 =	vmul.f32 $1.525878910e-05, v3;
	_ =	sdelay $0x1  }
0x422: {  	v1 =	vadd.f32 $5.000000000e-01, v1;
	_ =	sdelay $0x1  }
0x423: {  	v1 =	vtrunc.f32 v1  }
0x424: {  	v1 =	vcvt.f32.s32 v1;
	_ =	sdelay $0x1  }
0x425: {  	v4 =	vcvt.s32.f32 v1;
	_ =	sdelay $0x1  }
0x426: {  	v8 =	vld [tilespmem:s5+$0x18340];
	v5 =	vmax.f32 v4, $1.000000000e+00  }
0x427: {  	v9 =	vld [tilespmem:s5+$0x18350];
	(erf) = vrcp.f32 v5  }
0x428: {  	v7 =	vld [tilespmem:s5+$0x18370]  }
0x429: {  	v6 =	vld [tilespmem:s5+$0x14340]  }
0x42a: {  	v10 =	vld [tilespmem:s5+$0x14360]  }
0x42b: {  	v11 =	vld [tilespmem:s5+$0x14350]  }
0x42c: {  	v57 =	vld [tilespmem:s5+$0x14320];
	v4 =	vmul.f32 $-6.553600000e+04, v4  }
0x42d: {  	v5 =	vld [tilespmem:s5+$0x18360]  }
0x42e: {  	v3 =	vadd.f32 v4, v3;
	v4 =	vld [tilespmem:s5+$0x14330]  }
0x42f: {  	v58 =	vld [tilespmem:s5+$0x18330]  }
0x430: {  	v1 =	vld [tilespmem:s5+$0x16300];
	v59 =	vpop (erf)  }
0x431: {  	v3 =	vsel vm0, v2, v3;
	v10 =	vmul.f32 v10, v59  }
0x432: {  	v2 =	vld [tilespmem:s5+$0x18320];
	v3 =	vmul.f32 v3, v59;
	v6 =	vmul.f32 v6, v59  }
0x433: {  	v11 =	vmul.f32 v11, v59;
	v4 =	vmul.f32 v4, v59;
	v10 =	vsub.f32 v10, v5  }
0x434: {  	v60 =	vld [tilespmem:s5+$0x14300];
	v12 =	vmul.f32 v57, v59;
	v3 =	vsub.f32 v3, v7;
	v6 =	vsub.f32 v6, v8  }
0x435: {  	v61 =	vld [tilespmem:s5+$0x14310];
	v11 =	vsub.f32 v11, v9;
	v4 =	vsub.f32 v4, v58;
	v10 =	vmul.f32 v10, v1  }
0x436: {  	v62 =	vmul.f32 v3, v1;
	v63 =	vmul.f32 v6, v1;
	v3 =	vld [tilespmem:s5+$0x18300]  }
0x437: {  	v12 =	vsub.f32 v12, v2;
	v11 =	vmul.f32 v11, v1;
	v19 =	vmul.f32 v4, v1;
	v4 =	vld [tilespmem:s5+$0x18310]  }
0x438: {  	v6 =	vadd.f32 v10, v5;
	v17 =	vadd.f32 v62, v7  }
0x439: {  	v7 =	vmul.f32 v12, v1;
	v5 =	vadd.f32 v63, v8;
	v9 =	vadd.f32 v11, v9  }
0x43a: {  	s6 =	simm.s32 $0x80;
	s17 =	simm.s32 $0x400;
	v10 =	vmul.f32 v59, v60;
	v11 =	vmul.f32 v59, v61;
	v8 =	vadd.f32 v19, v58;
	[tilespmem:s5+$0x14370] =	vst v17  }
.LBB2_18:
0x43b: {  	p0 =	sne.s32 s17, $0x7E00;
	v12 =	vld [tilespmem:s6+$0x14370];
	v2 =	vadd.f32 v7, v2;
	[tilespmem:s5+$0x14360] =	vst v6  }
0x43c: {  	v6 =	vsub.f32 v10, v3;
	v7 =	vsub.f32 v11, v4;
	[tilespmem:s5+$0x14350] =	vst v9  }
0x43d: {  	[tilespmem:s5+$0x14340] =	vst v5  }
0x43e: {  	v5 =	vmul.f32 v6, v1;
	v1 =	vmul.f32 v7, v1;
	[tilespmem:s5+$0x14330] =	vst v8  }
0x43f: {  	[tilespmem:s5+$0x14320] =	vst v2  }
0x440: {  	v2 =	vperm.xlane v12, v0;
	v3 =	vadd.f32 v5, v3;
	v1 =	vadd.f32 v1, v4;
	_ =	sdelay $0x1  }
0x441: {  	v4 =	vmul.f32 $1.525878910e-05, v2;
	[tilespmem:s5+$0x14310] =	vst v1  }
0x442: {  	[tilespmem:s5+$0x14300] =	vst v3;
	s5 =	smov.u32 s6  }
0x443: {  	v1 =	vadd.f32 $5.000000000e-01, v4;
	_ =	sdelay $0x1  }
0x444: {  	v1 =	vtrunc.f32 v1  }
0x445: {  	v1 =	vcvt.f32.s32 v1;
	_ =	sdelay $0x1  }
0x446: {  	v3 =	vcvt.s32.f32 v1;
	_ =	sdelay $0x1  }
0x447: {  	v4 =	vmax.f32 v3, $1.000000000e+00;
	v1 =	vld [tilespmem:s5+$0x16300]  }
0x448: {  	v5 =	vld [tilespmem:s5+$0x18340];
	(erf) = vrcp.f32 v4  }
0x449: {  	v8 =	vld [tilespmem:s5+$0x18350]  }
0x44a: {  	v6 =	vld [tilespmem:s5+$0x18360]  }
0x44b: {  	v7 =	vld [tilespmem:s5+$0x18370]  }
0x44c: {  	v4 =	vld [tilespmem:s5+$0x14340]  }
0x44d: {  	v3 =	vmul.f32 $-6.553600000e+04, v3;
	v9 =	vld [tilespmem:s5+$0x14360]  }
0x44e: {  	v10 =	vld [tilespmem:s5+$0x14350]  }
0x44f: {  	v2 =	vadd.f32 v3, v2;
	v3 =	vld [tilespmem:s5+$0x14330]  }
0x450: {  	v11 =	vld [tilespmem:s5+$0x14320]  }
0x451: {  	v12 =	vsel vm0, v12, v2;
	v13 =	vld [tilespmem:s5+$0x18330];
	v14 =	vpop (erf)  }
0x452: {  	v2 =	vld [tilespmem:s5+$0x18320];
	v9 =	vmul.f32 v9, v14;
	v12 =	vmul.f32 v12, v14  }
0x453: {  	v4 =	vmul.f32 v4, v14;
	v10 =	vmul.f32 v10, v14  }
0x454: {  	v15 =	vld [tilespmem:s5+$0x14300];
	v16 =	vmul.f32 v3, v14;
	v9 =	vsub.f32 v9, v6;
	v12 =	vsub.f32 v12, v7  }
0x455: {  	v18 =	vsub.f32 v4, v5;
	v17 =	vld [tilespmem:s5+$0x14310];
	v11 =	vmul.f32 v11, v14;
	v10 =	vsub.f32 v10, v8  }
.Ltmp8:
0x456: {  	v3 =	vld [tilespmem:s5+$0x18300];
	v16 =	vsub.f32 v16, v13;
	v9 =	vmul.f32 v9, v1;
	v12 =	vmul.f32 v12, v1;
	(pc) =	sbr.rel @p0 .LBB2_18-.Ltmp8, $4  }
0x457: {  	v18 =	vmul.f32 v18, v1;
	v4 =	vld [tilespmem:s5+$0x18310];
	v11 =	vsub.f32 v11, v2;
	v10 =	vmul.f32 v10, v1  }
0x458: {  	v16 =	vmul.f32 v16, v1;
	v6 =	vadd.f32 v9, v6;
	v12 =	vadd.f32 v12, v7  }
0x459: {  	v5 =	vadd.f32 v18, v5;
	v7 =	vmul.f32 v11, v1;
	v9 =	vadd.f32 v10, v8  }
0x45a: {  	s6 =	sshra.s32 s17, $0x2;
	s17 =	sadd.s32 $0x200, s17;
	v10 =	vmul.f32 v14, v15;
	v11 =	vmul.f32 v14, v17;
	v8 =	vadd.f32 v16, v13;
	[tilespmem:s5+$0x14370] =	vst v12  }
0x45b: {  	v12 =	vld [tilespmem:s6+$0x14370];
	_ =	sdelay $0x4  }
0x45c: {  	v13 =	vperm.xlane v12, v0;
	_ =	sdelay $0x1  }
0x45d: {  	v14 =	vmul.f32 $1.525878910e-05, v13  }
0x45e: {  	v11 =	vsub.f32 v11, v4  }
0x45f: {  	[tilespmem:s5+$0x14360] =	vst v6;
	v6 =	vsub.f32 v10, v3;
	v10 =	vadd.f32 $5.000000000e-01, v14  }
0x460: {  	[tilespmem:s5+$0x14350] =	vst v9;
	v9 =	vmul.f32 v11, v1  }
0x461: {  	v2 =	vadd.f32 v7, v2;
	[tilespmem:s5+$0x14340] =	vst v5;
	v1 =	vmul.f32 v6, v1;
	v5 =	vtrunc.f32 v10  }
0x462: {  	[tilespmem:s5+$0x14330] =	vst v8;
	v4 =	vadd.f32 v9, v4;
	v5 =	vcvt.f32.s32 v5  }
0x463: {  	[tilespmem:s5+$0x14320] =	vst v2;
	v1 =	vadd.f32 v1, v3  }
0x464: {  	[tilespmem:s5+$0x14310] =	vst v4;
	v2 =	vcvt.s32.f32 v5  }
0x465: {  	[tilespmem:s5+$0x14300] =	vst v1  }
0x466: {  	v3 =	vld [tilespmem:s6+$0x16300];
	v1 =	vmax.f32 v2, $1.000000000e+00  }
0x467: {  	v4 =	vld [tilespmem:s6+$0x18340];
	(erf) = vrcp.f32 v1  }
0x468: {  	v6 =	vld [tilespmem:s6+$0x18370]  }
0x469: {  	v7 =	vld [tilespmem:s6+$0x14340]  }
0x46a: {  	v8 =	vld [tilespmem:s6+$0x14360]  }
0x46b: {  	v9 =	vld [tilespmem:s6+$0x14350]  }
0x46c: {  	v11 =	vld [tilespmem:s6+$0x14320];
	v2 =	vmul.f32 $-6.553600000e+04, v2  }
0x46d: {  	v54 =	vld [tilespmem:s6+$0x18330]  }
0x46e: {  	v10 =	vld [tilespmem:s6+$0x14330];
	v2 =	vadd.f32 v2, v13  }
0x46f: {  	v5 =	vld [tilespmem:s6+$0x18360]  }
0x470: {  	v1 =	vld [tilespmem:s6+$0x18350];
	v2 =	vsel vm0, v12, v2;
	v55 =	vpop (erf)  }
0x471: {  	v56 =	vld [tilespmem:s6+$0x18320];
	v2 =	vmul.f32 v2, v55  }
0x472: {  	v15 =	vld [tilespmem:s6+$0x14310];
	v8 =	vmul.f32 v8, v55  }
0x473: {  	v16 =	vld [tilespmem:s6+$0x14300];
	v7 =	vmul.f32 v7, v55;
	v9 =	vmul.f32 v9, v55;
	v2 =	vsub.f32 v2, v6  }
0x474: {  	v17 =	vld [tilespmem:s6+$0x18310];
	v10 =	vmul.f32 v10, v55;
	v11 =	vmul.f32 v11, v55;
	v8 =	vsub.f32 v8, v5  }
0x475: {  	v18 =	vld [tilespmem:s6+$0x18300];
	v7 =	vsub.f32 v7, v4;
	v9 =	vsub.f32 v9, v1;
	v2 =	vmul.f32 v2, v3  }
0x476: {  	v10 =	vsub.f32 v10, v54;
	v11 =	vsub.f32 v11, v56;
	v8 =	vmul.f32 v8, v3  }
0x477: {  	v9 =	vmul.f32 v9, v3;
	v2 =	vadd.f32 v2, v6;
	v6 =	vmul.f32 v55, v15  }
0x478: {  	v7 =	vmul.f32 v7, v3;
	v5 =	vadd.f32 v8, v5;
	v8 =	vmul.f32 v55, v16  }
0x479: {  	v10 =	vmul.f32 v10, v3;
	v1 =	vadd.f32 v9, v1;
	[tilespmem:s6+$0x14370] =	vst v2;
	v2 =	vsub.f32 v6, v17  }
0x47a: {  	v4 =	vadd.f32 v7, v4;
	v6 =	vmul.f32 v11, v3;
	[tilespmem:s6+$0x14360] =	vst v5;
	v5 =	vsub.f32 v8, v18  }
0x47b: {  	v7 =	vadd.f32 v10, v54;
	[tilespmem:s6+$0x14350] =	vst v1;
	v1 =	vmul.f32 v2, v3  }
0x47c: {  	[tilespmem:s6+$0x14340] =	vst v4;
	v2 =	vadd.f32 v6, v56;
	v3 =	vmul.f32 v5, v3  }
0x47d: {  	[tilespmem:s6+$0x14330] =	vst v7;
	v1 =	vadd.f32 v1, v17  }
0x47e: {  	[tilespmem:s6+$0x14320] =	vst v2;
	v2 =	vadd.f32 v3, v18  }
0x47f: {  	[tilespmem:s6+$0x14310] =	vst v1  }
0x480: {  	s3 =	rddreg [dreg:$0x1f];
	s5 =	simm.s32 $0x0;
	[tilespmem:s6+$0x14300] =	vst v2  }
0x481: {  	[hbm4b:s3+s5] =	stream.linear.scatter [tilespmem:s19], [sflag:$0x8], $0x2000, $0x38;
	[tilespmem:$0x1A300] =	vst v63  }
0x482: {  	_ =	swait.ge [sflag:s20], $0x2000  }
0x483: {  	s3 =	sld [smem:$0x7F7]  }
0x484: {  	[sflag:s20] =	ssyncset.done $0x0  }
0x485: {  	[sflag:s20] =	ssyncadd.s32 $0xFFFFE000  }
0x486: {  	[tilespmem:s19], [sflag:$0x5] =	stream.linear.gather [spmem:s3], $0x2000, $0x38;
	[tilespmem:$0x1A300] =	vst v63  }
0x487: {  	s7 =	rddreg [dreg:$0x14]  }
0x488: {  	[tilespmem:s29], [sflag:$0x6] =	stream.linear.gather [hbm4b:s7+s5], $0x2000, $0x38;
	[tilespmem:$0x1A300] =	vst v63  }
0x489: {  	s17 =	rddreg [dreg:$0x15]  }
0x48a: {  	[tilespmem:s13], [sflag:$0x7] =	stream.linear.gather [hbm4b:s17+s5], $0x2000, $0x38;
	[tilespmem:$0x1A300] =	vst v63  }
0x48b: {  	_ =	swait.ge [sflag:s14], $0x2000  }
0x48c: {  	[sflag:s14] =	ssyncset.done $0x0  }
0x48d: {  	[sflag:s14] =	ssyncadd.s32 $0xFFFFE000  }
0x48e: {  	_ =	swait.ge [sflag:s15], $0x2000  }
0x48f: {  	[sflag:s15] =	ssyncset.done $0x0  }
0x490: {  	[sflag:s15] =	ssyncadd.s32 $0xFFFFE000  }
0x491: {  	_ =	swait.ge [sflag:s2], $0x2000  }
0x492: {  	[sflag:s2] =	ssyncset.done $0x0  }
0x493: {  	s5 =	simm.s32 $0x0;
	[sflag:s2] =	ssyncadd.s32 $0xFFFFE000  }
0x494: {  	v2 =	vld [tilespmem:s5+$0x14370];
	_ =	sdelay $0x4  }
0x495: {  	v3 =	vperm.xlane v2, v0;
	_ =	sdelay $0x1  }
0x496: {  	v1 =	vmul.f32 $1.525878910e-05, v3;
	_ =	sdelay $0x1  }
0x497: {  	v1 =	vadd.f32 $5.000000000e-01, v1;
	_ =	sdelay $0x1  }
0x498: {  	v1 =	vtrunc.f32 v1  }
0x499: {  	v1 =	vcvt.f32.s32 v1;
	_ =	sdelay $0x1  }
0x49a: {  	v4 =	vcvt.s32.f32 v1;
	_ =	sdelay $0x1  }
0x49b: {  	v8 =	vld [tilespmem:s5+$0x18340];
	v5 =	vmax.f32 v4, $1.000000000e+00  }
0x49c: {  	v9 =	vld [tilespmem:s5+$0x18350];
	(erf) = vrcp.f32 v5  }
0x49d: {  	v7 =	vld [tilespmem:s5+$0x18370]  }
0x49e: {  	v6 =	vld [tilespmem:s5+$0x14340]  }
0x49f: {  	v10 =	vld [tilespmem:s5+$0x14360]  }
0x4a0: {  	v11 =	vld [tilespmem:s5+$0x14350]  }
0x4a1: {  	v57 =	vld [tilespmem:s5+$0x14320];
	v4 =	vmul.f32 $-6.553600000e+04, v4  }
0x4a2: {  	v5 =	vld [tilespmem:s5+$0x18360]  }
0x4a3: {  	v3 =	vadd.f32 v4, v3;
	v4 =	vld [tilespmem:s5+$0x14330]  }
0x4a4: {  	v58 =	vld [tilespmem:s5+$0x18330]  }
0x4a5: {  	v1 =	vld [tilespmem:s5+$0x16300];
	v59 =	vpop (erf)  }
0x4a6: {  	v3 =	vsel vm0, v2, v3;
	v10 =	vmul.f32 v10, v59  }
0x4a7: {  	v2 =	vld [tilespmem:s5+$0x18320];
	v3 =	vmul.f32 v3, v59;
	v6 =	vmul.f32 v6, v59  }
0x4a8: {  	v11 =	vmul.f32 v11, v59;
	v4 =	vmul.f32 v4, v59;
	v10 =	vsub.f32 v10, v5  }
0x4a9: {  	v60 =	vld [tilespmem:s5+$0x14300];
	v12 =	vmul.f32 v57, v59;
	v3 =	vsub.f32 v3, v7;
	v6 =	vsub.f32 v6, v8  }
0x4aa: {  	v61 =	vld [tilespmem:s5+$0x14310];
	v11 =	vsub.f32 v11, v9;
	v4 =	vsub.f32 v4, v58;
	v10 =	vmul.f32 v10, v1  }
0x4ab: {  	v62 =	vmul.f32 v3, v1;
	v63 =	vmul.f32 v6, v1;
	v3 =	vld [tilespmem:s5+$0x18300]  }
0x4ac: {  	v12 =	vsub.f32 v12, v2;
	v11 =	vmul.f32 v11, v1;
	v19 =	vmul.f32 v4, v1;
	v4 =	vld [tilespmem:s5+$0x18310]  }
0x4ad: {  	v6 =	vadd.f32 v10, v5;
	v17 =	vadd.f32 v62, v7  }
0x4ae: {  	v7 =	vmul.f32 v12, v1;
	v5 =	vadd.f32 v63, v8;
	v9 =	vadd.f32 v11, v9  }
0x4af: {  	s6 =	simm.s32 $0x80;
	s17 =	simm.s32 $0x400;
	v10 =	vmul.f32 v59, v60;
	v11 =	vmul.f32 v59, v61;
	v8 =	vadd.f32 v19, v58;
	[tilespmem:s5+$0x14370] =	vst v17  }
.LBB2_20:
0x4b0: {  	p0 =	sne.s32 s17, $0x7E00;
	v12 =	vld [tilespmem:s6+$0x14370];
	v2 =	vadd.f32 v7, v2;
	[tilespmem:s5+$0x14360] =	vst v6  }
0x4b1: {  	v6 =	vsub.f32 v10, v3;
	v7 =	vsub.f32 v11, v4;
	[tilespmem:s5+$0x14350] =	vst v9  }
0x4b2: {  	[tilespmem:s5+$0x14340] =	vst v5  }
0x4b3: {  	v5 =	vmul.f32 v6, v1;
	v1 =	vmul.f32 v7, v1;
	[tilespmem:s5+$0x14330] =	vst v8  }
0x4b4: {  	[tilespmem:s5+$0x14320] =	vst v2  }
0x4b5: {  	v2 =	vperm.xlane v12, v0;
	v3 =	vadd.f32 v5, v3;
	v1 =	vadd.f32 v1, v4;
	_ =	sdelay $0x1  }
0x4b6: {  	v4 =	vmul.f32 $1.525878910e-05, v2;
	[tilespmem:s5+$0x14310] =	vst v1  }
0x4b7: {  	[tilespmem:s5+$0x14300] =	vst v3;
	s5 =	smov.u32 s6  }
0x4b8: {  	v1 =	vadd.f32 $5.000000000e-01, v4;
	_ =	sdelay $0x1  }
0x4b9: {  	v1 =	vtrunc.f32 v1  }
0x4ba: {  	v1 =	vcvt.f32.s32 v1;
	_ =	sdelay $0x1  }
0x4bb: {  	v3 =	vcvt.s32.f32 v1;
	_ =	sdelay $0x1  }
0x4bc: {  	v4 =	vmax.f32 v3, $1.000000000e+00;
	v1 =	vld [tilespmem:s5+$0x16300]  }
0x4bd: {  	v5 =	vld [tilespmem:s5+$0x18340];
	(erf) = vrcp.f32 v4  }
0x4be: {  	v8 =	vld [tilespmem:s5+$0x18350]  }
0x4bf: {  	v6 =	vld [tilespmem:s5+$0x18360]  }
0x4c0: {  	v7 =	vld [tilespmem:s5+$0x18370]  }
0x4c1: {  	v4 =	vld [tilespmem:s5+$0x14340]  }
0x4c2: {  	v3 =	vmul.f32 $-6.553600000e+04, v3;
	v9 =	vld [tilespmem:s5+$0x14360]  }
0x4c3: {  	v10 =	vld [tilespmem:s5+$0x14350]  }
0x4c4: {  	v2 =	vadd.f32 v3, v2;
	v3 =	vld [tilespmem:s5+$0x14330]  }
0x4c5: {  	v11 =	vld [tilespmem:s5+$0x14320]  }
0x4c6: {  	v12 =	vsel vm0, v12, v2;
	v13 =	vld [tilespmem:s5+$0x18330];
	v14 =	vpop (erf)  }
0x4c7: {  	v2 =	vld [tilespmem:s5+$0x18320];
	v9 =	vmul.f32 v9, v14;
	v12 =	vmul.f32 v12, v14  }
0x4c8: {  	v4 =	vmul.f32 v4, v14;
	v10 =	vmul.f32 v10, v14  }
0x4c9: {  	v15 =	vld [tilespmem:s5+$0x14300];
	v16 =	vmul.f32 v3, v14;
	v9 =	vsub.f32 v9, v6;
	v12 =	vsub.f32 v12, v7  }
0x4ca: {  	v18 =	vsub.f32 v4, v5;
	v17 =	vld [tilespmem:s5+$0x14310];
	v11 =	vmul.f32 v11, v14;
	v10 =	vsub.f32 v10, v8  }
.Ltmp9:
0x4cb: {  	v3 =	vld [tilespmem:s5+$0x18300];
	v16 =	vsub.f32 v16, v13;
	v9 =	vmul.f32 v9, v1;
	v12 =	vmul.f32 v12, v1;
	(pc) =	sbr.rel @p0 .LBB2_20-.Ltmp9, $4  }
0x4cc: {  	v18 =	vmul.f32 v18, v1;
	v4 =	vld [tilespmem:s5+$0x18310];
	v11 =	vsub.f32 v11, v2;
	v10 =	vmul.f32 v10, v1  }
0x4cd: {  	v16 =	vmul.f32 v16, v1;
	v6 =	vadd.f32 v9, v6;
	v12 =	vadd.f32 v12, v7  }
0x4ce: {  	v5 =	vadd.f32 v18, v5;
	v7 =	vmul.f32 v11, v1;
	v9 =	vadd.f32 v10, v8  }
0x4cf: {  	s6 =	sshra.s32 s17, $0x2;
	s17 =	sadd.s32 $0x200, s17;
	v10 =	vmul.f32 v14, v15;
	v11 =	vmul.f32 v14, v17;
	v8 =	vadd.f32 v16, v13;
	[tilespmem:s5+$0x14370] =	vst v12  }
0x4d0: {  	v12 =	vld [tilespmem:s6+$0x14370];
	_ =	sdelay $0x4  }
0x4d1: {  	v13 =	vperm.xlane v12, v0;
	_ =	sdelay $0x1  }
0x4d2: {  	v14 =	vmul.f32 $1.525878910e-05, v13  }
0x4d3: {  	v11 =	vsub.f32 v11, v4  }
0x4d4: {  	[tilespmem:s5+$0x14360] =	vst v6;
	v6 =	vsub.f32 v10, v3;
	v10 =	vadd.f32 $5.000000000e-01, v14  }
0x4d5: {  	[tilespmem:s5+$0x14350] =	vst v9;
	v9 =	vmul.f32 v11, v1  }
0x4d6: {  	v2 =	vadd.f32 v7, v2;
	[tilespmem:s5+$0x14340] =	vst v5;
	v1 =	vmul.f32 v6, v1;
	v5 =	vtrunc.f32 v10  }
0x4d7: {  	[tilespmem:s5+$0x14330] =	vst v8;
	v4 =	vadd.f32 v9, v4;
	v5 =	vcvt.f32.s32 v5  }
0x4d8: {  	[tilespmem:s5+$0x14320] =	vst v2;
	v1 =	vadd.f32 v1, v3  }
0x4d9: {  	[tilespmem:s5+$0x14310] =	vst v4;
	v2 =	vcvt.s32.f32 v5  }
0x4da: {  	[tilespmem:s5+$0x14300] =	vst v1  }
0x4db: {  	v3 =	vld [tilespmem:s6+$0x16300];
	v1 =	vmax.f32 v2, $1.000000000e+00  }
0x4dc: {  	v4 =	vld [tilespmem:s6+$0x18340];
	(erf) = vrcp.f32 v1  }
0x4dd: {  	v6 =	vld [tilespmem:s6+$0x18370]  }
0x4de: {  	v7 =	vld [tilespmem:s6+$0x14340]  }
0x4df: {  	v8 =	vld [tilespmem:s6+$0x14360]  }
0x4e0: {  	v9 =	vld [tilespmem:s6+$0x14350]  }
0x4e1: {  	v11 =	vld [tilespmem:s6+$0x14320];
	v2 =	vmul.f32 $-6.553600000e+04, v2  }
0x4e2: {  	v54 =	vld [tilespmem:s6+$0x18330]  }
0x4e3: {  	v10 =	vld [tilespmem:s6+$0x14330];
	v2 =	vadd.f32 v2, v13  }
0x4e4: {  	v5 =	vld [tilespmem:s6+$0x18360]  }
0x4e5: {  	v1 =	vld [tilespmem:s6+$0x18350];
	v2 =	vsel vm0, v12, v2;
	v55 =	vpop (erf)  }
0x4e6: {  	v56 =	vld [tilespmem:s6+$0x18320];
	v2 =	vmul.f32 v2, v55  }
0x4e7: {  	v15 =	vld [tilespmem:s6+$0x14310];
	v8 =	vmul.f32 v8, v55  }
0x4e8: {  	v16 =	vld [tilespmem:s6+$0x14300];
	v7 =	vmul.f32 v7, v55;
	v9 =	vmul.f32 v9, v55;
	v2 =	vsub.f32 v2, v6  }
0x4e9: {  	v17 =	vld [tilespmem:s6+$0x18310];
	v10 =	vmul.f32 v10, v55;
	v11 =	vmul.f32 v11, v55;
	v8 =	vsub.f32 v8, v5  }
0x4ea: {  	v18 =	vld [tilespmem:s6+$0x18300];
	v7 =	vsub.f32 v7, v4;
	v9 =	vsub.f32 v9, v1;
	v2 =	vmul.f32 v2, v3  }
0x4eb: {  	v10 =	vsub.f32 v10, v54;
	v11 =	vsub.f32 v11, v56;
	v8 =	vmul.f32 v8, v3  }
0x4ec: {  	v9 =	vmul.f32 v9, v3;
	v2 =	vadd.f32 v2, v6;
	v6 =	vmul.f32 v55, v15  }
0x4ed: {  	v7 =	vmul.f32 v7, v3;
	v5 =	vadd.f32 v8, v5;
	v8 =	vmul.f32 v55, v16  }
0x4ee: {  	v10 =	vmul.f32 v10, v3;
	v1 =	vadd.f32 v9, v1;
	[tilespmem:s6+$0x14370] =	vst v2;
	v2 =	vsub.f32 v6, v17  }
0x4ef: {  	v4 =	vadd.f32 v7, v4;
	v6 =	vmul.f32 v11, v3;
	[tilespmem:s6+$0x14360] =	vst v5;
	v5 =	vsub.f32 v8, v18  }
0x4f0: {  	v7 =	vadd.f32 v10, v54;
	[tilespmem:s6+$0x14350] =	vst v1;
	v1 =	vmul.f32 v2, v3  }
0x4f1: {  	[tilespmem:s6+$0x14340] =	vst v4;
	v2 =	vadd.f32 v6, v56;
	v3 =	vmul.f32 v5, v3  }
0x4f2: {  	[tilespmem:s6+$0x14330] =	vst v7;
	v1 =	vadd.f32 v1, v17  }
0x4f3: {  	s3 =	sld [smem:$0x7F2];
	[tilespmem:s6+$0x14320] =	vst v2;
	v2 =	vadd.f32 v3, v18  }
0x4f4: {  	[tilespmem:s6+$0x14310] =	vst v1  }
0x4f5: {  	s5 =	simm.s32 $0x0;
	[tilespmem:s6+$0x14300] =	vst v2  }
0x4f6: {  	[hbm4b:s3+s5] =	stream.linear.scatter [tilespmem:s19], [sflag:$0x8], $0x2000, $0x38;
	[tilespmem:$0x1A300] =	vst v63  }
0x4f7: {  	_ =	swait.ge [sflag:s20], $0x2000  }
0x4f8: {  	s3 =	sld [smem:$0x7F8]  }
0x4f9: {  	[sflag:s20] =	ssyncset.done $0x0  }
0x4fa: {  	[sflag:s20] =	ssyncadd.s32 $0xFFFFE000  }
0x4fb: {  	[tilespmem:s19], [sflag:$0x5] =	stream.linear.gather [spmem:s3], $0x2000, $0x38;
	[tilespmem:$0x1A300] =	vst v63  }
0x4fc: {  	s7 =	rddreg [dreg:$0x16]  }
0x4fd: {  	[tilespmem:s29], [sflag:$0x6] =	stream.linear.gather [hbm4b:s7+s5], $0x2000, $0x38;
	[tilespmem:$0x1A300] =	vst v63  }
0x4fe: {  	s17 =	rddreg [dreg:$0x17]  }
0x4ff: {  	[tilespmem:s13], [sflag:$0x7] =	stream.linear.gather [hbm4b:s17+s5], $0x2000, $0x38;
	[tilespmem:$0x1A300] =	vst v63  }
0x500: {  	_ =	swait.ge [sflag:s14], $0x2000  }
0x501: {  	[sflag:s14] =	ssyncset.done $0x0  }
0x502: {  	[sflag:s14] =	ssyncadd.s32 $0xFFFFE000  }
0x503: {  	_ =	swait.ge [sflag:s15], $0x2000  }
0x504: {  	[sflag:s15] =	ssyncset.done $0x0  }
0x505: {  	[sflag:s15] =	ssyncadd.s32 $0xFFFFE000  }
0x506: {  	_ =	swait.ge [sflag:s2], $0x2000  }
0x507: {  	[sflag:s2] =	ssyncset.done $0x0  }
0x508: {  	s5 =	simm.s32 $0x0;
	[sflag:s2] =	ssyncadd.s32 $0xFFFFE000  }
0x509: {  	v2 =	vld [tilespmem:s5+$0x14370];
	_ =	sdelay $0x4  }
0x50a: {  	v3 =	vperm.xlane v2, v0;
	_ =	sdelay $0x1  }
0x50b: {  	v1 =	vmul.f32 $1.525878910e-05, v3;
	_ =	sdelay $0x1  }
0x50c: {  	v1 =	vadd.f32 $5.000000000e-01, v1;
	_ =	sdelay $0x1  }
0x50d: {  	v1 =	vtrunc.f32 v1  }
0x50e: {  	v1 =	vcvt.f32.s32 v1;
	_ =	sdelay $0x1  }
0x50f: {  	v4 =	vcvt.s32.f32 v1;
	_ =	sdelay $0x1  }
0x510: {  	v8 =	vld [tilespmem:s5+$0x18340];
	v5 =	vmax.f32 v4, $1.000000000e+00  }
0x511: {  	v9 =	vld [tilespmem:s5+$0x18350];
	(erf) = vrcp.f32 v5  }
0x512: {  	v7 =	vld [tilespmem:s5+$0x18370]  }
0x513: {  	v6 =	vld [tilespmem:s5+$0x14340]  }
0x514: {  	v10 =	vld [tilespmem:s5+$0x14360]  }
0x515: {  	v11 =	vld [tilespmem:s5+$0x14350]  }
0x516: {  	v57 =	vld [tilespmem:s5+$0x14320];
	v4 =	vmul.f32 $-6.553600000e+04, v4  }
0x517: {  	v5 =	vld [tilespmem:s5+$0x18360]  }
0x518: {  	v3 =	vadd.f32 v4, v3;
	v4 =	vld [tilespmem:s5+$0x14330]  }
0x519: {  	v58 =	vld [tilespmem:s5+$0x18330]  }
0x51a: {  	v1 =	vld [tilespmem:s5+$0x16300];
	v59 =	vpop (erf)  }
0x51b: {  	v3 =	vsel vm0, v2, v3;
	v10 =	vmul.f32 v10, v59  }
0x51c: {  	v2 =	vld [tilespmem:s5+$0x18320];
	v3 =	vmul.f32 v3, v59;
	v6 =	vmul.f32 v6, v59  }
0x51d: {  	v11 =	vmul.f32 v11, v59;
	v4 =	vmul.f32 v4, v59;
	v10 =	vsub.f32 v10, v5  }
0x51e: {  	v60 =	vld [tilespmem:s5+$0x14300];
	v12 =	vmul.f32 v57, v59;
	v3 =	vsub.f32 v3, v7;
	v6 =	vsub.f32 v6, v8  }
0x51f: {  	v61 =	vld [tilespmem:s5+$0x14310];
	v11 =	vsub.f32 v11, v9;
	v4 =	vsub.f32 v4, v58;
	v10 =	vmul.f32 v10, v1  }
0x520: {  	v62 =	vmul.f32 v3, v1;
	v63 =	vmul.f32 v6, v1;
	v3 =	vld [tilespmem:s5+$0x18300]  }
0x521: {  	v12 =	vsub.f32 v12, v2;
	v11 =	vmul.f32 v11, v1;
	v19 =	vmul.f32 v4, v1;
	v4 =	vld [tilespmem:s5+$0x18310]  }
0x522: {  	v6 =	vadd.f32 v10, v5;
	v17 =	vadd.f32 v62, v7  }
0x523: {  	v7 =	vmul.f32 v12, v1;
	v5 =	vadd.f32 v63, v8;
	v9 =	vadd.f32 v11, v9  }
0x524: {  	s6 =	simm.s32 $0x80;
	s17 =	simm.s32 $0x400;
	v10 =	vmul.f32 v59, v60;
	v11 =	vmul.f32 v59, v61;
	v8 =	vadd.f32 v19, v58;
	[tilespmem:s5+$0x14370] =	vst v17  }
.LBB2_22:
0x525: {  	p0 =	sne.s32 s17, $0x7E00;
	v12 =	vld [tilespmem:s6+$0x14370];
	v2 =	vadd.f32 v7, v2;
	[tilespmem:s5+$0x14360] =	vst v6  }
0x526: {  	v6 =	vsub.f32 v10, v3;
	v7 =	vsub.f32 v11, v4;
	[tilespmem:s5+$0x14350] =	vst v9  }
0x527: {  	[tilespmem:s5+$0x14340] =	vst v5  }
0x528: {  	v5 =	vmul.f32 v6, v1;
	v1 =	vmul.f32 v7, v1;
	[tilespmem:s5+$0x14330] =	vst v8  }
0x529: {  	[tilespmem:s5+$0x14320] =	vst v2  }
0x52a: {  	v2 =	vperm.xlane v12, v0;
	v3 =	vadd.f32 v5, v3;
	v1 =	vadd.f32 v1, v4;
	_ =	sdelay $0x1  }
0x52b: {  	v4 =	vmul.f32 $1.525878910e-05, v2;
	[tilespmem:s5+$0x14310] =	vst v1  }
0x52c: {  	[tilespmem:s5+$0x14300] =	vst v3;
	s5 =	smov.u32 s6  }
0x52d: {  	v1 =	vadd.f32 $5.000000000e-01, v4;
	_ =	sdelay $0x1  }
0x52e: {  	v1 =	vtrunc.f32 v1  }
0x52f: {  	v1 =	vcvt.f32.s32 v1;
	_ =	sdelay $0x1  }
0x530: {  	v3 =	vcvt.s32.f32 v1;
	_ =	sdelay $0x1  }
0x531: {  	v4 =	vmax.f32 v3, $1.000000000e+00;
	v1 =	vld [tilespmem:s5+$0x16300]  }
0x532: {  	v5 =	vld [tilespmem:s5+$0x18340];
	(erf) = vrcp.f32 v4  }
0x533: {  	v8 =	vld [tilespmem:s5+$0x18350]  }
0x534: {  	v6 =	vld [tilespmem:s5+$0x18360]  }
0x535: {  	v7 =	vld [tilespmem:s5+$0x18370]  }
0x536: {  	v4 =	vld [tilespmem:s5+$0x14340]  }
0x537: {  	v3 =	vmul.f32 $-6.553600000e+04, v3;
	v9 =	vld [tilespmem:s5+$0x14360]  }
0x538: {  	v10 =	vld [tilespmem:s5+$0x14350]  }
0x539: {  	v2 =	vadd.f32 v3, v2;
	v3 =	vld [tilespmem:s5+$0x14330]  }
0x53a: {  	v11 =	vld [tilespmem:s5+$0x14320]  }
0x53b: {  	v12 =	vsel vm0, v12, v2;
	v13 =	vld [tilespmem:s5+$0x18330];
	v14 =	vpop (erf)  }
0x53c: {  	v2 =	vld [tilespmem:s5+$0x18320];
	v9 =	vmul.f32 v9, v14;
	v12 =	vmul.f32 v12, v14  }
0x53d: {  	v4 =	vmul.f32 v4, v14;
	v10 =	vmul.f32 v10, v14  }
0x53e: {  	v15 =	vld [tilespmem:s5+$0x14300];
	v16 =	vmul.f32 v3, v14;
	v9 =	vsub.f32 v9, v6;
	v12 =	vsub.f32 v12, v7  }
0x53f: {  	v18 =	vsub.f32 v4, v5;
	v17 =	vld [tilespmem:s5+$0x14310];
	v11 =	vmul.f32 v11, v14;
	v10 =	vsub.f32 v10, v8  }
.Ltmp10:
0x540: {  	v3 =	vld [tilespmem:s5+$0x18300];
	v16 =	vsub.f32 v16, v13;
	v9 =	vmul.f32 v9, v1;
	v12 =	vmul.f32 v12, v1;
	(pc) =	sbr.rel @p0 .LBB2_22-.Ltmp10, $4  }
0x541: {  	v18 =	vmul.f32 v18, v1;
	v4 =	vld [tilespmem:s5+$0x18310];
	v11 =	vsub.f32 v11, v2;
	v10 =	vmul.f32 v10, v1  }
0x542: {  	v16 =	vmul.f32 v16, v1;
	v6 =	vadd.f32 v9, v6;
	v12 =	vadd.f32 v12, v7  }
0x543: {  	v5 =	vadd.f32 v18, v5;
	v7 =	vmul.f32 v11, v1;
	v9 =	vadd.f32 v10, v8  }
0x544: {  	s6 =	sshra.s32 s17, $0x2;
	s17 =	sadd.s32 $0x200, s17;
	v10 =	vmul.f32 v14, v15;
	v11 =	vmul.f32 v14, v17;
	v8 =	vadd.f32 v16, v13;
	[tilespmem:s5+$0x14370] =	vst v12  }
0x545: {  	v12 =	vld [tilespmem:s6+$0x14370];
	_ =	sdelay $0x4  }
0x546: {  	v13 =	vperm.xlane v12, v0;
	_ =	sdelay $0x1  }
0x547: {  	v14 =	vmul.f32 $1.525878910e-05, v13  }
0x548: {  	v11 =	vsub.f32 v11, v4  }
0x549: {  	[tilespmem:s5+$0x14360] =	vst v6;
	v45 =	vsub.f32 v10, v3;
	v46 =	vadd.f32 $5.000000000e-01, v14  }
0x54a: {  	[tilespmem:s5+$0x14350] =	vst v9;
	v47 =	vmul.f32 v11, v1  }
0x54b: {  	v2 =	vadd.f32 v7, v2;
	[tilespmem:s5+$0x14340] =	vst v5;
	v1 =	vmul.f32 v45, v1;
	v48 =	vtrunc.f32 v46  }
0x54c: {  	[tilespmem:s5+$0x14330] =	vst v8;
	v49 =	vadd.f32 v47, v4;
	v5 =	vcvt.f32.s32 v48  }
0x54d: {  	[tilespmem:s5+$0x14320] =	vst v2;
	v1 =	vadd.f32 v1, v3  }
0x54e: {  	[tilespmem:s5+$0x14310] =	vst v49;
	v2 =	vcvt.s32.f32 v5  }
0x54f: {  	[tilespmem:s5+$0x14300] =	vst v1  }
0x550: {  	v3 =	vld [tilespmem:s6+$0x16300];
	v1 =	vmax.f32 v2, $1.000000000e+00  }
0x551: {  	v4 =	vld [tilespmem:s6+$0x18340];
	(erf) = vrcp.f32 v1  }
0x552: {  	v50 =	vld [tilespmem:s6+$0x18360]  }
0x553: {  	v51 =	vld [tilespmem:s6+$0x18370]  }
0x554: {  	v52 =	vld [tilespmem:s6+$0x14340]  }
0x555: {  	v8 =	vld [tilespmem:s6+$0x14360]  }
0x556: {  	v53 =	vld [tilespmem:s6+$0x14350];
	v2 =	vmul.f32 $-6.553600000e+04, v2  }
0x557: {  	v54 =	vld [tilespmem:s6+$0x14330]  }
0x558: {  	v55 =	vld [tilespmem:s6+$0x14320];
	v2 =	vadd.f32 v2, v13  }
0x559: {  	v15 =	vld [tilespmem:s6+$0x14310]  }
0x55a: {  	v1 =	vld [tilespmem:s6+$0x18350];
	v2 =	vsel vm0, v12, v2;
	v57 =	vpop (erf)  }
0x55b: {  	v16 =	vld [tilespmem:s6+$0x14300];
	v2 =	vmul.f32 v2, v57  }
0x55c: {  	v56 =	vld [tilespmem:s6+$0x18330];
	v8 =	vmul.f32 v8, v57  }
0x55d: {  	v58 =	vld [tilespmem:s6+$0x18320];
	v7 =	vmul.f32 v52, v57;
	v9 =	vmul.f32 v53, v57;
	v2 =	vsub.f32 v2, v51  }
0x55e: {  	v17 =	vld [tilespmem:s6+$0x18310];
	v10 =	vmul.f32 v54, v57;
	v11 =	vmul.f32 v55, v57;
	v8 =	vsub.f32 v8, v50  }
0x55f: {  	v18 =	vld [tilespmem:s6+$0x18300];
	v59 =	vmul.f32 v57, v15;
	v9 =	vsub.f32 v9, v1;
	v2 =	vmul.f32 v2, v3  }
0x560: {  	v60 =	vmul.f32 v57, v16;
	v7 =	vsub.f32 v7, v4;
	v8 =	vmul.f32 v8, v3  }
0x561: {  	v10 =	vsub.f32 v10, v56;
	v9 =	vmul.f32 v9, v3;
	v2 =	vadd.f32 v2, v51  }
0x562: {  	v11 =	vsub.f32 v11, v58;
	v7 =	vmul.f32 v7, v3;
	v5 =	vadd.f32 v8, v50  }
0x563: {  	v10 =	vmul.f32 v10, v3;
	v1 =	vadd.f32 v9, v1;
	[tilespmem:s6+$0x14370] =	vst v2;
	v2 =	vsub.f32 v59, v17  }
0x564: {  	v62 =	vsub.f32 v60, v18;
	v61 =	vmul.f32 v11, v3;
	v4 =	vadd.f32 v7, v4;
	[tilespmem:s6+$0x14360] =	vst v5  }
0x565: {  	v63 =	vadd.f32 v10, v56;
	[tilespmem:s6+$0x14350] =	vst v1;
	v1 =	vmul.f32 v2, v3  }
0x566: {  	[tilespmem:s6+$0x14340] =	vst v4;
	v2 =	vadd.f32 v61, v58;
	v3 =	vmul.f32 v62, v3  }
0x567: {  	[tilespmem:s6+$0x14330] =	vst v63;
	v1 =	vadd.f32 v1, v17  }
0x568: {  	s17 =	sld [smem:$0x7F3];
	[tilespmem:s6+$0x14320] =	vst v2;
	v2 =	vadd.f32 v3, v18  }
0x569: {  	[tilespmem:s6+$0x14310] =	vst v1  }
0x56a: {  	[tilespmem:s6+$0x14300] =	vst v2  }
0x56b: {  	[hbm4b:s17+s22] =	stream.linear.scatter [tilespmem:s19], [sflag:$0x8], $0x2000, $0x38;
	[tilespmem:$0x1A300] =	vst v63  }
0x56c: {  	_ =	swait.ge [sflag:s20], $0x2000  }
0x56d: {  	s3 =	sld [smem:$0x7FA];
	_ =	sdelay $0x1  }
0x56e: {  	s4 =	sadd.s32 $0x1, s4  }
0x56f: {  	p0 =	sne.s32 s4, s3  }
.Ltmp11:
0x570: {  	_ = 	snop;
	(pc) =	sbr.rel @p0 .LBB2_1-.Ltmp11, $3  }
0x571: {  	_ =	sdelay $0x1  }
0x572: {  	[sflag:s20] =	ssyncset.done $0x0  }
0x573: {  	[sflag:s20] =	ssyncadd.s32 $0xFFFFE000  }
0x574: {  	_ =	sfence.sel $0x180000  }
0x575: {  	[bflag:$0x0] =	sbarrier.arrive $0xFFFF  }
0x576: {  	_ =	strace $0x90000047  }
0x577: {  	s0 =	stileid.u32;
	[bflag:$0x2] =	sbarrier.arrive $0xFFFF  }
0x578: {  	p0 =	sne.s32 s0, $0x0;
	s0 =	rddreg [dreg:$0x3]  }
0x579: {  	s0 =	sadd.s32 @!p0 $0x100000, s0  }
0x57a: {  	[sflag:s0] =	ssyncadd.tile.s32 @!p0 $0x1;
	_ =	shalt  }
.Lfunc_end2:
_tile_overlayer_lowered:
.L_overlay_start_2:
0x57b: {  	(tag) =	ssettag $0x2  }
0x57c: {  	s0 =	rddreg [dreg:$0x0];
	s2 =	stileid.u32  }
0x57d: {  	s1 =	rddreg [dreg:$0x1];
	p0 =	sne.s32 s2, $0x0  }
0x57e: {  	s3 =	rddreg [dreg:$0x2];
	[bflag:$0x3] =	sbarrier.arrive $0xFFFF;
	s2 =	simm.s32 @!p0 $0x1C08  }
0x57f: {  	[timem:s3], [sflag:s2] =	dma.local @!p0 [hbm:s0], s1  }
0x580: {  	s0 =	simm.s32 @!p0 $0x8  }
0x581: {  	_ =	swait.ge @!p0 [sflag:s0], s1  }
0x582: {  	s1 =	ssub.s32 @!p0 $0x0, s1;
	[sflag:s0] =	ssyncset.done @!p0 $0x0  }
0x583: {  	[sflag:s0] =	ssyncadd.s32 @!p0 s1  }
0x584: {  	[bflag:$0x3] =	sbarrier.arrive $0xFFFF  }
0x585: {  	_ =	shalt  }

</sc_bundles>
